<compile_context>
chip_gen: v7x
topology: tpu7x:2x2x1
jax: 0.10.2.dev20260603
libtpu: 0.0.44.dev20260713+nightly
codegen_flags: <defaults>
</compile_context>

<pallas_src>
import functools

import jax
import jax.numpy as jnp
from jax import lax
from jax.experimental import pallas as pl
from jax.experimental.pallas import tpu as pltpu
from jax.experimental.pallas import tpu_sc as plsc

NUM_MODELS = 8
NUM_STATES = 2048
VOCAB = 1024
BATCH = 128

NUM_CORES = 2
LANES = 16

NW = 16
ROWS_PER_W = BATCH // NW
HALF_ROWS = ROWS_PER_W // 2



_GATHER_DNUMS = lax.GatherDimensionNumbers(
    offset_dims=(), collapsed_slice_dims=(0,), start_index_map=(0,))


def _reg_gather(src, idx):
    return lax.gather(src, idx[:, None], _GATHER_DNUMS, slice_sizes=(1,),
                      mode=lax.GatherScatterMode.PROMISE_IN_BOUNDS)


def _sc_body(states_hbm, mid_hbm, ns_hbm, ns_out,
             st_v, md_v, idx_v, idx_v2, rows_a, rows_b, sem_a, sem_b, sem_c):
    c = lax.axis_index("c")
    s = lax.axis_index("s")
    wid = s + c * 0
    chunk = wid // 2
    half = wid % 2
    cp_st = pltpu.async_copy(
        states_hbm.at[pl.ds(chunk * LANES, LANES)], st_v, sem_a)
    cp_md = pltpu.async_copy(
        mid_hbm.at[pl.ds(chunk * LANES, LANES)], md_v, sem_b)
    cp_st.wait()
    cp_md.wait()
    idx16 = md_v[...] * NUM_STATES + st_v[...]
    idx_v[...] = idx16
    idx_v2[...] = _reg_gather(
        idx16, (lax.iota(jnp.int32, LANES) + HALF_ROWS) % LANES)
    base = half * ROWS_PER_W
    cp1 = pltpu.async_copy(
        ns_hbm.at[idx_v.at[pl.ds(base, HALF_ROWS)]], rows_a, sem_a)
    cp2 = pltpu.async_copy(
        ns_hbm.at[idx_v2.at[pl.ds(base, HALF_ROWS)]], rows_b, sem_b)
    cp1.wait()
    out_base = wid * ROWS_PER_W
    cpo1 = pltpu.async_copy(
        rows_a, ns_out.at[pl.ds(out_base, HALF_ROWS)], sem_c)
    cp2.wait()
    cpo2 = pltpu.async_copy(
        rows_b, ns_out.at[pl.ds(out_base + HALF_ROWS, HALF_ROWS)], sem_a)
    cpo1.wait()
    cpo2.wait()


def _sc_ns(states, model_ids, ns2d):
    mesh = plsc.VectorSubcoreMesh(
        core_axis_name="c", subcore_axis_name="s", num_cores=1)
    f = pl.kernel(
        _sc_body,
        out_type=jax.ShapeDtypeStruct((BATCH, VOCAB), jnp.int32),
        mesh=mesh,
        scratch_types=(
            pltpu.VMEM((LANES,), jnp.int32),
            pltpu.VMEM((LANES,), jnp.int32),
            pltpu.VMEM((LANES,), jnp.int32),
            pltpu.VMEM((LANES,), jnp.int32),
            pltpu.VMEM((HALF_ROWS, VOCAB), jnp.int32),
            pltpu.VMEM((HALF_ROWS, VOCAB), jnp.int32),
            pltpu.SemaphoreType.DMA,
            pltpu.SemaphoreType.DMA,
            pltpu.SemaphoreType.DMA,
        ),
    )
    return f(states, model_ids, ns2d)



def _tc_body(st_ref, md_ref, al_ref, md2_ref, tbl_ref, out_ref, buf, sem):
    cps = []
    for b in range(BATCH):
        idx = md_ref[b] * NUM_STATES + st_ref[b]
        cp = pltpu.make_async_copy(
            tbl_ref.at[pl.ds(idx, 1)], buf.at[pl.ds(b, 1)], sem.at[b % 8])
        cp.start()
        cps.append(cp)
    alpha = jnp.full((BATCH, 1), 0.0, dtype=jnp.float32)
    for m in range(NUM_MODELS):
        alpha = jnp.where(md2_ref[...] == m, al_ref[m], alpha)
    for cp in cps:
        cp.wait()
    out_ref[...] = buf[...] * alpha


def _tc_scores(states, model_ids, alphas, scores2d):
    md2 = model_ids.reshape(BATCH, 1)
    return pl.pallas_call(
        _tc_body,
        out_shape=jax.ShapeDtypeStruct((BATCH, VOCAB), jnp.float32),
        in_specs=[
            pl.BlockSpec(memory_space=pltpu.SMEM),
            pl.BlockSpec(memory_space=pltpu.SMEM),
            pl.BlockSpec(memory_space=pltpu.SMEM),
            pl.BlockSpec(memory_space=pltpu.VMEM),
            pl.BlockSpec(memory_space=pltpu.HBM),
        ],
        out_specs=pl.BlockSpec(memory_space=pltpu.VMEM),
        scratch_shapes=[
            pltpu.VMEM((BATCH, VOCAB), jnp.float32),
            pltpu.SemaphoreType.DMA((8,)),
        ],
    )(states, model_ids, alphas, md2, scores2d)


@jax.jit
def _run(states, model_ids, scores2d, ns2d, alphas):
    scores = _tc_scores(states, model_ids, alphas, scores2d)
    next_states = _sc_ns(states, model_ids, ns2d)
    return scores, next_states


def kernel(states, model_ids, scores_tables, next_states_tables, alphas):
    scores2d = scores_tables.reshape(NUM_MODELS * NUM_STATES, VOCAB)
    ns2d = next_states_tables.reshape(NUM_MODELS * NUM_STATES, VOCAB)
    return _run(states, model_ids, scores2d, ns2d, alphas)

# --- scband reference (transcript-rebuilt; emitter-appended) ---
"""Pipeline reference for scband-gpubiasing-multi-model-reference-28063316313009 (READ-ONLY COPY).

The authoritative reference and input builder live on the scoring server;
editing this copy changes nothing except your own understanding.
"""

import jax, jax.numpy as jnp
import numpy as np

NUM_MODELS = 8
NUM_STATES = 2048
VOCAB = 1024
BATCH = 128


def setup_inputs(seed: int = 0) -> dict:
    key = jax.random.key(seed)
    k1, k2, k3, k4, k5 = jax.random.split(key, 5)
    states = jax.random.randint(k1, (BATCH,), 0, NUM_STATES, dtype=jnp.int32)
    model_ids = jax.random.randint(k2, (BATCH,), 0, NUM_MODELS, dtype=jnp.int32)
    # Learned/stored parameters of the per-model n-gram LMs (dense transition tables):
    # scores_tables[m, s, v] = log-prob score of emitting token v from state s in model m
    # next_states_tables[m, s, v] = next state after emitting token v from state s in model m
    scores_tables = jax.random.normal(k3, (NUM_MODELS, NUM_STATES, VOCAB), dtype=jnp.float32)
    next_states_tables = jax.random.randint(k4, (NUM_MODELS, NUM_STATES, VOCAB), 0, NUM_STATES, dtype=jnp.int32)
    alphas = jax.random.uniform(k5, (NUM_MODELS,), dtype=jnp.float32, minval=0.5, maxval=1.5)
    return {
        "states": states,
        "model_ids": model_ids,
        "scores_tables": scores_tables,
        "next_states_tables": next_states_tables,
        "alphas": alphas,
    }


def reference(states, model_ids, scores_tables, next_states_tables, alphas):
    # Faithful translation of GPUBiasingMultiModelReference.advance:
    # for each batch element, route to its biasing model (by model_ids),
    # gather scores [V] and next states [V] for the current state, scale scores by alpha.
    valid = model_ids >= 0
    safe_mid = jnp.where(valid, model_ids, 0)
    # per-row gather: scores_tables[model_id, state] -> [B, V]
    scores = scores_tables[safe_mid, states]  # [B, V]
    scores = scores * alphas[safe_mid][:, None]
    next_states = next_states_tables[safe_mid, states]  # [B, V]
    # model_id < 0 => skipped rows: scores stay 0, next_states stay -1
    scores = jnp.where(valid[:, None], scores, jnp.zeros_like(scores))
    next_states = jnp.where(valid[:, None], next_states, jnp.full_like(next_states, -1))
    return scores, next_states

if __name__ == "__main__":
    import jax
    _d = setup_inputs()
    print(jax.jit(kernel)(*tuple(_d.values())))

</pallas_src>

<mosaic_0001>
#map = affine_map<(d0, d1) -> (0)>
#map1 = affine_map<(d0, d1) -> (0, 0)>
module attributes {stable_mosaic.version = 14 : i64} {
  func.func @_sc_body(%arg0: i32, %arg1: i32, %arg2: memref<128xi32, #tpu.memory_space<hbm>>, %arg3: memref<128xi32, #tpu.memory_space<hbm>>, %arg4: memref<16384x1024xi32, #tpu.memory_space<hbm>>, %arg5: memref<128x1024xi32, #tpu.memory_space<hbm>>, %arg6: memref<16xi32, #tpu.memory_space<vmem>>, %arg7: memref<16xi32, #tpu.memory_space<vmem>>, %arg8: memref<16xi32, #tpu.memory_space<vmem>>, %arg9: memref<16xi32, #tpu.memory_space<vmem>>, %arg10: memref<4x1024xi32, #tpu.memory_space<vmem>>, %arg11: memref<4x1024xi32, #tpu.memory_space<vmem>>, %arg12: memref<!tpu.dma_semaphore, #tpu.memory_space<semaphore_mem>>, %arg13: memref<!tpu.dma_semaphore, #tpu.memory_space<semaphore_mem>>, %arg14: memref<!tpu.dma_semaphore, #tpu.memory_space<semaphore_mem>>) attributes {dimension_semantics = [#tpu.dimension_semantics<core_parallel>, #tpu.dimension_semantics<subcore_parallel>], iteration_bounds = array<i64: 1, 16>, scalar_prefetch = 0 : i64, scratch_operands = 9 : i64, tpu.core_type = #tpu.core_type<sc_vector_subcore>, window_params = [{transform_indices = #map}, {transform_indices = #map}, {transform_indices = #map1}, {transform_indices = #map1}]} {
    %mul3A = arith.constant 0 : i32
    %mul3A_0 = arith.muli %arg0, %mul3A : i32
    %add3A = arith.addi %arg1, %mul3A_0 : i32
    %jit3A = arith.constant 2 : i32
    %div3A = arith.divsi %add3A, %jit3A : i32
    %sign3A = arith.constant 0 : i32
    %sign3A_1 = arith.cmpi sgt, %add3A, %sign3A : i32
    %sign3A_2 = arith.extui %sign3A_1 : i1 to i32
    %sign3A_3 = arith.constant 0 : i32
    %sign3A_4 = arith.cmpi slt, %add3A, %sign3A_3 : i32
    %sign3A_5 = arith.extui %sign3A_4 : i1 to i32
    %sign3A_6 = arith.subi %sign3A_2, %sign3A_5 : i32
    %sign3A_7 = arith.constant 0 : i32
    %sign3A_8 = arith.cmpi sgt, %jit3A, %sign3A_7 : i32
    %sign3A_9 = arith.extui %sign3A_8 : i1 to i32
    %sign3A_10 = arith.constant 0 : i32
    %sign3A_11 = arith.cmpi slt, %jit3A, %sign3A_10 : i32
    %sign3A_12 = arith.extui %sign3A_11 : i1 to i32
    %sign3A_13 = arith.subi %sign3A_9, %sign3A_12 : i32
    %ne3A = arith.cmpi ne, %sign3A_6, %sign3A_13 : i32
    %rem3A = arith.remsi %add3A, %jit3A : i32
    %ne3A_14 = arith.constant 0 : i32
    %ne3A_15 = arith.cmpi ne, %rem3A, %ne3A_14 : i32
    %and3A = arith.andi %ne3A, %ne3A_15 : i1
    %sub3A = arith.constant 1 : i32
    %sub3A_16 = arith.subi %div3A, %sub3A : i32
    %select_n3A = arith.select %and3A, %sub3A_16, %div3A : i32
    %jit3A_17 = arith.constant 2 : i32
    %eq3A = arith.constant 0 : i32
    %eq3A_18 = arith.cmpi eq, %jit3A_17, %eq3A : i32
    %jit3A_19 = arith.constant 1 : i32
    %select_n3A_20 = arith.select %eq3A_18, %jit3A_19, %jit3A_17 : i32
    %rem3A_21 = arith.remsi %add3A, %select_n3A_20 : i32
    %ne3A_22 = arith.constant 0 : i32
    %ne3A_23 = arith.cmpi ne, %rem3A_21, %ne3A_22 : i32
    %lt3A = arith.constant 0 : i32
    %lt3A_24 = arith.cmpi slt, %rem3A_21, %lt3A : i32
    %lt3A_25 = arith.constant 0 : i32
    %lt3A_26 = arith.cmpi slt, %select_n3A_20, %lt3A_25 : i32
    %ne3A_27 = arith.xori %lt3A_24, %lt3A_26 : i1
    %and3A_28 = arith.andi %ne3A_27, %ne3A_23 : i1
    %add3A_29 = arith.addi %rem3A_21, %select_n3A_20 : i32
    %select_n3A_30 = arith.select %and3A_28, %add3A_29, %rem3A_21 : i32
    %mul3A_31 = arith.constant 16 : i32
    %mul3A_32 = arith.muli %select_n3A, %mul3A_31 : i32
    %dma_start3A = tpu.memref_slice %arg2[%mul3A_32] : memref<128xi32, #tpu.memory_space<hbm>> -> memref<16xi32, #tpu.memory_space<hbm>>
    %dma_start3A_33 = tpu.memref_slice %arg2[%mul3A_32] : memref<128xi32, #tpu.memory_space<hbm>> -> memref<16xi32, #tpu.memory_space<hbm>>
    tpu.enqueue_dma source(%dma_start3A_33 : memref<16xi32, #tpu.memory_space<hbm>>) target(%arg6 : memref<16xi32, #tpu.memory_space<vmem>>) target_semaphore(%arg12 : memref<!tpu.dma_semaphore, #tpu.memory_space<semaphore_mem>>)
    %mul3A_34 = arith.constant 16 : i32
    %mul3A_35 = arith.muli %select_n3A, %mul3A_34 : i32
    %dma_start3A_36 = tpu.memref_slice %arg3[%mul3A_35] : memref<128xi32, #tpu.memory_space<hbm>> -> memref<16xi32, #tpu.memory_space<hbm>>
    %dma_start3A_37 = tpu.memref_slice %arg3[%mul3A_35] : memref<128xi32, #tpu.memory_space<hbm>> -> memref<16xi32, #tpu.memory_space<hbm>>
    tpu.enqueue_dma source(%dma_start3A_37 : memref<16xi32, #tpu.memory_space<hbm>>) target(%arg7 : memref<16xi32, #tpu.memory_space<vmem>>) target_semaphore(%arg13 : memref<!tpu.dma_semaphore, #tpu.memory_space<semaphore_mem>>)
    %dma_wait3A = tpu.memref_slice %arg2[%mul3A_32] : memref<128xi32, #tpu.memory_space<hbm>> -> memref<16xi32, #tpu.memory_space<hbm>>
    %dma_wait3A_38 = tpu.memref_slice %arg2[%mul3A_32] : memref<128xi32, #tpu.memory_space<hbm>> -> memref<16xi32, #tpu.memory_space<hbm>>
    tpu.wait_dma2 semaphore(%arg12 : memref<!tpu.dma_semaphore, #tpu.memory_space<semaphore_mem>>) src(%dma_wait3A_38 : memref<16xi32, #tpu.memory_space<hbm>>) dst(%arg6 : memref<16xi32, #tpu.memory_space<vmem>>)
    %dma_wait3A_39 = tpu.memref_slice %arg3[%mul3A_35] : memref<128xi32, #tpu.memory_space<hbm>> -> memref<16xi32, #tpu.memory_space<hbm>>
    %dma_wait3A_40 = tpu.memref_slice %arg3[%mul3A_35] : memref<128xi32, #tpu.memory_space<hbm>> -> memref<16xi32, #tpu.memory_space<hbm>>
    tpu.wait_dma2 semaphore(%arg13 : memref<!tpu.dma_semaphore, #tpu.memory_space<semaphore_mem>>) src(%dma_wait3A_40 : memref<16xi32, #tpu.memory_space<hbm>>) dst(%arg7 : memref<16xi32, #tpu.memory_space<vmem>>)
    %get3A = arith.constant 0 : index
    %get3A_41 = tpu.vector_load %arg7[%get3A] {strides = array<i32>} : memref<16xi32, #tpu.memory_space<vmem>>, vector<16xi32>,
    %get3A_42 = vector.shape_cast %get3A_41 : vector<16xi32> to vector<16xi32>
    %mul3A_43 = arith.constant 2048 : i32
    %mul3A_44 = vector.broadcast %mul3A_43 : i32 to vector<16xi32>
    %mul3A_45 = arith.muli %get3A_42, %mul3A_44 : vector<16xi32>
    %get3A_46 = arith.constant 0 : index
    %get3A_47 = tpu.vector_load %arg6[%get3A_46] {strides = array<i32>} : memref<16xi32, #tpu.memory_space<vmem>>, vector<16xi32>,
    %get3A_48 = vector.shape_cast %get3A_47 : vector<16xi32> to vector<16xi32>
    %add3A_49 = arith.addi %mul3A_45, %get3A_48 : vector<16xi32>
    %swap3A = arith.constant 0 : index
    %swap3A_50 = tpu.vector_load %arg8[%swap3A] {strides = array<i32>} : memref<16xi32, #tpu.memory_space<vmem>>, vector<16xi32>,
    %swap3A_51 = vector.shape_cast %swap3A_50 : vector<16xi32> to vector<16xi32>
    %swap3A_52 = vector.shape_cast %add3A_49 : vector<16xi32> to vector<16xi32>
    tpu.vector_store %arg8[%swap3A], %swap3A_52 {strides = array<i32>} : memref<16xi32, #tpu.memory_space<vmem>>, vector<16xi32>,
    %iota3A = tpu.iota {dimensions = array<i32: 0>} : vector<16xi32>
    %add3A_53 = arith.constant 4 : i32
    %add3A_54 = vector.broadcast %add3A_53 : i32 to vector<16xi32>
    %add3A_55 = arith.addi %iota3A, %add3A_54 : vector<16xi32>
    %jit3A_56 = arith.constant 16 : i32
    %eq3A_57 = arith.constant 0 : i32
    %eq3A_58 = arith.cmpi eq, %jit3A_56, %eq3A_57 : i32
    %jit3A_59 = arith.constant 1 : i32
    %select_n3A_60 = arith.select %eq3A_58, %jit3A_59, %jit3A_56 : i32
    %rem3A_61 = vector.broadcast %select_n3A_60 : i32 to vector<16xi32>
    %rem3A_62 = arith.remsi %add3A_55, %rem3A_61 : vector<16xi32>
    %ne3A_63 = arith.constant 0 : i32
    %ne3A_64 = vector.broadcast %ne3A_63 : i32 to vector<16xi32>
    %ne3A_65 = arith.cmpi ne, %rem3A_62, %ne3A_64 : vector<16xi32>
    %lt3A_66 = arith.constant 0 : i32
    %lt3A_67 = vector.broadcast %lt3A_66 : i32 to vector<16xi32>
    %lt3A_68 = arith.cmpi slt, %rem3A_62, %lt3A_67 : vector<16xi32>
    %lt3A_69 = arith.constant 0 : i32
    %lt3A_70 = arith.cmpi slt, %select_n3A_60, %lt3A_69 : i32
    %ne3A_71 = vector.broadcast %lt3A_70 : i1 to vector<16xi1>
    %ne3A_72 = vector.broadcast %ne3A_71 : vector<16xi1> to vector<16xi1>
    %ne3A_73 = arith.xori %lt3A_68, %ne3A_72 : vector<16xi1>
    %and3A_74 = arith.andi %ne3A_73, %ne3A_65 : vector<16xi1>
    %add3A_75 = vector.broadcast %select_n3A_60 : i32 to vector<16xi32>
    %add3A_76 = arith.addi %rem3A_62, %add3A_75 : vector<16xi32>
    %select_n3A_77 = arith.select %and3A_74, %add3A_76, %rem3A_62 : vector<16xi1>, vector<16xi32>
    %broadcast_in_dim3A = vector.shape_cast %select_n3A_77 : vector<16xi32> to vector<16x1xi32>
    %gather3A = vector.shape_cast %broadcast_in_dim3A : vector<16x1xi32> to vector<16xi32>
    %gather3A_78 = tpu.dynamic_gather %add3A_49[%gather3A] in [0] : vector<16xi32>, vector<16xi32> -> vector<16xi32>
    %swap3A_79 = arith.constant 0 : index
    %swap3A_80 = tpu.vector_load %arg9[%swap3A_79] {strides = array<i32>} : memref<16xi32, #tpu.memory_space<vmem>>, vector<16xi32>,
    %swap3A_81 = vector.shape_cast %swap3A_80 : vector<16xi32> to vector<16xi32>
    %swap3A_82 = vector.shape_cast %gather3A_78 : vector<16xi32> to vector<16xi32>
    tpu.vector_store %arg9[%swap3A_79], %swap3A_82 {strides = array<i32>} : memref<16xi32, #tpu.memory_space<vmem>>, vector<16xi32>,
    %mul3A_83 = arith.constant 8 : i32
    %mul3A_84 = arith.muli %select_n3A_30, %mul3A_83 : i32
    %dma_start3A_85 = tpu.memref_slice %arg8[%mul3A_84] : memref<16xi32, #tpu.memory_space<vmem>> -> memref<4xi32, #tpu.memory_space<vmem>>
    %dma_start3A_86 = arith.constant 0 : i32
    %dma_start3A_87 = arith.constant 0 : i32
    %dma_start3A_88 = tpu.memref_slice %arg4[%dma_start3A_86, %dma_start3A_87] : memref<16384x1024xi32, #tpu.memory_space<hbm>> -> memref<16384x1024xi32, #tpu.memory_space<hbm>>
    tpu.enqueue_indirect_dma source(%dma_start3A_88 : memref<16384x1024xi32, #tpu.memory_space<hbm>>) target(%arg10 : memref<4x1024xi32, #tpu.memory_space<vmem>>) offsets(%dma_start3A_85 : memref<4xi32, #tpu.memory_space<vmem>>) semaphore(%arg12 : memref<!tpu.dma_semaphore, #tpu.memory_space<semaphore_mem>>)
    %dma_start3A_89 = tpu.memref_slice %arg9[%mul3A_84] : memref<16xi32, #tpu.memory_space<vmem>> -> memref<4xi32, #tpu.memory_space<vmem>>
    %dma_start3A_90 = arith.constant 0 : i32
    %dma_start3A_91 = arith.constant 0 : i32
    %dma_start3A_92 = tpu.memref_slice %arg4[%dma_start3A_90, %dma_start3A_91] : memref<16384x1024xi32, #tpu.memory_space<hbm>> -> memref<16384x1024xi32, #tpu.memory_space<hbm>>
    tpu.enqueue_indirect_dma source(%dma_start3A_92 : memref<16384x1024xi32, #tpu.memory_space<hbm>>) target(%arg11 : memref<4x1024xi32, #tpu.memory_space<vmem>>) offsets(%dma_start3A_89 : memref<4xi32, #tpu.memory_space<vmem>>) semaphore(%arg13 : memref<!tpu.dma_semaphore, #tpu.memory_space<semaphore_mem>>)
    %dma_wait3A_93 = tpu.memref_slice %arg8[%mul3A_84] : memref<16xi32, #tpu.memory_space<vmem>> -> memref<4xi32, #tpu.memory_space<vmem>>
    %dma_wait3A_94 = arith.constant 0 : i32
    %dma_wait3A_95 = arith.constant 0 : i32
    %dma_wait3A_96 = tpu.memref_slice %arg4[%dma_wait3A_94, %dma_wait3A_95] : memref<16384x1024xi32, #tpu.memory_space<hbm>> -> memref<16384x1024xi32, #tpu.memory_space<hbm>>
    tpu.wait_indirect_dma semaphore(%arg12 : memref<!tpu.dma_semaphore, #tpu.memory_space<semaphore_mem>>) src(%dma_wait3A_96 : memref<16384x1024xi32, #tpu.memory_space<hbm>>) dst(%arg10 : memref<4x1024xi32, #tpu.memory_space<vmem>>)
    %mul3A_97 = arith.constant 8 : i32
    %mul3A_98 = arith.muli %add3A, %mul3A_97 : i32
    %dma_start3A_99 = arith.constant 0 : i32
    %dma_start3A_100 = tpu.memref_slice %arg5[%mul3A_98, %dma_start3A_99] : memref<128x1024xi32, #tpu.memory_space<hbm>> -> memref<4x1024xi32, #tpu.memory_space<hbm>>
    %dma_start3A_101 = arith.constant 0 : i32
    %dma_start3A_102 = tpu.memref_slice %arg5[%mul3A_98, %dma_start3A_101] : memref<128x1024xi32, #tpu.memory_space<hbm>> -> memref<4x1024xi32, #tpu.memory_space<hbm>>
    tpu.enqueue_dma source(%arg10 : memref<4x1024xi32, #tpu.memory_space<vmem>>) target(%dma_start3A_102 : memref<4x1024xi32, #tpu.memory_space<hbm>>) target_semaphore(%arg14 : memref<!tpu.dma_semaphore, #tpu.memory_space<semaphore_mem>>)
    %dma_wait3A_103 = tpu.memref_slice %arg9[%mul3A_84] : memref<16xi32, #tpu.memory_space<vmem>> -> memref<4xi32, #tpu.memory_space<vmem>>
    %dma_wait3A_104 = arith.constant 0 : i32
    %dma_wait3A_105 = arith.constant 0 : i32
    %dma_wait3A_106 = tpu.memref_slice %arg4[%dma_wait3A_104, %dma_wait3A_105] : memref<16384x1024xi32, #tpu.memory_space<hbm>> -> memref<16384x1024xi32, #tpu.memory_space<hbm>>
    tpu.wait_indirect_dma semaphore(%arg13 : memref<!tpu.dma_semaphore, #tpu.memory_space<semaphore_mem>>) src(%dma_wait3A_106 : memref<16384x1024xi32, #tpu.memory_space<hbm>>) dst(%arg11 : memref<4x1024xi32, #tpu.memory_space<vmem>>)
    %add3A_107 = arith.constant 4 : i32
    %add3A_108 = arith.addi %mul3A_98, %add3A_107 : i32
    %dma_start3A_109 = arith.constant 0 : i32
    %dma_start3A_110 = tpu.memref_slice %arg5[%add3A_108, %dma_start3A_109] : memref<128x1024xi32, #tpu.memory_space<hbm>> -> memref<4x1024xi32, #tpu.memory_space<hbm>>
    %dma_start3A_111 = arith.constant 0 : i32
    %dma_start3A_112 = tpu.memref_slice %arg5[%add3A_108, %dma_start3A_111] : memref<128x1024xi32, #tpu.memory_space<hbm>> -> memref<4x1024xi32, #tpu.memory_space<hbm>>
    tpu.enqueue_dma source(%arg11 : memref<4x1024xi32, #tpu.memory_space<vmem>>) target(%dma_start3A_112 : memref<4x1024xi32, #tpu.memory_space<hbm>>) target_semaphore(%arg12 : memref<!tpu.dma_semaphore, #tpu.memory_space<semaphore_mem>>)
    %dma_wait3A_113 = arith.constant 0 : i32
    %dma_wait3A_114 = tpu.memref_slice %arg5[%mul3A_98, %dma_wait3A_113] : memref<128x1024xi32, #tpu.memory_space<hbm>> -> memref<4x1024xi32, #tpu.memory_space<hbm>>
    %dma_wait3A_115 = arith.constant 0 : i32
    %dma_wait3A_116 = tpu.memref_slice %arg5[%mul3A_98, %dma_wait3A_115] : memref<128x1024xi32, #tpu.memory_space<hbm>> -> memref<4x1024xi32, #tpu.memory_space<hbm>>
    tpu.wait_dma2 semaphore(%arg14 : memref<!tpu.dma_semaphore, #tpu.memory_space<semaphore_mem>>) src(%arg10 : memref<4x1024xi32, #tpu.memory_space<vmem>>) dst(%dma_wait3A_116 : memref<4x1024xi32, #tpu.memory_space<hbm>>)
    %dma_wait3A_117 = arith.constant 0 : i32
    %dma_wait3A_118 = tpu.memref_slice %arg5[%add3A_108, %dma_wait3A_117] : memref<128x1024xi32, #tpu.memory_space<hbm>> -> memref<4x1024xi32, #tpu.memory_space<hbm>>
    %dma_wait3A_119 = arith.constant 0 : i32
    %dma_wait3A_120 = tpu.memref_slice %arg5[%add3A_108, %dma_wait3A_119] : memref<128x1024xi32, #tpu.memory_space<hbm>> -> memref<4x1024xi32, #tpu.memory_space<hbm>>
    tpu.wait_dma2 semaphore(%arg12 : memref<!tpu.dma_semaphore, #tpu.memory_space<semaphore_mem>>) src(%arg11 : memref<4x1024xi32, #tpu.memory_space<vmem>>) dst(%dma_wait3A_120 : memref<4x1024xi32, #tpu.memory_space<hbm>>)
    return
  }
}

module attributes {stable_mosaic.version = 14 : i64} {
  func.func @_tc_body(%arg0: memref<128xi32, #tpu.memory_space<smem>>, %arg1: memref<128xi32, #tpu.memory_space<smem>>, %arg2: memref<8xf32, #tpu.memory_space<smem>>, %arg3: memref<128x1xi32, #tpu.memory_space<vmem>>, %arg4: memref<16384x1024xf32, #tpu.memory_space<hbm>>, %arg5: memref<128x1024xf32, #tpu.memory_space<vmem>>, %arg6: memref<128x1024xf32, #tpu.memory_space<vmem>>, %arg7: memref<8x!tpu.dma_semaphore, #tpu.memory_space<semaphore_mem>>) attributes {dimension_semantics = [], scalar_prefetch = 0 : i64, scratch_operands = 2 : i64, tpu.core_type = #tpu.core_type<tc>} {
    %get3A = arith.constant 0 : index
    %get3A_0 = memref.load %arg1[%get3A] : memref<128xi32, #tpu.memory_space<smem>>
    %mul3A = arith.constant 2048 : i32
    %mul3A_1 = arith.muli %get3A_0, %mul3A : i32
    %get3A_2 = arith.constant 0 : index
    %get3A_3 = memref.load %arg0[%get3A_2] : memref<128xi32, #tpu.memory_space<smem>>
    %add3A = arith.addi %mul3A_1, %get3A_3 : i32
    %dma_start3A = arith.constant 0 : i32
    %dma_start3A_4 = tpu.memref_slice %arg7[%dma_start3A] : memref<8x!tpu.dma_semaphore, #tpu.memory_space<semaphore_mem>> -> memref<1x!tpu.dma_semaphore, #tpu.memory_space<semaphore_mem>>
    %dma_start3A_5 = tpu.memref_squeeze %dma_start3A_4 : memref<1x!tpu.dma_semaphore, #tpu.memory_space<semaphore_mem>> -> memref<!tpu.dma_semaphore, #tpu.memory_space<semaphore_mem>>
    %dma_start3A_6 = arith.constant 0 : i32
    %dma_start3A_7 = arith.constant 0 : i32
    %dma_start3A_8 = tpu.memref_slice %arg6[%dma_start3A_6, %dma_start3A_7] : memref<128x1024xf32, #tpu.memory_space<vmem>> -> memref<1x1024xf32, #tpu.memory_space<vmem>>
    %dma_start3A_9 = arith.constant 0 : i32
    %dma_start3A_10 = tpu.memref_slice %arg4[%add3A, %dma_start3A_9] : memref<16384x1024xf32, #tpu.memory_space<hbm>> -> memref<1x1024xf32, #tpu.memory_space<hbm>>
    tpu.enqueue_dma source(%dma_start3A_10 : memref<1x1024xf32, #tpu.memory_space<hbm>>) target(%dma_start3A_8 : memref<1x1024xf32, #tpu.memory_space<vmem>>) target_semaphore(%dma_start3A_5 : memref<!tpu.dma_semaphore, #tpu.memory_space<semaphore_mem>>)
    %get3A_11 = arith.constant 1 : index
    %get3A_12 = memref.load %arg1[%get3A_11] : memref<128xi32, #tpu.memory_space<smem>>
    %mul3A_13 = arith.constant 2048 : i32
    %mul3A_14 = arith.muli %get3A_12, %mul3A_13 : i32
    %get3A_15 = arith.constant 1 : index
    %get3A_16 = memref.load %arg0[%get3A_15] : memref<128xi32, #tpu.memory_space<smem>>
    %add3A_17 = arith.addi %mul3A_14, %get3A_16 : i32
    %dma_start3A_18 = arith.constant 1 : i32
    %dma_start3A_19 = tpu.memref_slice %arg7[%dma_start3A_18] : memref<8x!tpu.dma_semaphore, #tpu.memory_space<semaphore_mem>> -> memref<1x!tpu.dma_semaphore, #tpu.memory_space<semaphore_mem>>
    %dma_start3A_20 = tpu.memref_squeeze %dma_start3A_19 : memref<1x!tpu.dma_semaphore, #tpu.memory_space<semaphore_mem>> -> memref<!tpu.dma_semaphore, #tpu.memory_space<semaphore_mem>>
    %dma_start3A_21 = arith.constant 1 : i32
    %dma_start3A_22 = arith.constant 0 : i32
    %dma_start3A_23 = tpu.memref_slice %arg6[%dma_start3A_21, %dma_start3A_22] : memref<128x1024xf32, #tpu.memory_space<vmem>> -> memref<1x1024xf32, #tpu.memory_space<vmem>>
    %dma_start3A_24 = arith.constant 0 : i32
    %dma_start3A_25 = tpu.memref_slice %arg4[%add3A_17, %dma_start3A_24] : memref<16384x1024xf32, #tpu.memory_space<hbm>> -> memref<1x1024xf32, #tpu.memory_space<hbm>>
    tpu.enqueue_dma source(%dma_start3A_25 : memref<1x1024xf32, #tpu.memory_space<hbm>>) target(%dma_start3A_23 : memref<1x1024xf32, #tpu.memory_space<vmem>>) target_semaphore(%dma_start3A_20 : memref<!tpu.dma_semaphore, #tpu.memory_space<semaphore_mem>>)
    %get3A_26 = arith.constant 2 : index
    %get3A_27 = memref.load %arg1[%get3A_26] : memref<128xi32, #tpu.memory_space<smem>>
    %mul3A_28 = arith.constant 2048 : i32
    %mul3A_29 = arith.muli %get3A_27, %mul3A_28 : i32
    %get3A_30 = arith.constant 2 : index
    %get3A_31 = memref.load %arg0[%get3A_30] : memref<128xi32, #tpu.memory_space<smem>>
    %add3A_32 = arith.addi %mul3A_29, %get3A_31 : i32
    %dma_start3A_33 = arith.constant 2 : i32
    %dma_start3A_34 = tpu.memref_slice %arg7[%dma_start3A_33] : memref<8x!tpu.dma_semaphore, #tpu.memory_space<semaphore_mem>> -> memref<1x!tpu.dma_semaphore, #tpu.memory_space<semaphore_mem>>
    %dma_start3A_35 = tpu.memref_squeeze %dma_start3A_34 : memref<1x!tpu.dma_semaphore, #tpu.memory_space<semaphore_mem>> -> memref<!tpu.dma_semaphore, #tpu.memory_space<semaphore_mem>>
    %dma_start3A_36 = arith.constant 2 : i32
    %dma_start3A_37 = arith.constant 0 : i32
    %dma_start3A_38 = tpu.memref_slice %arg6[%dma_start3A_36, %dma_start3A_37] : memref<128x1024xf32, #tpu.memory_space<vmem>> -> memref<1x1024xf32, #tpu.memory_space<vmem>>
    %dma_start3A_39 = arith.constant 0 : i32
    %dma_start3A_40 = tpu.memref_slice %arg4[%add3A_32, %dma_start3A_39] : memref<16384x1024xf32, #tpu.memory_space<hbm>> -> memref<1x1024xf32, #tpu.memory_space<hbm>>
    tpu.enqueue_dma source(%dma_start3A_40 : memref<1x1024xf32, #tpu.memory_space<hbm>>) target(%dma_start3A_38 : memref<1x1024xf32, #tpu.memory_space<vmem>>) target_semaphore(%dma_start3A_35 : memref<!tpu.dma_semaphore, #tpu.memory_space<semaphore_mem>>)
    %get3A_41 = arith.constant 3 : index
    %get3A_42 = memref.load %arg1[%get3A_41] : memref<128xi32, #tpu.memory_space<smem>>
    %mul3A_43 = arith.constant 2048 : i32
    %mul3A_44 = arith.muli %get3A_42, %mul3A_43 : i32
    %get3A_45 = arith.constant 3 : index
    %get3A_46 = memref.load %arg0[%get3A_45] : memref<128xi32, #tpu.memory_space<smem>>
    %add3A_47 = arith.addi %mul3A_44, %get3A_46 : i32
    %dma_start3A_48 = arith.constant 3 : i32
    %dma_start3A_49 = tpu.memref_slice %arg7[%dma_start3A_48] : memref<8x!tpu.dma_semaphore, #tpu.memory_space<semaphore_mem>> -> memref<1x!tpu.dma_semaphore, #tpu.memory_space<semaphore_mem>>
    %dma_start3A_50 = tpu.memref_squeeze %dma_start3A_49 : memref<1x!tpu.dma_semaphore, #tpu.memory_space<semaphore_mem>> -> memref<!tpu.dma_semaphore, #tpu.memory_space<semaphore_mem>>
    %dma_start3A_51 = arith.constant 3 : i32
    %dma_start3A_52 = arith.constant 0 : i32
    %dma_start3A_53 = tpu.memref_slice %arg6[%dma_start3A_51, %dma_start3A_52] : memref<128x1024xf32, #tpu.memory_space<vmem>> -> memref<1x1024xf32, #tpu.memory_space<vmem>>
    %dma_start3A_54 = arith.constant 0 : i32
    %dma_start3A_55 = tpu.memref_slice %arg4[%add3A_47, %dma_start3A_54] : memref<16384x1024xf32, #tpu.memory_space<hbm>> -> memref<1x1024xf32, #tpu.memory_space<hbm>>
    tpu.enqueue_dma source(%dma_start3A_55 : memref<1x1024xf32, #tpu.memory_space<hbm>>) target(%dma_start3A_53 : memref<1x1024xf32, #tpu.memory_space<vmem>>) target_semaphore(%dma_start3A_50 : memref<!tpu.dma_semaphore, #tpu.memory_space<semaphore_mem>>)
    %get3A_56 = arith.constant 4 : index
    %get3A_57 = memref.load %arg1[%get3A_56] : memref<128xi32, #tpu.memory_space<smem>>
    %mul3A_58 = arith.constant 2048 : i32
    %mul3A_59 = arith.muli %get3A_57, %mul3A_58 : i32
    %get3A_60 = arith.constant 4 : index
    %get3A_61 = memref.load %arg0[%get3A_60] : memref<128xi32, #tpu.memory_space<smem>>
    %add3A_62 = arith.addi %mul3A_59, %get3A_61 : i32
    %dma_start3A_63 = arith.constant 4 : i32
    %dma_start3A_64 = tpu.memref_slice %arg7[%dma_start3A_63] : memref<8x!tpu.dma_semaphore, #tpu.memory_space<semaphore_mem>> -> memref<1x!tpu.dma_semaphore, #tpu.memory_space<semaphore_mem>>
    %dma_start3A_65 = tpu.memref_squeeze %dma_start3A_64 : memref<1x!tpu.dma_semaphore, #tpu.memory_space<semaphore_mem>> -> memref<!tpu.dma_semaphore, #tpu.memory_space<semaphore_mem>>
    %dma_start3A_66 = arith.constant 4 : i32
    %dma_start3A_67 = arith.constant 0 : i32
    %dma_start3A_68 = tpu.memref_slice %arg6[%dma_start3A_66, %dma_start3A_67] : memref<128x1024xf32, #tpu.memory_space<vmem>> -> memref<1x1024xf32, #tpu.memory_space<vmem>>
    %dma_start3A_69 = arith.constant 0 : i32
    %dma_start3A_70 = tpu.memref_slice %arg4[%add3A_62, %dma_start3A_69] : memref<16384x1024xf32, #tpu.memory_space<hbm>> -> memref<1x1024xf32, #tpu.memory_space<hbm>>
    tpu.enqueue_dma source(%dma_start3A_70 : memref<1x1024xf32, #tpu.memory_space<hbm>>) target(%dma_start3A_68 : memref<1x1024xf32, #tpu.memory_space<vmem>>) target_semaphore(%dma_start3A_65 : memref<!tpu.dma_semaphore, #tpu.memory_space<semaphore_mem>>)
    %get3A_71 = arith.constant 5 : index
    %get3A_72 = memref.load %arg1[%get3A_71] : memref<128xi32, #tpu.memory_space<smem>>
    %mul3A_73 = arith.constant 2048 : i32
    %mul3A_74 = arith.muli %get3A_72, %mul3A_73 : i32
    %get3A_75 = arith.constant 5 : index
    %get3A_76 = memref.load %arg0[%get3A_75] : memref<128xi32, #tpu.memory_space<smem>>
    %add3A_77 = arith.addi %mul3A_74, %get3A_76 : i32
    %dma_start3A_78 = arith.constant 5 : i32
    %dma_start3A_79 = tpu.memref_slice %arg7[%dma_start3A_78] : memref<8x!tpu.dma_semaphore, #tpu.memory_space<semaphore_mem>> -> memref<1x!tpu.dma_semaphore, #tpu.memory_space<semaphore_mem>>
    %dma_start3A_80 = tpu.memref_squeeze %dma_start3A_79 : memref<1x!tpu.dma_semaphore, #tpu.memory_space<semaphore_mem>> -> memref<!tpu.dma_semaphore, #tpu.memory_space<semaphore_mem>>
    %dma_start3A_81 = arith.constant 5 : i32
    %dma_start3A_82 = arith.constant 0 : i32
    %dma_start3A_83 = tpu.memref_slice %arg6[%dma_start3A_81, %dma_start3A_82] : memref<128x1024xf32, #tpu.memory_space<vmem>> -> memref<1x1024xf32, #tpu.memory_space<vmem>>
    %dma_start3A_84 = arith.constant 0 : i32
    %dma_start3A_85 = tpu.memref_slice %arg4[%add3A_77, %dma_start3A_84] : memref<16384x1024xf32, #tpu.memory_space<hbm>> -> memref<1x1024xf32, #tpu.memory_space<hbm>>
    tpu.enqueue_dma source(%dma_start3A_85 : memref<1x1024xf32, #tpu.memory_space<hbm>>) target(%dma_start3A_83 : memref<1x1024xf32, #tpu.memory_space<vmem>>) target_semaphore(%dma_start3A_80 : memref<!tpu.dma_semaphore, #tpu.memory_space<semaphore_mem>>)
    %get3A_86 = arith.constant 6 : index
    %get3A_87 = memref.load %arg1[%get3A_86] : memref<128xi32, #tpu.memory_space<smem>>
    %mul3A_88 = arith.constant 2048 : i32
    %mul3A_89 = arith.muli %get3A_87, %mul3A_88 : i32
    %get3A_90 = arith.constant 6 : index
    %get3A_91 = memref.load %arg0[%get3A_90] : memref<128xi32, #tpu.memory_space<smem>>
    %add3A_92 = arith.addi %mul3A_89, %get3A_91 : i32
    %dma_start3A_93 = arith.constant 6 : i32
    %dma_start3A_94 = tpu.memref_slice %arg7[%dma_start3A_93] : memref<8x!tpu.dma_semaphore, #tpu.memory_space<semaphore_mem>> -> memref<1x!tpu.dma_semaphore, #tpu.memory_space<semaphore_mem>>
    %dma_start3A_95 = tpu.memref_squeeze %dma_start3A_94 : memref<1x!tpu.dma_semaphore, #tpu.memory_space<semaphore_mem>> -> memref<!tpu.dma_semaphore, #tpu.memory_space<semaphore_mem>>
    %dma_start3A_96 = arith.constant 6 : i32
    %dma_start3A_97 = arith.constant 0 : i32
    %dma_start3A_98 = tpu.memref_slice %arg6[%dma_start3A_96, %dma_start3A_97] : memref<128x1024xf32, #tpu.memory_space<vmem>> -> memref<1x1024xf32, #tpu.memory_space<vmem>>
    %dma_start3A_99 = arith.constant 0 : i32
    %dma_start3A_100 = tpu.memref_slice %arg4[%add3A_92, %dma_start3A_99] : memref<16384x1024xf32, #tpu.memory_space<hbm>> -> memref<1x1024xf32, #tpu.memory_space<hbm>>
    tpu.enqueue_dma source(%dma_start3A_100 : memref<1x1024xf32, #tpu.memory_space<hbm>>) target(%dma_start3A_98 : memref<1x1024xf32, #tpu.memory_space<vmem>>) target_semaphore(%dma_start3A_95 : memref<!tpu.dma_semaphore, #tpu.memory_space<semaphore_mem>>)
    %get3A_101 = arith.constant 7 : index
    %get3A_102 = memref.load %arg1[%get3A_101] : memref<128xi32, #tpu.memory_space<smem>>
    %mul3A_103 = arith.constant 2048 : i32
    %mul3A_104 = arith.muli %get3A_102, %mul3A_103 : i32
    %get3A_105 = arith.constant 7 : index
    %get3A_106 = memref.load %arg0[%get3A_105] : memref<128xi32, #tpu.memory_space<smem>>
    %add3A_107 = arith.addi %mul3A_104, %get3A_106 : i32
    %dma_start3A_108 = arith.constant 7 : i32
    %dma_start3A_109 = tpu.memref_slice %arg7[%dma_start3A_108] : memref<8x!tpu.dma_semaphore, #tpu.memory_space<semaphore_mem>> -> memref<1x!tpu.dma_semaphore, #tpu.memory_space<semaphore_mem>>
    %dma_start3A_110 = tpu.memref_squeeze %dma_start3A_109 : memref<1x!tpu.dma_semaphore, #tpu.memory_space<semaphore_mem>> -> memref<!tpu.dma_semaphore, #tpu.memory_space<semaphore_mem>>
    %dma_start3A_111 = arith.constant 7 : i32
    %dma_start3A_112 = arith.constant 0 : i32
    %dma_start3A_113 = tpu.memref_slice %arg6[%dma_start3A_111, %dma_start3A_112] : memref<128x1024xf32, #tpu.memory_space<vmem>> -> memref<1x1024xf32, #tpu.memory_space<vmem>>
    %dma_start3A_114 = arith.constant 0 : i32
    %dma_start3A_115 = tpu.memref_slice %arg4[%add3A_107, %dma_start3A_114] : memref<16384x1024xf32, #tpu.memory_space<hbm>> -> memref<1x1024xf32, #tpu.memory_space<hbm>>
    tpu.enqueue_dma source(%dma_start3A_115 : memref<1x1024xf32, #tpu.memory_space<hbm>>) target(%dma_start3A_113 : memref<1x1024xf32, #tpu.memory_space<vmem>>) target_semaphore(%dma_start3A_110 : memref<!tpu.dma_semaphore, #tpu.memory_space<semaphore_mem>>)
    %get3A_116 = arith.constant 8 : index
    %get3A_117 = memref.load %arg1[%get3A_116] : memref<128xi32, #tpu.memory_space<smem>>
    %mul3A_118 = arith.constant 2048 : i32
    %mul3A_119 = arith.muli %get3A_117, %mul3A_118 : i32
    %get3A_120 = arith.constant 8 : index
    %get3A_121 = memref.load %arg0[%get3A_120] : memref<128xi32, #tpu.memory_space<smem>>
    %add3A_122 = arith.addi %mul3A_119, %get3A_121 : i32
    %dma_start3A_123 = arith.constant 0 : i32
    %dma_start3A_124 = tpu.memref_slice %arg7[%dma_start3A_123] : memref<8x!tpu.dma_semaphore, #tpu.memory_space<semaphore_mem>> -> memref<1x!tpu.dma_semaphore, #tpu.memory_space<semaphore_mem>>
    %dma_start3A_125 = tpu.memref_squeeze %dma_start3A_124 : memref<1x!tpu.dma_semaphore, #tpu.memory_space<semaphore_mem>> -> memref<!tpu.dma_semaphore, #tpu.memory_space<semaphore_mem>>
    %dma_start3A_126 = arith.constant 8 : i32
    %dma_start3A_127 = arith.constant 0 : i32
    %dma_start3A_128 = tpu.memref_slice %arg6[%dma_start3A_126, %dma_start3A_127] : memref<128x1024xf32, #tpu.memory_space<vmem>> -> memref<1x1024xf32, #tpu.memory_space<vmem>>
    %dma_start3A_129 = arith.constant 0 : i32
    %dma_start3A_130 = tpu.memref_slice %arg4[%add3A_122, %dma_start3A_129] : memref<16384x1024xf32, #tpu.memory_space<hbm>> -> memref<1x1024xf32, #tpu.memory_space<hbm>>
    tpu.enqueue_dma source(%dma_start3A_130 : memref<1x1024xf32, #tpu.memory_space<hbm>>) target(%dma_start3A_128 : memref<1x1024xf32, #tpu.memory_space<vmem>>) target_semaphore(%dma_start3A_125 : memref<!tpu.dma_semaphore, #tpu.memory_space<semaphore_mem>>)
    %get3A_131 = arith.constant 9 : index
    %get3A_132 = memref.load %arg1[%get3A_131] : memref<128xi32, #tpu.memory_space<smem>>
    %mul3A_133 = arith.constant 2048 : i32
    %mul3A_134 = arith.muli %get3A_132, %mul3A_133 : i32
    %get3A_135 = arith.constant 9 : index
    %get3A_136 = memref.load %arg0[%get3A_135] : memref<128xi32, #tpu.memory_space<smem>>
    %add3A_137 = arith.addi %mul3A_134, %get3A_136 : i32
    %dma_start3A_138 = arith.constant 1 : i32
    %dma_start3A_139 = tpu.memref_slice %arg7[%dma_start3A_138] : memref<8x!tpu.dma_semaphore, #tpu.memory_space<semaphore_mem>> -> memref<1x!tpu.dma_semaphore, #tpu.memory_space<semaphore_mem>>
    %dma_start3A_140 = tpu.memref_squeeze %dma_start3A_139 : memref<1x!tpu.dma_semaphore, #tpu.memory_space<semaphore_mem>> -> memref<!tpu.dma_semaphore, #tpu.memory_space<semaphore_mem>>
    %dma_start3A_141 = arith.constant 9 : i32
    %dma_start3A_142 = arith.constant 0 : i32
    %dma_start3A_143 = tpu.memref_slice %arg6[%dma_start3A_141, %dma_start3A_142] : memref<128x1024xf32, #tpu.memory_space<vmem>> -> memref<1x1024xf32, #tpu.memory_space<vmem>>
    %dma_start3A_144 = arith.constant 0 : i32
    %dma_start3A_145 = tpu.memref_slice %arg4[%add3A_137, %dma_start3A_144] : memref<16384x1024xf32, #tpu.memory_space<hbm>> -> memref<1x1024xf32, #tpu.memory_space<hbm>>
    tpu.enqueue_dma source(%dma_start3A_145 : memref<1x1024xf32, #tpu.memory_space<hbm>>) target(%dma_start3A_143 : memref<1x1024xf32, #tpu.memory_space<vmem>>) target_semaphore(%dma_start3A_140 : memref<!tpu.dma_semaphore, #tpu.memory_space<semaphore_mem>>)
    %get3A_146 = arith.constant 10 : index
    %get3A_147 = memref.load %arg1[%get3A_146] : memref<128xi32, #tpu.memory_space<smem>>
    %mul3A_148 = arith.constant 2048 : i32
    %mul3A_149 = arith.muli %get3A_147, %mul3A_148 : i32
    %get3A_150 = arith.constant 10 : index
    %get3A_151 = memref.load %arg0[%get3A_150] : memref<128xi32, #tpu.memory_space<smem>>
    %add3A_152 = arith.addi %mul3A_149, %get3A_151 : i32
    %dma_start3A_153 = arith.constant 2 : i32
    %dma_start3A_154 = tpu.memref_slice %arg7[%dma_start3A_153] : memref<8x!tpu.dma_semaphore, #tpu.memory_space<semaphore_mem>> -> memref<1x!tpu.dma_semaphore, #tpu.memory_space<semaphore_mem>>
    %dma_start3A_155 = tpu.memref_squeeze %dma_start3A_154 : memref<1x!tpu.dma_semaphore, #tpu.memory_space<semaphore_mem>> -> memref<!tpu.dma_semaphore, #tpu.memory_space<semaphore_mem>>
    %dma_start3A_156 = arith.constant 10 : i32
    %dma_start3A_157 = arith.constant 0 : i32
    %dma_start3A_158 = tpu.memref_slice %arg6[%dma_start3A_156, %dma_start3A_157] : memref<128x1024xf32, #tpu.memory_space<vmem>> -> memref<1x1024xf32, #tpu.memory_space<vmem>>
    %dma_start3A_159 = arith.constant 0 : i32
    %dma_start3A_160 = tpu.memref_slice %arg4[%add3A_152, %dma_start3A_159] : memref<16384x1024xf32, #tpu.memory_space<hbm>> -> memref<1x1024xf32, #tpu.memory_space<hbm>>
    tpu.enqueue_dma source(%dma_start3A_160 : memref<1x1024xf32, #tpu.memory_space<hbm>>) target(%dma_start3A_158 : memref<1x1024xf32, #tpu.memory_space<vmem>>) target_semaphore(%dma_start3A_155 : memref<!tpu.dma_semaphore, #tpu.memory_space<semaphore_mem>>)
    %get3A_161 = arith.constant 11 : index
    %get3A_162 = memref.load %arg1[%get3A_161] : memref<128xi32, #tpu.memory_space<smem>>
    %mul3A_163 = arith.constant 2048 : i32
    %mul3A_164 = arith.muli %get3A_162, %mul3A_163 : i32
    %get3A_165 = arith.constant 11 : index
    %get3A_166 = memref.load %arg0[%get3A_165] : memref<128xi32, #tpu.memory_space<smem>>
    %add3A_167 = arith.addi %mul3A_164, %get3A_166 : i32
    %dma_start3A_168 = arith.constant 3 : i32
    %dma_start3A_169 = tpu.memref_slice %arg7[%dma_start3A_168] : memref<8x!tpu.dma_semaphore, #tpu.memory_space<semaphore_mem>> -> memref<1x!tpu.dma_semaphore, #tpu.memory_space<semaphore_mem>>
    %dma_start3A_170 = tpu.memref_squeeze %dma_start3A_169 : memref<1x!tpu.dma_semaphore, #tpu.memory_space<semaphore_mem>> -> memref<!tpu.dma_semaphore, #tpu.memory_space<semaphore_mem>>
    %dma_start3A_171 = arith.constant 11 : i32
    %dma_start3A_172 = arith.constant 0 : i32
    %dma_start3A_173 = tpu.memref_slice %arg6[%dma_start3A_171, %dma_start3A_172] : memref<128x1024xf32, #tpu.memory_space<vmem>> -> memref<1x1024xf32, #tpu.memory_space<vmem>>
    %dma_start3A_174 = arith.constant 0 : i32
    %dma_start3A_175 = tpu.memref_slice %arg4[%add3A_167, %dma_start3A_174] : memref<16384x1024xf32, #tpu.memory_space<hbm>> -> memref<1x1024xf32, #tpu.memory_space<hbm>>
    tpu.enqueue_dma source(%dma_start3A_175 : memref<1x1024xf32, #tpu.memory_space<hbm>>) target(%dma_start3A_173 : memref<1x1024xf32, #tpu.memory_space<vmem>>) target_semaphore(%dma_start3A_170 : memref<!tpu.dma_semaphore, #tpu.memory_space<semaphore_mem>>)
    %get3A_176 = arith.constant 12 : index
    %get3A_177 = memref.load %arg1[%get3A_176] : memref<128xi32, #tpu.memory_space<smem>>
    %mul3A_178 = arith.constant 2048 : i32
    %mul3A_179 = arith.muli %get3A_177, %mul3A_178 : i32
    %get3A_180 = arith.constant 12 : index
    %get3A_181 = memref.load %arg0[%get3A_180] : memref<128xi32, #tpu.memory_space<smem>>
    %add3A_182 = arith.addi %mul3A_179, %get3A_181 : i32
    %dma_start3A_183 = arith.constant 4 : i32
    %dma_start3A_184 = tpu.memref_slice %arg7[%dma_start3A_183] : memref<8x!tpu.dma_semaphore, #tpu.memory_space<semaphore_mem>> -> memref<1x!tpu.dma_semaphore, #tpu.memory_space<semaphore_mem>>
    %dma_start3A_185 = tpu.memref_squeeze %dma_start3A_184 : memref<1x!tpu.dma_semaphore, #tpu.memory_space<semaphore_mem>> -> memref<!tpu.dma_semaphore, #tpu.memory_space<semaphore_mem>>
    %dma_start3A_186 = arith.constant 12 : i32
    %dma_start3A_187 = arith.constant 0 : i32
    %dma_start3A_188 = tpu.memref_slice %arg6[%dma_start3A_186, %dma_start3A_187] : memref<128x1024xf32, #tpu.memory_space<vmem>> -> memref<1x1024xf32, #tpu.memory_space<vmem>>
    %dma_start3A_189 = arith.constant 0 : i32
    %dma_start3A_190 = tpu.memref_slice %arg4[%add3A_182, %dma_start3A_189] : memref<16384x1024xf32, #tpu.memory_space<hbm>> -> memref<1x1024xf32, #tpu.memory_space<hbm>>
    tpu.enqueue_dma source(%dma_start3A_190 : memref<1x1024xf32, #tpu.memory_space<hbm>>) target(%dma_start3A_188 : memref<1x1024xf32, #tpu.memory_space<vmem>>) target_semaphore(%dma_start3A_185 : memref<!tpu.dma_semaphore, #tpu.memory_space<semaphore_mem>>)
    %get3A_191 = arith.constant 13 : index
    %get3A_192 = memref.load %arg1[%get3A_191] : memref<128xi32, #tpu.memory_space<smem>>
    %mul3A_193 = arith.constant 2048 : i32
    %mul3A_194 = arith.muli %get3A_192, %mul3A_193 : i32
    %get3A_195 = arith.constant 13 : index
    %get3A_196 = memref.load %arg0[%get3A_195] : memref<128xi32, #tpu.memory_space<smem>>
    %add3A_197 = arith.addi %mul3A_194, %get3A_196 : i32
    %dma_start3A_198 = arith.constant 5 : i32
    %dma_start3A_199 = tpu.memref_slice %arg7[%dma_start3A_198] : memref<8x!tpu.dma_semaphore, #tpu.memory_space<semaphore_mem>> -> memref<1x!tpu.dma_semaphore, #tpu.memory_space<semaphore_mem>>
    %dma_start3A_200 = tpu.memref_squeeze %dma_start3A_199 : memref<1x!tpu.dma_semaphore, #tpu.memory_space<semaphore_mem>> -> memref<!tpu.dma_semaphore, #tpu.memory_space<semaphore_mem>>
    %dma_start3A_201 = arith.constant 13 : i32
    %dma_start3A_202 = arith.constant 0 : i32
    %dma_start3A_203 = tpu.memref_slice %arg6[%dma_start3A_201, %dma_start3A_202] : memref<128x1024xf32, #tpu.memory_space<vmem>> -> memref<1x1024xf32, #tpu.memory_space<vmem>>
    %dma_start3A_204 = arith.constant 0 : i32
    %dma_start3A_205 = tpu.memref_slice %arg4[%add3A_197, %dma_start3A_204] : memref<16384x1024xf32, #tpu.memory_space<hbm>> -> memref<1x1024xf32, #tpu.memory_space<hbm>>
    tpu.enqueue_dma source(%dma_start3A_205 : memref<1x1024xf32, #tpu.memory_space<hbm>>) target(%dma_start3A_203 : memref<1x1024xf32, #tpu.memory_space<vmem>>) target_semaphore(%dma_start3A_200 : memref<!tpu.dma_semaphore, #tpu.memory_space<semaphore_mem>>)
    %get3A_206 = arith.constant 14 : index
    %get3A_207 = memref.load %arg1[%get3A_206] : memref<128xi32, #tpu.memory_space<smem>>
    %mul3A_208 = arith.constant 2048 : i32
    %mul3A_209 = arith.muli %get3A_207, %mul3A_208 : i32
    %get3A_210 = arith.constant 14 : index
    %get3A_211 = memref.load %arg0[%get3A_210] : memref<128xi32, #tpu.memory_space<smem>>
    %add3A_212 = arith.addi %mul3A_209, %get3A_211 : i32
    %dma_start3A_213 = arith.constant 6 : i32
    %dma_start3A_214 = tpu.memref_slice %arg7[%dma_start3A_213] : memref<8x!tpu.dma_semaphore, #tpu.memory_space<semaphore_mem>> -> memref<1x!tpu.dma_semaphore, #tpu.memory_space<semaphore_mem>>
    %dma_start3A_215 = tpu.memref_squeeze %dma_start3A_214 : memref<1x!tpu.dma_semaphore, #tpu.memory_space<semaphore_mem>> -> memref<!tpu.dma_semaphore, #tpu.memory_space<semaphore_mem>>
    %dma_start3A_216 = arith.constant 14 : i32
    %dma_start3A_217 = arith.constant 0 : i32
    %dma_start3A_218 = tpu.memref_slice %arg6[%dma_start3A_216, %dma_start3A_217] : memref<128x1024xf32, #tpu.memory_space<vmem>> -> memref<1x1024xf32, #tpu.memory_space<vmem>>
    %dma_start3A_219 = arith.constant 0 : i32
    %dma_start3A_220 = tpu.memref_slice %arg4[%add3A_212, %dma_start3A_219] : memref<16384x1024xf32, #tpu.memory_space<hbm>> -> memref<1x1024xf32, #tpu.memory_space<hbm>>
    tpu.enqueue_dma source(%dma_start3A_220 : memref<1x1024xf32, #tpu.memory_space<hbm>>) target(%dma_start3A_218 : memref<1x1024xf32, #tpu.memory_space<vmem>>) target_semaphore(%dma_start3A_215 : memref<!tpu.dma_semaphore, #tpu.memory_space<semaphore_mem>>)
    %get3A_221 = arith.constant 15 : index
    %get3A_222 = memref.load %arg1[%get3A_221] : memref<128xi32, #tpu.memory_space<smem>>
    %mul3A_223 = arith.constant 2048 : i32
    %mul3A_224 = arith.muli %get3A_222, %mul3A_223 : i32
    %get3A_225 = arith.constant 15 : index
    %get3A_226 = memref.load %arg0[%get3A_225] : memref<128xi32, #tpu.memory_space<smem>>
    %add3A_227 = arith.addi %mul3A_224, %get3A_226 : i32
    %dma_start3A_228 = arith.constant 7 : i32
    %dma_start3A_229 = tpu.memref_slice %arg7[%dma_start3A_228] : memref<8x!tpu.dma_semaphore, #tpu.memory_space<semaphore_mem>> -> memref<1x!tpu.dma_semaphore, #tpu.memory_space<semaphore_mem>>
    %dma_start3A_230 = tpu.memref_squeeze %dma_start3A_229 : memref<1x!tpu.dma_semaphore, #tpu.memory_space<semaphore_mem>> -> memref<!tpu.dma_semaphore, #tpu.memory_space<semaphore_mem>>
    %dma_start3A_231 = arith.constant 15 : i32
    %dma_start3A_232 = arith.constant 0 : i32
    %dma_start3A_233 = tpu.memref_slice %arg6[%dma_start3A_231, %dma_start3A_232] : memref<128x1024xf32, #tpu.memory_space<vmem>> -> memref<1x1024xf32, #tpu.memory_space<vmem>>
    %dma_start3A_234 = arith.constant 0 : i32
    %dma_start3A_235 = tpu.memref_slice %arg4[%add3A_227, %dma_start3A_234] : memref<16384x1024xf32, #tpu.memory_space<hbm>> -> memref<1x1024xf32, #tpu.memory_space<hbm>>
    tpu.enqueue_dma source(%dma_start3A_235 : memref<1x1024xf32, #tpu.memory_space<hbm>>) target(%dma_start3A_233 : memref<1x1024xf32, #tpu.memory_space<vmem>>) target_semaphore(%dma_start3A_230 : memref<!tpu.dma_semaphore, #tpu.memory_space<semaphore_mem>>)
    %get3A_236 = arith.constant 16 : index
    %get3A_237 = memref.load %arg1[%get3A_236] : memref<128xi32, #tpu.memory_space<smem>>
    %mul3A_238 = arith.constant 2048 : i32
    %mul3A_239 = arith.muli %get3A_237, %mul3A_238 : i32
    %get3A_240 = arith.constant 16 : index
    %get3A_241 = memref.load %arg0[%get3A_240] : memref<128xi32, #tpu.memory_space<smem>>
    %add3A_242 = arith.addi %mul3A_239, %get3A_241 : i32
    %dma_start3A_243 = arith.constant 0 : i32
    %dma_start3A_244 = tpu.memref_slice %arg7[%dma_start3A_243] : memref<8x!tpu.dma_semaphore, #tpu.memory_space<semaphore_mem>> -> memref<1x!tpu.dma_semaphore, #tpu.memory_space<semaphore_mem>>
    %dma_start3A_245 = tpu.memref_squeeze %dma_start3A_244 : memref<1x!tpu.dma_semaphore, #tpu.memory_space<semaphore_mem>> -> memref<!tpu.dma_semaphore, #tpu.memory_space<semaphore_mem>>
    %dma_start3A_246 = arith.constant 16 : i32
    %dma_start3A_247 = arith.constant 0 : i32
    %dma_start3A_248 = tpu.memref_slice %arg6[%dma_start3A_246, %dma_start3A_247] : memref<128x1024xf32, #tpu.memory_space<vmem>> -> memref<1x1024xf32, #tpu.memory_space<vmem>>
    %dma_start3A_249 = arith.constant 0 : i32
    %dma_start3A_250 = tpu.memref_slice %arg4[%add3A_242, %dma_start3A_249] : memref<16384x1024xf32, #tpu.memory_space<hbm>> -> memref<1x1024xf32, #tpu.memory_space<hbm>>
    tpu.enqueue_dma source(%dma_start3A_250 : memref<1x1024xf32, #tpu.memory_space<hbm>>) target(%dma_start3A_248 : memref<1x1024xf32, #tpu.memory_space<vmem>>) target_semaphore(%dma_start3A_245 : memref<!tpu.dma_semaphore, #tpu.memory_space<semaphore_mem>>)
    %get3A_251 = arith.constant 17 : index
    %get3A_252 = memref.load %arg1[%get3A_251] : memref<128xi32, #tpu.memory_space<smem>>
    %mul3A_253 = arith.constant 2048 : i32
    %mul3A_254 = arith.muli %get3A_252, %mul3A_253 : i32
    %get3A_255 = arith.constant 17 : index
    %get3A_256 = memref.load %arg0[%get3A_255] : memref<128xi32, #tpu.memory_space<smem>>
    %add3A_257 = arith.addi %mul3A_254, %get3A_256 : i32
    %dma_start3A_258 = arith.constant 1 : i32
    %dma_start3A_259 = tpu.memref_slice %arg7[%dma_start3A_258] : memref<8x!tpu.dma_semaphore, #tpu.memory_space<semaphore_mem>> -> memref<1x!tpu.dma_semaphore, #tpu.memory_space<semaphore_mem>>
    %dma_start3A_260 = tpu.memref_squeeze %dma_start3A_259 : memref<1x!tpu.dma_semaphore, #tpu.memory_space<semaphore_mem>> -> memref<!tpu.dma_semaphore, #tpu.memory_space<semaphore_mem>>
    %dma_start3A_261 = arith.constant 17 : i32
    %dma_start3A_262 = arith.constant 0 : i32
    %dma_start3A_263 = tpu.memref_slice %arg6[%dma_start3A_261, %dma_start3A_262] : memref<128x1024xf32, #tpu.memory_space<vmem>> -> memref<1x1024xf32, #tpu.memory_space<vmem>>
    %dma_start3A_264 = arith.constant 0 : i32
    %dma_start3A_265 = tpu.memref_slice %arg4[%add3A_257, %dma_start3A_264] : memref<16384x1024xf32, #tpu.memory_space<hbm>> -> memref<1x1024xf32, #tpu.memory_space<hbm>>
    tpu.enqueue_dma source(%dma_start3A_265 : memref<1x1024xf32, #tpu.memory_space<hbm>>) target(%dma_start3A_263 : memref<1x1024xf32, #tpu.memory_space<vmem>>) target_semaphore(%dma_start3A_260 : memref<!tpu.dma_semaphore, #tpu.memory_space<semaphore_mem>>)
    %get3A_266 = arith.constant 18 : index
    %get3A_267 = memref.load %arg1[%get3A_266] : memref<128xi32, #tpu.memory_space<smem>>
    %mul3A_268 = arith.constant 2048 : i32
    %mul3A_269 = arith.muli %get3A_267, %mul3A_268 : i32
    %get3A_270 = arith.constant 18 : index
    %get3A_271 = memref.load %arg0[%get3A_270] : memref<128xi32, #tpu.memory_space<smem>>
    %add3A_272 = arith.addi %mul3A_269, %get3A_271 : i32
    %dma_start3A_273 = arith.constant 2 : i32
    %dma_start3A_274 = tpu.memref_slice %arg7[%dma_start3A_273] : memref<8x!tpu.dma_semaphore, #tpu.memory_space<semaphore_mem>> -> memref<1x!tpu.dma_semaphore, #tpu.memory_space<semaphore_mem>>
    %dma_start3A_275 = tpu.memref_squeeze %dma_start3A_274 : memref<1x!tpu.dma_semaphore, #tpu.memory_space<semaphore_mem>> -> memref<!tpu.dma_semaphore, #tpu.memory_space<semaphore_mem>>
    %dma_start3A_276 = arith.constant 18 : i32
    %dma_start3A_277 = arith.constant 0 : i32
    %dma_start3A_278 = tpu.memref_slice %arg6[%dma_start3A_276, %dma_start3A_277] : memref<128x1024xf32, #tpu.memory_space<vmem>> -> memref<1x1024xf32, #tpu.memory_space<vmem>>
    %dma_start3A_279 = arith.constant 0 : i32
    %dma_start3A_280 = tpu.memref_slice %arg4[%add3A_272, %dma_start3A_279] : memref<16384x1024xf32, #tpu.memory_space<hbm>> -> memref<1x1024xf32, #tpu.memory_space<hbm>>
    tpu.enqueue_dma source(%dma_start3A_280 : memref<1x1024xf32, #tpu.memory_space<hbm>>) target(%dma_start3A_278 : memref<1x1024xf32, #tpu.memory_space<vmem>>) target_semaphore(%dma_start3A_275 : memref<!tpu.dma_semaphore, #tpu.memory_space<semaphore_mem>>)
    %get3A_281 = arith.constant 19 : index
    %get3A_282 = memref.load %arg1[%get3A_281] : memref<128xi32, #tpu.memory_space<smem>>
    %mul3A_283 = arith.constant 2048 : i32
    %mul3A_284 = arith.muli %get3A_282, %mul3A_283 : i32
    %get3A_285 = arith.constant 19 : index
    %get3A_286 = memref.load %arg0[%get3A_285] : memref<128xi32, #tpu.memory_space<smem>>
    %add3A_287 = arith.addi %mul3A_284, %get3A_286 : i32
    %dma_start3A_288 = arith.constant 3 : i32
    %dma_start3A_289 = tpu.memref_slice %arg7[%dma_start3A_288] : memref<8x!tpu.dma_semaphore, #tpu.memory_space<semaphore_mem>> -> memref<1x!tpu.dma_semaphore, #tpu.memory_space<semaphore_mem>>
    %dma_start3A_290 = tpu.memref_squeeze %dma_start3A_289 : memref<1x!tpu.dma_semaphore, #tpu.memory_space<semaphore_mem>> -> memref<!tpu.dma_semaphore, #tpu.memory_space<semaphore_mem>>
    %dma_start3A_291 = arith.constant 19 : i32
    %dma_start3A_292 = arith.constant 0 : i32
    %dma_start3A_293 = tpu.memref_slice %arg6[%dma_start3A_291, %dma_start3A_292] : memref<128x1024xf32, #tpu.memory_space<vmem>> -> memref<1x1024xf32, #tpu.memory_space<vmem>>
    %dma_start3A_294 = arith.constant 0 : i32
    %dma_start3A_295 = tpu.memref_slice %arg4[%add3A_287, %dma_start3A_294] : memref<16384x1024xf32, #tpu.memory_space<hbm>> -> memref<1x1024xf32, #tpu.memory_space<hbm>>
    tpu.enqueue_dma source(%dma_start3A_295 : memref<1x1024xf32, #tpu.memory_space<hbm>>) target(%dma_start3A_293 : memref<1x1024xf32, #tpu.memory_space<vmem>>) target_semaphore(%dma_start3A_290 : memref<!tpu.dma_semaphore, #tpu.memory_space<semaphore_mem>>)
    %get3A_296 = arith.constant 20 : index
    %get3A_297 = memref.load %arg1[%get3A_296] : memref<128xi32, #tpu.memory_space<smem>>
    %mul3A_298 = arith.constant 2048 : i32
    %mul3A_299 = arith.muli %get3A_297, %mul3A_298 : i32
    %get3A_300 = arith.constant 20 : index
    %get3A_301 = memref.load %arg0[%get3A_300] : memref<128xi32, #tpu.memory_space<smem>>
    %add3A_302 = arith.addi %mul3A_299, %get3A_301 : i32
    %dma_start3A_303 = arith.constant 4 : i32
    %dma_start3A_304 = tpu.memref_slice %arg7[%dma_start3A_303] : memref<8x!tpu.dma_semaphore, #tpu.memory_space<semaphore_mem>> -> memref<1x!tpu.dma_semaphore, #tpu.memory_space<semaphore_mem>>
    %dma_start3A_305 = tpu.memref_squeeze %dma_start3A_304 : memref<1x!tpu.dma_semaphore, #tpu.memory_space<semaphore_mem>> -> memref<!tpu.dma_semaphore, #tpu.memory_space<semaphore_mem>>
    %dma_start3A_306 = arith.constant 20 : i32
    %dma_start3A_307 = arith.constant 0 : i32
    %dma_start3A_308 = tpu.memref_slice %arg6[%dma_start3A_306, %dma_start3A_307] : memref<128x1024xf32, #tpu.memory_space<vmem>> -> memref<1x1024xf32, #tpu.memory_space<vmem>>
    %dma_start3A_309 = arith.constant 0 : i32
    %dma_start3A_310 = tpu.memref_slice %arg4[%add3A_302, %dma_start3A_309] : memref<16384x1024xf32, #tpu.memory_space<hbm>> -> memref<1x1024xf32, #tpu.memory_space<hbm>>
    tpu.enqueue_dma source(%dma_start3A_310 : memref<1x1024xf32, #tpu.memory_space<hbm>>) target(%dma_start3A_308 : memref<1x1024xf32, #tpu.memory_space<vmem>>) target_semaphore(%dma_start3A_305 : memref<!tpu.dma_semaphore, #tpu.memory_space<semaphore_mem>>)
    %get3A_311 = arith.constant 21 : index
    %get3A_312 = memref.load %arg1[%get3A_311] : memref<128xi32, #tpu.memory_space<smem>>
    %mul3A_313 = arith.constant 2048 : i32
    %mul3A_314 = arith.muli %get3A_312, %mul3A_313 : i32
    %get3A_315 = arith.constant 21 : index
    %get3A_316 = memref.load %arg0[%get3A_315] : memref<128xi32, #tpu.memory_space<smem>>
    %add3A_317 = arith.addi %mul3A_314, %get3A_316 : i32
    %dma_start3A_318 = arith.constant 5 : i32
    %dma_start3A_319 = tpu.memref_slice %arg7[%dma_start3A_318] : memref<8x!tpu.dma_semaphore, #tpu.memory_space<semaphore_mem>> -> memref<1x!tpu.dma_semaphore, #tpu.memory_space<semaphore_mem>>
    %dma_start3A_320 = tpu.memref_squeeze %dma_start3A_319 : memref<1x!tpu.dma_semaphore, #tpu.memory_space<semaphore_mem>> -> memref<!tpu.dma_semaphore, #tpu.memory_space<semaphore_mem>>
    %dma_start3A_321 = arith.constant 21 : i32
    %dma_start3A_322 = arith.constant 0 : i32
    %dma_start3A_323 = tpu.memref_slice %arg6[%dma_start3A_321, %dma_start3A_322] : memref<128x1024xf32, #tpu.memory_space<vmem>> -> memref<1x1024xf32, #tpu.memory_space<vmem>>
    %dma_start3A_324 = arith.constant 0 : i32
    %dma_start3A_325 = tpu.memref_slice %arg4[%add3A_317, %dma_start3A_324] : memref<16384x1024xf32, #tpu.memory_space<hbm>> -> memref<1x1024xf32, #tpu.memory_space<hbm>>
    tpu.enqueue_dma source(%dma_start3A_325 : memref<1x1024xf32, #tpu.memory_space<hbm>>) target(%dma_start3A_323 : memref<1x1024xf32, #tpu.memory_space<vmem>>) target_semaphore(%dma_start3A_320 : memref<!tpu.dma_semaphore, #tpu.memory_space<semaphore_mem>>)
    %get3A_326 = arith.constant 22 : index
    %get3A_327 = memref.load %arg1[%get3A_326] : memref<128xi32, #tpu.memory_space<smem>>
    %mul3A_328 = arith.constant 2048 : i32
    %mul3A_329 = arith.muli %get3A_327, %mul3A_328 : i32
    %get3A_330 = arith.constant 22 : index
    %get3A_331 = memref.load %arg0[%get3A_330] : memref<128xi32, #tpu.memory_space<smem>>
    %add3A_332 = arith.addi %mul3A_329, %get3A_331 : i32
    %dma_start3A_333 = arith.constant 6 : i32
    %dma_start3A_334 = tpu.memref_slice %arg7[%dma_start3A_333] : memref<8x!tpu.dma_semaphore, #tpu.memory_space<semaphore_mem>> -> memref<1x!tpu.dma_semaphore, #tpu.memory_space<semaphore_mem>>
    %dma_start3A_335 = tpu.memref_squeeze %dma_start3A_334 : memref<1x!tpu.dma_semaphore, #tpu.memory_space<semaphore_mem>> -> memref<!tpu.dma_semaphore, #tpu.memory_space<semaphore_mem>>
    %dma_start3A_336 = arith.constant 22 : i32
    %dma_start3A_337 = arith.constant 0 : i32
    %dma_start3A_338 = tpu.memref_slice %arg6[%dma_start3A_336, %dma_start3A_337] : memref<128x1024xf32, #tpu.memory_space<vmem>> -> memref<1x1024xf32, #tpu.memory_space<vmem>>
    %dma_start3A_339 = arith.constant 0 : i32
    %dma_start3A_340 = tpu.memref_slice %arg4[%add3A_332, %dma_start3A_339] : memref<16384x1024xf32, #tpu.memory_space<hbm>> -> memref<1x1024xf32, #tpu.memory_space<hbm>>
    tpu.enqueue_dma source(%dma_start3A_340 : memref<1x1024xf32, #tpu.memory_space<hbm>>) target(%dma_start3A_338 : memref<1x1024xf32, #tpu.memory_space<vmem>>) target_semaphore(%dma_start3A_335 : memref<!tpu.dma_semaphore, #tpu.memory_space<semaphore_mem>>)
    %get3A_341 = arith.constant 23 : index
    %get3A_342 = memref.load %arg1[%get3A_341] : memref<128xi32, #tpu.memory_space<smem>>
    %mul3A_343 = arith.constant 2048 : i32
    %mul3A_344 = arith.muli %get3A_342, %mul3A_343 : i32
    %get3A_345 = arith.constant 23 : index
    %get3A_346 = memref.load %arg0[%get3A_345] : memref<128xi32, #tpu.memory_space<smem>>
    %add3A_347 = arith.addi %mul3A_344, %get3A_346 : i32
    %dma_start3A_348 = arith.constant 7 : i32
    %dma_start3A_349 = tpu.memref_slice %arg7[%dma_start3A_348] : memref<8x!tpu.dma_semaphore, #tpu.memory_space<semaphore_mem>> -> memref<1x!tpu.dma_semaphore, #tpu.memory_space<semaphore_mem>>
    %dma_start3A_350 = tpu.memref_squeeze %dma_start3A_349 : memref<1x!tpu.dma_semaphore, #tpu.memory_space<semaphore_mem>> -> memref<!tpu.dma_semaphore, #tpu.memory_space<semaphore_mem>>
    %dma_start3A_351 = arith.constant 23 : i32
    %dma_start3A_352 = arith.constant 0 : i32
    %dma_start3A_353 = tpu.memref_slice %arg6[%dma_start3A_351, %dma_start3A_352] : memref<128x1024xf32, #tpu.memory_space<vmem>> -> memref<1x1024xf32, #tpu.memory_space<vmem>>
    %dma_start3A_354 = arith.constant 0 : i32
    %dma_start3A_355 = tpu.memref_slice %arg4[%add3A_347, %dma_start3A_354] : memref<16384x1024xf32, #tpu.memory_space<hbm>> -> memref<1x1024xf32, #tpu.memory_space<hbm>>
    tpu.enqueue_dma source(%dma_start3A_355 : memref<1x1024xf32, #tpu.memory_space<hbm>>) target(%dma_start3A_353 : memref<1x1024xf32, #tpu.memory_space<vmem>>) target_semaphore(%dma_start3A_350 : memref<!tpu.dma_semaphore, #tpu.memory_space<semaphore_mem>>)
    %get3A_356 = arith.constant 24 : index
    %get3A_357 = memref.load %arg1[%get3A_356] : memref<128xi32, #tpu.memory_space<smem>>
    %mul3A_358 = arith.constant 2048 : i32
    %mul3A_359 = arith.muli %get3A_357, %mul3A_358 : i32
    %get3A_360 = arith.constant 24 : index
    %get3A_361 = memref.load %arg0[%get3A_360] : memref<128xi32, #tpu.memory_space<smem>>
    %add3A_362 = arith.addi %mul3A_359, %get3A_361 : i32
    %dma_start3A_363 = arith.constant 0 : i32
    %dma_start3A_364 = tpu.memref_slice %arg7[%dma_start3A_363] : memref<8x!tpu.dma_semaphore, #tpu.memory_space<semaphore_mem>> -> memref<1x!tpu.dma_semaphore, #tpu.memory_space<semaphore_mem>>
    %dma_start3A_365 = tpu.memref_squeeze %dma_start3A_364 : memref<1x!tpu.dma_semaphore, #tpu.memory_space<semaphore_mem>> -> memref<!tpu.dma_semaphore, #tpu.memory_space<semaphore_mem>>
    %dma_start3A_366 = arith.constant 24 : i32
    %dma_start3A_367 = arith.constant 0 : i32
    %dma_start3A_368 = tpu.memref_slice %arg6[%dma_start3A_366, %dma_start3A_367] : memref<128x1024xf32, #tpu.memory_space<vmem>> -> memref<1x1024xf32, #tpu.memory_space<vmem>>
    %dma_start3A_369 = arith.constant 0 : i32
    %dma_start3A_370 = tpu.memref_slice %arg4[%add3A_362, %dma_start3A_369] : memref<16384x1024xf32, #tpu.memory_space<hbm>> -> memref<1x1024xf32, #tpu.memory_space<hbm>>
    tpu.enqueue_dma source(%dma_start3A_370 : memref<1x1024xf32, #tpu.memory_space<hbm>>) target(%dma_start3A_368 : memref<1x1024xf32, #tpu.memory_space<vmem>>) target_semaphore(%dma_start3A_365 : memref<!tpu.dma_semaphore, #tpu.memory_space<semaphore_mem>>)
    %get3A_371 = arith.constant 25 : index
    %get3A_372 = memref.load %arg1[%get3A_371] : memref<128xi32, #tpu.memory_space<smem>>
    %mul3A_373 = arith.constant 2048 : i32
    %mul3A_374 = arith.muli %get3A_372, %mul3A_373 : i32
    %get3A_375 = arith.constant 25 : index
    %get3A_376 = memref.load %arg0[%get3A_375] : memref<128xi32, #tpu.memory_space<smem>>
    %add3A_377 = arith.addi %mul3A_374, %get3A_376 : i32
    %dma_start3A_378 = arith.constant 1 : i32
    %dma_start3A_379 = tpu.memref_slice %arg7[%dma_start3A_378] : memref<8x!tpu.dma_semaphore, #tpu.memory_space<semaphore_mem>> -> memref<1x!tpu.dma_semaphore, #tpu.memory_space<semaphore_mem>>
    %dma_start3A_380 = tpu.memref_squeeze %dma_start3A_379 : memref<1x!tpu.dma_semaphore, #tpu.memory_space<semaphore_mem>> -> memref<!tpu.dma_semaphore, #tpu.memory_space<semaphore_mem>>
    %dma_start3A_381 = arith.constant 25 : i32
    %dma_start3A_382 = arith.constant 0 : i32
    %dma_start3A_383 = tpu.memref_slice %arg6[%dma_start3A_381, %dma_start3A_382] : memref<128x1024xf32, #tpu.memory_space<vmem>> -> memref<1x1024xf32, #tpu.memory_space<vmem>>
    %dma_start3A_384 = arith.constant 0 : i32
    %dma_start3A_385 = tpu.memref_slice %arg4[%add3A_377, %dma_start3A_384] : memref<16384x1024xf32, #tpu.memory_space<hbm>> -> memref<1x1024xf32, #tpu.memory_space<hbm>>
    tpu.enqueue_dma source(%dma_start3A_385 : memref<1x1024xf32, #tpu.memory_space<hbm>>) target(%dma_start3A_383 : memref<1x1024xf32, #tpu.memory_space<vmem>>) target_semaphore(%dma_start3A_380 : memref<!tpu.dma_semaphore, #tpu.memory_space<semaphore_mem>>)
    %get3A_386 = arith.constant 26 : index
    %get3A_387 = memref.load %arg1[%get3A_386] : memref<128xi32, #tpu.memory_space<smem>>
    %mul3A_388 = arith.constant 2048 : i32
    %mul3A_389 = arith.muli %get3A_387, %mul3A_388 : i32
    %get3A_390 = arith.constant 26 : index
    %get3A_391 = memref.load %arg0[%get3A_390] : memref<128xi32, #tpu.memory_space<smem>>
    %add3A_392 = arith.addi %mul3A_389, %get3A_391 : i32
    %dma_start3A_393 = arith.constant 2 : i32
    %dma_start3A_394 = tpu.memref_slice %arg7[%dma_start3A_393] : memref<8x!tpu.dma_semaphore, #tpu.memory_space<semaphore_mem>> -> memref<1x!tpu.dma_semaphore, #tpu.memory_space<semaphore_mem>>
    %dma_start3A_395 = tpu.memref_squeeze %dma_start3A_394 : memref<1x!tpu.dma_semaphore, #tpu.memory_space<semaphore_mem>> -> memref<!tpu.dma_semaphore, #tpu.memory_space<semaphore_mem>>
    %dma_start3A_396 = arith.constant 26 : i32
    %dma_start3A_397 = arith.constant 0 : i32
    %dma_start3A_398 = tpu.memref_slice %arg6[%dma_start3A_396, %dma_start3A_397] : memref<128x1024xf32, #tpu.memory_space<vmem>> -> memref<1x1024xf32, #tpu.memory_space<vmem>>
    %dma_start3A_399 = arith.constant 0 : i32
    %dma_start3A_400 = tpu.memref_slice %arg4[%add3A_392, %dma_start3A_399] : memref<16384x1024xf32, #tpu.memory_space<hbm>> -> memref<1x1024xf32, #tpu.memory_space<hbm>>
    tpu.enqueue_dma source(%dma_start3A_400 : memref<1x1024xf32, #tpu.memory_space<hbm>>) target(%dma_start3A_398 : memref<1x1024xf32, #tpu.memory_space<vmem>>) target_semaphore(%dma_start3A_395 : memref<!tpu.dma_semaphore, #tpu.memory_space<semaphore_mem>>)
    %get3A_401 = arith.constant 27 : index
    %get3A_402 = memref.load %arg1[%get3A_401] : memref<128xi32, #tpu.memory_space<smem>>
    %mul3A_403 = arith.constant 2048 : i32
    %mul3A_404 = arith.muli %get3A_402, %mul3A_403 : i32
    %get3A_405 = arith.constant 27 : index
    %get3A_406 = memref.load %arg0[%get3A_405] : memref<128xi32, #tpu.memory_space<smem>>
    %add3A_407 = arith.addi %mul3A_404, %get3A_406 : i32
    %dma_start3A_408 = arith.constant 3 : i32
    %dma_start3A_409 = tpu.memref_slice %arg7[%dma_start3A_408] : memref<8x!tpu.dma_semaphore, #tpu.memory_space<semaphore_mem>> -> memref<1x!tpu.dma_semaphore, #tpu.memory_space<semaphore_mem>>
    %dma_start3A_410 = tpu.memref_squeeze %dma_start3A_409 : memref<1x!tpu.dma_semaphore, #tpu.memory_space<semaphore_mem>> -> memref<!tpu.dma_semaphore, #tpu.memory_space<semaphore_mem>>
    %dma_start3A_411 = arith.constant 27 : i32
    %dma_start3A_412 = arith.constant 0 : i32
    %dma_start3A_413 = tpu.memref_slice %arg6[%dma_start3A_411, %dma_start3A_412] : memref<128x1024xf32, #tpu.memory_space<vmem>> -> memref<1x1024xf32, #tpu.memory_space<vmem>>
    %dma_start3A_414 = arith.constant 0 : i32
    %dma_start3A_415 = tpu.memref_slice %arg4[%add3A_407, %dma_start3A_414] : memref<16384x1024xf32, #tpu.memory_space<hbm>> -> memref<1x1024xf32, #tpu.memory_space<hbm>>
    tpu.enqueue_dma source(%dma_start3A_415 : memref<1x1024xf32, #tpu.memory_space<hbm>>) target(%dma_start3A_413 : memref<1x1024xf32, #tpu.memory_space<vmem>>) target_semaphore(%dma_start3A_410 : memref<!tpu.dma_semaphore, #tpu.memory_space<semaphore_mem>>)
    %get3A_416 = arith.constant 28 : index
    %get3A_417 = memref.load %arg1[%get3A_416] : memref<128xi32, #tpu.memory_space<smem>>
    %mul3A_418 = arith.constant 2048 : i32
    %mul3A_419 = arith.muli %get3A_417, %mul3A_418 : i32
    %get3A_420 = arith.constant 28 : index
    %get3A_421 = memref.load %arg0[%get3A_420] : memref<128xi32, #tpu.memory_space<smem>>
    %add3A_422 = arith.addi %mul3A_419, %get3A_421 : i32
    %dma_start3A_423 = arith.constant 4 : i32
    %dma_start3A_424 = tpu.memref_slice %arg7[%dma_start3A_423] : memref<8x!tpu.dma_semaphore, #tpu.memory_space<semaphore_mem>> -> memref<1x!tpu.dma_semaphore, #tpu.memory_space<semaphore_mem>>
    %dma_start3A_425 = tpu.memref_squeeze %dma_start3A_424 : memref<1x!tpu.dma_semaphore, #tpu.memory_space<semaphore_mem>> -> memref<!tpu.dma_semaphore, #tpu.memory_space<semaphore_mem>>
    %dma_start3A_426 = arith.constant 28 : i32
    %dma_start3A_427 = arith.constant 0 : i32
    %dma_start3A_428 = tpu.memref_slice %arg6[%dma_start3A_426, %dma_start3A_427] : memref<128x1024xf32, #tpu.memory_space<vmem>> -> memref<1x1024xf32, #tpu.memory_space<vmem>>
    %dma_start3A_429 = arith.constant 0 : i32
    %dma_start3A_430 = tpu.memref_slice %arg4[%add3A_422, %dma_start3A_429] : memref<16384x1024xf32, #tpu.memory_space<hbm>> -> memref<1x1024xf32, #tpu.memory_space<hbm>>
    tpu.enqueue_dma source(%dma_start3A_430 : memref<1x1024xf32, #tpu.memory_space<hbm>>) target(%dma_start3A_428 : memref<1x1024xf32, #tpu.memory_space<vmem>>) target_semaphore(%dma_start3A_425 : memref<!tpu.dma_semaphore, #tpu.memory_space<semaphore_mem>>)
    %get3A_431 = arith.constant 29 : index
    %get3A_432 = memref.load %arg1[%get3A_431] : memref<128xi32, #tpu.memory_space<smem>>
    %mul3A_433 = arith.constant 2048 : i32
    %mul3A_434 = arith.muli %get3A_432, %mul3A_433 : i32
    %get3A_435 = arith.constant 29 : index
    %get3A_436 = memref.load %arg0[%get3A_435] : memref<128xi32, #tpu.memory_space<smem>>
    %add3A_437 = arith.addi %mul3A_434, %get3A_436 : i32
    %dma_start3A_438 = arith.constant 5 : i32
    %dma_start3A_439 = tpu.memref_slice %arg7[%dma_start3A_438] : memref<8x!tpu.dma_semaphore, #tpu.memory_space<semaphore_mem>> -> memref<1x!tpu.dma_semaphore, #tpu.memory_space<semaphore_mem>>
    %dma_start3A_440 = tpu.memref_squeeze %dma_start3A_439 : memref<1x!tpu.dma_semaphore, #tpu.memory_space<semaphore_mem>> -> memref<!tpu.dma_semaphore, #tpu.memory_space<semaphore_mem>>
    %dma_start3A_441 = arith.constant 29 : i32
    %dma_start3A_442 = arith.constant 0 : i32
    %dma_start3A_443 = tpu.memref_slice %arg6[%dma_start3A_441, %dma_start3A_442] : memref<128x1024xf32, #tpu.memory_space<vmem>> -> memref<1x1024xf32, #tpu.memory_space<vmem>>
    %dma_start3A_444 = arith.constant 0 : i32
    %dma_start3A_445 = tpu.memref_slice %arg4[%add3A_437, %dma_start3A_444] : memref<16384x1024xf32, #tpu.memory_space<hbm>> -> memref<1x1024xf32, #tpu.memory_space<hbm>>
    tpu.enqueue_dma source(%dma_start3A_445 : memref<1x1024xf32, #tpu.memory_space<hbm>>) target(%dma_start3A_443 : memref<1x1024xf32, #tpu.memory_space<vmem>>) target_semaphore(%dma_start3A_440 : memref<!tpu.dma_semaphore, #tpu.memory_space<semaphore_mem>>)
    %get3A_446 = arith.constant 30 : index
    %get3A_447 = memref.load %arg1[%get3A_446] : memref<128xi32, #tpu.memory_space<smem>>
    %mul3A_448 = arith.constant 2048 : i32
    %mul3A_449 = arith.muli %get3A_447, %mul3A_448 : i32
    %get3A_450 = arith.constant 30 : index
    %get3A_451 = memref.load %arg0[%get3A_450] : memref<128xi32, #tpu.memory_space<smem>>
    %add3A_452 = arith.addi %mul3A_449, %get3A_451 : i32
    %dma_start3A_453 = arith.constant 6 : i32
    %dma_start3A_454 = tpu.memref_slice %arg7[%dma_start3A_453] : memref<8x!tpu.dma_semaphore, #tpu.memory_space<semaphore_mem>> -> memref<1x!tpu.dma_semaphore, #tpu.memory_space<semaphore_mem>>
    %dma_start3A_455 = tpu.memref_squeeze %dma_start3A_454 : memref<1x!tpu.dma_semaphore, #tpu.memory_space<semaphore_mem>> -> memref<!tpu.dma_semaphore, #tpu.memory_space<semaphore_mem>>
    %dma_start3A_456 = arith.constant 30 : i32
    %dma_start3A_457 = arith.constant 0 : i32
    %dma_start3A_458 = tpu.memref_slice %arg6[%dma_start3A_456, %dma_start3A_457] : memref<128x1024xf32, #tpu.memory_space<vmem>> -> memref<1x1024xf32, #tpu.memory_space<vmem>>
    %dma_start3A_459 = arith.constant 0 : i32
    %dma_start3A_460 = tpu.memref_slice %arg4[%add3A_452, %dma_start3A_459] : memref<16384x1024xf32, #tpu.memory_space<hbm>> -> memref<1x1024xf32, #tpu.memory_space<hbm>>
    tpu.enqueue_dma source(%dma_start3A_460 : memref<1x1024xf32, #tpu.memory_space<hbm>>) target(%dma_start3A_458 : memref<1x1024xf32, #tpu.memory_space<vmem>>) target_semaphore(%dma_start3A_455 : memref<!tpu.dma_semaphore, #tpu.memory_space<semaphore_mem>>)
    %get3A_461 = arith.constant 31 : index
    %get3A_462 = memref.load %arg1[%get3A_461] : memref<128xi32, #tpu.memory_space<smem>>
    %mul3A_463 = arith.constant 2048 : i32
    %mul3A_464 = arith.muli %get3A_462, %mul3A_463 : i32
    %get3A_465 = arith.constant 31 : index
    %get3A_466 = memref.load %arg0[%get3A_465] : memref<128xi32, #tpu.memory_space<smem>>
    %add3A_467 = arith.addi %mul3A_464, %get3A_466 : i32
    %dma_start3A_468 = arith.constant 7 : i32
    %dma_start3A_469 = tpu.memref_slice %arg7[%dma_start3A_468] : memref<8x!tpu.dma_semaphore, #tpu.memory_space<semaphore_mem>> -> memref<1x!tpu.dma_semaphore, #tpu.memory_space<semaphore_mem>>
    %dma_start3A_470 = tpu.memref_squeeze %dma_start3A_469 : memref<1x!tpu.dma_semaphore, #tpu.memory_space<semaphore_mem>> -> memref<!tpu.dma_semaphore, #tpu.memory_space<semaphore_mem>>
    %dma_start3A_471 = arith.constant 31 : i32
    %dma_start3A_472 = arith.constant 0 : i32
    %dma_start3A_473 = tpu.memref_slice %arg6[%dma_start3A_471, %dma_start3A_472] : memref<128x1024xf32, #tpu.memory_space<vmem>> -> memref<1x1024xf32, #tpu.memory_space<vmem>>
    %dma_start3A_474 = arith.constant 0 : i32
    %dma_start3A_475 = tpu.memref_slice %arg4[%add3A_467, %dma_start3A_474] : memref<16384x1024xf32, #tpu.memory_space<hbm>> -> memref<1x1024xf32, #tpu.memory_space<hbm>>
    tpu.enqueue_dma source(%dma_start3A_475 : memref<1x1024xf32, #tpu.memory_space<hbm>>) target(%dma_start3A_473 : memref<1x1024xf32, #tpu.memory_space<vmem>>) target_semaphore(%dma_start3A_470 : memref<!tpu.dma_semaphore, #tpu.memory_space<semaphore_mem>>)
    %get3A_476 = arith.constant 32 : index
    %get3A_477 = memref.load %arg1[%get3A_476] : memref<128xi32, #tpu.memory_space<smem>>
    %mul3A_478 = arith.constant 2048 : i32
    %mul3A_479 = arith.muli %get3A_477, %mul3A_478 : i32
    %get3A_480 = arith.constant 32 : index
    %get3A_481 = memref.load %arg0[%get3A_480] : memref<128xi32, #tpu.memory_space<smem>>
    %add3A_482 = arith.addi %mul3A_479, %get3A_481 : i32
    %dma_start3A_483 = arith.constant 0 : i32
    %dma_start3A_484 = tpu.memref_slice %arg7[%dma_start3A_483] : memref<8x!tpu.dma_semaphore, #tpu.memory_space<semaphore_mem>> -> memref<1x!tpu.dma_semaphore, #tpu.memory_space<semaphore_mem>>
    %dma_start3A_485 = tpu.memref_squeeze %dma_start3A_484 : memref<1x!tpu.dma_semaphore, #tpu.memory_space<semaphore_mem>> -> memref<!tpu.dma_semaphore, #tpu.memory_space<semaphore_mem>>
    %dma_start3A_486 = arith.constant 32 : i32
    %dma_start3A_487 = arith.constant 0 : i32
    %dma_start3A_488 = tpu.memref_slice %arg6[%dma_start3A_486, %dma_start3A_487] : memref<128x1024xf32, #tpu.memory_space<vmem>> -> memref<1x1024xf32, #tpu.memory_space<vmem>>
    %dma_start3A_489 = arith.constant 0 : i32
    %dma_start3A_490 = tpu.memref_slice %arg4[%add3A_482, %dma_start3A_489] : memref<16384x1024xf32, #tpu.memory_space<hbm>> -> memref<1x1024xf32, #tpu.memory_space<hbm>>
    tpu.enqueue_dma source(%dma_start3A_490 : memref<1x1024xf32, #tpu.memory_space<hbm>>) target(%dma_start3A_488 : memref<1x1024xf32, #tpu.memory_space<vmem>>) target_semaphore(%dma_start3A_485 : memref<!tpu.dma_semaphore, #tpu.memory_space<semaphore_mem>>)
    %get3A_491 = arith.constant 33 : index
    %get3A_492 = memref.load %arg1[%get3A_491] : memref<128xi32, #tpu.memory_space<smem>>
    %mul3A_493 = arith.constant 2048 : i32
    %mul3A_494 = arith.muli %get3A_492, %mul3A_493 : i32
    %get3A_495 = arith.constant 33 : index
    %get3A_496 = memref.load %arg0[%get3A_495] : memref<128xi32, #tpu.memory_space<smem>>
    %add3A_497 = arith.addi %mul3A_494, %get3A_496 : i32
    %dma_start3A_498 = arith.constant 1 : i32
    %dma_start3A_499 = tpu.memref_slice %arg7[%dma_start3A_498] : memref<8x!tpu.dma_semaphore, #tpu.memory_space<semaphore_mem>> -> memref<1x!tpu.dma_semaphore, #tpu.memory_space<semaphore_mem>>
    %dma_start3A_500 = tpu.memref_squeeze %dma_start3A_499 : memref<1x!tpu.dma_semaphore, #tpu.memory_space<semaphore_mem>> -> memref<!tpu.dma_semaphore, #tpu.memory_space<semaphore_mem>>
    %dma_start3A_501 = arith.constant 33 : i32
    %dma_start3A_502 = arith.constant 0 : i32
    %dma_start3A_503 = tpu.memref_slice %arg6[%dma_start3A_501, %dma_start3A_502] : memref<128x1024xf32, #tpu.memory_space<vmem>> -> memref<1x1024xf32, #tpu.memory_space<vmem>>
    %dma_start3A_504 = arith.constant 0 : i32
    %dma_start3A_505 = tpu.memref_slice %arg4[%add3A_497, %dma_start3A_504] : memref<16384x1024xf32, #tpu.memory_space<hbm>> -> memref<1x1024xf32, #tpu.memory_space<hbm>>
    tpu.enqueue_dma source(%dma_start3A_505 : memref<1x1024xf32, #tpu.memory_space<hbm>>) target(%dma_start3A_503 : memref<1x1024xf32, #tpu.memory_space<vmem>>) target_semaphore(%dma_start3A_500 : memref<!tpu.dma_semaphore, #tpu.memory_space<semaphore_mem>>)
    %get3A_506 = arith.constant 34 : index
    %get3A_507 = memref.load %arg1[%get3A_506] : memref<128xi32, #tpu.memory_space<smem>>
    %mul3A_508 = arith.constant 2048 : i32
    %mul3A_509 = arith.muli %get3A_507, %mul3A_508 : i32
    %get3A_510 = arith.constant 34 : index
    %get3A_511 = memref.load %arg0[%get3A_510] : memref<128xi32, #tpu.memory_space<smem>>
    %add3A_512 = arith.addi %mul3A_509, %get3A_511 : i32
    %dma_start3A_513 = arith.constant 2 : i32
    %dma_start3A_514 = tpu.memref_slice %arg7[%dma_start3A_513] : memref<8x!tpu.dma_semaphore, #tpu.memory_space<semaphore_mem>> -> memref<1x!tpu.dma_semaphore, #tpu.memory_space<semaphore_mem>>
    %dma_start3A_515 = tpu.memref_squeeze %dma_start3A_514 : memref<1x!tpu.dma_semaphore, #tpu.memory_space<semaphore_mem>> -> memref<!tpu.dma_semaphore, #tpu.memory_space<semaphore_mem>>
    %dma_start3A_516 = arith.constant 34 : i32
    %dma_start3A_517 = arith.constant 0 : i32
    %dma_start3A_518 = tpu.memref_slice %arg6[%dma_start3A_516, %dma_start3A_517] : memref<128x1024xf32, #tpu.memory_space<vmem>> -> memref<1x1024xf32, #tpu.memory_space<vmem>>
    %dma_start3A_519 = arith.constant 0 : i32
    %dma_start3A_520 = tpu.memref_slice %arg4[%add3A_512, %dma_start3A_519] : memref<16384x1024xf32, #tpu.memory_space<hbm>> -> memref<1x1024xf32, #tpu.memory_space<hbm>>
    tpu.enqueue_dma source(%dma_start3A_520 : memref<1x1024xf32, #tpu.memory_space<hbm>>) target(%dma_start3A_518 : memref<1x1024xf32, #tpu.memory_space<vmem>>) target_semaphore(%dma_start3A_515 : memref<!tpu.dma_semaphore, #tpu.memory_space<semaphore_mem>>)
    %get3A_521 = arith.constant 35 : index
    %get3A_522 = memref.load %arg1[%get3A_521] : memref<128xi32, #tpu.memory_space<smem>>
    %mul3A_523 = arith.constant 2048 : i32
    %mul3A_524 = arith.muli %get3A_522, %mul3A_523 : i32
    %get3A_525 = arith.constant 35 : index
    %get3A_526 = memref.load %arg0[%get3A_525] : memref<128xi32, #tpu.memory_space<smem>>
    %add3A_527 = arith.addi %mul3A_524, %get3A_526 : i32
    %dma_start3A_528 = arith.constant 3 : i32
    %dma_start3A_529 = tpu.memref_slice %arg7[%dma_start3A_528] : memref<8x!tpu.dma_semaphore, #tpu.memory_space<semaphore_mem>> -> memref<1x!tpu.dma_semaphore, #tpu.memory_space<semaphore_mem>>
    %dma_start3A_530 = tpu.memref_squeeze %dma_start3A_529 : memref<1x!tpu.dma_semaphore, #tpu.memory_space<semaphore_mem>> -> memref<!tpu.dma_semaphore, #tpu.memory_space<semaphore_mem>>
    %dma_start3A_531 = arith.constant 35 : i32
    %dma_start3A_532 = arith.constant 0 : i32
    %dma_start3A_533 = tpu.memref_slice %arg6[%dma_start3A_531, %dma_start3A_532] : memref<128x1024xf32, #tpu.memory_space<vmem>> -> memref<1x1024xf32, #tpu.memory_space<vmem>>
    %dma_start3A_534 = arith.constant 0 : i32
    %dma_start3A_535 = tpu.memref_slice %arg4[%add3A_527, %dma_start3A_534] : memref<16384x1024xf32, #tpu.memory_space<hbm>> -> memref<1x1024xf32, #tpu.memory_space<hbm>>
    tpu.enqueue_dma source(%dma_start3A_535 : memref<1x1024xf32, #tpu.memory_space<hbm>>) target(%dma_start3A_533 : memref<1x1024xf32, #tpu.memory_space<vmem>>) target_semaphore(%dma_start3A_530 : memref<!tpu.dma_semaphore, #tpu.memory_space<semaphore_mem>>)
    %get3A_536 = arith.constant 36 : index
    %get3A_537 = memref.load %arg1[%get3A_536] : memref<128xi32, #tpu.memory_space<smem>>
    %mul3A_538 = arith.constant 2048 : i32
    %mul3A_539 = arith.muli %get3A_537, %mul3A_538 : i32
    %get3A_540 = arith.constant 36 : index
    %get3A_541 = memref.load %arg0[%get3A_540] : memref<128xi32, #tpu.memory_space<smem>>
    %add3A_542 = arith.addi %mul3A_539, %get3A_541 : i32
    %dma_start3A_543 = arith.constant 4 : i32
    %dma_start3A_544 = tpu.memref_slice %arg7[%dma_start3A_543] : memref<8x!tpu.dma_semaphore, #tpu.memory_space<semaphore_mem>> -> memref<1x!tpu.dma_semaphore, #tpu.memory_space<semaphore_mem>>
    %dma_start3A_545 = tpu.memref_squeeze %dma_start3A_544 : memref<1x!tpu.dma_semaphore, #tpu.memory_space<semaphore_mem>> -> memref<!tpu.dma_semaphore, #tpu.memory_space<semaphore_mem>>
    %dma_start3A_546 = arith.constant 36 : i32
    %dma_start3A_547 = arith.constant 0 : i32
    %dma_start3A_548 = tpu.memref_slice %arg6[%dma_start3A_546, %dma_start3A_547] : memref<128x1024xf32, #tpu.memory_space<vmem>> -> memref<1x1024xf32, #tpu.memory_space<vmem>>
    %dma_start3A_549 = arith.constant 0 : i32
    %dma_start3A_550 = tpu.memref_slice %arg4[%add3A_542, %dma_start3A_549] : memref<16384x1024xf32, #tpu.memory_space<hbm>> -> memref<1x1024xf32, #tpu.memory_space<hbm>>
    tpu.enqueue_dma source(%dma_start3A_550 : memref<1x1024xf32, #tpu.memory_space<hbm>>) target(%dma_start3A_548 : memref<1x1024xf32, #tpu.memory_space<vmem>>) target_semaphore(%dma_start3A_545 : memref<!tpu.dma_semaphore, #tpu.memory_space<semaphore_mem>>)
    %get3A_551 = arith.constant 37 : index
    %get3A_552 = memref.load %arg1[%get3A_551] : memref<128xi32, #tpu.memory_space<smem>>
    %mul3A_553 = arith.constant 2048 : i32
    %mul3A_554 = arith.muli %get3A_552, %mul3A_553 : i32
    %get3A_555 = arith.constant 37 : index
    %get3A_556 = memref.load %arg0[%get3A_555] : memref<128xi32, #tpu.memory_space<smem>>
    %add3A_557 = arith.addi %mul3A_554, %get3A_556 : i32
    %dma_start3A_558 = arith.constant 5 : i32
    %dma_start3A_559 = tpu.memref_slice %arg7[%dma_start3A_558] : memref<8x!tpu.dma_semaphore, #tpu.memory_space<semaphore_mem>> -> memref<1x!tpu.dma_semaphore, #tpu.memory_space<semaphore_mem>>
    %dma_start3A_560 = tpu.memref_squeeze %dma_start3A_559 : memref<1x!tpu.dma_semaphore, #tpu.memory_space<semaphore_mem>> -> memref<!tpu.dma_semaphore, #tpu.memory_space<semaphore_mem>>
    %dma_start3A_561 = arith.constant 37 : i32
    %dma_start3A_562 = arith.constant 0 : i32
    %dma_start3A_563 = tpu.memref_slice %arg6[%dma_start3A_561, %dma_start3A_562] : memref<128x1024xf32, #tpu.memory_space<vmem>> -> memref<1x1024xf32, #tpu.memory_space<vmem>>
    %dma_start3A_564 = arith.constant 0 : i32
    %dma_start3A_565 = tpu.memref_slice %arg4[%add3A_557, %dma_start3A_564] : memref<16384x1024xf32, #tpu.memory_space<hbm>> -> memref<1x1024xf32, #tpu.memory_space<hbm>>
    tpu.enqueue_dma source(%dma_start3A_565 : memref<1x1024xf32, #tpu.memory_space<hbm>>) target(%dma_start3A_563 : memref<1x1024xf32, #tpu.memory_space<vmem>>) target_semaphore(%dma_start3A_560 : memref<!tpu.dma_semaphore, #tpu.memory_space<semaphore_mem>>)
    %get3A_566 = arith.constant 38 : index
    %get3A_567 = memref.load %arg1[%get3A_566] : memref<128xi32, #tpu.memory_space<smem>>
    %mul3A_568 = arith.constant 2048 : i32
    %mul3A_569 = arith.muli %get3A_567, %mul3A_568 : i32
    %get3A_570 = arith.constant 38 : index
    %get3A_571 = memref.load %arg0[%get3A_570] : memref<128xi32, #tpu.memory_space<smem>>
    %add3A_572 = arith.addi %mul3A_569, %get3A_571 : i32
    %dma_start3A_573 = arith.constant 6 : i32
    %dma_start3A_574 = tpu.memref_slice %arg7[%dma_start3A_573] : memref<8x!tpu.dma_semaphore, #tpu.memory_space<semaphore_mem>> -> memref<1x!tpu.dma_semaphore, #tpu.memory_space<semaphore_mem>>
    %dma_start3A_575 = tpu.memref_squeeze %dma_start3A_574 : memref<1x!tpu.dma_semaphore, #tpu.memory_space<semaphore_mem>> -> memref<!tpu.dma_semaphore, #tpu.memory_space<semaphore_mem>>
    %dma_start3A_576 = arith.constant 38 : i32
    %dma_start3A_577 = arith.constant 0 : i32
    %dma_start3A_578 = tpu.memref_slice %arg6[%dma_start3A_576, %dma_start3A_577] : memref<128x1024xf32, #tpu.memory_space<vmem>> -> memref<1x1024xf32, #tpu.memory_space<vmem>>
    %dma_start3A_579 = arith.constant 0 : i32
    %dma_start3A_580 = tpu.memref_slice %arg4[%add3A_572, %dma_start3A_579] : memref<16384x1024xf32, #tpu.memory_space<hbm>> -> memref<1x1024xf32, #tpu.memory_space<hbm>>
    tpu.enqueue_dma source(%dma_start3A_580 : memref<1x1024xf32, #tpu.memory_space<hbm>>) target(%dma_start3A_578 : memref<1x1024xf32, #tpu.memory_space<vmem>>) target_semaphore(%dma_start3A_575 : memref<!tpu.dma_semaphore, #tpu.memory_space<semaphore_mem>>)
    %get3A_581 = arith.constant 39 : index
    %get3A_582 = memref.load %arg1[%get3A_581] : memref<128xi32, #tpu.memory_space<smem>>
    %mul3A_583 = arith.constant 2048 : i32
    %mul3A_584 = arith.muli %get3A_582, %mul3A_583 : i32
    %get3A_585 = arith.constant 39 : index
    %get3A_586 = memref.load %arg0[%get3A_585] : memref<128xi32, #tpu.memory_space<smem>>
    %add3A_587 = arith.addi %mul3A_584, %get3A_586 : i32
    %dma_start3A_588 = arith.constant 7 : i32
    %dma_start3A_589 = tpu.memref_slice %arg7[%dma_start3A_588] : memref<8x!tpu.dma_semaphore, #tpu.memory_space<semaphore_mem>> -> memref<1x!tpu.dma_semaphore, #tpu.memory_space<semaphore_mem>>
    %dma_start3A_590 = tpu.memref_squeeze %dma_start3A_589 : memref<1x!tpu.dma_semaphore, #tpu.memory_space<semaphore_mem>> -> memref<!tpu.dma_semaphore, #tpu.memory_space<semaphore_mem>>
    %dma_start3A_591 = arith.constant 39 : i32
    %dma_start3A_592 = arith.constant 0 : i32
    %dma_start3A_593 = tpu.memref_slice %arg6[%dma_start3A_591, %dma_start3A_592] : memref<128x1024xf32, #tpu.memory_space<vmem>> -> memref<1x1024xf32, #tpu.memory_space<vmem>>
    %dma_start3A_594 = arith.constant 0 : i32
    %dma_start3A_595 = tpu.memref_slice %arg4[%add3A_587, %dma_start3A_594] : memref<16384x1024xf32, #tpu.memory_space<hbm>> -> memref<1x1024xf32, #tpu.memory_space<hbm>>
    tpu.enqueue_dma source(%dma_start3A_595 : memref<1x1024xf32, #tpu.memory_space<hbm>>) target(%dma_start3A_593 : memref<1x1024xf32, #tpu.memory_space<vmem>>) target_semaphore(%dma_start3A_590 : memref<!tpu.dma_semaphore, #tpu.memory_space<semaphore_mem>>)
    %get3A_596 = arith.constant 40 : index
    %get3A_597 = memref.load %arg1[%get3A_596] : memref<128xi32, #tpu.memory_space<smem>>
    %mul3A_598 = arith.constant 2048 : i32
    %mul3A_599 = arith.muli %get3A_597, %mul3A_598 : i32
    %get3A_600 = arith.constant 40 : index
    %get3A_601 = memref.load %arg0[%get3A_600] : memref<128xi32, #tpu.memory_space<smem>>
    %add3A_602 = arith.addi %mul3A_599, %get3A_601 : i32
    %dma_start3A_603 = arith.constant 0 : i32
    %dma_start3A_604 = tpu.memref_slice %arg7[%dma_start3A_603] : memref<8x!tpu.dma_semaphore, #tpu.memory_space<semaphore_mem>> -> memref<1x!tpu.dma_semaphore, #tpu.memory_space<semaphore_mem>>
    %dma_start3A_605 = tpu.memref_squeeze %dma_start3A_604 : memref<1x!tpu.dma_semaphore, #tpu.memory_space<semaphore_mem>> -> memref<!tpu.dma_semaphore, #tpu.memory_space<semaphore_mem>>
    %dma_start3A_606 = arith.constant 40 : i32
    %dma_start3A_607 = arith.constant 0 : i32
    %dma_start3A_608 = tpu.memref_slice %arg6[%dma_start3A_606, %dma_start3A_607] : memref<128x1024xf32, #tpu.memory_space<vmem>> -> memref<1x1024xf32, #tpu.memory_space<vmem>>
    %dma_start3A_609 = arith.constant 0 : i32
    %dma_start3A_610 = tpu.memref_slice %arg4[%add3A_602, %dma_start3A_609] : memref<16384x1024xf32, #tpu.memory_space<hbm>> -> memref<1x1024xf32, #tpu.memory_space<hbm>>
    tpu.enqueue_dma source(%dma_start3A_610 : memref<1x1024xf32, #tpu.memory_space<hbm>>) target(%dma_start3A_608 : memref<1x1024xf32, #tpu.memory_space<vmem>>) target_semaphore(%dma_start3A_605 : memref<!tpu.dma_semaphore, #tpu.memory_space<semaphore_mem>>)
    %get3A_611 = arith.constant 41 : index
    %get3A_612 = memref.load %arg1[%get3A_611] : memref<128xi32, #tpu.memory_space<smem>>
    %mul3A_613 = arith.constant 2048 : i32
    %mul3A_614 = arith.muli %get3A_612, %mul3A_613 : i32
    %get3A_615 = arith.constant 41 : index
    %get3A_616 = memref.load %arg0[%get3A_615] : memref<128xi32, #tpu.memory_space<smem>>
    %add3A_617 = arith.addi %mul3A_614, %get3A_616 : i32
    %dma_start3A_618 = arith.constant 1 : i32
    %dma_start3A_619 = tpu.memref_slice %arg7[%dma_start3A_618] : memref<8x!tpu.dma_semaphore, #tpu.memory_space<semaphore_mem>> -> memref<1x!tpu.dma_semaphore, #tpu.memory_space<semaphore_mem>>
    %dma_start3A_620 = tpu.memref_squeeze %dma_start3A_619 : memref<1x!tpu.dma_semaphore, #tpu.memory_space<semaphore_mem>> -> memref<!tpu.dma_semaphore, #tpu.memory_space<semaphore_mem>>
    %dma_start3A_621 = arith.constant 41 : i32
    %dma_start3A_622 = arith.constant 0 : i32
    %dma_start3A_623 = tpu.memref_slice %arg6[%dma_start3A_621, %dma_start3A_622] : memref<128x1024xf32, #tpu.memory_space<vmem>> -> memref<1x1024xf32, #tpu.memory_space<vmem>>
    %dma_start3A_624 = arith.constant 0 : i32
    %dma_start3A_625 = tpu.memref_slice %arg4[%add3A_617, %dma_start3A_624] : memref<16384x1024xf32, #tpu.memory_space<hbm>> -> memref<1x1024xf32, #tpu.memory_space<hbm>>
    tpu.enqueue_dma source(%dma_start3A_625 : memref<1x1024xf32, #tpu.memory_space<hbm>>) target(%dma_start3A_623 : memref<1x1024xf32, #tpu.memory_space<vmem>>) target_semaphore(%dma_start3A_620 : memref<!tpu.dma_semaphore, #tpu.memory_space<semaphore_mem>>)
    %get3A_626 = arith.constant 42 : index
    %get3A_627 = memref.load %arg1[%get3A_626] : memref<128xi32, #tpu.memory_space<smem>>
    %mul3A_628 = arith.constant 2048 : i32
    %mul3A_629 = arith.muli %get3A_627, %mul3A_628 : i32
    %get3A_630 = arith.constant 42 : index
    %get3A_631 = memref.load %arg0[%get3A_630] : memref<128xi32, #tpu.memory_space<smem>>
    %add3A_632 = arith.addi %mul3A_629, %get3A_631 : i32
    %dma_start3A_633 = arith.constant 2 : i32
    %dma_start3A_634 = tpu.memref_slice %arg7[%dma_start3A_633] : memref<8x!tpu.dma_semaphore, #tpu.memory_space<semaphore_mem>> -> memref<1x!tpu.dma_semaphore, #tpu.memory_space<semaphore_mem>>
    %dma_start3A_635 = tpu.memref_squeeze %dma_start3A_634 : memref<1x!tpu.dma_semaphore, #tpu.memory_space<semaphore_mem>> -> memref<!tpu.dma_semaphore, #tpu.memory_space<semaphore_mem>>
    %dma_start3A_636 = arith.constant 42 : i32
    %dma_start3A_637 = arith.constant 0 : i32
    %dma_start3A_638 = tpu.memref_slice %arg6[%dma_start3A_636, %dma_start3A_637] : memref<128x1024xf32, #tpu.memory_space<vmem>> -> memref<1x1024xf32, #tpu.memory_space<vmem>>
    %dma_start3A_639 = arith.constant 0 : i32
    %dma_start3A_640 = tpu.memref_slice %arg4[%add3A_632, %dma_start3A_639] : memref<16384x1024xf32, #tpu.memory_space<hbm>> -> memref<1x1024xf32, #tpu.memory_space<hbm>>
    tpu.enqueue_dma source(%dma_start3A_640 : memref<1x1024xf32, #tpu.memory_space<hbm>>) target(%dma_start3A_638 : memref<1x1024xf32, #tpu.memory_space<vmem>>) target_semaphore(%dma_start3A_635 : memref<!tpu.dma_semaphore, #tpu.memory_space<semaphore_mem>>)
    %get3A_641 = arith.constant 43 : index
    %get3A_642 = memref.load %arg1[%get3A_641] : memref<128xi32, #tpu.memory_space<smem>>
    %mul3A_643 = arith.constant 2048 : i32
    %mul3A_644 = arith.muli %get3A_642, %mul3A_643 : i32
    %get3A_645 = arith.constant 43 : index
    %get3A_646 = memref.load %arg0[%get3A_645] : memref<128xi32, #tpu.memory_space<smem>>
    %add3A_647 = arith.addi %mul3A_644, %get3A_646 : i32
    %dma_start3A_648 = arith.constant 3 : i32
    %dma_start3A_649 = tpu.memref_slice %arg7[%dma_start3A_648] : memref<8x!tpu.dma_semaphore, #tpu.memory_space<semaphore_mem>> -> memref<1x!tpu.dma_semaphore, #tpu.memory_space<semaphore_mem>>
    %dma_start3A_650 = tpu.memref_squeeze %dma_start3A_649 : memref<1x!tpu.dma_semaphore, #tpu.memory_space<semaphore_mem>> -> memref<!tpu.dma_semaphore, #tpu.memory_space<semaphore_mem>>
    %dma_start3A_651 = arith.constant 43 : i32
    %dma_start3A_652 = arith.constant 0 : i32
    %dma_start3A_653 = tpu.memref_slice %arg6[%dma_start3A_651, %dma_start3A_652] : memref<128x1024xf32, #tpu.memory_space<vmem>> -> memref<1x1024xf32, #tpu.memory_space<vmem>>
    %dma_start3A_654 = arith.constant 0 : i32
    %dma_start3A_655 = tpu.memref_slice %arg4[%add3A_647, %dma_start3A_654] : memref<16384x1024xf32, #tpu.memory_space<hbm>> -> memref<1x1024xf32, #tpu.memory_space<hbm>>
    tpu.enqueue_dma source(%dma_start3A_655 : memref<1x1024xf32, #tpu.memory_space<hbm>>) target(%dma_start3A_653 : memref<1x1024xf32, #tpu.memory_space<vmem>>) target_semaphore(%dma_start3A_650 : memref<!tpu.dma_semaphore, #tpu.memory_space<semaphore_mem>>)
    %get3A_656 = arith.constant 44 : index
    %get3A_657 = memref.load %arg1[%get3A_656] : memref<128xi32, #tpu.memory_space<smem>>
    %mul3A_658 = arith.constant 2048 : i32
    %mul3A_659 = arith.muli %get3A_657, %mul3A_658 : i32
    %get3A_660 = arith.constant 44 : index
    %get3A_661 = memref.load %arg0[%get3A_660] : memref<128xi32, #tpu.memory_space<smem>>
    %add3A_662 = arith.addi %mul3A_659, %get3A_661 : i32
    %dma_start3A_663 = arith.constant 4 : i32
    %dma_start3A_664 = tpu.memref_slice %arg7[%dma_start3A_663] : memref<8x!tpu.dma_semaphore, #tpu.memory_space<semaphore_mem>> -> memref<1x!tpu.dma_semaphore, #tpu.memory_space<semaphore_mem>>
    %dma_start3A_665 = tpu.memref_squeeze %dma_start3A_664 : memref<1x!tpu.dma_semaphore, #tpu.memory_space<semaphore_mem>> -> memref<!tpu.dma_semaphore, #tpu.memory_space<semaphore_mem>>
    %dma_start3A_666 = arith.constant 44 : i32
    %dma_start3A_667 = arith.constant 0 : i32
    %dma_start3A_668 = tpu.memref_slice %arg6[%dma_start3A_666, %dma_start3A_667] : memref<128x1024xf32, #tpu.memory_space<vmem>> -> memref<1x1024xf32, #tpu.memory_space<vmem>>
    %dma_start3A_669 = arith.constant 0 : i32
    %dma_start3A_670 = tpu.memref_slice %arg4[%add3A_662, %dma_start3A_669] : memref<16384x1024xf32, #tpu.memory_space<hbm>> -> memref<1x1024xf32, #tpu.memory_space<hbm>>
    tpu.enqueue_dma source(%dma_start3A_670 : memref<1x1024xf32, #tpu.memory_space<hbm>>) target(%dma_start3A_668 : memref<1x1024xf32, #tpu.memory_space<vmem>>) target_semaphore(%dma_start3A_665 : memref<!tpu.dma_semaphore, #tpu.memory_space<semaphore_mem>>)
    %get3A_671 = arith.constant 45 : index
    %get3A_672 = memref.load %arg1[%get3A_671] : memref<128xi32, #tpu.memory_space<smem>>
    %mul3A_673 = arith.constant 2048 : i32
    %mul3A_674 = arith.muli %get3A_672, %mul3A_673 : i32
    %get3A_675 = arith.constant 45 : index
    %get3A_676 = memref.load %arg0[%get3A_675] : memref<128xi32, #tpu.memory_space<smem>>
    %add3A_677 = arith.addi %mul3A_674, %get3A_676 : i32
    %dma_start3A_678 = arith.constant 5 : i32
    %dma_start3A_679 = tpu.memref_slice %arg7[%dma_start3A_678] : memref<8x!tpu.dma_semaphore, #tpu.memory_space<semaphore_mem>> -> memref<1x!tpu.dma_semaphore, #tpu.memory_space<semaphore_mem>>
    %dma_start3A_680 = tpu.memref_squeeze %dma_start3A_679 : memref<1x!tpu.dma_semaphore, #tpu.memory_space<semaphore_mem>> -> memref<!tpu.dma_semaphore, #tpu.memory_space<semaphore_mem>>
    %dma_start3A_681 = arith.constant 45 : i32
    %dma_start3A_682 = arith.constant 0 : i32
    %dma_start3A_683 = tpu.memref_slice %arg6[%dma_start3A_681, %dma_start3A_682] : memref<128x1024xf32, #tpu.memory_space<vmem>> -> memref<1x1024xf32, #tpu.memory_space<vmem>>
    %dma_start3A_684 = arith.constant 0 : i32
    %dma_start3A_685 = tpu.memref_slice %arg4[%add3A_677, %dma_start3A_684] : memref<16384x1024xf32, #tpu.memory_space<hbm>> -> memref<1x1024xf32, #tpu.memory_space<hbm>>
    tpu.enqueue_dma source(%dma_start3A_685 : memref<1x1024xf32, #tpu.memory_space<hbm>>) target(%dma_start3A_683 : memref<1x1024xf32, #tpu.memory_space<vmem>>) target_semaphore(%dma_start3A_680 : memref<!tpu.dma_semaphore, #tpu.memory_space<semaphore_mem>>)
    %get3A_686 = arith.constant 46 : index
    %get3A_687 = memref.load %arg1[%get3A_686] : memref<128xi32, #tpu.memory_space<smem>>
    %mul3A_688 = arith.constant 2048 : i32
    %mul3A_689 = arith.muli %get3A_687, %mul3A_688 : i32
    %get3A_690 = arith.constant 46 : index
    %get3A_691 = memref.load %arg0[%get3A_690] : memref<128xi32, #tpu.memory_space<smem>>
    %add3A_692 = arith.addi %mul3A_689, %get3A_691 : i32
    %dma_start3A_693 = arith.constant 6 : i32
    %dma_start3A_694 = tpu.memref_slice %arg7[%dma_start3A_693] : memref<8x!tpu.dma_semaphore, #tpu.memory_space<semaphore_mem>> -> memref<1x!tpu.dma_semaphore, #tpu.memory_space<semaphore_mem>>
    %dma_start3A_695 = tpu.memref_squeeze %dma_start3A_694 : memref<1x!tpu.dma_semaphore, #tpu.memory_space<semaphore_mem>> -> memref<!tpu.dma_semaphore, #tpu.memory_space<semaphore_mem>>
    %dma_start3A_696 = arith.constant 46 : i32
    %dma_start3A_697 = arith.constant 0 : i32
    %dma_start3A_698 = tpu.memref_slice %arg6[%dma_start3A_696, %dma_start3A_697] : memref<128x1024xf32, #tpu.memory_space<vmem>> -> memref<1x1024xf32, #tpu.memory_space<vmem>>
    %dma_start3A_699 = arith.constant 0 : i32
    %dma_start3A_700 = tpu.memref_slice %arg4[%add3A_692, %dma_start3A_699] : memref<16384x1024xf32, #tpu.memory_space<hbm>> -> memref<1x1024xf32, #tpu.memory_space<hbm>>
    tpu.enqueue_dma source(%dma_start3A_700 : memref<1x1024xf32, #tpu.memory_space<hbm>>) target(%dma_start3A_698 : memref<1x1024xf32, #tpu.memory_space<vmem>>) target_semaphore(%dma_start3A_695 : memref<!tpu.dma_semaphore, #tpu.memory_space<semaphore_mem>>)
    %get3A_701 = arith.constant 47 : index
    %get3A_702 = memref.load %arg1[%get3A_701] : memref<128xi32, #tpu.memory_space<smem>>
    %mul3A_703 = arith.constant 2048 : i32
    %mul3A_704 = arith.muli %get3A_702, %mul3A_703 : i32
    %get3A_705 = arith.constant 47 : index
    %get3A_706 = memref.load %arg0[%get3A_705] : memref<128xi32, #tpu.memory_space<smem>>
    %add3A_707 = arith.addi %mul3A_704, %get3A_706 : i32
    %dma_start3A_708 = arith.constant 7 : i32
    %dma_start3A_709 = tpu.memref_slice %arg7[%dma_start3A_708] : memref<8x!tpu.dma_semaphore, #tpu.memory_space<semaphore_mem>> -> memref<1x!tpu.dma_semaphore, #tpu.memory_space<semaphore_mem>>
    %dma_start3A_710 = tpu.memref_squeeze %dma_start3A_709 : memref<1x!tpu.dma_semaphore, #tpu.memory_space<semaphore_mem>> -> memref<!tpu.dma_semaphore, #tpu.memory_space<semaphore_mem>>
    %dma_start3A_711 = arith.constant 47 : i32
    %dma_start3A_712 = arith.constant 0 : i32
    %dma_start3A_713 = tpu.memref_slice %arg6[%dma_start3A_711, %dma_start3A_712] : memref<128x1024xf32, #tpu.memory_space<vmem>> -> memref<1x1024xf32, #tpu.memory_space<vmem>>
    %dma_start3A_714 = arith.constant 0 : i32
    %dma_start3A_715 = tpu.memref_slice %arg4[%add3A_707, %dma_start3A_714] : memref<16384x1024xf32, #tpu.memory_space<hbm>> -> memref<1x1024xf32, #tpu.memory_space<hbm>>
    tpu.enqueue_dma source(%dma_start3A_715 : memref<1x1024xf32, #tpu.memory_space<hbm>>) target(%dma_start3A_713 : memref<1x1024xf32, #tpu.memory_space<vmem>>) target_semaphore(%dma_start3A_710 : memref<!tpu.dma_semaphore, #tpu.memory_space<semaphore_mem>>)
    %get3A_716 = arith.constant 48 : index
    %get3A_717 = memref.load %arg1[%get3A_716] : memref<128xi32, #tpu.memory_space<smem>>
    %mul3A_718 = arith.constant 2048 : i32
    %mul3A_719 = arith.muli %get3A_717, %mul3A_718 : i32
    %get3A_720 = arith.constant 48 : index
    %get3A_721 = memref.load %arg0[%get3A_720] : memref<128xi32, #tpu.memory_space<smem>>
    %add3A_722 = arith.addi %mul3A_719, %get3A_721 : i32
    %dma_start3A_723 = arith.constant 0 : i32
    %dma_start3A_724 = tpu.memref_slice %arg7[%dma_start3A_723] : memref<8x!tpu.dma_semaphore, #tpu.memory_space<semaphore_mem>> -> memref<1x!tpu.dma_semaphore, #tpu.memory_space<semaphore_mem>>
    %dma_start3A_725 = tpu.memref_squeeze %dma_start3A_724 : memref<1x!tpu.dma_semaphore, #tpu.memory_space<semaphore_mem>> -> memref<!tpu.dma_semaphore, #tpu.memory_space<semaphore_mem>>
    %dma_start3A_726 = arith.constant 48 : i32
    %dma_start3A_727 = arith.constant 0 : i32
    %dma_start3A_728 = tpu.memref_slice %arg6[%dma_start3A_726, %dma_start3A_727] : memref<128x1024xf32, #tpu.memory_space<vmem>> -> memref<1x1024xf32, #tpu.memory_space<vmem>>
    %dma_start3A_729 = arith.constant 0 : i32
    %dma_start3A_730 = tpu.memref_slice %arg4[%add3A_722, %dma_start3A_729] : memref<16384x1024xf32, #tpu.memory_space<hbm>> -> memref<1x1024xf32, #tpu.memory_space<hbm>>
    tpu.enqueue_dma source(%dma_start3A_730 : memref<1x1024xf32, #tpu.memory_space<hbm>>) target(%dma_start3A_728 : memref<1x1024xf32, #tpu.memory_space<vmem>>) target_semaphore(%dma_start3A_725 : memref<!tpu.dma_semaphore, #tpu.memory_space<semaphore_mem>>)
    %get3A_731 = arith.constant 49 : index
    %get3A_732 = memref.load %arg1[%get3A_731] : memref<128xi32, #tpu.memory_space<smem>>
    %mul3A_733 = arith.constant 2048 : i32
    %mul3A_734 = arith.muli %get3A_732, %mul3A_733 : i32
    %get3A_735 = arith.constant 49 : index
    %get3A_736 = memref.load %arg0[%get3A_735] : memref<128xi32, #tpu.memory_space<smem>>
    %add3A_737 = arith.addi %mul3A_734, %get3A_736 : i32
    %dma_start3A_738 = arith.constant 1 : i32
    %dma_start3A_739 = tpu.memref_slice %arg7[%dma_start3A_738] : memref<8x!tpu.dma_semaphore, #tpu.memory_space<semaphore_mem>> -> memref<1x!tpu.dma_semaphore, #tpu.memory_space<semaphore_mem>>
    %dma_start3A_740 = tpu.memref_squeeze %dma_start3A_739 : memref<1x!tpu.dma_semaphore, #tpu.memory_space<semaphore_mem>> -> memref<!tpu.dma_semaphore, #tpu.memory_space<semaphore_mem>>
    %dma_start3A_741 = arith.constant 49 : i32
    %dma_start3A_742 = arith.constant 0 : i32
    %dma_start3A_743 = tpu.memref_slice %arg6[%dma_start3A_741, %dma_start3A_742] : memref<128x1024xf32, #tpu.memory_space<vmem>> -> memref<1x1024xf32, #tpu.memory_space<vmem>>
    %dma_start3A_744 = arith.constant 0 : i32
    %dma_start3A_745 = tpu.memref_slice %arg4[%add3A_737, %dma_start3A_744] : memref<16384x1024xf32, #tpu.memory_space<hbm>> -> memref<1x1024xf32, #tpu.memory_space<hbm>>
    tpu.enqueue_dma source(%dma_start3A_745 : memref<1x1024xf32, #tpu.memory_space<hbm>>) target(%dma_start3A_743 : memref<1x1024xf32, #tpu.memory_space<vmem>>) target_semaphore(%dma_start3A_740 : memref<!tpu.dma_semaphore, #tpu.memory_space<semaphore_mem>>)
    %get3A_746 = arith.constant 50 : index
    %get3A_747 = memref.load %arg1[%get3A_746] : memref<128xi32, #tpu.memory_space<smem>>
    %mul3A_748 = arith.constant 2048 : i32
    %mul3A_749 = arith.muli %get3A_747, %mul3A_748 : i32
    %get3A_750 = arith.constant 50 : index
    %get3A_751 = memref.load %arg0[%get3A_750] : memref<128xi32, #tpu.memory_space<smem>>
    %add3A_752 = arith.addi %mul3A_749, %get3A_751 : i32
    %dma_start3A_753 = arith.constant 2 : i32
    %dma_start3A_754 = tpu.memref_slice %arg7[%dma_start3A_753] : memref<8x!tpu.dma_semaphore, #tpu.memory_space<semaphore_mem>> -> memref<1x!tpu.dma_semaphore, #tpu.memory_space<semaphore_mem>>
    %dma_start3A_755 = tpu.memref_squeeze %dma_start3A_754 : memref<1x!tpu.dma_semaphore, #tpu.memory_space<semaphore_mem>> -> memref<!tpu.dma_semaphore, #tpu.memory_space<semaphore_mem>>
    %dma_start3A_756 = arith.constant 50 : i32
    %dma_start3A_757 = arith.constant 0 : i32
    %dma_start3A_758 = tpu.memref_slice %arg6[%dma_start3A_756, %dma_start3A_757] : memref<128x1024xf32, #tpu.memory_space<vmem>> -> memref<1x1024xf32, #tpu.memory_space<vmem>>
    %dma_start3A_759 = arith.constant 0 : i32
    %dma_start3A_760 = tpu.memref_slice %arg4[%add3A_752, %dma_start3A_759] : memref<16384x1024xf32, #tpu.memory_space<hbm>> -> memref<1x1024xf32, #tpu.memory_space<hbm>>
    tpu.enqueue_dma source(%dma_start3A_760 : memref<1x1024xf32, #tpu.memory_space<hbm>>) target(%dma_start3A_758 : memref<1x1024xf32, #tpu.memory_space<vmem>>) target_semaphore(%dma_start3A_755 : memref<!tpu.dma_semaphore, #tpu.memory_space<semaphore_mem>>)
    %get3A_761 = arith.constant 51 : index
    %get3A_762 = memref.load %arg1[%get3A_761] : memref<128xi32, #tpu.memory_space<smem>>
    %mul3A_763 = arith.constant 2048 : i32
    %mul3A_764 = arith.muli %get3A_762, %mul3A_763 : i32
    %get3A_765 = arith.constant 51 : index
    %get3A_766 = memref.load %arg0[%get3A_765] : memref<128xi32, #tpu.memory_space<smem>>
    %add3A_767 = arith.addi %mul3A_764, %get3A_766 : i32
    %dma_start3A_768 = arith.constant 3 : i32
    %dma_start3A_769 = tpu.memref_slice %arg7[%dma_start3A_768] : memref<8x!tpu.dma_semaphore, #tpu.memory_space<semaphore_mem>> -> memref<1x!tpu.dma_semaphore, #tpu.memory_space<semaphore_mem>>
    %dma_start3A_770 = tpu.memref_squeeze %dma_start3A_769 : memref<1x!tpu.dma_semaphore, #tpu.memory_space<semaphore_mem>> -> memref<!tpu.dma_semaphore, #tpu.memory_space<semaphore_mem>>
    %dma_start3A_771 = arith.constant 51 : i32
    %dma_start3A_772 = arith.constant 0 : i32
    %dma_start3A_773 = tpu.memref_slice %arg6[%dma_start3A_771, %dma_start3A_772] : memref<128x1024xf32, #tpu.memory_space<vmem>> -> memref<1x1024xf32, #tpu.memory_space<vmem>>
    %dma_start3A_774 = arith.constant 0 : i32
    %dma_start3A_775 = tpu.memref_slice %arg4[%add3A_767, %dma_start3A_774] : memref<16384x1024xf32, #tpu.memory_space<hbm>> -> memref<1x1024xf32, #tpu.memory_space<hbm>>
    tpu.enqueue_dma source(%dma_start3A_775 : memref<1x1024xf32, #tpu.memory_space<hbm>>) target(%dma_start3A_773 : memref<1x1024xf32, #tpu.memory_space<vmem>>) target_semaphore(%dma_start3A_770 : memref<!tpu.dma_semaphore, #tpu.memory_space<semaphore_mem>>)
    %get3A_776 = arith.constant 52 : index
    %get3A_777 = memref.load %arg1[%get3A_776] : memref<128xi32, #tpu.memory_space<smem>>
    %mul3A_778 = arith.constant 2048 : i32
    %mul3A_779 = arith.muli %get3A_777, %mul3A_778 : i32
    %get3A_780 = arith.constant 52 : index
    %get3A_781 = memref.load %arg0[%get3A_780] : memref<128xi32, #tpu.memory_space<smem>>
    %add3A_782 = arith.addi %mul3A_779, %get3A_781 : i32
    %dma_start3A_783 = arith.constant 4 : i32
    %dma_start3A_784 = tpu.memref_slice %arg7[%dma_start3A_783] : memref<8x!tpu.dma_semaphore, #tpu.memory_space<semaphore_mem>> -> memref<1x!tpu.dma_semaphore, #tpu.memory_space<semaphore_mem>>
    %dma_start3A_785 = tpu.memref_squeeze %dma_start3A_784 : memref<1x!tpu.dma_semaphore, #tpu.memory_space<semaphore_mem>> -> memref<!tpu.dma_semaphore, #tpu.memory_space<semaphore_mem>>
    %dma_start3A_786 = arith.constant 52 : i32
    %dma_start3A_787 = arith.constant 0 : i32
    %dma_start3A_788 = tpu.memref_slice %arg6[%dma_start3A_786, %dma_start3A_787] : memref<128x1024xf32, #tpu.memory_space<vmem>> -> memref<1x1024xf32, #tpu.memory_space<vmem>>
    %dma_start3A_789 = arith.constant 0 : i32
    %dma_start3A_790 = tpu.memref_slice %arg4[%add3A_782, %dma_start3A_789] : memref<16384x1024xf32, #tpu.memory_space<hbm>> -> memref<1x1024xf32, #tpu.memory_space<hbm>>
    tpu.enqueue_dma source(%dma_start3A_790 : memref<1x1024xf32, #tpu.memory_space<hbm>>) target(%dma_start3A_788 : memref<1x1024xf32, #tpu.memory_space<vmem>>) target_semaphore(%dma_start3A_785 : memref<!tpu.dma_semaphore, #tpu.memory_space<semaphore_mem>>)
    %get3A_791 = arith.constant 53 : index
    %get3A_792 = memref.load %arg1[%get3A_791] : memref<128xi32, #tpu.memory_space<smem>>
    %mul3A_793 = arith.constant 2048 : i32
    %mul3A_794 = arith.muli %get3A_792, %mul3A_793 : i32
    %get3A_795 = arith.constant 53 : index
    %get3A_796 = memref.load %arg0[%get3A_795] : memref<128xi32, #tpu.memory_space<smem>>
    %add3A_797 = arith.addi %mul3A_794, %get3A_796 : i32
    %dma_start3A_798 = arith.constant 5 : i32
    %dma_start3A_799 = tpu.memref_slice %arg7[%dma_start3A_798] : memref<8x!tpu.dma_semaphore, #tpu.memory_space<semaphore_mem>> -> memref<1x!tpu.dma_semaphore, #tpu.memory_space<semaphore_mem>>
    %dma_start3A_800 = tpu.memref_squeeze %dma_start3A_799 : memref<1x!tpu.dma_semaphore, #tpu.memory_space<semaphore_mem>> -> memref<!tpu.dma_semaphore, #tpu.memory_space<semaphore_mem>>
    %dma_start3A_801 = arith.constant 53 : i32
    %dma_start3A_802 = arith.constant 0 : i32
    %dma_start3A_803 = tpu.memref_slice %arg6[%dma_start3A_801, %dma_start3A_802] : memref<128x1024xf32, #tpu.memory_space<vmem>> -> memref<1x1024xf32, #tpu.memory_space<vmem>>
    %dma_start3A_804 = arith.constant 0 : i32
    %dma_start3A_805 = tpu.memref_slice %arg4[%add3A_797, %dma_start3A_804] : memref<16384x1024xf32, #tpu.memory_space<hbm>> -> memref<1x1024xf32, #tpu.memory_space<hbm>>
    tpu.enqueue_dma source(%dma_start3A_805 : memref<1x1024xf32, #tpu.memory_space<hbm>>) target(%dma_start3A_803 : memref<1x1024xf32, #tpu.memory_space<vmem>>) target_semaphore(%dma_start3A_800 : memref<!tpu.dma_semaphore, #tpu.memory_space<semaphore_mem>>)
    %get3A_806 = arith.constant 54 : index
    %get3A_807 = memref.load %arg1[%get3A_806] : memref<128xi32, #tpu.memory_space<smem>>
    %mul3A_808 = arith.constant 2048 : i32
    %mul3A_809 = arith.muli %get3A_807, %mul3A_808 : i32
    %get3A_810 = arith.constant 54 : index
    %get3A_811 = memref.load %arg0[%get3A_810] : memref<128xi32, #tpu.memory_space<smem>>
    %add3A_812 = arith.addi %mul3A_809, %get3A_811 : i32
    %dma_start3A_813 = arith.constant 6 : i32
    %dma_start3A_814 = tpu.memref_slice %arg7[%dma_start3A_813] : memref<8x!tpu.dma_semaphore, #tpu.memory_space<semaphore_mem>> -> memref<1x!tpu.dma_semaphore, #tpu.memory_space<semaphore_mem>>
    %dma_start3A_815 = tpu.memref_squeeze %dma_start3A_814 : memref<1x!tpu.dma_semaphore, #tpu.memory_space<semaphore_mem>> -> memref<!tpu.dma_semaphore, #tpu.memory_space<semaphore_mem>>
    %dma_start3A_816 = arith.constant 54 : i32
    %dma_start3A_817 = arith.constant 0 : i32
    %dma_start3A_818 = tpu.memref_slice %arg6[%dma_start3A_816, %dma_start3A_817] : memref<128x1024xf32, #tpu.memory_space<vmem>> -> memref<1x1024xf32, #tpu.memory_space<vmem>>
    %dma_start3A_819 = arith.constant 0 : i32
    %dma_start3A_820 = tpu.memref_slice %arg4[%add3A_812, %dma_start3A_819] : memref<16384x1024xf32, #tpu.memory_space<hbm>> -> memref<1x1024xf32, #tpu.memory_space<hbm>>
    tpu.enqueue_dma source(%dma_start3A_820 : memref<1x1024xf32, #tpu.memory_space<hbm>>) target(%dma_start3A_818 : memref<1x1024xf32, #tpu.memory_space<vmem>>) target_semaphore(%dma_start3A_815 : memref<!tpu.dma_semaphore, #tpu.memory_space<semaphore_mem>>)
    %get3A_821 = arith.constant 55 : index
    %get3A_822 = memref.load %arg1[%get3A_821] : memref<128xi32, #tpu.memory_space<smem>>
    %mul3A_823 = arith.constant 2048 : i32
    %mul3A_824 = arith.muli %get3A_822, %mul3A_823 : i32
    %get3A_825 = arith.constant 55 : index
    %get3A_826 = memref.load %arg0[%get3A_825] : memref<128xi32, #tpu.memory_space<smem>>
    %add3A_827 = arith.addi %mul3A_824, %get3A_826 : i32
    %dma_start3A_828 = arith.constant 7 : i32
    %dma_start3A_829 = tpu.memref_slice %arg7[%dma_start3A_828] : memref<8x!tpu.dma_semaphore, #tpu.memory_space<semaphore_mem>> -> memref<1x!tpu.dma_semaphore, #tpu.memory_space<semaphore_mem>>
    %dma_start3A_830 = tpu.memref_squeeze %dma_start3A_829 : memref<1x!tpu.dma_semaphore, #tpu.memory_space<semaphore_mem>> -> memref<!tpu.dma_semaphore, #tpu.memory_space<semaphore_mem>>
    %dma_start3A_831 = arith.constant 55 : i32
    %dma_start3A_832 = arith.constant 0 : i32
    %dma_start3A_833 = tpu.memref_slice %arg6[%dma_start3A_831, %dma_start3A_832] : memref<128x1024xf32, #tpu.memory_space<vmem>> -> memref<1x1024xf32, #tpu.memory_space<vmem>>
    %dma_start3A_834 = arith.constant 0 : i32
    %dma_start3A_835 = tpu.memref_slice %arg4[%add3A_827, %dma_start3A_834] : memref<16384x1024xf32, #tpu.memory_space<hbm>> -> memref<1x1024xf32, #tpu.memory_space<hbm>>
    tpu.enqueue_dma source(%dma_start3A_835 : memref<1x1024xf32, #tpu.memory_space<hbm>>) target(%dma_start3A_833 : memref<1x1024xf32, #tpu.memory_space<vmem>>) target_semaphore(%dma_start3A_830 : memref<!tpu.dma_semaphore, #tpu.memory_space<semaphore_mem>>)
    %get3A_836 = arith.constant 56 : index
    %get3A_837 = memref.load %arg1[%get3A_836] : memref<128xi32, #tpu.memory_space<smem>>
    %mul3A_838 = arith.constant 2048 : i32
    %mul3A_839 = arith.muli %get3A_837, %mul3A_838 : i32
    %get3A_840 = arith.constant 56 : index
    %get3A_841 = memref.load %arg0[%get3A_840] : memref<128xi32, #tpu.memory_space<smem>>
    %add3A_842 = arith.addi %mul3A_839, %get3A_841 : i32
    %dma_start3A_843 = arith.constant 0 : i32
    %dma_start3A_844 = tpu.memref_slice %arg7[%dma_start3A_843] : memref<8x!tpu.dma_semaphore, #tpu.memory_space<semaphore_mem>> -> memref<1x!tpu.dma_semaphore, #tpu.memory_space<semaphore_mem>>
    %dma_start3A_845 = tpu.memref_squeeze %dma_start3A_844 : memref<1x!tpu.dma_semaphore, #tpu.memory_space<semaphore_mem>> -> memref<!tpu.dma_semaphore, #tpu.memory_space<semaphore_mem>>
    %dma_start3A_846 = arith.constant 56 : i32
    %dma_start3A_847 = arith.constant 0 : i32
    %dma_start3A_848 = tpu.memref_slice %arg6[%dma_start3A_846, %dma_start3A_847] : memref<128x1024xf32, #tpu.memory_space<vmem>> -> memref<1x1024xf32, #tpu.memory_space<vmem>>
    %dma_start3A_849 = arith.constant 0 : i32
    %dma_start3A_850 = tpu.memref_slice %arg4[%add3A_842, %dma_start3A_849] : memref<16384x1024xf32, #tpu.memory_space<hbm>> -> memref<1x1024xf32, #tpu.memory_space<hbm>>
    tpu.enqueue_dma source(%dma_start3A_850 : memref<1x1024xf32, #tpu.memory_space<hbm>>) target(%dma_start3A_848 : memref<1x1024xf32, #tpu.memory_space<vmem>>) target_semaphore(%dma_start3A_845 : memref<!tpu.dma_semaphore, #tpu.memory_space<semaphore_mem>>)
    %get3A_851 = arith.constant 57 : index
    %get3A_852 = memref.load %arg1[%get3A_851] : memref<128xi32, #tpu.memory_space<smem>>
    %mul3A_853 = arith.constant 2048 : i32
    %mul3A_854 = arith.muli %get3A_852, %mul3A_853 : i32
    %get3A_855 = arith.constant 57 : index
    %get3A_856 = memref.load %arg0[%get3A_855] : memref<128xi32, #tpu.memory_space<smem>>
    %add3A_857 = arith.addi %mul3A_854, %get3A_856 : i32
    %dma_start3A_858 = arith.constant 1 : i32
    %dma_start3A_859 = tpu.memref_slice %arg7[%dma_start3A_858] : memref<8x!tpu.dma_semaphore, #tpu.memory_space<semaphore_mem>> -> memref<1x!tpu.dma_semaphore, #tpu.memory_space<semaphore_mem>>
    %dma_start3A_860 = tpu.memref_squeeze %dma_start3A_859 : memref<1x!tpu.dma_semaphore, #tpu.memory_space<semaphore_mem>> -> memref<!tpu.dma_semaphore, #tpu.memory_space<semaphore_mem>>
    %dma_start3A_861 = arith.constant 57 : i32
    %dma_start3A_862 = arith.constant 0 : i32
    %dma_start3A_863 = tpu.memref_slice %arg6[%dma_start3A_861, %dma_start3A_862] : memref<128x1024xf32, #tpu.memory_space<vmem>> -> memref<1x1024xf32, #tpu.memory_space<vmem>>
    %dma_start3A_864 = arith.constant 0 : i32
    %dma_start3A_865 = tpu.memref_slice %arg4[%add3A_857, %dma_start3A_864] : memref<16384x1024xf32, #tpu.memory_space<hbm>> -> memref<1x1024xf32, #tpu.memory_space<hbm>>
    tpu.enqueue_dma source(%dma_start3A_865 : memref<1x1024xf32, #tpu.memory_space<hbm>>) target(%dma_start3A_863 : memref<1x1024xf32, #tpu.memory_space<vmem>>) target_semaphore(%dma_start3A_860 : memref<!tpu.dma_semaphore, #tpu.memory_space<semaphore_mem>>)
    %get3A_866 = arith.constant 58 : index
    %get3A_867 = memref.load %arg1[%get3A_866] : memref<128xi32, #tpu.memory_space<smem>>
    %mul3A_868 = arith.constant 2048 : i32
    %mul3A_869 = arith.muli %get3A_867, %mul3A_868 : i32
    %get3A_870 = arith.constant 58 : index
    %get3A_871 = memref.load %arg0[%get3A_870] : memref<128xi32, #tpu.memory_space<smem>>
    %add3A_872 = arith.addi %mul3A_869, %get3A_871 : i32
    %dma_start3A_873 = arith.constant 2 : i32
    %dma_start3A_874 = tpu.memref_slice %arg7[%dma_start3A_873] : memref<8x!tpu.dma_semaphore, #tpu.memory_space<semaphore_mem>> -> memref<1x!tpu.dma_semaphore, #tpu.memory_space<semaphore_mem>>
    %dma_start3A_875 = tpu.memref_squeeze %dma_start3A_874 : memref<1x!tpu.dma_semaphore, #tpu.memory_space<semaphore_mem>> -> memref<!tpu.dma_semaphore, #tpu.memory_space<semaphore_mem>>
    %dma_start3A_876 = arith.constant 58 : i32
    %dma_start3A_877 = arith.constant 0 : i32
    %dma_start3A_878 = tpu.memref_slice %arg6[%dma_start3A_876, %dma_start3A_877] : memref<128x1024xf32, #tpu.memory_space<vmem>> -> memref<1x1024xf32, #tpu.memory_space<vmem>>
    %dma_start3A_879 = arith.constant 0 : i32
    %dma_start3A_880 = tpu.memref_slice %arg4[%add3A_872, %dma_start3A_879] : memref<16384x1024xf32, #tpu.memory_space<hbm>> -> memref<1x1024xf32, #tpu.memory_space<hbm>>
    tpu.enqueue_dma source(%dma_start3A_880 : memref<1x1024xf32, #tpu.memory_space<hbm>>) target(%dma_start3A_878 : memref<1x1024xf32, #tpu.memory_space<vmem>>) target_semaphore(%dma_start3A_875 : memref<!tpu.dma_semaphore, #tpu.memory_space<semaphore_mem>>)
    %get3A_881 = arith.constant 59 : index
    %get3A_882 = memref.load %arg1[%get3A_881] : memref<128xi32, #tpu.memory_space<smem>>
    %mul3A_883 = arith.constant 2048 : i32
    %mul3A_884 = arith.muli %get3A_882, %mul3A_883 : i32
    %get3A_885 = arith.constant 59 : index
    %get3A_886 = memref.load %arg0[%get3A_885] : memref<128xi32, #tpu.memory_space<smem>>
    %add3A_887 = arith.addi %mul3A_884, %get3A_886 : i32
    %dma_start3A_888 = arith.constant 3 : i32
    %dma_start3A_889 = tpu.memref_slice %arg7[%dma_start3A_888] : memref<8x!tpu.dma_semaphore, #tpu.memory_space<semaphore_mem>> -> memref<1x!tpu.dma_semaphore, #tpu.memory_space<semaphore_mem>>
    %dma_start3A_890 = tpu.memref_squeeze %dma_start3A_889 : memref<1x!tpu.dma_semaphore, #tpu.memory_space<semaphore_mem>> -> memref<!tpu.dma_semaphore, #tpu.memory_space<semaphore_mem>>
    %dma_start3A_891 = arith.constant 59 : i32
    %dma_start3A_892 = arith.constant 0 : i32
    %dma_start3A_893 = tpu.memref_slice %arg6[%dma_start3A_891, %dma_start3A_892] : memref<128x1024xf32, #tpu.memory_space<vmem>> -> memref<1x1024xf32, #tpu.memory_space<vmem>>
    %dma_start3A_894 = arith.constant 0 : i32
    %dma_start3A_895 = tpu.memref_slice %arg4[%add3A_887, %dma_start3A_894] : memref<16384x1024xf32, #tpu.memory_space<hbm>> -> memref<1x1024xf32, #tpu.memory_space<hbm>>
    tpu.enqueue_dma source(%dma_start3A_895 : memref<1x1024xf32, #tpu.memory_space<hbm>>) target(%dma_start3A_893 : memref<1x1024xf32, #tpu.memory_space<vmem>>) target_semaphore(%dma_start3A_890 : memref<!tpu.dma_semaphore, #tpu.memory_space<semaphore_mem>>)
    %get3A_896 = arith.constant 60 : index
    %get3A_897 = memref.load %arg1[%get3A_896] : memref<128xi32, #tpu.memory_space<smem>>
    %mul3A_898 = arith.constant 2048 : i32
    %mul3A_899 = arith.muli %get3A_897, %mul3A_898 : i32
    %get3A_900 = arith.constant 60 : index
    %get3A_901 = memref.load %arg0[%get3A_900] : memref<128xi32, #tpu.memory_space<smem>>
    %add3A_902 = arith.addi %mul3A_899, %get3A_901 : i32
    %dma_start3A_903 = arith.constant 4 : i32
    %dma_start3A_904 = tpu.memref_slice %arg7[%dma_start3A_903] : memref<8x!tpu.dma_semaphore, #tpu.memory_space<semaphore_mem>> -> memref<1x!tpu.dma_semaphore, #tpu.memory_space<semaphore_mem>>
    %dma_start3A_905 = tpu.memref_squeeze %dma_start3A_904 : memref<1x!tpu.dma_semaphore, #tpu.memory_space<semaphore_mem>> -> memref<!tpu.dma_semaphore, #tpu.memory_space<semaphore_mem>>
    %dma_start3A_906 = arith.constant 60 : i32
    %dma_start3A_907 = arith.constant 0 : i32
    %dma_start3A_908 = tpu.memref_slice %arg6[%dma_start3A_906, %dma_start3A_907] : memref<128x1024xf32, #tpu.memory_space<vmem>> -> memref<1x1024xf32, #tpu.memory_space<vmem>>
    %dma_start3A_909 = arith.constant 0 : i32
    %dma_start3A_910 = tpu.memref_slice %arg4[%add3A_902, %dma_start3A_909] : memref<16384x1024xf32, #tpu.memory_space<hbm>> -> memref<1x1024xf32, #tpu.memory_space<hbm>>
    tpu.enqueue_dma source(%dma_start3A_910 : memref<1x1024xf32, #tpu.memory_space<hbm>>) target(%dma_start3A_908 : memref<1x1024xf32, #tpu.memory_space<vmem>>) target_semaphore(%dma_start3A_905 : memref<!tpu.dma_semaphore, #tpu.memory_space<semaphore_mem>>)
    %get3A_911 = arith.constant 61 : index
    %get3A_912 = memref.load %arg1[%get3A_911] : memref<128xi32, #tpu.memory_space<smem>>
    %mul3A_913 = arith.constant 2048 : i32
    %mul3A_914 = arith.muli %get3A_912, %mul3A_913 : i32
    %get3A_915 = arith.constant 61 : index
    %get3A_916 = memref.load %arg0[%get3A_915] : memref<128xi32, #tpu.memory_space<smem>>
    %add3A_917 = arith.addi %mul3A_914, %get3A_916 : i32
    %dma_start3A_918 = arith.constant 5 : i32
    %dma_start3A_919 = tpu.memref_slice %arg7[%dma_start3A_918] : memref<8x!tpu.dma_semaphore, #tpu.memory_space<semaphore_mem>> -> memref<1x!tpu.dma_semaphore, #tpu.memory_space<semaphore_mem>>
    %dma_start3A_920 = tpu.memref_squeeze %dma_start3A_919 : memref<1x!tpu.dma_semaphore, #tpu.memory_space<semaphore_mem>> -> memref<!tpu.dma_semaphore, #tpu.memory_space<semaphore_mem>>
    %dma_start3A_921 = arith.constant 61 : i32
    %dma_start3A_922 = arith.constant 0 : i32
    %dma_start3A_923 = tpu.memref_slice %arg6[%dma_start3A_921, %dma_start3A_922] : memref<128x1024xf32, #tpu.memory_space<vmem>> -> memref<1x1024xf32, #tpu.memory_space<vmem>>
    %dma_start3A_924 = arith.constant 0 : i32
    %dma_start3A_925 = tpu.memref_slice %arg4[%add3A_917, %dma_start3A_924] : memref<16384x1024xf32, #tpu.memory_space<hbm>> -> memref<1x1024xf32, #tpu.memory_space<hbm>>
    tpu.enqueue_dma source(%dma_start3A_925 : memref<1x1024xf32, #tpu.memory_space<hbm>>) target(%dma_start3A_923 : memref<1x1024xf32, #tpu.memory_space<vmem>>) target_semaphore(%dma_start3A_920 : memref<!tpu.dma_semaphore, #tpu.memory_space<semaphore_mem>>)
    %get3A_926 = arith.constant 62 : index
    %get3A_927 = memref.load %arg1[%get3A_926] : memref<128xi32, #tpu.memory_space<smem>>
    %mul3A_928 = arith.constant 2048 : i32
    %mul3A_929 = arith.muli %get3A_927, %mul3A_928 : i32
    %get3A_930 = arith.constant 62 : index
    %get3A_931 = memref.load %arg0[%get3A_930] : memref<128xi32, #tpu.memory_space<smem>>
    %add3A_932 = arith.addi %mul3A_929, %get3A_931 : i32
    %dma_start3A_933 = arith.constant 6 : i32
    %dma_start3A_934 = tpu.memref_slice %arg7[%dma_start3A_933] : memref<8x!tpu.dma_semaphore, #tpu.memory_space<semaphore_mem>> -> memref<1x!tpu.dma_semaphore, #tpu.memory_space<semaphore_mem>>
    %dma_start3A_935 = tpu.memref_squeeze %dma_start3A_934 : memref<1x!tpu.dma_semaphore, #tpu.memory_space<semaphore_mem>> -> memref<!tpu.dma_semaphore, #tpu.memory_space<semaphore_mem>>
    %dma_start3A_936 = arith.constant 62 : i32
    %dma_start3A_937 = arith.constant 0 : i32
    %dma_start3A_938 = tpu.memref_slice %arg6[%dma_start3A_936, %dma_start3A_937] : memref<128x1024xf32, #tpu.memory_space<vmem>> -> memref<1x1024xf32, #tpu.memory_space<vmem>>
    %dma_start3A_939 = arith.constant 0 : i32
    %dma_start3A_940 = tpu.memref_slice %arg4[%add3A_932, %dma_start3A_939] : memref<16384x1024xf32, #tpu.memory_space<hbm>> -> memref<1x1024xf32, #tpu.memory_space<hbm>>
    tpu.enqueue_dma source(%dma_start3A_940 : memref<1x1024xf32, #tpu.memory_space<hbm>>) target(%dma_start3A_938 : memref<1x1024xf32, #tpu.memory_space<vmem>>) target_semaphore(%dma_start3A_935 : memref<!tpu.dma_semaphore, #tpu.memory_space<semaphore_mem>>)
    %get3A_941 = arith.constant 63 : index
    %get3A_942 = memref.load %arg1[%get3A_941] : memref<128xi32, #tpu.memory_space<smem>>
    %mul3A_943 = arith.constant 2048 : i32
    %mul3A_944 = arith.muli %get3A_942, %mul3A_943 : i32
    %get3A_945 = arith.constant 63 : index
    %get3A_946 = memref.load %arg0[%get3A_945] : memref<128xi32, #tpu.memory_space<smem>>
    %add3A_947 = arith.addi %mul3A_944, %get3A_946 : i32
    %dma_start3A_948 = arith.constant 7 : i32
    %dma_start3A_949 = tpu.memref_slice %arg7[%dma_start3A_948] : memref<8x!tpu.dma_semaphore, #tpu.memory_space<semaphore_mem>> -> memref<1x!tpu.dma_semaphore, #tpu.memory_space<semaphore_mem>>
    %dma_start3A_950 = tpu.memref_squeeze %dma_start3A_949 : memref<1x!tpu.dma_semaphore, #tpu.memory_space<semaphore_mem>> -> memref<!tpu.dma_semaphore, #tpu.memory_space<semaphore_mem>>
    %dma_start3A_951 = arith.constant 63 : i32
    %dma_start3A_952 = arith.constant 0 : i32
    %dma_start3A_953 = tpu.memref_slice %arg6[%dma_start3A_951, %dma_start3A_952] : memref<128x1024xf32, #tpu.memory_space<vmem>> -> memref<1x1024xf32, #tpu.memory_space<vmem>>
    %dma_start3A_954 = arith.constant 0 : i32
    %dma_start3A_955 = tpu.memref_slice %arg4[%add3A_947, %dma_start3A_954] : memref<16384x1024xf32, #tpu.memory_space<hbm>> -> memref<1x1024xf32, #tpu.memory_space<hbm>>
    tpu.enqueue_dma source(%dma_start3A_955 : memref<1x1024xf32, #tpu.memory_space<hbm>>) target(%dma_start3A_953 : memref<1x1024xf32, #tpu.memory_space<vmem>>) target_semaphore(%dma_start3A_950 : memref<!tpu.dma_semaphore, #tpu.memory_space<semaphore_mem>>)
    %get3A_956 = arith.constant 64 : index
    %get3A_957 = memref.load %arg1[%get3A_956] : memref<128xi32, #tpu.memory_space<smem>>
    %mul3A_958 = arith.constant 2048 : i32
    %mul3A_959 = arith.muli %get3A_957, %mul3A_958 : i32
    %get3A_960 = arith.constant 64 : index
    %get3A_961 = memref.load %arg0[%get3A_960] : memref<128xi32, #tpu.memory_space<smem>>
    %add3A_962 = arith.addi %mul3A_959, %get3A_961 : i32
    %dma_start3A_963 = arith.constant 0 : i32
    %dma_start3A_964 = tpu.memref_slice %arg7[%dma_start3A_963] : memref<8x!tpu.dma_semaphore, #tpu.memory_space<semaphore_mem>> -> memref<1x!tpu.dma_semaphore, #tpu.memory_space<semaphore_mem>>
    %dma_start3A_965 = tpu.memref_squeeze %dma_start3A_964 : memref<1x!tpu.dma_semaphore, #tpu.memory_space<semaphore_mem>> -> memref<!tpu.dma_semaphore, #tpu.memory_space<semaphore_mem>>
    %dma_start3A_966 = arith.constant 64 : i32
    %dma_start3A_967 = arith.constant 0 : i32
    %dma_start3A_968 = tpu.memref_slice %arg6[%dma_start3A_966, %dma_start3A_967] : memref<128x1024xf32, #tpu.memory_space<vmem>> -> memref<1x1024xf32, #tpu.memory_space<vmem>>
    %dma_start3A_969 = arith.constant 0 : i32
    %dma_start3A_970 = tpu.memref_slice %arg4[%add3A_962, %dma_start3A_969] : memref<16384x1024xf32, #tpu.memory_space<hbm>> -> memref<1x1024xf32, #tpu.memory_space<hbm>>
    tpu.enqueue_dma source(%dma_start3A_970 : memref<1x1024xf32, #tpu.memory_space<hbm>>) target(%dma_start3A_968 : memref<1x1024xf32, #tpu.memory_space<vmem>>) target_semaphore(%dma_start3A_965 : memref<!tpu.dma_semaphore, #tpu.memory_space<semaphore_mem>>)
    %get3A_971 = arith.constant 65 : index
    %get3A_972 = memref.load %arg1[%get3A_971] : memref<128xi32, #tpu.memory_space<smem>>
    %mul3A_973 = arith.constant 2048 : i32
    %mul3A_974 = arith.muli %get3A_972, %mul3A_973 : i32
    %get3A_975 = arith.constant 65 : index
    %get3A_976 = memref.load %arg0[%get3A_975] : memref<128xi32, #tpu.memory_space<smem>>
    %add3A_977 = arith.addi %mul3A_974, %get3A_976 : i32
    %dma_start3A_978 = arith.constant 1 : i32
    %dma_start3A_979 = tpu.memref_slice %arg7[%dma_start3A_978] : memref<8x!tpu.dma_semaphore, #tpu.memory_space<semaphore_mem>> -> memref<1x!tpu.dma_semaphore, #tpu.memory_space<semaphore_mem>>
    %dma_start3A_980 = tpu.memref_squeeze %dma_start3A_979 : memref<1x!tpu.dma_semaphore, #tpu.memory_space<semaphore_mem>> -> memref<!tpu.dma_semaphore, #tpu.memory_space<semaphore_mem>>
    %dma_start3A_981 = arith.constant 65 : i32
    %dma_start3A_982 = arith.constant 0 : i32
    %dma_start3A_983 = tpu.memref_slice %arg6[%dma_start3A_981, %dma_start3A_982] : memref<128x1024xf32, #tpu.memory_space<vmem>> -> memref<1x1024xf32, #tpu.memory_space<vmem>>
    %dma_start3A_984 = arith.constant 0 : i32
    %dma_start3A_985 = tpu.memref_slice %arg4[%add3A_977, %dma_start3A_984] : memref<16384x1024xf32, #tpu.memory_space<hbm>> -> memref<1x1024xf32, #tpu.memory_space<hbm>>
    tpu.enqueue_dma source(%dma_start3A_985 : memref<1x1024xf32, #tpu.memory_space<hbm>>) target(%dma_start3A_983 : memref<1x1024xf32, #tpu.memory_space<vmem>>) target_semaphore(%dma_start3A_980 : memref<!tpu.dma_semaphore, #tpu.memory_space<semaphore_mem>>)
    %get3A_986 = arith.constant 66 : index
    %get3A_987 = memref.load %arg1[%get3A_986] : memref<128xi32, #tpu.memory_space<smem>>
    %mul3A_988 = arith.constant 2048 : i32
    %mul3A_989 = arith.muli %get3A_987, %mul3A_988 : i32
    %get3A_990 = arith.constant 66 : index
    %get3A_991 = memref.load %arg0[%get3A_990] : memref<128xi32, #tpu.memory_space<smem>>
    %add3A_992 = arith.addi %mul3A_989, %get3A_991 : i32
    %dma_start3A_993 = arith.constant 2 : i32
    %dma_start3A_994 = tpu.memref_slice %arg7[%dma_start3A_993] : memref<8x!tpu.dma_semaphore, #tpu.memory_space<semaphore_mem>> -> memref<1x!tpu.dma_semaphore, #tpu.memory_space<semaphore_mem>>
    %dma_start3A_995 = tpu.memref_squeeze %dma_start3A_994 : memref<1x!tpu.dma_semaphore, #tpu.memory_space<semaphore_mem>> -> memref<!tpu.dma_semaphore, #tpu.memory_space<semaphore_mem>>
    %dma_start3A_996 = arith.constant 66 : i32
    %dma_start3A_997 = arith.constant 0 : i32
    %dma_start3A_998 = tpu.memref_slice %arg6[%dma_start3A_996, %dma_start3A_997] : memref<128x1024xf32, #tpu.memory_space<vmem>> -> memref<1x1024xf32, #tpu.memory_space<vmem>>
    %dma_start3A_999 = arith.constant 0 : i32
    %dma_start3A_1000 = tpu.memref_slice %arg4[%add3A_992, %dma_start3A_999] : memref<16384x1024xf32, #tpu.memory_space<hbm>> -> memref<1x1024xf32, #tpu.memory_space<hbm>>
    tpu.enqueue_dma source(%dma_start3A_1000 : memref<1x1024xf32, #tpu.memory_space<hbm>>) target(%dma_start3A_998 : memref<1x1024xf32, #tpu.memory_space<vmem>>) target_semaphore(%dma_start3A_995 : memref<!tpu.dma_semaphore, #tpu.memory_space<semaphore_mem>>)
    %get3A_1001 = arith.constant 67 : index
    %get3A_1002 = memref.load %arg1[%get3A_1001] : memref<128xi32, #tpu.memory_space<smem>>
    %mul3A_1003 = arith.constant 2048 : i32
    %mul3A_1004 = arith.muli %get3A_1002, %mul3A_1003 : i32
    %get3A_1005 = arith.constant 67 : index
    %get3A_1006 = memref.load %arg0[%get3A_1005] : memref<128xi32, #tpu.memory_space<smem>>
    %add3A_1007 = arith.addi %mul3A_1004, %get3A_1006 : i32
    %dma_start3A_1008 = arith.constant 3 : i32
    %dma_start3A_1009 = tpu.memref_slice %arg7[%dma_start3A_1008] : memref<8x!tpu.dma_semaphore, #tpu.memory_space<semaphore_mem>> -> memref<1x!tpu.dma_semaphore, #tpu.memory_space<semaphore_mem>>
    %dma_start3A_1010 = tpu.memref_squeeze %dma_start3A_1009 : memref<1x!tpu.dma_semaphore, #tpu.memory_space<semaphore_mem>> -> memref<!tpu.dma_semaphore, #tpu.memory_space<semaphore_mem>>
    %dma_start3A_1011 = arith.constant 67 : i32
    %dma_start3A_1012 = arith.constant 0 : i32
    %dma_start3A_1013 = tpu.memref_slice %arg6[%dma_start3A_1011, %dma_start3A_1012] : memref<128x1024xf32, #tpu.memory_space<vmem>> -> memref<1x1024xf32, #tpu.memory_space<vmem>>
    %dma_start3A_1014 = arith.constant 0 : i32
    %dma_start3A_1015 = tpu.memref_slice %arg4[%add3A_1007, %dma_start3A_1014] : memref<16384x1024xf32, #tpu.memory_space<hbm>> -> memref<1x1024xf32, #tpu.memory_space<hbm>>
    tpu.enqueue_dma source(%dma_start3A_1015 : memref<1x1024xf32, #tpu.memory_space<hbm>>) target(%dma_start3A_1013 : memref<1x1024xf32, #tpu.memory_space<vmem>>) target_semaphore(%dma_start3A_1010 : memref<!tpu.dma_semaphore, #tpu.memory_space<semaphore_mem>>)
    %get3A_1016 = arith.constant 68 : index
    %get3A_1017 = memref.load %arg1[%get3A_1016] : memref<128xi32, #tpu.memory_space<smem>>
    %mul3A_1018 = arith.constant 2048 : i32
    %mul3A_1019 = arith.muli %get3A_1017, %mul3A_1018 : i32
    %get3A_1020 = arith.constant 68 : index
    %get3A_1021 = memref.load %arg0[%get3A_1020] : memref<128xi32, #tpu.memory_space<smem>>
    %add3A_1022 = arith.addi %mul3A_1019, %get3A_1021 : i32
    %dma_start3A_1023 = arith.constant 4 : i32
    %dma_start3A_1024 = tpu.memref_slice %arg7[%dma_start3A_1023] : memref<8x!tpu.dma_semaphore, #tpu.memory_space<semaphore_mem>> -> memref<1x!tpu.dma_semaphore, #tpu.memory_space<semaphore_mem>>
    %dma_start3A_1025 = tpu.memref_squeeze %dma_start3A_1024 : memref<1x!tpu.dma_semaphore, #tpu.memory_space<semaphore_mem>> -> memref<!tpu.dma_semaphore, #tpu.memory_space<semaphore_mem>>
    %dma_start3A_1026 = arith.constant 68 : i32
    %dma_start3A_1027 = arith.constant 0 : i32
    %dma_start3A_1028 = tpu.memref_slice %arg6[%dma_start3A_1026, %dma_start3A_1027] : memref<128x1024xf32, #tpu.memory_space<vmem>> -> memref<1x1024xf32, #tpu.memory_space<vmem>>
    %dma_start3A_1029 = arith.constant 0 : i32
    %dma_start3A_1030 = tpu.memref_slice %arg4[%add3A_1022, %dma_start3A_1029] : memref<16384x1024xf32, #tpu.memory_space<hbm>> -> memref<1x1024xf32, #tpu.memory_space<hbm>>
    tpu.enqueue_dma source(%dma_start3A_1030 : memref<1x1024xf32, #tpu.memory_space<hbm>>) target(%dma_start3A_1028 : memref<1x1024xf32, #tpu.memory_space<vmem>>) target_semaphore(%dma_start3A_1025 : memref<!tpu.dma_semaphore, #tpu.memory_space<semaphore_mem>>)
    %get3A_1031 = arith.constant 69 : index
    %get3A_1032 = memref.load %arg1[%get3A_1031] : memref<128xi32, #tpu.memory_space<smem>>
    %mul3A_1033 = arith.constant 2048 : i32
    %mul3A_1034 = arith.muli %get3A_1032, %mul3A_1033 : i32
    %get3A_1035 = arith.constant 69 : index
    %get3A_1036 = memref.load %arg0[%get3A_1035] : memref<128xi32, #tpu.memory_space<smem>>
    %add3A_1037 = arith.addi %mul3A_1034, %get3A_1036 : i32
    %dma_start3A_1038 = arith.constant 5 : i32
    %dma_start3A_1039 = tpu.memref_slice %arg7[%dma_start3A_1038] : memref<8x!tpu.dma_semaphore, #tpu.memory_space<semaphore_mem>> -> memref<1x!tpu.dma_semaphore, #tpu.memory_space<semaphore_mem>>
    %dma_start3A_1040 = tpu.memref_squeeze %dma_start3A_1039 : memref<1x!tpu.dma_semaphore, #tpu.memory_space<semaphore_mem>> -> memref<!tpu.dma_semaphore, #tpu.memory_space<semaphore_mem>>
    %dma_start3A_1041 = arith.constant 69 : i32
    %dma_start3A_1042 = arith.constant 0 : i32
    %dma_start3A_1043 = tpu.memref_slice %arg6[%dma_start3A_1041, %dma_start3A_1042] : memref<128x1024xf32, #tpu.memory_space<vmem>> -> memref<1x1024xf32, #tpu.memory_space<vmem>>
    %dma_start3A_1044 = arith.constant 0 : i32
    %dma_start3A_1045 = tpu.memref_slice %arg4[%add3A_1037, %dma_start3A_1044] : memref<16384x1024xf32, #tpu.memory_space<hbm>> -> memref<1x1024xf32, #tpu.memory_space<hbm>>
    tpu.enqueue_dma source(%dma_start3A_1045 : memref<1x1024xf32, #tpu.memory_space<hbm>>) target(%dma_start3A_1043 : memref<1x1024xf32, #tpu.memory_space<vmem>>) target_semaphore(%dma_start3A_1040 : memref<!tpu.dma_semaphore, #tpu.memory_space<semaphore_mem>>)
    %get3A_1046 = arith.constant 70 : index
    %get3A_1047 = memref.load %arg1[%get3A_1046] : memref<128xi32, #tpu.memory_space<smem>>
    %mul3A_1048 = arith.constant 2048 : i32
    %mul3A_1049 = arith.muli %get3A_1047, %mul3A_1048 : i32
    %get3A_1050 = arith.constant 70 : index
    %get3A_1051 = memref.load %arg0[%get3A_1050] : memref<128xi32, #tpu.memory_space<smem>>
    %add3A_1052 = arith.addi %mul3A_1049, %get3A_1051 : i32
    %dma_start3A_1053 = arith.constant 6 : i32
    %dma_start3A_1054 = tpu.memref_slice %arg7[%dma_start3A_1053] : memref<8x!tpu.dma_semaphore, #tpu.memory_space<semaphore_mem>> -> memref<1x!tpu.dma_semaphore, #tpu.memory_space<semaphore_mem>>
    %dma_start3A_1055 = tpu.memref_squeeze %dma_start3A_1054 : memref<1x!tpu.dma_semaphore, #tpu.memory_space<semaphore_mem>> -> memref<!tpu.dma_semaphore, #tpu.memory_space<semaphore_mem>>
    %dma_start3A_1056 = arith.constant 70 : i32
    %dma_start3A_1057 = arith.constant 0 : i32
    %dma_start3A_1058 = tpu.memref_slice %arg6[%dma_start3A_1056, %dma_start3A_1057] : memref<128x1024xf32, #tpu.memory_space<vmem>> -> memref<1x1024xf32, #tpu.memory_space<vmem>>
    %dma_start3A_1059 = arith.constant 0 : i32
    %dma_start3A_1060 = tpu.memref_slice %arg4[%add3A_1052, %dma_start3A_1059] : memref<16384x1024xf32, #tpu.memory_space<hbm>> -> memref<1x1024xf32, #tpu.memory_space<hbm>>
    tpu.enqueue_dma source(%dma_start3A_1060 : memref<1x1024xf32, #tpu.memory_space<hbm>>) target(%dma_start3A_1058 : memref<1x1024xf32, #tpu.memory_space<vmem>>) target_semaphore(%dma_start3A_1055 : memref<!tpu.dma_semaphore, #tpu.memory_space<semaphore_mem>>)
    %get3A_1061 = arith.constant 71 : index
    %get3A_1062 = memref.load %arg1[%get3A_1061] : memref<128xi32, #tpu.memory_space<smem>>
    %mul3A_1063 = arith.constant 2048 : i32
    %mul3A_1064 = arith.muli %get3A_1062, %mul3A_1063 : i32
    %get3A_1065 = arith.constant 71 : index
    %get3A_1066 = memref.load %arg0[%get3A_1065] : memref<128xi32, #tpu.memory_space<smem>>
    %add3A_1067 = arith.addi %mul3A_1064, %get3A_1066 : i32
    %dma_start3A_1068 = arith.constant 7 : i32
    %dma_start3A_1069 = tpu.memref_slice %arg7[%dma_start3A_1068] : memref<8x!tpu.dma_semaphore, #tpu.memory_space<semaphore_mem>> -> memref<1x!tpu.dma_semaphore, #tpu.memory_space<semaphore_mem>>
    %dma_start3A_1070 = tpu.memref_squeeze %dma_start3A_1069 : memref<1x!tpu.dma_semaphore, #tpu.memory_space<semaphore_mem>> -> memref<!tpu.dma_semaphore, #tpu.memory_space<semaphore_mem>>
    %dma_start3A_1071 = arith.constant 71 : i32
    %dma_start3A_1072 = arith.constant 0 : i32
    %dma_start3A_1073 = tpu.memref_slice %arg6[%dma_start3A_1071, %dma_start3A_1072] : memref<128x1024xf32, #tpu.memory_space<vmem>> -> memref<1x1024xf32, #tpu.memory_space<vmem>>
    %dma_start3A_1074 = arith.constant 0 : i32
    %dma_start3A_1075 = tpu.memref_slice %arg4[%add3A_1067, %dma_start3A_1074] : memref<16384x1024xf32, #tpu.memory_space<hbm>> -> memref<1x1024xf32, #tpu.memory_space<hbm>>
    tpu.enqueue_dma source(%dma_start3A_1075 : memref<1x1024xf32, #tpu.memory_space<hbm>>) target(%dma_start3A_1073 : memref<1x1024xf32, #tpu.memory_space<vmem>>) target_semaphore(%dma_start3A_1070 : memref<!tpu.dma_semaphore, #tpu.memory_space<semaphore_mem>>)
    %get3A_1076 = arith.constant 72 : index
    %get3A_1077 = memref.load %arg1[%get3A_1076] : memref<128xi32, #tpu.memory_space<smem>>
    %mul3A_1078 = arith.constant 2048 : i32
    %mul3A_1079 = arith.muli %get3A_1077, %mul3A_1078 : i32
    %get3A_1080 = arith.constant 72 : index
    %get3A_1081 = memref.load %arg0[%get3A_1080] : memref<128xi32, #tpu.memory_space<smem>>
    %add3A_1082 = arith.addi %mul3A_1079, %get3A_1081 : i32
    %dma_start3A_1083 = arith.constant 0 : i32
    %dma_start3A_1084 = tpu.memref_slice %arg7[%dma_start3A_1083] : memref<8x!tpu.dma_semaphore, #tpu.memory_space<semaphore_mem>> -> memref<1x!tpu.dma_semaphore, #tpu.memory_space<semaphore_mem>>
    %dma_start3A_1085 = tpu.memref_squeeze %dma_start3A_1084 : memref<1x!tpu.dma_semaphore, #tpu.memory_space<semaphore_mem>> -> memref<!tpu.dma_semaphore, #tpu.memory_space<semaphore_mem>>
    %dma_start3A_1086 = arith.constant 72 : i32
    %dma_start3A_1087 = arith.constant 0 : i32
    %dma_start3A_1088 = tpu.memref_slice %arg6[%dma_start3A_1086, %dma_start3A_1087] : memref<128x1024xf32, #tpu.memory_space<vmem>> -> memref<1x1024xf32, #tpu.memory_space<vmem>>
    %dma_start3A_1089 = arith.constant 0 : i32
    %dma_start3A_1090 = tpu.memref_slice %arg4[%add3A_1082, %dma_start3A_1089] : memref<16384x1024xf32, #tpu.memory_space<hbm>> -> memref<1x1024xf32, #tpu.memory_space<hbm>>
    tpu.enqueue_dma source(%dma_start3A_1090 : memref<1x1024xf32, #tpu.memory_space<hbm>>) target(%dma_start3A_1088 : memref<1x1024xf32, #tpu.memory_space<vmem>>) target_semaphore(%dma_start3A_1085 : memref<!tpu.dma_semaphore, #tpu.memory_space<semaphore_mem>>)
    %get3A_1091 = arith.constant 73 : index
    %get3A_1092 = memref.load %arg1[%get3A_1091] : memref<128xi32, #tpu.memory_space<smem>>
    %mul3A_1093 = arith.constant 2048 : i32
    %mul3A_1094 = arith.muli %get3A_1092, %mul3A_1093 : i32
    %get3A_1095 = arith.constant 73 : index
    %get3A_1096 = memref.load %arg0[%get3A_1095] : memref<128xi32, #tpu.memory_space<smem>>
    %add3A_1097 = arith.addi %mul3A_1094, %get3A_1096 : i32
    %dma_start3A_1098 = arith.constant 1 : i32
    %dma_start3A_1099 = tpu.memref_slice %arg7[%dma_start3A_1098] : memref<8x!tpu.dma_semaphore, #tpu.memory_space<semaphore_mem>> -> memref<1x!tpu.dma_semaphore, #tpu.memory_space<semaphore_mem>>
    %dma_start3A_1100 = tpu.memref_squeeze %dma_start3A_1099 : memref<1x!tpu.dma_semaphore, #tpu.memory_space<semaphore_mem>> -> memref<!tpu.dma_semaphore, #tpu.memory_space<semaphore_mem>>
    %dma_start3A_1101 = arith.constant 73 : i32
    %dma_start3A_1102 = arith.constant 0 : i32
    %dma_start3A_1103 = tpu.memref_slice %arg6[%dma_start3A_1101, %dma_start3A_1102] : memref<128x1024xf32, #tpu.memory_space<vmem>> -> memref<1x1024xf32, #tpu.memory_space<vmem>>
    %dma_start3A_1104 = arith.constant 0 : i32
    %dma_start3A_1105 = tpu.memref_slice %arg4[%add3A_1097, %dma_start3A_1104] : memref<16384x1024xf32, #tpu.memory_space<hbm>> -> memref<1x1024xf32, #tpu.memory_space<hbm>>
    tpu.enqueue_dma source(%dma_start3A_1105 : memref<1x1024xf32, #tpu.memory_space<hbm>>) target(%dma_start3A_1103 : memref<1x1024xf32, #tpu.memory_space<vmem>>) target_semaphore(%dma_start3A_1100 : memref<!tpu.dma_semaphore, #tpu.memory_space<semaphore_mem>>)
    %get3A_1106 = arith.constant 74 : index
    %get3A_1107 = memref.load %arg1[%get3A_1106] : memref<128xi32, #tpu.memory_space<smem>>
    %mul3A_1108 = arith.constant 2048 : i32
    %mul3A_1109 = arith.muli %get3A_1107, %mul3A_1108 : i32
    %get3A_1110 = arith.constant 74 : index
    %get3A_1111 = memref.load %arg0[%get3A_1110] : memref<128xi32, #tpu.memory_space<smem>>
    %add3A_1112 = arith.addi %mul3A_1109, %get3A_1111 : i32
    %dma_start3A_1113 = arith.constant 2 : i32
    %dma_start3A_1114 = tpu.memref_slice %arg7[%dma_start3A_1113] : memref<8x!tpu.dma_semaphore, #tpu.memory_space<semaphore_mem>> -> memref<1x!tpu.dma_semaphore, #tpu.memory_space<semaphore_mem>>
    %dma_start3A_1115 = tpu.memref_squeeze %dma_start3A_1114 : memref<1x!tpu.dma_semaphore, #tpu.memory_space<semaphore_mem>> -> memref<!tpu.dma_semaphore, #tpu.memory_space<semaphore_mem>>
    %dma_start3A_1116 = arith.constant 74 : i32
    %dma_start3A_1117 = arith.constant 0 : i32
    %dma_start3A_1118 = tpu.memref_slice %arg6[%dma_start3A_1116, %dma_start3A_1117] : memref<128x1024xf32, #tpu.memory_space<vmem>> -> memref<1x1024xf32, #tpu.memory_space<vmem>>
    %dma_start3A_1119 = arith.constant 0 : i32
    %dma_start3A_1120 = tpu.memref_slice %arg4[%add3A_1112, %dma_start3A_1119] : memref<16384x1024xf32, #tpu.memory_space<hbm>> -> memref<1x1024xf32, #tpu.memory_space<hbm>>
    tpu.enqueue_dma source(%dma_start3A_1120 : memref<1x1024xf32, #tpu.memory_space<hbm>>) target(%dma_start3A_1118 : memref<1x1024xf32, #tpu.memory_space<vmem>>) target_semaphore(%dma_start3A_1115 : memref<!tpu.dma_semaphore, #tpu.memory_space<semaphore_mem>>)
    %get3A_1121 = arith.constant 75 : index
    %get3A_1122 = memref.load %arg1[%get3A_1121] : memref<128xi32, #tpu.memory_space<smem>>
    %mul3A_1123 = arith.constant 2048 : i32
    %mul3A_1124 = arith.muli %get3A_1122, %mul3A_1123 : i32
    %get3A_1125 = arith.constant 75 : index
    %get3A_1126 = memref.load %arg0[%get3A_1125] : memref<128xi32, #tpu.memory_space<smem>>
    %add3A_1127 = arith.addi %mul3A_1124, %get3A_1126 : i32
    %dma_start3A_1128 = arith.constant 3 : i32
    %dma_start3A_1129 = tpu.memref_slice %arg7[%dma_start3A_1128] : memref<8x!tpu.dma_semaphore, #tpu.memory_space<semaphore_mem>> -> memref<1x!tpu.dma_semaphore, #tpu.memory_space<semaphore_mem>>
    %dma_start3A_1130 = tpu.memref_squeeze %dma_start3A_1129 : memref<1x!tpu.dma_semaphore, #tpu.memory_space<semaphore_mem>> -> memref<!tpu.dma_semaphore, #tpu.memory_space<semaphore_mem>>
    %dma_start3A_1131 = arith.constant 75 : i32
    %dma_start3A_1132 = arith.constant 0 : i32
    %dma_start3A_1133 = tpu.memref_slice %arg6[%dma_start3A_1131, %dma_start3A_1132] : memref<128x1024xf32, #tpu.memory_space<vmem>> -> memref<1x1024xf32, #tpu.memory_space<vmem>>
    %dma_start3A_1134 = arith.constant 0 : i32
    %dma_start3A_1135 = tpu.memref_slice %arg4[%add3A_1127, %dma_start3A_1134] : memref<16384x1024xf32, #tpu.memory_space<hbm>> -> memref<1x1024xf32, #tpu.memory_space<hbm>>
    tpu.enqueue_dma source(%dma_start3A_1135 : memref<1x1024xf32, #tpu.memory_space<hbm>>) target(%dma_start3A_1133 : memref<1x1024xf32, #tpu.memory_space<vmem>>) target_semaphore(%dma_start3A_1130 : memref<!tpu.dma_semaphore, #tpu.memory_space<semaphore_mem>>)
    %get3A_1136 = arith.constant 76 : index
    %get3A_1137 = memref.load %arg1[%get3A_1136] : memref<128xi32, #tpu.memory_space<smem>>
    %mul3A_1138 = arith.constant 2048 : i32
    %mul3A_1139 = arith.muli %get3A_1137, %mul3A_1138 : i32
    %get3A_1140 = arith.constant 76 : index
    %get3A_1141 = memref.load %arg0[%get3A_1140] : memref<128xi32, #tpu.memory_space<smem>>
    %add3A_1142 = arith.addi %mul3A_1139, %get3A_1141 : i32
    %dma_start3A_1143 = arith.constant 4 : i32
    %dma_start3A_1144 = tpu.memref_slice %arg7[%dma_start3A_1143] : memref<8x!tpu.dma_semaphore, #tpu.memory_space<semaphore_mem>> -> memref<1x!tpu.dma_semaphore, #tpu.memory_space<semaphore_mem>>
    %dma_start3A_1145 = tpu.memref_squeeze %dma_start3A_1144 : memref<1x!tpu.dma_semaphore, #tpu.memory_space<semaphore_mem>> -> memref<!tpu.dma_semaphore, #tpu.memory_space<semaphore_mem>>
    %dma_start3A_1146 = arith.constant 76 : i32
    %dma_start3A_1147 = arith.constant 0 : i32
    %dma_start3A_1148 = tpu.memref_slice %arg6[%dma_start3A_1146, %dma_start3A_1147] : memref<128x1024xf32, #tpu.memory_space<vmem>> -> memref<1x1024xf32, #tpu.memory_space<vmem>>
    %dma_start3A_1149 = arith.constant 0 : i32
    %dma_start3A_1150 = tpu.memref_slice %arg4[%add3A_1142, %dma_start3A_1149] : memref<16384x1024xf32, #tpu.memory_space<hbm>> -> memref<1x1024xf32, #tpu.memory_space<hbm>>
    tpu.enqueue_dma source(%dma_start3A_1150 : memref<1x1024xf32, #tpu.memory_space<hbm>>) target(%dma_start3A_1148 : memref<1x1024xf32, #tpu.memory_space<vmem>>) target_semaphore(%dma_start3A_1145 : memref<!tpu.dma_semaphore, #tpu.memory_space<semaphore_mem>>)
    %get3A_1151 = arith.constant 77 : index
    %get3A_1152 = memref.load %arg1[%get3A_1151] : memref<128xi32, #tpu.memory_space<smem>>
    %mul3A_1153 = arith.constant 2048 : i32
    %mul3A_1154 = arith.muli %get3A_1152, %mul3A_1153 : i32
    %get3A_1155 = arith.constant 77 : index
    %get3A_1156 = memref.load %arg0[%get3A_1155] : memref<128xi32, #tpu.memory_space<smem>>
    %add3A_1157 = arith.addi %mul3A_1154, %get3A_1156 : i32
    %dma_start3A_1158 = arith.constant 5 : i32
    %dma_start3A_1159 = tpu.memref_slice %arg7[%dma_start3A_1158] : memref<8x!tpu.dma_semaphore, #tpu.memory_space<semaphore_mem>> -> memref<1x!tpu.dma_semaphore, #tpu.memory_space<semaphore_mem>>
    %dma_start3A_1160 = tpu.memref_squeeze %dma_start3A_1159 : memref<1x!tpu.dma_semaphore, #tpu.memory_space<semaphore_mem>> -> memref<!tpu.dma_semaphore, #tpu.memory_space<semaphore_mem>>
    %dma_start3A_1161 = arith.constant 77 : i32
    %dma_start3A_1162 = arith.constant 0 : i32
    %dma_start3A_1163 = tpu.memref_slice %arg6[%dma_start3A_1161, %dma_start3A_1162] : memref<128x1024xf32, #tpu.memory_space<vmem>> -> memref<1x1024xf32, #tpu.memory_space<vmem>>
    %dma_start3A_1164 = arith.constant 0 : i32
    %dma_start3A_1165 = tpu.memref_slice %arg4[%add3A_1157, %dma_start3A_1164] : memref<16384x1024xf32, #tpu.memory_space<hbm>> -> memref<1x1024xf32, #tpu.memory_space<hbm>>
    tpu.enqueue_dma source(%dma_start3A_1165 : memref<1x1024xf32, #tpu.memory_space<hbm>>) target(%dma_start3A_1163 : memref<1x1024xf32, #tpu.memory_space<vmem>>) target_semaphore(%dma_start3A_1160 : memref<!tpu.dma_semaphore, #tpu.memory_space<semaphore_mem>>)
    %get3A_1166 = arith.constant 78 : index
    %get3A_1167 = memref.load %arg1[%get3A_1166] : memref<128xi32, #tpu.memory_space<smem>>
    %mul3A_1168 = arith.constant 2048 : i32
    %mul3A_1169 = arith.muli %get3A_1167, %mul3A_1168 : i32
    %get3A_1170 = arith.constant 78 : index
    %get3A_1171 = memref.load %arg0[%get3A_1170] : memref<128xi32, #tpu.memory_space<smem>>
    %add3A_1172 = arith.addi %mul3A_1169, %get3A_1171 : i32
    %dma_start3A_1173 = arith.constant 6 : i32
    %dma_start3A_1174 = tpu.memref_slice %arg7[%dma_start3A_1173] : memref<8x!tpu.dma_semaphore, #tpu.memory_space<semaphore_mem>> -> memref<1x!tpu.dma_semaphore, #tpu.memory_space<semaphore_mem>>
    %dma_start3A_1175 = tpu.memref_squeeze %dma_start3A_1174 : memref<1x!tpu.dma_semaphore, #tpu.memory_space<semaphore_mem>> -> memref<!tpu.dma_semaphore, #tpu.memory_space<semaphore_mem>>
    %dma_start3A_1176 = arith.constant 78 : i32
    %dma_start3A_1177 = arith.constant 0 : i32
    %dma_start3A_1178 = tpu.memref_slice %arg6[%dma_start3A_1176, %dma_start3A_1177] : memref<128x1024xf32, #tpu.memory_space<vmem>> -> memref<1x1024xf32, #tpu.memory_space<vmem>>
    %dma_start3A_1179 = arith.constant 0 : i32
    %dma_start3A_1180 = tpu.memref_slice %arg4[%add3A_1172, %dma_start3A_1179] : memref<16384x1024xf32, #tpu.memory_space<hbm>> -> memref<1x1024xf32, #tpu.memory_space<hbm>>
    tpu.enqueue_dma source(%dma_start3A_1180 : memref<1x1024xf32, #tpu.memory_space<hbm>>) target(%dma_start3A_1178 : memref<1x1024xf32, #tpu.memory_space<vmem>>) target_semaphore(%dma_start3A_1175 : memref<!tpu.dma_semaphore, #tpu.memory_space<semaphore_mem>>)
    %get3A_1181 = arith.constant 79 : index
    %get3A_1182 = memref.load %arg1[%get3A_1181] : memref<128xi32, #tpu.memory_space<smem>>
    %mul3A_1183 = arith.constant 2048 : i32
    %mul3A_1184 = arith.muli %get3A_1182, %mul3A_1183 : i32
    %get3A_1185 = arith.constant 79 : index
    %get3A_1186 = memref.load %arg0[%get3A_1185] : memref<128xi32, #tpu.memory_space<smem>>
    %add3A_1187 = arith.addi %mul3A_1184, %get3A_1186 : i32
    %dma_start3A_1188 = arith.constant 7 : i32
    %dma_start3A_1189 = tpu.memref_slice %arg7[%dma_start3A_1188] : memref<8x!tpu.dma_semaphore, #tpu.memory_space<semaphore_mem>> -> memref<1x!tpu.dma_semaphore, #tpu.memory_space<semaphore_mem>>
    %dma_start3A_1190 = tpu.memref_squeeze %dma_start3A_1189 : memref<1x!tpu.dma_semaphore, #tpu.memory_space<semaphore_mem>> -> memref<!tpu.dma_semaphore, #tpu.memory_space<semaphore_mem>>
    %dma_start3A_1191 = arith.constant 79 : i32
    %dma_start3A_1192 = arith.constant 0 : i32
    %dma_start3A_1193 = tpu.memref_slice %arg6[%dma_start3A_1191, %dma_start3A_1192] : memref<128x1024xf32, #tpu.memory_space<vmem>> -> memref<1x1024xf32, #tpu.memory_space<vmem>>
    %dma_start3A_1194 = arith.constant 0 : i32
    %dma_start3A_1195 = tpu.memref_slice %arg4[%add3A_1187, %dma_start3A_1194] : memref<16384x1024xf32, #tpu.memory_space<hbm>> -> memref<1x1024xf32, #tpu.memory_space<hbm>>
    tpu.enqueue_dma source(%dma_start3A_1195 : memref<1x1024xf32, #tpu.memory_space<hbm>>) target(%dma_start3A_1193 : memref<1x1024xf32, #tpu.memory_space<vmem>>) target_semaphore(%dma_start3A_1190 : memref<!tpu.dma_semaphore, #tpu.memory_space<semaphore_mem>>)
    %get3A_1196 = arith.constant 80 : index
    %get3A_1197 = memref.load %arg1[%get3A_1196] : memref<128xi32, #tpu.memory_space<smem>>
    %mul3A_1198 = arith.constant 2048 : i32
    %mul3A_1199 = arith.muli %get3A_1197, %mul3A_1198 : i32
    %get3A_1200 = arith.constant 80 : index
    %get3A_1201 = memref.load %arg0[%get3A_1200] : memref<128xi32, #tpu.memory_space<smem>>
    %add3A_1202 = arith.addi %mul3A_1199, %get3A_1201 : i32
    %dma_start3A_1203 = arith.constant 0 : i32
    %dma_start3A_1204 = tpu.memref_slice %arg7[%dma_start3A_1203] : memref<8x!tpu.dma_semaphore, #tpu.memory_space<semaphore_mem>> -> memref<1x!tpu.dma_semaphore, #tpu.memory_space<semaphore_mem>>
    %dma_start3A_1205 = tpu.memref_squeeze %dma_start3A_1204 : memref<1x!tpu.dma_semaphore, #tpu.memory_space<semaphore_mem>> -> memref<!tpu.dma_semaphore, #tpu.memory_space<semaphore_mem>>
    %dma_start3A_1206 = arith.constant 80 : i32
    %dma_start3A_1207 = arith.constant 0 : i32
    %dma_start3A_1208 = tpu.memref_slice %arg6[%dma_start3A_1206, %dma_start3A_1207] : memref<128x1024xf32, #tpu.memory_space<vmem>> -> memref<1x1024xf32, #tpu.memory_space<vmem>>
    %dma_start3A_1209 = arith.constant 0 : i32
    %dma_start3A_1210 = tpu.memref_slice %arg4[%add3A_1202, %dma_start3A_1209] : memref<16384x1024xf32, #tpu.memory_space<hbm>> -> memref<1x1024xf32, #tpu.memory_space<hbm>>
    tpu.enqueue_dma source(%dma_start3A_1210 : memref<1x1024xf32, #tpu.memory_space<hbm>>) target(%dma_start3A_1208 : memref<1x1024xf32, #tpu.memory_space<vmem>>) target_semaphore(%dma_start3A_1205 : memref<!tpu.dma_semaphore, #tpu.memory_space<semaphore_mem>>)
    %get3A_1211 = arith.constant 81 : index
    %get3A_1212 = memref.load %arg1[%get3A_1211] : memref<128xi32, #tpu.memory_space<smem>>
    %mul3A_1213 = arith.constant 2048 : i32
    %mul3A_1214 = arith.muli %get3A_1212, %mul3A_1213 : i32
    %get3A_1215 = arith.constant 81 : index
    %get3A_1216 = memref.load %arg0[%get3A_1215] : memref<128xi32, #tpu.memory_space<smem>>
    %add3A_1217 = arith.addi %mul3A_1214, %get3A_1216 : i32
    %dma_start3A_1218 = arith.constant 1 : i32
    %dma_start3A_1219 = tpu.memref_slice %arg7[%dma_start3A_1218] : memref<8x!tpu.dma_semaphore, #tpu.memory_space<semaphore_mem>> -> memref<1x!tpu.dma_semaphore, #tpu.memory_space<semaphore_mem>>
    %dma_start3A_1220 = tpu.memref_squeeze %dma_start3A_1219 : memref<1x!tpu.dma_semaphore, #tpu.memory_space<semaphore_mem>> -> memref<!tpu.dma_semaphore, #tpu.memory_space<semaphore_mem>>
    %dma_start3A_1221 = arith.constant 81 : i32
    %dma_start3A_1222 = arith.constant 0 : i32
    %dma_start3A_1223 = tpu.memref_slice %arg6[%dma_start3A_1221, %dma_start3A_1222] : memref<128x1024xf32, #tpu.memory_space<vmem>> -> memref<1x1024xf32, #tpu.memory_space<vmem>>
    %dma_start3A_1224 = arith.constant 0 : i32
    %dma_start3A_1225 = tpu.memref_slice %arg4[%add3A_1217, %dma_start3A_1224] : memref<16384x1024xf32, #tpu.memory_space<hbm>> -> memref<1x1024xf32, #tpu.memory_space<hbm>>
    tpu.enqueue_dma source(%dma_start3A_1225 : memref<1x1024xf32, #tpu.memory_space<hbm>>) target(%dma_start3A_1223 : memref<1x1024xf32, #tpu.memory_space<vmem>>) target_semaphore(%dma_start3A_1220 : memref<!tpu.dma_semaphore, #tpu.memory_space<semaphore_mem>>)
    %get3A_1226 = arith.constant 82 : index
    %get3A_1227 = memref.load %arg1[%get3A_1226] : memref<128xi32, #tpu.memory_space<smem>>
    %mul3A_1228 = arith.constant 2048 : i32
    %mul3A_1229 = arith.muli %get3A_1227, %mul3A_1228 : i32
    %get3A_1230 = arith.constant 82 : index
    %get3A_1231 = memref.load %arg0[%get3A_1230] : memref<128xi32, #tpu.memory_space<smem>>
    %add3A_1232 = arith.addi %mul3A_1229, %get3A_1231 : i32
    %dma_start3A_1233 = arith.constant 2 : i32
    %dma_start3A_1234 = tpu.memref_slice %arg7[%dma_start3A_1233] : memref<8x!tpu.dma_semaphore, #tpu.memory_space<semaphore_mem>> -> memref<1x!tpu.dma_semaphore, #tpu.memory_space<semaphore_mem>>
    %dma_start3A_1235 = tpu.memref_squeeze %dma_start3A_1234 : memref<1x!tpu.dma_semaphore, #tpu.memory_space<semaphore_mem>> -> memref<!tpu.dma_semaphore, #tpu.memory_space<semaphore_mem>>
    %dma_start3A_1236 = arith.constant 82 : i32
    %dma_start3A_1237 = arith.constant 0 : i32
    %dma_start3A_1238 = tpu.memref_slice %arg6[%dma_start3A_1236, %dma_start3A_1237] : memref<128x1024xf32, #tpu.memory_space<vmem>> -> memref<1x1024xf32, #tpu.memory_space<vmem>>
    %dma_start3A_1239 = arith.constant 0 : i32
    %dma_start3A_1240 = tpu.memref_slice %arg4[%add3A_1232, %dma_start3A_1239] : memref<16384x1024xf32, #tpu.memory_space<hbm>> -> memref<1x1024xf32, #tpu.memory_space<hbm>>
    tpu.enqueue_dma source(%dma_start3A_1240 : memref<1x1024xf32, #tpu.memory_space<hbm>>) target(%dma_start3A_1238 : memref<1x1024xf32, #tpu.memory_space<vmem>>) target_semaphore(%dma_start3A_1235 : memref<!tpu.dma_semaphore, #tpu.memory_space<semaphore_mem>>)
    %get3A_1241 = arith.constant 83 : index
    %get3A_1242 = memref.load %arg1[%get3A_1241] : memref<128xi32, #tpu.memory_space<smem>>
    %mul3A_1243 = arith.constant 2048 : i32
    %mul3A_1244 = arith.muli %get3A_1242, %mul3A_1243 : i32
    %get3A_1245 = arith.constant 83 : index
    %get3A_1246 = memref.load %arg0[%get3A_1245] : memref<128xi32, #tpu.memory_space<smem>>
    %add3A_1247 = arith.addi %mul3A_1244, %get3A_1246 : i32
    %dma_start3A_1248 = arith.constant 3 : i32
    %dma_start3A_1249 = tpu.memref_slice %arg7[%dma_start3A_1248] : memref<8x!tpu.dma_semaphore, #tpu.memory_space<semaphore_mem>> -> memref<1x!tpu.dma_semaphore, #tpu.memory_space<semaphore_mem>>
    %dma_start3A_1250 = tpu.memref_squeeze %dma_start3A_1249 : memref<1x!tpu.dma_semaphore, #tpu.memory_space<semaphore_mem>> -> memref<!tpu.dma_semaphore, #tpu.memory_space<semaphore_mem>>
    %dma_start3A_1251 = arith.constant 83 : i32
    %dma_start3A_1252 = arith.constant 0 : i32
    %dma_start3A_1253 = tpu.memref_slice %arg6[%dma_start3A_1251, %dma_start3A_1252] : memref<128x1024xf32, #tpu.memory_space<vmem>> -> memref<1x1024xf32, #tpu.memory_space<vmem>>
    %dma_start3A_1254 = arith.constant 0 : i32
    %dma_start3A_1255 = tpu.memref_slice %arg4[%add3A_1247, %dma_start3A_1254] : memref<16384x1024xf32, #tpu.memory_space<hbm>> -> memref<1x1024xf32, #tpu.memory_space<hbm>>
    tpu.enqueue_dma source(%dma_start3A_1255 : memref<1x1024xf32, #tpu.memory_space<hbm>>) target(%dma_start3A_1253 : memref<1x1024xf32, #tpu.memory_space<vmem>>) target_semaphore(%dma_start3A_1250 : memref<!tpu.dma_semaphore, #tpu.memory_space<semaphore_mem>>)
    %get3A_1256 = arith.constant 84 : index
    %get3A_1257 = memref.load %arg1[%get3A_1256] : memref<128xi32, #tpu.memory_space<smem>>
    %mul3A_1258 = arith.constant 2048 : i32
    %mul3A_1259 = arith.muli %get3A_1257, %mul3A_1258 : i32
    %get3A_1260 = arith.constant 84 : index
    %get3A_1261 = memref.load %arg0[%get3A_1260] : memref<128xi32, #tpu.memory_space<smem>>
    %add3A_1262 = arith.addi %mul3A_1259, %get3A_1261 : i32
    %dma_start3A_1263 = arith.constant 4 : i32
    %dma_start3A_1264 = tpu.memref_slice %arg7[%dma_start3A_1263] : memref<8x!tpu.dma_semaphore, #tpu.memory_space<semaphore_mem>> -> memref<1x!tpu.dma_semaphore, #tpu.memory_space<semaphore_mem>>
    %dma_start3A_1265 = tpu.memref_squeeze %dma_start3A_1264 : memref<1x!tpu.dma_semaphore, #tpu.memory_space<semaphore_mem>> -> memref<!tpu.dma_semaphore, #tpu.memory_space<semaphore_mem>>
    %dma_start3A_1266 = arith.constant 84 : i32
    %dma_start3A_1267 = arith.constant 0 : i32
    %dma_start3A_1268 = tpu.memref_slice %arg6[%dma_start3A_1266, %dma_start3A_1267] : memref<128x1024xf32, #tpu.memory_space<vmem>> -> memref<1x1024xf32, #tpu.memory_space<vmem>>
    %dma_start3A_1269 = arith.constant 0 : i32
    %dma_start3A_1270 = tpu.memref_slice %arg4[%add3A_1262, %dma_start3A_1269] : memref<16384x1024xf32, #tpu.memory_space<hbm>> -> memref<1x1024xf32, #tpu.memory_space<hbm>>
    tpu.enqueue_dma source(%dma_start3A_1270 : memref<1x1024xf32, #tpu.memory_space<hbm>>) target(%dma_start3A_1268 : memref<1x1024xf32, #tpu.memory_space<vmem>>) target_semaphore(%dma_start3A_1265 : memref<!tpu.dma_semaphore, #tpu.memory_space<semaphore_mem>>)
    %get3A_1271 = arith.constant 85 : index
    %get3A_1272 = memref.load %arg1[%get3A_1271] : memref<128xi32, #tpu.memory_space<smem>>
    %mul3A_1273 = arith.constant 2048 : i32
    %mul3A_1274 = arith.muli %get3A_1272, %mul3A_1273 : i32
    %get3A_1275 = arith.constant 85 : index
    %get3A_1276 = memref.load %arg0[%get3A_1275] : memref<128xi32, #tpu.memory_space<smem>>
    %add3A_1277 = arith.addi %mul3A_1274, %get3A_1276 : i32
    %dma_start3A_1278 = arith.constant 5 : i32
    %dma_start3A_1279 = tpu.memref_slice %arg7[%dma_start3A_1278] : memref<8x!tpu.dma_semaphore, #tpu.memory_space<semaphore_mem>> -> memref<1x!tpu.dma_semaphore, #tpu.memory_space<semaphore_mem>>
    %dma_start3A_1280 = tpu.memref_squeeze %dma_start3A_1279 : memref<1x!tpu.dma_semaphore, #tpu.memory_space<semaphore_mem>> -> memref<!tpu.dma_semaphore, #tpu.memory_space<semaphore_mem>>
    %dma_start3A_1281 = arith.constant 85 : i32
    %dma_start3A_1282 = arith.constant 0 : i32
    %dma_start3A_1283 = tpu.memref_slice %arg6[%dma_start3A_1281, %dma_start3A_1282] : memref<128x1024xf32, #tpu.memory_space<vmem>> -> memref<1x1024xf32, #tpu.memory_space<vmem>>
    %dma_start3A_1284 = arith.constant 0 : i32
    %dma_start3A_1285 = tpu.memref_slice %arg4[%add3A_1277, %dma_start3A_1284] : memref<16384x1024xf32, #tpu.memory_space<hbm>> -> memref<1x1024xf32, #tpu.memory_space<hbm>>
    tpu.enqueue_dma source(%dma_start3A_1285 : memref<1x1024xf32, #tpu.memory_space<hbm>>) target(%dma_start3A_1283 : memref<1x1024xf32, #tpu.memory_space<vmem>>) target_semaphore(%dma_start3A_1280 : memref<!tpu.dma_semaphore, #tpu.memory_space<semaphore_mem>>)
    %get3A_1286 = arith.constant 86 : index
    %get3A_1287 = memref.load %arg1[%get3A_1286] : memref<128xi32, #tpu.memory_space<smem>>
    %mul3A_1288 = arith.constant 2048 : i32
    %mul3A_1289 = arith.muli %get3A_1287, %mul3A_1288 : i32
    %get3A_1290 = arith.constant 86 : index
    %get3A_1291 = memref.load %arg0[%get3A_1290] : memref<128xi32, #tpu.memory_space<smem>>
    %add3A_1292 = arith.addi %mul3A_1289, %get3A_1291 : i32
    %dma_start3A_1293 = arith.constant 6 : i32
    %dma_start3A_1294 = tpu.memref_slice %arg7[%dma_start3A_1293] : memref<8x!tpu.dma_semaphore, #tpu.memory_space<semaphore_mem>> -> memref<1x!tpu.dma_semaphore, #tpu.memory_space<semaphore_mem>>
    %dma_start3A_1295 = tpu.memref_squeeze %dma_start3A_1294 : memref<1x!tpu.dma_semaphore, #tpu.memory_space<semaphore_mem>> -> memref<!tpu.dma_semaphore, #tpu.memory_space<semaphore_mem>>
    %dma_start3A_1296 = arith.constant 86 : i32
    %dma_start3A_1297 = arith.constant 0 : i32
    %dma_start3A_1298 = tpu.memref_slice %arg6[%dma_start3A_1296, %dma_start3A_1297] : memref<128x1024xf32, #tpu.memory_space<vmem>> -> memref<1x1024xf32, #tpu.memory_space<vmem>>
    %dma_start3A_1299 = arith.constant 0 : i32
    %dma_start3A_1300 = tpu.memref_slice %arg4[%add3A_1292, %dma_start3A_1299] : memref<16384x1024xf32, #tpu.memory_space<hbm>> -> memref<1x1024xf32, #tpu.memory_space<hbm>>
    tpu.enqueue_dma source(%dma_start3A_1300 : memref<1x1024xf32, #tpu.memory_space<hbm>>) target(%dma_start3A_1298 : memref<1x1024xf32, #tpu.memory_space<vmem>>) target_semaphore(%dma_start3A_1295 : memref<!tpu.dma_semaphore, #tpu.memory_space<semaphore_mem>>)
    %get3A_1301 = arith.constant 87 : index
    %get3A_1302 = memref.load %arg1[%get3A_1301] : memref<128xi32, #tpu.memory_space<smem>>
    %mul3A_1303 = arith.constant 2048 : i32
    %mul3A_1304 = arith.muli %get3A_1302, %mul3A_1303 : i32
    %get3A_1305 = arith.constant 87 : index
    %get3A_1306 = memref.load %arg0[%get3A_1305] : memref<128xi32, #tpu.memory_space<smem>>
    %add3A_1307 = arith.addi %mul3A_1304, %get3A_1306 : i32
    %dma_start3A_1308 = arith.constant 7 : i32
    %dma_start3A_1309 = tpu.memref_slice %arg7[%dma_start3A_1308] : memref<8x!tpu.dma_semaphore, #tpu.memory_space<semaphore_mem>> -> memref<1x!tpu.dma_semaphore, #tpu.memory_space<semaphore_mem>>
    %dma_start3A_1310 = tpu.memref_squeeze %dma_start3A_1309 : memref<1x!tpu.dma_semaphore, #tpu.memory_space<semaphore_mem>> -> memref<!tpu.dma_semaphore, #tpu.memory_space<semaphore_mem>>
    %dma_start3A_1311 = arith.constant 87 : i32
    %dma_start3A_1312 = arith.constant 0 : i32
    %dma_start3A_1313 = tpu.memref_slice %arg6[%dma_start3A_1311, %dma_start3A_1312] : memref<128x1024xf32, #tpu.memory_space<vmem>> -> memref<1x1024xf32, #tpu.memory_space<vmem>>
    %dma_start3A_1314 = arith.constant 0 : i32
    %dma_start3A_1315 = tpu.memref_slice %arg4[%add3A_1307, %dma_start3A_1314] : memref<16384x1024xf32, #tpu.memory_space<hbm>> -> memref<1x1024xf32, #tpu.memory_space<hbm>>
    tpu.enqueue_dma source(%dma_start3A_1315 : memref<1x1024xf32, #tpu.memory_space<hbm>>) target(%dma_start3A_1313 : memref<1x1024xf32, #tpu.memory_space<vmem>>) target_semaphore(%dma_start3A_1310 : memref<!tpu.dma_semaphore, #tpu.memory_space<semaphore_mem>>)
    %get3A_1316 = arith.constant 88 : index
    %get3A_1317 = memref.load %arg1[%get3A_1316] : memref<128xi32, #tpu.memory_space<smem>>
    %mul3A_1318 = arith.constant 2048 : i32
    %mul3A_1319 = arith.muli %get3A_1317, %mul3A_1318 : i32
    %get3A_1320 = arith.constant 88 : index
    %get3A_1321 = memref.load %arg0[%get3A_1320] : memref<128xi32, #tpu.memory_space<smem>>
    %add3A_1322 = arith.addi %mul3A_1319, %get3A_1321 : i32
    %dma_start3A_1323 = arith.constant 0 : i32
    %dma_start3A_1324 = tpu.memref_slice %arg7[%dma_start3A_1323] : memref<8x!tpu.dma_semaphore, #tpu.memory_space<semaphore_mem>> -> memref<1x!tpu.dma_semaphore, #tpu.memory_space<semaphore_mem>>
    %dma_start3A_1325 = tpu.memref_squeeze %dma_start3A_1324 : memref<1x!tpu.dma_semaphore, #tpu.memory_space<semaphore_mem>> -> memref<!tpu.dma_semaphore, #tpu.memory_space<semaphore_mem>>
    %dma_start3A_1326 = arith.constant 88 : i32
    %dma_start3A_1327 = arith.constant 0 : i32
    %dma_start3A_1328 = tpu.memref_slice %arg6[%dma_start3A_1326, %dma_start3A_1327] : memref<128x1024xf32, #tpu.memory_space<vmem>> -> memref<1x1024xf32, #tpu.memory_space<vmem>>
    %dma_start3A_1329 = arith.constant 0 : i32
    %dma_start3A_1330 = tpu.memref_slice %arg4[%add3A_1322, %dma_start3A_1329] : memref<16384x1024xf32, #tpu.memory_space<hbm>> -> memref<1x1024xf32, #tpu.memory_space<hbm>>
    tpu.enqueue_dma source(%dma_start3A_1330 : memref<1x1024xf32, #tpu.memory_space<hbm>>) target(%dma_start3A_1328 : memref<1x1024xf32, #tpu.memory_space<vmem>>) target_semaphore(%dma_start3A_1325 : memref<!tpu.dma_semaphore, #tpu.memory_space<semaphore_mem>>)
    %get3A_1331 = arith.constant 89 : index
    %get3A_1332 = memref.load %arg1[%get3A_1331] : memref<128xi32, #tpu.memory_space<smem>>
    %mul3A_1333 = arith.constant 2048 : i32
    %mul3A_1334 = arith.muli %get3A_1332, %mul3A_1333 : i32
    %get3A_1335 = arith.constant 89 : index
    %get3A_1336 = memref.load %arg0[%get3A_1335] : memref<128xi32, #tpu.memory_space<smem>>
    %add3A_1337 = arith.addi %mul3A_1334, %get3A_1336 : i32
    %dma_start3A_1338 = arith.constant 1 : i32
    %dma_start3A_1339 = tpu.memref_slice %arg7[%dma_start3A_1338] : memref<8x!tpu.dma_semaphore, #tpu.memory_space<semaphore_mem>> -> memref<1x!tpu.dma_semaphore, #tpu.memory_space<semaphore_mem>>
    %dma_start3A_1340 = tpu.memref_squeeze %dma_start3A_1339 : memref<1x!tpu.dma_semaphore, #tpu.memory_space<semaphore_mem>> -> memref<!tpu.dma_semaphore, #tpu.memory_space<semaphore_mem>>
    %dma_start3A_1341 = arith.constant 89 : i32
    %dma_start3A_1342 = arith.constant 0 : i32
    %dma_start3A_1343 = tpu.memref_slice %arg6[%dma_start3A_1341, %dma_start3A_1342] : memref<128x1024xf32, #tpu.memory_space<vmem>> -> memref<1x1024xf32, #tpu.memory_space<vmem>>
    %dma_start3A_1344 = arith.constant 0 : i32
    %dma_start3A_1345 = tpu.memref_slice %arg4[%add3A_1337, %dma_start3A_1344] : memref<16384x1024xf32, #tpu.memory_space<hbm>> -> memref<1x1024xf32, #tpu.memory_space<hbm>>
    tpu.enqueue_dma source(%dma_start3A_1345 : memref<1x1024xf32, #tpu.memory_space<hbm>>) target(%dma_start3A_1343 : memref<1x1024xf32, #tpu.memory_space<vmem>>) target_semaphore(%dma_start3A_1340 : memref<!tpu.dma_semaphore, #tpu.memory_space<semaphore_mem>>)
    %get3A_1346 = arith.constant 90 : index
    %get3A_1347 = memref.load %arg1[%get3A_1346] : memref<128xi32, #tpu.memory_space<smem>>
    %mul3A_1348 = arith.constant 2048 : i32
    %mul3A_1349 = arith.muli %get3A_1347, %mul3A_1348 : i32
    %get3A_1350 = arith.constant 90 : index
    %get3A_1351 = memref.load %arg0[%get3A_1350] : memref<128xi32, #tpu.memory_space<smem>>
    %add3A_1352 = arith.addi %mul3A_1349, %get3A_1351 : i32
    %dma_start3A_1353 = arith.constant 2 : i32
    %dma_start3A_1354 = tpu.memref_slice %arg7[%dma_start3A_1353] : memref<8x!tpu.dma_semaphore, #tpu.memory_space<semaphore_mem>> -> memref<1x!tpu.dma_semaphore, #tpu.memory_space<semaphore_mem>>
    %dma_start3A_1355 = tpu.memref_squeeze %dma_start3A_1354 : memref<1x!tpu.dma_semaphore, #tpu.memory_space<semaphore_mem>> -> memref<!tpu.dma_semaphore, #tpu.memory_space<semaphore_mem>>
    %dma_start3A_1356 = arith.constant 90 : i32
    %dma_start3A_1357 = arith.constant 0 : i32
    %dma_start3A_1358 = tpu.memref_slice %arg6[%dma_start3A_1356, %dma_start3A_1357] : memref<128x1024xf32, #tpu.memory_space<vmem>> -> memref<1x1024xf32, #tpu.memory_space<vmem>>
    %dma_start3A_1359 = arith.constant 0 : i32
    %dma_start3A_1360 = tpu.memref_slice %arg4[%add3A_1352, %dma_start3A_1359] : memref<16384x1024xf32, #tpu.memory_space<hbm>> -> memref<1x1024xf32, #tpu.memory_space<hbm>>
    tpu.enqueue_dma source(%dma_start3A_1360 : memref<1x1024xf32, #tpu.memory_space<hbm>>) target(%dma_start3A_1358 : memref<1x1024xf32, #tpu.memory_space<vmem>>) target_semaphore(%dma_start3A_1355 : memref<!tpu.dma_semaphore, #tpu.memory_space<semaphore_mem>>)
    %get3A_1361 = arith.constant 91 : index
    %get3A_1362 = memref.load %arg1[%get3A_1361] : memref<128xi32, #tpu.memory_space<smem>>
    %mul3A_1363 = arith.constant 2048 : i32
    %mul3A_1364 = arith.muli %get3A_1362, %mul3A_1363 : i32
    %get3A_1365 = arith.constant 91 : index
    %get3A_1366 = memref.load %arg0[%get3A_1365] : memref<128xi32, #tpu.memory_space<smem>>
    %add3A_1367 = arith.addi %mul3A_1364, %get3A_1366 : i32
    %dma_start3A_1368 = arith.constant 3 : i32
    %dma_start3A_1369 = tpu.memref_slice %arg7[%dma_start3A_1368] : memref<8x!tpu.dma_semaphore, #tpu.memory_space<semaphore_mem>> -> memref<1x!tpu.dma_semaphore, #tpu.memory_space<semaphore_mem>>
    %dma_start3A_1370 = tpu.memref_squeeze %dma_start3A_1369 : memref<1x!tpu.dma_semaphore, #tpu.memory_space<semaphore_mem>> -> memref<!tpu.dma_semaphore, #tpu.memory_space<semaphore_mem>>
    %dma_start3A_1371 = arith.constant 91 : i32
    %dma_start3A_1372 = arith.constant 0 : i32
    %dma_start3A_1373 = tpu.memref_slice %arg6[%dma_start3A_1371, %dma_start3A_1372] : memref<128x1024xf32, #tpu.memory_space<vmem>> -> memref<1x1024xf32, #tpu.memory_space<vmem>>
    %dma_start3A_1374 = arith.constant 0 : i32
    %dma_start3A_1375 = tpu.memref_slice %arg4[%add3A_1367, %dma_start3A_1374] : memref<16384x1024xf32, #tpu.memory_space<hbm>> -> memref<1x1024xf32, #tpu.memory_space<hbm>>
    tpu.enqueue_dma source(%dma_start3A_1375 : memref<1x1024xf32, #tpu.memory_space<hbm>>) target(%dma_start3A_1373 : memref<1x1024xf32, #tpu.memory_space<vmem>>) target_semaphore(%dma_start3A_1370 : memref<!tpu.dma_semaphore, #tpu.memory_space<semaphore_mem>>)
    %get3A_1376 = arith.constant 92 : index
    %get3A_1377 = memref.load %arg1[%get3A_1376] : memref<128xi32, #tpu.memory_space<smem>>
    %mul3A_1378 = arith.constant 2048 : i32
    %mul3A_1379 = arith.muli %get3A_1377, %mul3A_1378 : i32
    %get3A_1380 = arith.constant 92 : index
    %get3A_1381 = memref.load %arg0[%get3A_1380] : memref<128xi32, #tpu.memory_space<smem>>
    %add3A_1382 = arith.addi %mul3A_1379, %get3A_1381 : i32
    %dma_start3A_1383 = arith.constant 4 : i32
    %dma_start3A_1384 = tpu.memref_slice %arg7[%dma_start3A_1383] : memref<8x!tpu.dma_semaphore, #tpu.memory_space<semaphore_mem>> -> memref<1x!tpu.dma_semaphore, #tpu.memory_space<semaphore_mem>>
    %dma_start3A_1385 = tpu.memref_squeeze %dma_start3A_1384 : memref<1x!tpu.dma_semaphore, #tpu.memory_space<semaphore_mem>> -> memref<!tpu.dma_semaphore, #tpu.memory_space<semaphore_mem>>
    %dma_start3A_1386 = arith.constant 92 : i32
    %dma_start3A_1387 = arith.constant 0 : i32
    %dma_start3A_1388 = tpu.memref_slice %arg6[%dma_start3A_1386, %dma_start3A_1387] : memref<128x1024xf32, #tpu.memory_space<vmem>> -> memref<1x1024xf32, #tpu.memory_space<vmem>>
    %dma_start3A_1389 = arith.constant 0 : i32
    %dma_start3A_1390 = tpu.memref_slice %arg4[%add3A_1382, %dma_start3A_1389] : memref<16384x1024xf32, #tpu.memory_space<hbm>> -> memref<1x1024xf32, #tpu.memory_space<hbm>>
    tpu.enqueue_dma source(%dma_start3A_1390 : memref<1x1024xf32, #tpu.memory_space<hbm>>) target(%dma_start3A_1388 : memref<1x1024xf32, #tpu.memory_space<vmem>>) target_semaphore(%dma_start3A_1385 : memref<!tpu.dma_semaphore, #tpu.memory_space<semaphore_mem>>)
    %get3A_1391 = arith.constant 93 : index
    %get3A_1392 = memref.load %arg1[%get3A_1391] : memref<128xi32, #tpu.memory_space<smem>>
    %mul3A_1393 = arith.constant 2048 : i32
    %mul3A_1394 = arith.muli %get3A_1392, %mul3A_1393 : i32
    %get3A_1395 = arith.constant 93 : index
    %get3A_1396 = memref.load %arg0[%get3A_1395] : memref<128xi32, #tpu.memory_space<smem>>
    %add3A_1397 = arith.addi %mul3A_1394, %get3A_1396 : i32
    %dma_start3A_1398 = arith.constant 5 : i32
    %dma_start3A_1399 = tpu.memref_slice %arg7[%dma_start3A_1398] : memref<8x!tpu.dma_semaphore, #tpu.memory_space<semaphore_mem>> -> memref<1x!tpu.dma_semaphore, #tpu.memory_space<semaphore_mem>>
    %dma_start3A_1400 = tpu.memref_squeeze %dma_start3A_1399 : memref<1x!tpu.dma_semaphore, #tpu.memory_space<semaphore_mem>> -> memref<!tpu.dma_semaphore, #tpu.memory_space<semaphore_mem>>
    %dma_start3A_1401 = arith.constant 93 : i32
    %dma_start3A_1402 = arith.constant 0 : i32
    %dma_start3A_1403 = tpu.memref_slice %arg6[%dma_start3A_1401, %dma_start3A_1402] : memref<128x1024xf32, #tpu.memory_space<vmem>> -> memref<1x1024xf32, #tpu.memory_space<vmem>>
    %dma_start3A_1404 = arith.constant 0 : i32
    %dma_start3A_1405 = tpu.memref_slice %arg4[%add3A_1397, %dma_start3A_1404] : memref<16384x1024xf32, #tpu.memory_space<hbm>> -> memref<1x1024xf32, #tpu.memory_space<hbm>>
    tpu.enqueue_dma source(%dma_start3A_1405 : memref<1x1024xf32, #tpu.memory_space<hbm>>) target(%dma_start3A_1403 : memref<1x1024xf32, #tpu.memory_space<vmem>>) target_semaphore(%dma_start3A_1400 : memref<!tpu.dma_semaphore, #tpu.memory_space<semaphore_mem>>)
    %get3A_1406 = arith.constant 94 : index
    %get3A_1407 = memref.load %arg1[%get3A_1406] : memref<128xi32, #tpu.memory_space<smem>>
    %mul3A_1408 = arith.constant 2048 : i32
    %mul3A_1409 = arith.muli %get3A_1407, %mul3A_1408 : i32
    %get3A_1410 = arith.constant 94 : index
    %get3A_1411 = memref.load %arg0[%get3A_1410] : memref<128xi32, #tpu.memory_space<smem>>
    %add3A_1412 = arith.addi %mul3A_1409, %get3A_1411 : i32
    %dma_start3A_1413 = arith.constant 6 : i32
    %dma_start3A_1414 = tpu.memref_slice %arg7[%dma_start3A_1413] : memref<8x!tpu.dma_semaphore, #tpu.memory_space<semaphore_mem>> -> memref<1x!tpu.dma_semaphore, #tpu.memory_space<semaphore_mem>>
    %dma_start3A_1415 = tpu.memref_squeeze %dma_start3A_1414 : memref<1x!tpu.dma_semaphore, #tpu.memory_space<semaphore_mem>> -> memref<!tpu.dma_semaphore, #tpu.memory_space<semaphore_mem>>
    %dma_start3A_1416 = arith.constant 94 : i32
    %dma_start3A_1417 = arith.constant 0 : i32
    %dma_start3A_1418 = tpu.memref_slice %arg6[%dma_start3A_1416, %dma_start3A_1417] : memref<128x1024xf32, #tpu.memory_space<vmem>> -> memref<1x1024xf32, #tpu.memory_space<vmem>>
    %dma_start3A_1419 = arith.constant 0 : i32
    %dma_start3A_1420 = tpu.memref_slice %arg4[%add3A_1412, %dma_start3A_1419] : memref<16384x1024xf32, #tpu.memory_space<hbm>> -> memref<1x1024xf32, #tpu.memory_space<hbm>>
    tpu.enqueue_dma source(%dma_start3A_1420 : memref<1x1024xf32, #tpu.memory_space<hbm>>) target(%dma_start3A_1418 : memref<1x1024xf32, #tpu.memory_space<vmem>>) target_semaphore(%dma_start3A_1415 : memref<!tpu.dma_semaphore, #tpu.memory_space<semaphore_mem>>)
    %get3A_1421 = arith.constant 95 : index
    %get3A_1422 = memref.load %arg1[%get3A_1421] : memref<128xi32, #tpu.memory_space<smem>>
    %mul3A_1423 = arith.constant 2048 : i32
    %mul3A_1424 = arith.muli %get3A_1422, %mul3A_1423 : i32
    %get3A_1425 = arith.constant 95 : index
    %get3A_1426 = memref.load %arg0[%get3A_1425] : memref<128xi32, #tpu.memory_space<smem>>
    %add3A_1427 = arith.addi %mul3A_1424, %get3A_1426 : i32
    %dma_start3A_1428 = arith.constant 7 : i32
    %dma_start3A_1429 = tpu.memref_slice %arg7[%dma_start3A_1428] : memref<8x!tpu.dma_semaphore, #tpu.memory_space<semaphore_mem>> -> memref<1x!tpu.dma_semaphore, #tpu.memory_space<semaphore_mem>>
    %dma_start3A_1430 = tpu.memref_squeeze %dma_start3A_1429 : memref<1x!tpu.dma_semaphore, #tpu.memory_space<semaphore_mem>> -> memref<!tpu.dma_semaphore, #tpu.memory_space<semaphore_mem>>
    %dma_start3A_1431 = arith.constant 95 : i32
    %dma_start3A_1432 = arith.constant 0 : i32
    %dma_start3A_1433 = tpu.memref_slice %arg6[%dma_start3A_1431, %dma_start3A_1432] : memref<128x1024xf32, #tpu.memory_space<vmem>> -> memref<1x1024xf32, #tpu.memory_space<vmem>>
    %dma_start3A_1434 = arith.constant 0 : i32
    %dma_start3A_1435 = tpu.memref_slice %arg4[%add3A_1427, %dma_start3A_1434] : memref<16384x1024xf32, #tpu.memory_space<hbm>> -> memref<1x1024xf32, #tpu.memory_space<hbm>>
    tpu.enqueue_dma source(%dma_start3A_1435 : memref<1x1024xf32, #tpu.memory_space<hbm>>) target(%dma_start3A_1433 : memref<1x1024xf32, #tpu.memory_space<vmem>>) target_semaphore(%dma_start3A_1430 : memref<!tpu.dma_semaphore, #tpu.memory_space<semaphore_mem>>)
    %get3A_1436 = arith.constant 96 : index
    %get3A_1437 = memref.load %arg1[%get3A_1436] : memref<128xi32, #tpu.memory_space<smem>>
    %mul3A_1438 = arith.constant 2048 : i32
    %mul3A_1439 = arith.muli %get3A_1437, %mul3A_1438 : i32
    %get3A_1440 = arith.constant 96 : index
    %get3A_1441 = memref.load %arg0[%get3A_1440] : memref<128xi32, #tpu.memory_space<smem>>
    %add3A_1442 = arith.addi %mul3A_1439, %get3A_1441 : i32
    %dma_start3A_1443 = arith.constant 0 : i32
    %dma_start3A_1444 = tpu.memref_slice %arg7[%dma_start3A_1443] : memref<8x!tpu.dma_semaphore, #tpu.memory_space<semaphore_mem>> -> memref<1x!tpu.dma_semaphore, #tpu.memory_space<semaphore_mem>>
    %dma_start3A_1445 = tpu.memref_squeeze %dma_start3A_1444 : memref<1x!tpu.dma_semaphore, #tpu.memory_space<semaphore_mem>> -> memref<!tpu.dma_semaphore, #tpu.memory_space<semaphore_mem>>
    %dma_start3A_1446 = arith.constant 96 : i32
    %dma_start3A_1447 = arith.constant 0 : i32
    %dma_start3A_1448 = tpu.memref_slice %arg6[%dma_start3A_1446, %dma_start3A_1447] : memref<128x1024xf32, #tpu.memory_space<vmem>> -> memref<1x1024xf32, #tpu.memory_space<vmem>>
    %dma_start3A_1449 = arith.constant 0 : i32
    %dma_start3A_1450 = tpu.memref_slice %arg4[%add3A_1442, %dma_start3A_1449] : memref<16384x1024xf32, #tpu.memory_space<hbm>> -> memref<1x1024xf32, #tpu.memory_space<hbm>>
    tpu.enqueue_dma source(%dma_start3A_1450 : memref<1x1024xf32, #tpu.memory_space<hbm>>) target(%dma_start3A_1448 : memref<1x1024xf32, #tpu.memory_space<vmem>>) target_semaphore(%dma_start3A_1445 : memref<!tpu.dma_semaphore, #tpu.memory_space<semaphore_mem>>)
    %get3A_1451 = arith.constant 97 : index
    %get3A_1452 = memref.load %arg1[%get3A_1451] : memref<128xi32, #tpu.memory_space<smem>>
    %mul3A_1453 = arith.constant 2048 : i32
    %mul3A_1454 = arith.muli %get3A_1452, %mul3A_1453 : i32
    %get3A_1455 = arith.constant 97 : index
    %get3A_1456 = memref.load %arg0[%get3A_1455] : memref<128xi32, #tpu.memory_space<smem>>
    %add3A_1457 = arith.addi %mul3A_1454, %get3A_1456 : i32
    %dma_start3A_1458 = arith.constant 1 : i32
    %dma_start3A_1459 = tpu.memref_slice %arg7[%dma_start3A_1458] : memref<8x!tpu.dma_semaphore, #tpu.memory_space<semaphore_mem>> -> memref<1x!tpu.dma_semaphore, #tpu.memory_space<semaphore_mem>>
    %dma_start3A_1460 = tpu.memref_squeeze %dma_start3A_1459 : memref<1x!tpu.dma_semaphore, #tpu.memory_space<semaphore_mem>> -> memref<!tpu.dma_semaphore, #tpu.memory_space<semaphore_mem>>
    %dma_start3A_1461 = arith.constant 97 : i32
    %dma_start3A_1462 = arith.constant 0 : i32
    %dma_start3A_1463 = tpu.memref_slice %arg6[%dma_start3A_1461, %dma_start3A_1462] : memref<128x1024xf32, #tpu.memory_space<vmem>> -> memref<1x1024xf32, #tpu.memory_space<vmem>>
    %dma_start3A_1464 = arith.constant 0 : i32
    %dma_start3A_1465 = tpu.memref_slice %arg4[%add3A_1457, %dma_start3A_1464] : memref<16384x1024xf32, #tpu.memory_space<hbm>> -> memref<1x1024xf32, #tpu.memory_space<hbm>>
    tpu.enqueue_dma source(%dma_start3A_1465 : memref<1x1024xf32, #tpu.memory_space<hbm>>) target(%dma_start3A_1463 : memref<1x1024xf32, #tpu.memory_space<vmem>>) target_semaphore(%dma_start3A_1460 : memref<!tpu.dma_semaphore, #tpu.memory_space<semaphore_mem>>)
    %get3A_1466 = arith.constant 98 : index
    %get3A_1467 = memref.load %arg1[%get3A_1466] : memref<128xi32, #tpu.memory_space<smem>>
    %mul3A_1468 = arith.constant 2048 : i32
    %mul3A_1469 = arith.muli %get3A_1467, %mul3A_1468 : i32
    %get3A_1470 = arith.constant 98 : index
    %get3A_1471 = memref.load %arg0[%get3A_1470] : memref<128xi32, #tpu.memory_space<smem>>
    %add3A_1472 = arith.addi %mul3A_1469, %get3A_1471 : i32
    %dma_start3A_1473 = arith.constant 2 : i32
    %dma_start3A_1474 = tpu.memref_slice %arg7[%dma_start3A_1473] : memref<8x!tpu.dma_semaphore, #tpu.memory_space<semaphore_mem>> -> memref<1x!tpu.dma_semaphore, #tpu.memory_space<semaphore_mem>>
    %dma_start3A_1475 = tpu.memref_squeeze %dma_start3A_1474 : memref<1x!tpu.dma_semaphore, #tpu.memory_space<semaphore_mem>> -> memref<!tpu.dma_semaphore, #tpu.memory_space<semaphore_mem>>
    %dma_start3A_1476 = arith.constant 98 : i32
    %dma_start3A_1477 = arith.constant 0 : i32
    %dma_start3A_1478 = tpu.memref_slice %arg6[%dma_start3A_1476, %dma_start3A_1477] : memref<128x1024xf32, #tpu.memory_space<vmem>> -> memref<1x1024xf32, #tpu.memory_space<vmem>>
    %dma_start3A_1479 = arith.constant 0 : i32
    %dma_start3A_1480 = tpu.memref_slice %arg4[%add3A_1472, %dma_start3A_1479] : memref<16384x1024xf32, #tpu.memory_space<hbm>> -> memref<1x1024xf32, #tpu.memory_space<hbm>>
    tpu.enqueue_dma source(%dma_start3A_1480 : memref<1x1024xf32, #tpu.memory_space<hbm>>) target(%dma_start3A_1478 : memref<1x1024xf32, #tpu.memory_space<vmem>>) target_semaphore(%dma_start3A_1475 : memref<!tpu.dma_semaphore, #tpu.memory_space<semaphore_mem>>)
    %get3A_1481 = arith.constant 99 : index
    %get3A_1482 = memref.load %arg1[%get3A_1481] : memref<128xi32, #tpu.memory_space<smem>>
    %mul3A_1483 = arith.constant 2048 : i32
    %mul3A_1484 = arith.muli %get3A_1482, %mul3A_1483 : i32
    %get3A_1485 = arith.constant 99 : index
    %get3A_1486 = memref.load %arg0[%get3A_1485] : memref<128xi32, #tpu.memory_space<smem>>
    %add3A_1487 = arith.addi %mul3A_1484, %get3A_1486 : i32
    %dma_start3A_1488 = arith.constant 3 : i32
    %dma_start3A_1489 = tpu.memref_slice %arg7[%dma_start3A_1488] : memref<8x!tpu.dma_semaphore, #tpu.memory_space<semaphore_mem>> -> memref<1x!tpu.dma_semaphore, #tpu.memory_space<semaphore_mem>>
    %dma_start3A_1490 = tpu.memref_squeeze %dma_start3A_1489 : memref<1x!tpu.dma_semaphore, #tpu.memory_space<semaphore_mem>> -> memref<!tpu.dma_semaphore, #tpu.memory_space<semaphore_mem>>
    %dma_start3A_1491 = arith.constant 99 : i32
    %dma_start3A_1492 = arith.constant 0 : i32
    %dma_start3A_1493 = tpu.memref_slice %arg6[%dma_start3A_1491, %dma_start3A_1492] : memref<128x1024xf32, #tpu.memory_space<vmem>> -> memref<1x1024xf32, #tpu.memory_space<vmem>>
    %dma_start3A_1494 = arith.constant 0 : i32
    %dma_start3A_1495 = tpu.memref_slice %arg4[%add3A_1487, %dma_start3A_1494] : memref<16384x1024xf32, #tpu.memory_space<hbm>> -> memref<1x1024xf32, #tpu.memory_space<hbm>>
    tpu.enqueue_dma source(%dma_start3A_1495 : memref<1x1024xf32, #tpu.memory_space<hbm>>) target(%dma_start3A_1493 : memref<1x1024xf32, #tpu.memory_space<vmem>>) target_semaphore(%dma_start3A_1490 : memref<!tpu.dma_semaphore, #tpu.memory_space<semaphore_mem>>)
    %get3A_1496 = arith.constant 100 : index
    %get3A_1497 = memref.load %arg1[%get3A_1496] : memref<128xi32, #tpu.memory_space<smem>>
    %mul3A_1498 = arith.constant 2048 : i32
    %mul3A_1499 = arith.muli %get3A_1497, %mul3A_1498 : i32
    %get3A_1500 = arith.constant 100 : index
    %get3A_1501 = memref.load %arg0[%get3A_1500] : memref<128xi32, #tpu.memory_space<smem>>
    %add3A_1502 = arith.addi %mul3A_1499, %get3A_1501 : i32
    %dma_start3A_1503 = arith.constant 4 : i32
    %dma_start3A_1504 = tpu.memref_slice %arg7[%dma_start3A_1503] : memref<8x!tpu.dma_semaphore, #tpu.memory_space<semaphore_mem>> -> memref<1x!tpu.dma_semaphore, #tpu.memory_space<semaphore_mem>>
    %dma_start3A_1505 = tpu.memref_squeeze %dma_start3A_1504 : memref<1x!tpu.dma_semaphore, #tpu.memory_space<semaphore_mem>> -> memref<!tpu.dma_semaphore, #tpu.memory_space<semaphore_mem>>
    %dma_start3A_1506 = arith.constant 100 : i32
    %dma_start3A_1507 = arith.constant 0 : i32
    %dma_start3A_1508 = tpu.memref_slice %arg6[%dma_start3A_1506, %dma_start3A_1507] : memref<128x1024xf32, #tpu.memory_space<vmem>> -> memref<1x1024xf32, #tpu.memory_space<vmem>>
    %dma_start3A_1509 = arith.constant 0 : i32
    %dma_start3A_1510 = tpu.memref_slice %arg4[%add3A_1502, %dma_start3A_1509] : memref<16384x1024xf32, #tpu.memory_space<hbm>> -> memref<1x1024xf32, #tpu.memory_space<hbm>>
    tpu.enqueue_dma source(%dma_start3A_1510 : memref<1x1024xf32, #tpu.memory_space<hbm>>) target(%dma_start3A_1508 : memref<1x1024xf32, #tpu.memory_space<vmem>>) target_semaphore(%dma_start3A_1505 : memref<!tpu.dma_semaphore, #tpu.memory_space<semaphore_mem>>)
    %get3A_1511 = arith.constant 101 : index
    %get3A_1512 = memref.load %arg1[%get3A_1511] : memref<128xi32, #tpu.memory_space<smem>>
    %mul3A_1513 = arith.constant 2048 : i32
    %mul3A_1514 = arith.muli %get3A_1512, %mul3A_1513 : i32
    %get3A_1515 = arith.constant 101 : index
    %get3A_1516 = memref.load %arg0[%get3A_1515] : memref<128xi32, #tpu.memory_space<smem>>
    %add3A_1517 = arith.addi %mul3A_1514, %get3A_1516 : i32
    %dma_start3A_1518 = arith.constant 5 : i32
    %dma_start3A_1519 = tpu.memref_slice %arg7[%dma_start3A_1518] : memref<8x!tpu.dma_semaphore, #tpu.memory_space<semaphore_mem>> -> memref<1x!tpu.dma_semaphore, #tpu.memory_space<semaphore_mem>>
    %dma_start3A_1520 = tpu.memref_squeeze %dma_start3A_1519 : memref<1x!tpu.dma_semaphore, #tpu.memory_space<semaphore_mem>> -> memref<!tpu.dma_semaphore, #tpu.memory_space<semaphore_mem>>
    %dma_start3A_1521 = arith.constant 101 : i32
    %dma_start3A_1522 = arith.constant 0 : i32
    %dma_start3A_1523 = tpu.memref_slice %arg6[%dma_start3A_1521, %dma_start3A_1522] : memref<128x1024xf32, #tpu.memory_space<vmem>> -> memref<1x1024xf32, #tpu.memory_space<vmem>>
    %dma_start3A_1524 = arith.constant 0 : i32
    %dma_start3A_1525 = tpu.memref_slice %arg4[%add3A_1517, %dma_start3A_1524] : memref<16384x1024xf32, #tpu.memory_space<hbm>> -> memref<1x1024xf32, #tpu.memory_space<hbm>>
    tpu.enqueue_dma source(%dma_start3A_1525 : memref<1x1024xf32, #tpu.memory_space<hbm>>) target(%dma_start3A_1523 : memref<1x1024xf32, #tpu.memory_space<vmem>>) target_semaphore(%dma_start3A_1520 : memref<!tpu.dma_semaphore, #tpu.memory_space<semaphore_mem>>)
    %get3A_1526 = arith.constant 102 : index
    %get3A_1527 = memref.load %arg1[%get3A_1526] : memref<128xi32, #tpu.memory_space<smem>>
    %mul3A_1528 = arith.constant 2048 : i32
    %mul3A_1529 = arith.muli %get3A_1527, %mul3A_1528 : i32
    %get3A_1530 = arith.constant 102 : index
    %get3A_1531 = memref.load %arg0[%get3A_1530] : memref<128xi32, #tpu.memory_space<smem>>
    %add3A_1532 = arith.addi %mul3A_1529, %get3A_1531 : i32
    %dma_start3A_1533 = arith.constant 6 : i32
    %dma_start3A_1534 = tpu.memref_slice %arg7[%dma_start3A_1533] : memref<8x!tpu.dma_semaphore, #tpu.memory_space<semaphore_mem>> -> memref<1x!tpu.dma_semaphore, #tpu.memory_space<semaphore_mem>>
    %dma_start3A_1535 = tpu.memref_squeeze %dma_start3A_1534 : memref<1x!tpu.dma_semaphore, #tpu.memory_space<semaphore_mem>> -> memref<!tpu.dma_semaphore, #tpu.memory_space<semaphore_mem>>
    %dma_start3A_1536 = arith.constant 102 : i32
    %dma_start3A_1537 = arith.constant 0 : i32
    %dma_start3A_1538 = tpu.memref_slice %arg6[%dma_start3A_1536, %dma_start3A_1537] : memref<128x1024xf32, #tpu.memory_space<vmem>> -> memref<1x1024xf32, #tpu.memory_space<vmem>>
    %dma_start3A_1539 = arith.constant 0 : i32
    %dma_start3A_1540 = tpu.memref_slice %arg4[%add3A_1532, %dma_start3A_1539] : memref<16384x1024xf32, #tpu.memory_space<hbm>> -> memref<1x1024xf32, #tpu.memory_space<hbm>>
    tpu.enqueue_dma source(%dma_start3A_1540 : memref<1x1024xf32, #tpu.memory_space<hbm>>) target(%dma_start3A_1538 : memref<1x1024xf32, #tpu.memory_space<vmem>>) target_semaphore(%dma_start3A_1535 : memref<!tpu.dma_semaphore, #tpu.memory_space<semaphore_mem>>)
    %get3A_1541 = arith.constant 103 : index
    %get3A_1542 = memref.load %arg1[%get3A_1541] : memref<128xi32, #tpu.memory_space<smem>>
    %mul3A_1543 = arith.constant 2048 : i32
    %mul3A_1544 = arith.muli %get3A_1542, %mul3A_1543 : i32
    %get3A_1545 = arith.constant 103 : index
    %get3A_1546 = memref.load %arg0[%get3A_1545] : memref<128xi32, #tpu.memory_space<smem>>
    %add3A_1547 = arith.addi %mul3A_1544, %get3A_1546 : i32
    %dma_start3A_1548 = arith.constant 7 : i32
    %dma_start3A_1549 = tpu.memref_slice %arg7[%dma_start3A_1548] : memref<8x!tpu.dma_semaphore, #tpu.memory_space<semaphore_mem>> -> memref<1x!tpu.dma_semaphore, #tpu.memory_space<semaphore_mem>>
    %dma_start3A_1550 = tpu.memref_squeeze %dma_start3A_1549 : memref<1x!tpu.dma_semaphore, #tpu.memory_space<semaphore_mem>> -> memref<!tpu.dma_semaphore, #tpu.memory_space<semaphore_mem>>
    %dma_start3A_1551 = arith.constant 103 : i32
    %dma_start3A_1552 = arith.constant 0 : i32
    %dma_start3A_1553 = tpu.memref_slice %arg6[%dma_start3A_1551, %dma_start3A_1552] : memref<128x1024xf32, #tpu.memory_space<vmem>> -> memref<1x1024xf32, #tpu.memory_space<vmem>>
    %dma_start3A_1554 = arith.constant 0 : i32
    %dma_start3A_1555 = tpu.memref_slice %arg4[%add3A_1547, %dma_start3A_1554] : memref<16384x1024xf32, #tpu.memory_space<hbm>> -> memref<1x1024xf32, #tpu.memory_space<hbm>>
    tpu.enqueue_dma source(%dma_start3A_1555 : memref<1x1024xf32, #tpu.memory_space<hbm>>) target(%dma_start3A_1553 : memref<1x1024xf32, #tpu.memory_space<vmem>>) target_semaphore(%dma_start3A_1550 : memref<!tpu.dma_semaphore, #tpu.memory_space<semaphore_mem>>)
    %get3A_1556 = arith.constant 104 : index
    %get3A_1557 = memref.load %arg1[%get3A_1556] : memref<128xi32, #tpu.memory_space<smem>>
    %mul3A_1558 = arith.constant 2048 : i32
    %mul3A_1559 = arith.muli %get3A_1557, %mul3A_1558 : i32
    %get3A_1560 = arith.constant 104 : index
    %get3A_1561 = memref.load %arg0[%get3A_1560] : memref<128xi32, #tpu.memory_space<smem>>
    %add3A_1562 = arith.addi %mul3A_1559, %get3A_1561 : i32
    %dma_start3A_1563 = arith.constant 0 : i32
    %dma_start3A_1564 = tpu.memref_slice %arg7[%dma_start3A_1563] : memref<8x!tpu.dma_semaphore, #tpu.memory_space<semaphore_mem>> -> memref<1x!tpu.dma_semaphore, #tpu.memory_space<semaphore_mem>>
    %dma_start3A_1565 = tpu.memref_squeeze %dma_start3A_1564 : memref<1x!tpu.dma_semaphore, #tpu.memory_space<semaphore_mem>> -> memref<!tpu.dma_semaphore, #tpu.memory_space<semaphore_mem>>
    %dma_start3A_1566 = arith.constant 104 : i32
    %dma_start3A_1567 = arith.constant 0 : i32
    %dma_start3A_1568 = tpu.memref_slice %arg6[%dma_start3A_1566, %dma_start3A_1567] : memref<128x1024xf32, #tpu.memory_space<vmem>> -> memref<1x1024xf32, #tpu.memory_space<vmem>>
    %dma_start3A_1569 = arith.constant 0 : i32
    %dma_start3A_1570 = tpu.memref_slice %arg4[%add3A_1562, %dma_start3A_1569] : memref<16384x1024xf32, #tpu.memory_space<hbm>> -> memref<1x1024xf32, #tpu.memory_space<hbm>>
    tpu.enqueue_dma source(%dma_start3A_1570 : memref<1x1024xf32, #tpu.memory_space<hbm>>) target(%dma_start3A_1568 : memref<1x1024xf32, #tpu.memory_space<vmem>>) target_semaphore(%dma_start3A_1565 : memref<!tpu.dma_semaphore, #tpu.memory_space<semaphore_mem>>)
    %get3A_1571 = arith.constant 105 : index
    %get3A_1572 = memref.load %arg1[%get3A_1571] : memref<128xi32, #tpu.memory_space<smem>>
    %mul3A_1573 = arith.constant 2048 : i32
    %mul3A_1574 = arith.muli %get3A_1572, %mul3A_1573 : i32
    %get3A_1575 = arith.constant 105 : index
    %get3A_1576 = memref.load %arg0[%get3A_1575] : memref<128xi32, #tpu.memory_space<smem>>
    %add3A_1577 = arith.addi %mul3A_1574, %get3A_1576 : i32
    %dma_start3A_1578 = arith.constant 1 : i32
    %dma_start3A_1579 = tpu.memref_slice %arg7[%dma_start3A_1578] : memref<8x!tpu.dma_semaphore, #tpu.memory_space<semaphore_mem>> -> memref<1x!tpu.dma_semaphore, #tpu.memory_space<semaphore_mem>>
    %dma_start3A_1580 = tpu.memref_squeeze %dma_start3A_1579 : memref<1x!tpu.dma_semaphore, #tpu.memory_space<semaphore_mem>> -> memref<!tpu.dma_semaphore, #tpu.memory_space<semaphore_mem>>
    %dma_start3A_1581 = arith.constant 105 : i32
    %dma_start3A_1582 = arith.constant 0 : i32
    %dma_start3A_1583 = tpu.memref_slice %arg6[%dma_start3A_1581, %dma_start3A_1582] : memref<128x1024xf32, #tpu.memory_space<vmem>> -> memref<1x1024xf32, #tpu.memory_space<vmem>>
    %dma_start3A_1584 = arith.constant 0 : i32
    %dma_start3A_1585 = tpu.memref_slice %arg4[%add3A_1577, %dma_start3A_1584] : memref<16384x1024xf32, #tpu.memory_space<hbm>> -> memref<1x1024xf32, #tpu.memory_space<hbm>>
    tpu.enqueue_dma source(%dma_start3A_1585 : memref<1x1024xf32, #tpu.memory_space<hbm>>) target(%dma_start3A_1583 : memref<1x1024xf32, #tpu.memory_space<vmem>>) target_semaphore(%dma_start3A_1580 : memref<!tpu.dma_semaphore, #tpu.memory_space<semaphore_mem>>)
    %get3A_1586 = arith.constant 106 : index
    %get3A_1587 = memref.load %arg1[%get3A_1586] : memref<128xi32, #tpu.memory_space<smem>>
    %mul3A_1588 = arith.constant 2048 : i32
    %mul3A_1589 = arith.muli %get3A_1587, %mul3A_1588 : i32
    %get3A_1590 = arith.constant 106 : index
    %get3A_1591 = memref.load %arg0[%get3A_1590] : memref<128xi32, #tpu.memory_space<smem>>
    %add3A_1592 = arith.addi %mul3A_1589, %get3A_1591 : i32
    %dma_start3A_1593 = arith.constant 2 : i32
    %dma_start3A_1594 = tpu.memref_slice %arg7[%dma_start3A_1593] : memref<8x!tpu.dma_semaphore, #tpu.memory_space<semaphore_mem>> -> memref<1x!tpu.dma_semaphore, #tpu.memory_space<semaphore_mem>>
    %dma_start3A_1595 = tpu.memref_squeeze %dma_start3A_1594 : memref<1x!tpu.dma_semaphore, #tpu.memory_space<semaphore_mem>> -> memref<!tpu.dma_semaphore, #tpu.memory_space<semaphore_mem>>
    %dma_start3A_1596 = arith.constant 106 : i32
    %dma_start3A_1597 = arith.constant 0 : i32
    %dma_start3A_1598 = tpu.memref_slice %arg6[%dma_start3A_1596, %dma_start3A_1597] : memref<128x1024xf32, #tpu.memory_space<vmem>> -> memref<1x1024xf32, #tpu.memory_space<vmem>>
    %dma_start3A_1599 = arith.constant 0 : i32
    %dma_start3A_1600 = tpu.memref_slice %arg4[%add3A_1592, %dma_start3A_1599] : memref<16384x1024xf32, #tpu.memory_space<hbm>> -> memref<1x1024xf32, #tpu.memory_space<hbm>>
    tpu.enqueue_dma source(%dma_start3A_1600 : memref<1x1024xf32, #tpu.memory_space<hbm>>) target(%dma_start3A_1598 : memref<1x1024xf32, #tpu.memory_space<vmem>>) target_semaphore(%dma_start3A_1595 : memref<!tpu.dma_semaphore, #tpu.memory_space<semaphore_mem>>)
    %get3A_1601 = arith.constant 107 : index
    %get3A_1602 = memref.load %arg1[%get3A_1601] : memref<128xi32, #tpu.memory_space<smem>>
    %mul3A_1603 = arith.constant 2048 : i32
    %mul3A_1604 = arith.muli %get3A_1602, %mul3A_1603 : i32
    %get3A_1605 = arith.constant 107 : index
    %get3A_1606 = memref.load %arg0[%get3A_1605] : memref<128xi32, #tpu.memory_space<smem>>
    %add3A_1607 = arith.addi %mul3A_1604, %get3A_1606 : i32
    %dma_start3A_1608 = arith.constant 3 : i32
    %dma_start3A_1609 = tpu.memref_slice %arg7[%dma_start3A_1608] : memref<8x!tpu.dma_semaphore, #tpu.memory_space<semaphore_mem>> -> memref<1x!tpu.dma_semaphore, #tpu.memory_space<semaphore_mem>>
    %dma_start3A_1610 = tpu.memref_squeeze %dma_start3A_1609 : memref<1x!tpu.dma_semaphore, #tpu.memory_space<semaphore_mem>> -> memref<!tpu.dma_semaphore, #tpu.memory_space<semaphore_mem>>
    %dma_start3A_1611 = arith.constant 107 : i32
    %dma_start3A_1612 = arith.constant 0 : i32
    %dma_start3A_1613 = tpu.memref_slice %arg6[%dma_start3A_1611, %dma_start3A_1612] : memref<128x1024xf32, #tpu.memory_space<vmem>> -> memref<1x1024xf32, #tpu.memory_space<vmem>>
    %dma_start3A_1614 = arith.constant 0 : i32
    %dma_start3A_1615 = tpu.memref_slice %arg4[%add3A_1607, %dma_start3A_1614] : memref<16384x1024xf32, #tpu.memory_space<hbm>> -> memref<1x1024xf32, #tpu.memory_space<hbm>>
    tpu.enqueue_dma source(%dma_start3A_1615 : memref<1x1024xf32, #tpu.memory_space<hbm>>) target(%dma_start3A_1613 : memref<1x1024xf32, #tpu.memory_space<vmem>>) target_semaphore(%dma_start3A_1610 : memref<!tpu.dma_semaphore, #tpu.memory_space<semaphore_mem>>)
    %get3A_1616 = arith.constant 108 : index
    %get3A_1617 = memref.load %arg1[%get3A_1616] : memref<128xi32, #tpu.memory_space<smem>>
    %mul3A_1618 = arith.constant 2048 : i32
    %mul3A_1619 = arith.muli %get3A_1617, %mul3A_1618 : i32
    %get3A_1620 = arith.constant 108 : index
    %get3A_1621 = memref.load %arg0[%get3A_1620] : memref<128xi32, #tpu.memory_space<smem>>
    %add3A_1622 = arith.addi %mul3A_1619, %get3A_1621 : i32
    %dma_start3A_1623 = arith.constant 4 : i32
    %dma_start3A_1624 = tpu.memref_slice %arg7[%dma_start3A_1623] : memref<8x!tpu.dma_semaphore, #tpu.memory_space<semaphore_mem>> -> memref<1x!tpu.dma_semaphore, #tpu.memory_space<semaphore_mem>>
    %dma_start3A_1625 = tpu.memref_squeeze %dma_start3A_1624 : memref<1x!tpu.dma_semaphore, #tpu.memory_space<semaphore_mem>> -> memref<!tpu.dma_semaphore, #tpu.memory_space<semaphore_mem>>
    %dma_start3A_1626 = arith.constant 108 : i32
    %dma_start3A_1627 = arith.constant 0 : i32
    %dma_start3A_1628 = tpu.memref_slice %arg6[%dma_start3A_1626, %dma_start3A_1627] : memref<128x1024xf32, #tpu.memory_space<vmem>> -> memref<1x1024xf32, #tpu.memory_space<vmem>>
    %dma_start3A_1629 = arith.constant 0 : i32
    %dma_start3A_1630 = tpu.memref_slice %arg4[%add3A_1622, %dma_start3A_1629] : memref<16384x1024xf32, #tpu.memory_space<hbm>> -> memref<1x1024xf32, #tpu.memory_space<hbm>>
    tpu.enqueue_dma source(%dma_start3A_1630 : memref<1x1024xf32, #tpu.memory_space<hbm>>) target(%dma_start3A_1628 : memref<1x1024xf32, #tpu.memory_space<vmem>>) target_semaphore(%dma_start3A_1625 : memref<!tpu.dma_semaphore, #tpu.memory_space<semaphore_mem>>)
    %get3A_1631 = arith.constant 109 : index
    %get3A_1632 = memref.load %arg1[%get3A_1631] : memref<128xi32, #tpu.memory_space<smem>>
    %mul3A_1633 = arith.constant 2048 : i32
    %mul3A_1634 = arith.muli %get3A_1632, %mul3A_1633 : i32
    %get3A_1635 = arith.constant 109 : index
    %get3A_1636 = memref.load %arg0[%get3A_1635] : memref<128xi32, #tpu.memory_space<smem>>
    %add3A_1637 = arith.addi %mul3A_1634, %get3A_1636 : i32
    %dma_start3A_1638 = arith.constant 5 : i32
    %dma_start3A_1639 = tpu.memref_slice %arg7[%dma_start3A_1638] : memref<8x!tpu.dma_semaphore, #tpu.memory_space<semaphore_mem>> -> memref<1x!tpu.dma_semaphore, #tpu.memory_space<semaphore_mem>>
    %dma_start3A_1640 = tpu.memref_squeeze %dma_start3A_1639 : memref<1x!tpu.dma_semaphore, #tpu.memory_space<semaphore_mem>> -> memref<!tpu.dma_semaphore, #tpu.memory_space<semaphore_mem>>
    %dma_start3A_1641 = arith.constant 109 : i32
    %dma_start3A_1642 = arith.constant 0 : i32
    %dma_start3A_1643 = tpu.memref_slice %arg6[%dma_start3A_1641, %dma_start3A_1642] : memref<128x1024xf32, #tpu.memory_space<vmem>> -> memref<1x1024xf32, #tpu.memory_space<vmem>>
    %dma_start3A_1644 = arith.constant 0 : i32
    %dma_start3A_1645 = tpu.memref_slice %arg4[%add3A_1637, %dma_start3A_1644] : memref<16384x1024xf32, #tpu.memory_space<hbm>> -> memref<1x1024xf32, #tpu.memory_space<hbm>>
    tpu.enqueue_dma source(%dma_start3A_1645 : memref<1x1024xf32, #tpu.memory_space<hbm>>) target(%dma_start3A_1643 : memref<1x1024xf32, #tpu.memory_space<vmem>>) target_semaphore(%dma_start3A_1640 : memref<!tpu.dma_semaphore, #tpu.memory_space<semaphore_mem>>)
    %get3A_1646 = arith.constant 110 : index
    %get3A_1647 = memref.load %arg1[%get3A_1646] : memref<128xi32, #tpu.memory_space<smem>>
    %mul3A_1648 = arith.constant 2048 : i32
    %mul3A_1649 = arith.muli %get3A_1647, %mul3A_1648 : i32
    %get3A_1650 = arith.constant 110 : index
    %get3A_1651 = memref.load %arg0[%get3A_1650] : memref<128xi32, #tpu.memory_space<smem>>
    %add3A_1652 = arith.addi %mul3A_1649, %get3A_1651 : i32
    %dma_start3A_1653 = arith.constant 6 : i32
    %dma_start3A_1654 = tpu.memref_slice %arg7[%dma_start3A_1653] : memref<8x!tpu.dma_semaphore, #tpu.memory_space<semaphore_mem>> -> memref<1x!tpu.dma_semaphore, #tpu.memory_space<semaphore_mem>>
    %dma_start3A_1655 = tpu.memref_squeeze %dma_start3A_1654 : memref<1x!tpu.dma_semaphore, #tpu.memory_space<semaphore_mem>> -> memref<!tpu.dma_semaphore, #tpu.memory_space<semaphore_mem>>
    %dma_start3A_1656 = arith.constant 110 : i32
    %dma_start3A_1657 = arith.constant 0 : i32
    %dma_start3A_1658 = tpu.memref_slice %arg6[%dma_start3A_1656, %dma_start3A_1657] : memref<128x1024xf32, #tpu.memory_space<vmem>> -> memref<1x1024xf32, #tpu.memory_space<vmem>>
    %dma_start3A_1659 = arith.constant 0 : i32
    %dma_start3A_1660 = tpu.memref_slice %arg4[%add3A_1652, %dma_start3A_1659] : memref<16384x1024xf32, #tpu.memory_space<hbm>> -> memref<1x1024xf32, #tpu.memory_space<hbm>>
    tpu.enqueue_dma source(%dma_start3A_1660 : memref<1x1024xf32, #tpu.memory_space<hbm>>) target(%dma_start3A_1658 : memref<1x1024xf32, #tpu.memory_space<vmem>>) target_semaphore(%dma_start3A_1655 : memref<!tpu.dma_semaphore, #tpu.memory_space<semaphore_mem>>)
    %get3A_1661 = arith.constant 111 : index
    %get3A_1662 = memref.load %arg1[%get3A_1661] : memref<128xi32, #tpu.memory_space<smem>>
    %mul3A_1663 = arith.constant 2048 : i32
    %mul3A_1664 = arith.muli %get3A_1662, %mul3A_1663 : i32
    %get3A_1665 = arith.constant 111 : index
    %get3A_1666 = memref.load %arg0[%get3A_1665] : memref<128xi32, #tpu.memory_space<smem>>
    %add3A_1667 = arith.addi %mul3A_1664, %get3A_1666 : i32
    %dma_start3A_1668 = arith.constant 7 : i32
    %dma_start3A_1669 = tpu.memref_slice %arg7[%dma_start3A_1668] : memref<8x!tpu.dma_semaphore, #tpu.memory_space<semaphore_mem>> -> memref<1x!tpu.dma_semaphore, #tpu.memory_space<semaphore_mem>>
    %dma_start3A_1670 = tpu.memref_squeeze %dma_start3A_1669 : memref<1x!tpu.dma_semaphore, #tpu.memory_space<semaphore_mem>> -> memref<!tpu.dma_semaphore, #tpu.memory_space<semaphore_mem>>
    %dma_start3A_1671 = arith.constant 111 : i32
    %dma_start3A_1672 = arith.constant 0 : i32
    %dma_start3A_1673 = tpu.memref_slice %arg6[%dma_start3A_1671, %dma_start3A_1672] : memref<128x1024xf32, #tpu.memory_space<vmem>> -> memref<1x1024xf32, #tpu.memory_space<vmem>>
    %dma_start3A_1674 = arith.constant 0 : i32
    %dma_start3A_1675 = tpu.memref_slice %arg4[%add3A_1667, %dma_start3A_1674] : memref<16384x1024xf32, #tpu.memory_space<hbm>> -> memref<1x1024xf32, #tpu.memory_space<hbm>>
    tpu.enqueue_dma source(%dma_start3A_1675 : memref<1x1024xf32, #tpu.memory_space<hbm>>) target(%dma_start3A_1673 : memref<1x1024xf32, #tpu.memory_space<vmem>>) target_semaphore(%dma_start3A_1670 : memref<!tpu.dma_semaphore, #tpu.memory_space<semaphore_mem>>)
    %get3A_1676 = arith.constant 112 : index
    %get3A_1677 = memref.load %arg1[%get3A_1676] : memref<128xi32, #tpu.memory_space<smem>>
    %mul3A_1678 = arith.constant 2048 : i32
    %mul3A_1679 = arith.muli %get3A_1677, %mul3A_1678 : i32
    %get3A_1680 = arith.constant 112 : index
    %get3A_1681 = memref.load %arg0[%get3A_1680] : memref<128xi32, #tpu.memory_space<smem>>
    %add3A_1682 = arith.addi %mul3A_1679, %get3A_1681 : i32
    %dma_start3A_1683 = arith.constant 0 : i32
    %dma_start3A_1684 = tpu.memref_slice %arg7[%dma_start3A_1683] : memref<8x!tpu.dma_semaphore, #tpu.memory_space<semaphore_mem>> -> memref<1x!tpu.dma_semaphore, #tpu.memory_space<semaphore_mem>>
    %dma_start3A_1685 = tpu.memref_squeeze %dma_start3A_1684 : memref<1x!tpu.dma_semaphore, #tpu.memory_space<semaphore_mem>> -> memref<!tpu.dma_semaphore, #tpu.memory_space<semaphore_mem>>
    %dma_start3A_1686 = arith.constant 112 : i32
    %dma_start3A_1687 = arith.constant 0 : i32
    %dma_start3A_1688 = tpu.memref_slice %arg6[%dma_start3A_1686, %dma_start3A_1687] : memref<128x1024xf32, #tpu.memory_space<vmem>> -> memref<1x1024xf32, #tpu.memory_space<vmem>>
    %dma_start3A_1689 = arith.constant 0 : i32
    %dma_start3A_1690 = tpu.memref_slice %arg4[%add3A_1682, %dma_start3A_1689] : memref<16384x1024xf32, #tpu.memory_space<hbm>> -> memref<1x1024xf32, #tpu.memory_space<hbm>>
    tpu.enqueue_dma source(%dma_start3A_1690 : memref<1x1024xf32, #tpu.memory_space<hbm>>) target(%dma_start3A_1688 : memref<1x1024xf32, #tpu.memory_space<vmem>>) target_semaphore(%dma_start3A_1685 : memref<!tpu.dma_semaphore, #tpu.memory_space<semaphore_mem>>)
    %get3A_1691 = arith.constant 113 : index
    %get3A_1692 = memref.load %arg1[%get3A_1691] : memref<128xi32, #tpu.memory_space<smem>>
    %mul3A_1693 = arith.constant 2048 : i32
    %mul3A_1694 = arith.muli %get3A_1692, %mul3A_1693 : i32
    %get3A_1695 = arith.constant 113 : index
    %get3A_1696 = memref.load %arg0[%get3A_1695] : memref<128xi32, #tpu.memory_space<smem>>
    %add3A_1697 = arith.addi %mul3A_1694, %get3A_1696 : i32
    %dma_start3A_1698 = arith.constant 1 : i32
    %dma_start3A_1699 = tpu.memref_slice %arg7[%dma_start3A_1698] : memref<8x!tpu.dma_semaphore, #tpu.memory_space<semaphore_mem>> -> memref<1x!tpu.dma_semaphore, #tpu.memory_space<semaphore_mem>>
    %dma_start3A_1700 = tpu.memref_squeeze %dma_start3A_1699 : memref<1x!tpu.dma_semaphore, #tpu.memory_space<semaphore_mem>> -> memref<!tpu.dma_semaphore, #tpu.memory_space<semaphore_mem>>
    %dma_start3A_1701 = arith.constant 113 : i32
    %dma_start3A_1702 = arith.constant 0 : i32
    %dma_start3A_1703 = tpu.memref_slice %arg6[%dma_start3A_1701, %dma_start3A_1702] : memref<128x1024xf32, #tpu.memory_space<vmem>> -> memref<1x1024xf32, #tpu.memory_space<vmem>>
    %dma_start3A_1704 = arith.constant 0 : i32
    %dma_start3A_1705 = tpu.memref_slice %arg4[%add3A_1697, %dma_start3A_1704] : memref<16384x1024xf32, #tpu.memory_space<hbm>> -> memref<1x1024xf32, #tpu.memory_space<hbm>>
    tpu.enqueue_dma source(%dma_start3A_1705 : memref<1x1024xf32, #tpu.memory_space<hbm>>) target(%dma_start3A_1703 : memref<1x1024xf32, #tpu.memory_space<vmem>>) target_semaphore(%dma_start3A_1700 : memref<!tpu.dma_semaphore, #tpu.memory_space<semaphore_mem>>)
    %get3A_1706 = arith.constant 114 : index
    %get3A_1707 = memref.load %arg1[%get3A_1706] : memref<128xi32, #tpu.memory_space<smem>>
    %mul3A_1708 = arith.constant 2048 : i32
    %mul3A_1709 = arith.muli %get3A_1707, %mul3A_1708 : i32
    %get3A_1710 = arith.constant 114 : index
    %get3A_1711 = memref.load %arg0[%get3A_1710] : memref<128xi32, #tpu.memory_space<smem>>
    %add3A_1712 = arith.addi %mul3A_1709, %get3A_1711 : i32
    %dma_start3A_1713 = arith.constant 2 : i32
    %dma_start3A_1714 = tpu.memref_slice %arg7[%dma_start3A_1713] : memref<8x!tpu.dma_semaphore, #tpu.memory_space<semaphore_mem>> -> memref<1x!tpu.dma_semaphore, #tpu.memory_space<semaphore_mem>>
    %dma_start3A_1715 = tpu.memref_squeeze %dma_start3A_1714 : memref<1x!tpu.dma_semaphore, #tpu.memory_space<semaphore_mem>> -> memref<!tpu.dma_semaphore, #tpu.memory_space<semaphore_mem>>
    %dma_start3A_1716 = arith.constant 114 : i32
    %dma_start3A_1717 = arith.constant 0 : i32
    %dma_start3A_1718 = tpu.memref_slice %arg6[%dma_start3A_1716, %dma_start3A_1717] : memref<128x1024xf32, #tpu.memory_space<vmem>> -> memref<1x1024xf32, #tpu.memory_space<vmem>>
    %dma_start3A_1719 = arith.constant 0 : i32
    %dma_start3A_1720 = tpu.memref_slice %arg4[%add3A_1712, %dma_start3A_1719] : memref<16384x1024xf32, #tpu.memory_space<hbm>> -> memref<1x1024xf32, #tpu.memory_space<hbm>>
    tpu.enqueue_dma source(%dma_start3A_1720 : memref<1x1024xf32, #tpu.memory_space<hbm>>) target(%dma_start3A_1718 : memref<1x1024xf32, #tpu.memory_space<vmem>>) target_semaphore(%dma_start3A_1715 : memref<!tpu.dma_semaphore, #tpu.memory_space<semaphore_mem>>)
    %get3A_1721 = arith.constant 115 : index
    %get3A_1722 = memref.load %arg1[%get3A_1721] : memref<128xi32, #tpu.memory_space<smem>>
    %mul3A_1723 = arith.constant 2048 : i32
    %mul3A_1724 = arith.muli %get3A_1722, %mul3A_1723 : i32
    %get3A_1725 = arith.constant 115 : index
    %get3A_1726 = memref.load %arg0[%get3A_1725] : memref<128xi32, #tpu.memory_space<smem>>
    %add3A_1727 = arith.addi %mul3A_1724, %get3A_1726 : i32
    %dma_start3A_1728 = arith.constant 3 : i32
    %dma_start3A_1729 = tpu.memref_slice %arg7[%dma_start3A_1728] : memref<8x!tpu.dma_semaphore, #tpu.memory_space<semaphore_mem>> -> memref<1x!tpu.dma_semaphore, #tpu.memory_space<semaphore_mem>>
    %dma_start3A_1730 = tpu.memref_squeeze %dma_start3A_1729 : memref<1x!tpu.dma_semaphore, #tpu.memory_space<semaphore_mem>> -> memref<!tpu.dma_semaphore, #tpu.memory_space<semaphore_mem>>
    %dma_start3A_1731 = arith.constant 115 : i32
    %dma_start3A_1732 = arith.constant 0 : i32
    %dma_start3A_1733 = tpu.memref_slice %arg6[%dma_start3A_1731, %dma_start3A_1732] : memref<128x1024xf32, #tpu.memory_space<vmem>> -> memref<1x1024xf32, #tpu.memory_space<vmem>>
    %dma_start3A_1734 = arith.constant 0 : i32
    %dma_start3A_1735 = tpu.memref_slice %arg4[%add3A_1727, %dma_start3A_1734] : memref<16384x1024xf32, #tpu.memory_space<hbm>> -> memref<1x1024xf32, #tpu.memory_space<hbm>>
    tpu.enqueue_dma source(%dma_start3A_1735 : memref<1x1024xf32, #tpu.memory_space<hbm>>) target(%dma_start3A_1733 : memref<1x1024xf32, #tpu.memory_space<vmem>>) target_semaphore(%dma_start3A_1730 : memref<!tpu.dma_semaphore, #tpu.memory_space<semaphore_mem>>)
    %get3A_1736 = arith.constant 116 : index
    %get3A_1737 = memref.load %arg1[%get3A_1736] : memref<128xi32, #tpu.memory_space<smem>>
    %mul3A_1738 = arith.constant 2048 : i32
    %mul3A_1739 = arith.muli %get3A_1737, %mul3A_1738 : i32
    %get3A_1740 = arith.constant 116 : index
    %get3A_1741 = memref.load %arg0[%get3A_1740] : memref<128xi32, #tpu.memory_space<smem>>
    %add3A_1742 = arith.addi %mul3A_1739, %get3A_1741 : i32
    %dma_start3A_1743 = arith.constant 4 : i32
    %dma_start3A_1744 = tpu.memref_slice %arg7[%dma_start3A_1743] : memref<8x!tpu.dma_semaphore, #tpu.memory_space<semaphore_mem>> -> memref<1x!tpu.dma_semaphore, #tpu.memory_space<semaphore_mem>>
    %dma_start3A_1745 = tpu.memref_squeeze %dma_start3A_1744 : memref<1x!tpu.dma_semaphore, #tpu.memory_space<semaphore_mem>> -> memref<!tpu.dma_semaphore, #tpu.memory_space<semaphore_mem>>
    %dma_start3A_1746 = arith.constant 116 : i32
    %dma_start3A_1747 = arith.constant 0 : i32
    %dma_start3A_1748 = tpu.memref_slice %arg6[%dma_start3A_1746, %dma_start3A_1747] : memref<128x1024xf32, #tpu.memory_space<vmem>> -> memref<1x1024xf32, #tpu.memory_space<vmem>>
    %dma_start3A_1749 = arith.constant 0 : i32
    %dma_start3A_1750 = tpu.memref_slice %arg4[%add3A_1742, %dma_start3A_1749] : memref<16384x1024xf32, #tpu.memory_space<hbm>> -> memref<1x1024xf32, #tpu.memory_space<hbm>>
    tpu.enqueue_dma source(%dma_start3A_1750 : memref<1x1024xf32, #tpu.memory_space<hbm>>) target(%dma_start3A_1748 : memref<1x1024xf32, #tpu.memory_space<vmem>>) target_semaphore(%dma_start3A_1745 : memref<!tpu.dma_semaphore, #tpu.memory_space<semaphore_mem>>)
    %get3A_1751 = arith.constant 117 : index
    %get3A_1752 = memref.load %arg1[%get3A_1751] : memref<128xi32, #tpu.memory_space<smem>>
    %mul3A_1753 = arith.constant 2048 : i32
    %mul3A_1754 = arith.muli %get3A_1752, %mul3A_1753 : i32
    %get3A_1755 = arith.constant 117 : index
    %get3A_1756 = memref.load %arg0[%get3A_1755] : memref<128xi32, #tpu.memory_space<smem>>
    %add3A_1757 = arith.addi %mul3A_1754, %get3A_1756 : i32
    %dma_start3A_1758 = arith.constant 5 : i32
    %dma_start3A_1759 = tpu.memref_slice %arg7[%dma_start3A_1758] : memref<8x!tpu.dma_semaphore, #tpu.memory_space<semaphore_mem>> -> memref<1x!tpu.dma_semaphore, #tpu.memory_space<semaphore_mem>>
    %dma_start3A_1760 = tpu.memref_squeeze %dma_start3A_1759 : memref<1x!tpu.dma_semaphore, #tpu.memory_space<semaphore_mem>> -> memref<!tpu.dma_semaphore, #tpu.memory_space<semaphore_mem>>
    %dma_start3A_1761 = arith.constant 117 : i32
    %dma_start3A_1762 = arith.constant 0 : i32
    %dma_start3A_1763 = tpu.memref_slice %arg6[%dma_start3A_1761, %dma_start3A_1762] : memref<128x1024xf32, #tpu.memory_space<vmem>> -> memref<1x1024xf32, #tpu.memory_space<vmem>>
    %dma_start3A_1764 = arith.constant 0 : i32
    %dma_start3A_1765 = tpu.memref_slice %arg4[%add3A_1757, %dma_start3A_1764] : memref<16384x1024xf32, #tpu.memory_space<hbm>> -> memref<1x1024xf32, #tpu.memory_space<hbm>>
    tpu.enqueue_dma source(%dma_start3A_1765 : memref<1x1024xf32, #tpu.memory_space<hbm>>) target(%dma_start3A_1763 : memref<1x1024xf32, #tpu.memory_space<vmem>>) target_semaphore(%dma_start3A_1760 : memref<!tpu.dma_semaphore, #tpu.memory_space<semaphore_mem>>)
    %get3A_1766 = arith.constant 118 : index
    %get3A_1767 = memref.load %arg1[%get3A_1766] : memref<128xi32, #tpu.memory_space<smem>>
    %mul3A_1768 = arith.constant 2048 : i32
    %mul3A_1769 = arith.muli %get3A_1767, %mul3A_1768 : i32
    %get3A_1770 = arith.constant 118 : index
    %get3A_1771 = memref.load %arg0[%get3A_1770] : memref<128xi32, #tpu.memory_space<smem>>
    %add3A_1772 = arith.addi %mul3A_1769, %get3A_1771 : i32
    %dma_start3A_1773 = arith.constant 6 : i32
    %dma_start3A_1774 = tpu.memref_slice %arg7[%dma_start3A_1773] : memref<8x!tpu.dma_semaphore, #tpu.memory_space<semaphore_mem>> -> memref<1x!tpu.dma_semaphore, #tpu.memory_space<semaphore_mem>>
    %dma_start3A_1775 = tpu.memref_squeeze %dma_start3A_1774 : memref<1x!tpu.dma_semaphore, #tpu.memory_space<semaphore_mem>> -> memref<!tpu.dma_semaphore, #tpu.memory_space<semaphore_mem>>
    %dma_start3A_1776 = arith.constant 118 : i32
    %dma_start3A_1777 = arith.constant 0 : i32
    %dma_start3A_1778 = tpu.memref_slice %arg6[%dma_start3A_1776, %dma_start3A_1777] : memref<128x1024xf32, #tpu.memory_space<vmem>> -> memref<1x1024xf32, #tpu.memory_space<vmem>>
    %dma_start3A_1779 = arith.constant 0 : i32
    %dma_start3A_1780 = tpu.memref_slice %arg4[%add3A_1772, %dma_start3A_1779] : memref<16384x1024xf32, #tpu.memory_space<hbm>> -> memref<1x1024xf32, #tpu.memory_space<hbm>>
    tpu.enqueue_dma source(%dma_start3A_1780 : memref<1x1024xf32, #tpu.memory_space<hbm>>) target(%dma_start3A_1778 : memref<1x1024xf32, #tpu.memory_space<vmem>>) target_semaphore(%dma_start3A_1775 : memref<!tpu.dma_semaphore, #tpu.memory_space<semaphore_mem>>)
    %get3A_1781 = arith.constant 119 : index
    %get3A_1782 = memref.load %arg1[%get3A_1781] : memref<128xi32, #tpu.memory_space<smem>>
    %mul3A_1783 = arith.constant 2048 : i32
    %mul3A_1784 = arith.muli %get3A_1782, %mul3A_1783 : i32
    %get3A_1785 = arith.constant 119 : index
    %get3A_1786 = memref.load %arg0[%get3A_1785] : memref<128xi32, #tpu.memory_space<smem>>
    %add3A_1787 = arith.addi %mul3A_1784, %get3A_1786 : i32
    %dma_start3A_1788 = arith.constant 7 : i32
    %dma_start3A_1789 = tpu.memref_slice %arg7[%dma_start3A_1788] : memref<8x!tpu.dma_semaphore, #tpu.memory_space<semaphore_mem>> -> memref<1x!tpu.dma_semaphore, #tpu.memory_space<semaphore_mem>>
    %dma_start3A_1790 = tpu.memref_squeeze %dma_start3A_1789 : memref<1x!tpu.dma_semaphore, #tpu.memory_space<semaphore_mem>> -> memref<!tpu.dma_semaphore, #tpu.memory_space<semaphore_mem>>
    %dma_start3A_1791 = arith.constant 119 : i32
    %dma_start3A_1792 = arith.constant 0 : i32
    %dma_start3A_1793 = tpu.memref_slice %arg6[%dma_start3A_1791, %dma_start3A_1792] : memref<128x1024xf32, #tpu.memory_space<vmem>> -> memref<1x1024xf32, #tpu.memory_space<vmem>>
    %dma_start3A_1794 = arith.constant 0 : i32
    %dma_start3A_1795 = tpu.memref_slice %arg4[%add3A_1787, %dma_start3A_1794] : memref<16384x1024xf32, #tpu.memory_space<hbm>> -> memref<1x1024xf32, #tpu.memory_space<hbm>>
    tpu.enqueue_dma source(%dma_start3A_1795 : memref<1x1024xf32, #tpu.memory_space<hbm>>) target(%dma_start3A_1793 : memref<1x1024xf32, #tpu.memory_space<vmem>>) target_semaphore(%dma_start3A_1790 : memref<!tpu.dma_semaphore, #tpu.memory_space<semaphore_mem>>)
    %get3A_1796 = arith.constant 120 : index
    %get3A_1797 = memref.load %arg1[%get3A_1796] : memref<128xi32, #tpu.memory_space<smem>>
    %mul3A_1798 = arith.constant 2048 : i32
    %mul3A_1799 = arith.muli %get3A_1797, %mul3A_1798 : i32
    %get3A_1800 = arith.constant 120 : index
    %get3A_1801 = memref.load %arg0[%get3A_1800] : memref<128xi32, #tpu.memory_space<smem>>
    %add3A_1802 = arith.addi %mul3A_1799, %get3A_1801 : i32
    %dma_start3A_1803 = arith.constant 0 : i32
    %dma_start3A_1804 = tpu.memref_slice %arg7[%dma_start3A_1803] : memref<8x!tpu.dma_semaphore, #tpu.memory_space<semaphore_mem>> -> memref<1x!tpu.dma_semaphore, #tpu.memory_space<semaphore_mem>>
    %dma_start3A_1805 = tpu.memref_squeeze %dma_start3A_1804 : memref<1x!tpu.dma_semaphore, #tpu.memory_space<semaphore_mem>> -> memref<!tpu.dma_semaphore, #tpu.memory_space<semaphore_mem>>
    %dma_start3A_1806 = arith.constant 120 : i32
    %dma_start3A_1807 = arith.constant 0 : i32
    %dma_start3A_1808 = tpu.memref_slice %arg6[%dma_start3A_1806, %dma_start3A_1807] : memref<128x1024xf32, #tpu.memory_space<vmem>> -> memref<1x1024xf32, #tpu.memory_space<vmem>>
    %dma_start3A_1809 = arith.constant 0 : i32
    %dma_start3A_1810 = tpu.memref_slice %arg4[%add3A_1802, %dma_start3A_1809] : memref<16384x1024xf32, #tpu.memory_space<hbm>> -> memref<1x1024xf32, #tpu.memory_space<hbm>>
    tpu.enqueue_dma source(%dma_start3A_1810 : memref<1x1024xf32, #tpu.memory_space<hbm>>) target(%dma_start3A_1808 : memref<1x1024xf32, #tpu.memory_space<vmem>>) target_semaphore(%dma_start3A_1805 : memref<!tpu.dma_semaphore, #tpu.memory_space<semaphore_mem>>)
    %get3A_1811 = arith.constant 121 : index
    %get3A_1812 = memref.load %arg1[%get3A_1811] : memref<128xi32, #tpu.memory_space<smem>>
    %mul3A_1813 = arith.constant 2048 : i32
    %mul3A_1814 = arith.muli %get3A_1812, %mul3A_1813 : i32
    %get3A_1815 = arith.constant 121 : index
    %get3A_1816 = memref.load %arg0[%get3A_1815] : memref<128xi32, #tpu.memory_space<smem>>
    %add3A_1817 = arith.addi %mul3A_1814, %get3A_1816 : i32
    %dma_start3A_1818 = arith.constant 1 : i32
    %dma_start3A_1819 = tpu.memref_slice %arg7[%dma_start3A_1818] : memref<8x!tpu.dma_semaphore, #tpu.memory_space<semaphore_mem>> -> memref<1x!tpu.dma_semaphore, #tpu.memory_space<semaphore_mem>>
    %dma_start3A_1820 = tpu.memref_squeeze %dma_start3A_1819 : memref<1x!tpu.dma_semaphore, #tpu.memory_space<semaphore_mem>> -> memref<!tpu.dma_semaphore, #tpu.memory_space<semaphore_mem>>
    %dma_start3A_1821 = arith.constant 121 : i32
    %dma_start3A_1822 = arith.constant 0 : i32
    %dma_start3A_1823 = tpu.memref_slice %arg6[%dma_start3A_1821, %dma_start3A_1822] : memref<128x1024xf32, #tpu.memory_space<vmem>> -> memref<1x1024xf32, #tpu.memory_space<vmem>>
    %dma_start3A_1824 = arith.constant 0 : i32
    %dma_start3A_1825 = tpu.memref_slice %arg4[%add3A_1817, %dma_start3A_1824] : memref<16384x1024xf32, #tpu.memory_space<hbm>> -> memref<1x1024xf32, #tpu.memory_space<hbm>>
    tpu.enqueue_dma source(%dma_start3A_1825 : memref<1x1024xf32, #tpu.memory_space<hbm>>) target(%dma_start3A_1823 : memref<1x1024xf32, #tpu.memory_space<vmem>>) target_semaphore(%dma_start3A_1820 : memref<!tpu.dma_semaphore, #tpu.memory_space<semaphore_mem>>)
    %get3A_1826 = arith.constant 122 : index
    %get3A_1827 = memref.load %arg1[%get3A_1826] : memref<128xi32, #tpu.memory_space<smem>>
    %mul3A_1828 = arith.constant 2048 : i32
    %mul3A_1829 = arith.muli %get3A_1827, %mul3A_1828 : i32
    %get3A_1830 = arith.constant 122 : index
    %get3A_1831 = memref.load %arg0[%get3A_1830] : memref<128xi32, #tpu.memory_space<smem>>
    %add3A_1832 = arith.addi %mul3A_1829, %get3A_1831 : i32
    %dma_start3A_1833 = arith.constant 2 : i32
    %dma_start3A_1834 = tpu.memref_slice %arg7[%dma_start3A_1833] : memref<8x!tpu.dma_semaphore, #tpu.memory_space<semaphore_mem>> -> memref<1x!tpu.dma_semaphore, #tpu.memory_space<semaphore_mem>>
    %dma_start3A_1835 = tpu.memref_squeeze %dma_start3A_1834 : memref<1x!tpu.dma_semaphore, #tpu.memory_space<semaphore_mem>> -> memref<!tpu.dma_semaphore, #tpu.memory_space<semaphore_mem>>
    %dma_start3A_1836 = arith.constant 122 : i32
    %dma_start3A_1837 = arith.constant 0 : i32
    %dma_start3A_1838 = tpu.memref_slice %arg6[%dma_start3A_1836, %dma_start3A_1837] : memref<128x1024xf32, #tpu.memory_space<vmem>> -> memref<1x1024xf32, #tpu.memory_space<vmem>>
    %dma_start3A_1839 = arith.constant 0 : i32
    %dma_start3A_1840 = tpu.memref_slice %arg4[%add3A_1832, %dma_start3A_1839] : memref<16384x1024xf32, #tpu.memory_space<hbm>> -> memref<1x1024xf32, #tpu.memory_space<hbm>>
    tpu.enqueue_dma source(%dma_start3A_1840 : memref<1x1024xf32, #tpu.memory_space<hbm>>) target(%dma_start3A_1838 : memref<1x1024xf32, #tpu.memory_space<vmem>>) target_semaphore(%dma_start3A_1835 : memref<!tpu.dma_semaphore, #tpu.memory_space<semaphore_mem>>)
    %get3A_1841 = arith.constant 123 : index
    %get3A_1842 = memref.load %arg1[%get3A_1841] : memref<128xi32, #tpu.memory_space<smem>>
    %mul3A_1843 = arith.constant 2048 : i32
    %mul3A_1844 = arith.muli %get3A_1842, %mul3A_1843 : i32
    %get3A_1845 = arith.constant 123 : index
    %get3A_1846 = memref.load %arg0[%get3A_1845] : memref<128xi32, #tpu.memory_space<smem>>
    %add3A_1847 = arith.addi %mul3A_1844, %get3A_1846 : i32
    %dma_start3A_1848 = arith.constant 3 : i32
    %dma_start3A_1849 = tpu.memref_slice %arg7[%dma_start3A_1848] : memref<8x!tpu.dma_semaphore, #tpu.memory_space<semaphore_mem>> -> memref<1x!tpu.dma_semaphore, #tpu.memory_space<semaphore_mem>>
    %dma_start3A_1850 = tpu.memref_squeeze %dma_start3A_1849 : memref<1x!tpu.dma_semaphore, #tpu.memory_space<semaphore_mem>> -> memref<!tpu.dma_semaphore, #tpu.memory_space<semaphore_mem>>
    %dma_start3A_1851 = arith.constant 123 : i32
    %dma_start3A_1852 = arith.constant 0 : i32
    %dma_start3A_1853 = tpu.memref_slice %arg6[%dma_start3A_1851, %dma_start3A_1852] : memref<128x1024xf32, #tpu.memory_space<vmem>> -> memref<1x1024xf32, #tpu.memory_space<vmem>>
    %dma_start3A_1854 = arith.constant 0 : i32
    %dma_start3A_1855 = tpu.memref_slice %arg4[%add3A_1847, %dma_start3A_1854] : memref<16384x1024xf32, #tpu.memory_space<hbm>> -> memref<1x1024xf32, #tpu.memory_space<hbm>>
    tpu.enqueue_dma source(%dma_start3A_1855 : memref<1x1024xf32, #tpu.memory_space<hbm>>) target(%dma_start3A_1853 : memref<1x1024xf32, #tpu.memory_space<vmem>>) target_semaphore(%dma_start3A_1850 : memref<!tpu.dma_semaphore, #tpu.memory_space<semaphore_mem>>)
    %get3A_1856 = arith.constant 124 : index
    %get3A_1857 = memref.load %arg1[%get3A_1856] : memref<128xi32, #tpu.memory_space<smem>>
    %mul3A_1858 = arith.constant 2048 : i32
    %mul3A_1859 = arith.muli %get3A_1857, %mul3A_1858 : i32
    %get3A_1860 = arith.constant 124 : index
    %get3A_1861 = memref.load %arg0[%get3A_1860] : memref<128xi32, #tpu.memory_space<smem>>
    %add3A_1862 = arith.addi %mul3A_1859, %get3A_1861 : i32
    %dma_start3A_1863 = arith.constant 4 : i32
    %dma_start3A_1864 = tpu.memref_slice %arg7[%dma_start3A_1863] : memref<8x!tpu.dma_semaphore, #tpu.memory_space<semaphore_mem>> -> memref<1x!tpu.dma_semaphore, #tpu.memory_space<semaphore_mem>>
    %dma_start3A_1865 = tpu.memref_squeeze %dma_start3A_1864 : memref<1x!tpu.dma_semaphore, #tpu.memory_space<semaphore_mem>> -> memref<!tpu.dma_semaphore, #tpu.memory_space<semaphore_mem>>
    %dma_start3A_1866 = arith.constant 124 : i32
    %dma_start3A_1867 = arith.constant 0 : i32
    %dma_start3A_1868 = tpu.memref_slice %arg6[%dma_start3A_1866, %dma_start3A_1867] : memref<128x1024xf32, #tpu.memory_space<vmem>> -> memref<1x1024xf32, #tpu.memory_space<vmem>>
    %dma_start3A_1869 = arith.constant 0 : i32
    %dma_start3A_1870 = tpu.memref_slice %arg4[%add3A_1862, %dma_start3A_1869] : memref<16384x1024xf32, #tpu.memory_space<hbm>> -> memref<1x1024xf32, #tpu.memory_space<hbm>>
    tpu.enqueue_dma source(%dma_start3A_1870 : memref<1x1024xf32, #tpu.memory_space<hbm>>) target(%dma_start3A_1868 : memref<1x1024xf32, #tpu.memory_space<vmem>>) target_semaphore(%dma_start3A_1865 : memref<!tpu.dma_semaphore, #tpu.memory_space<semaphore_mem>>)
    %get3A_1871 = arith.constant 125 : index
    %get3A_1872 = memref.load %arg1[%get3A_1871] : memref<128xi32, #tpu.memory_space<smem>>
    %mul3A_1873 = arith.constant 2048 : i32
    %mul3A_1874 = arith.muli %get3A_1872, %mul3A_1873 : i32
    %get3A_1875 = arith.constant 125 : index
    %get3A_1876 = memref.load %arg0[%get3A_1875] : memref<128xi32, #tpu.memory_space<smem>>
    %add3A_1877 = arith.addi %mul3A_1874, %get3A_1876 : i32
    %dma_start3A_1878 = arith.constant 5 : i32
    %dma_start3A_1879 = tpu.memref_slice %arg7[%dma_start3A_1878] : memref<8x!tpu.dma_semaphore, #tpu.memory_space<semaphore_mem>> -> memref<1x!tpu.dma_semaphore, #tpu.memory_space<semaphore_mem>>
    %dma_start3A_1880 = tpu.memref_squeeze %dma_start3A_1879 : memref<1x!tpu.dma_semaphore, #tpu.memory_space<semaphore_mem>> -> memref<!tpu.dma_semaphore, #tpu.memory_space<semaphore_mem>>
    %dma_start3A_1881 = arith.constant 125 : i32
    %dma_start3A_1882 = arith.constant 0 : i32
    %dma_start3A_1883 = tpu.memref_slice %arg6[%dma_start3A_1881, %dma_start3A_1882] : memref<128x1024xf32, #tpu.memory_space<vmem>> -> memref<1x1024xf32, #tpu.memory_space<vmem>>
    %dma_start3A_1884 = arith.constant 0 : i32
    %dma_start3A_1885 = tpu.memref_slice %arg4[%add3A_1877, %dma_start3A_1884] : memref<16384x1024xf32, #tpu.memory_space<hbm>> -> memref<1x1024xf32, #tpu.memory_space<hbm>>
    tpu.enqueue_dma source(%dma_start3A_1885 : memref<1x1024xf32, #tpu.memory_space<hbm>>) target(%dma_start3A_1883 : memref<1x1024xf32, #tpu.memory_space<vmem>>) target_semaphore(%dma_start3A_1880 : memref<!tpu.dma_semaphore, #tpu.memory_space<semaphore_mem>>)
    %get3A_1886 = arith.constant 126 : index
    %get3A_1887 = memref.load %arg1[%get3A_1886] : memref<128xi32, #tpu.memory_space<smem>>
    %mul3A_1888 = arith.constant 2048 : i32
    %mul3A_1889 = arith.muli %get3A_1887, %mul3A_1888 : i32
    %get3A_1890 = arith.constant 126 : index
    %get3A_1891 = memref.load %arg0[%get3A_1890] : memref<128xi32, #tpu.memory_space<smem>>
    %add3A_1892 = arith.addi %mul3A_1889, %get3A_1891 : i32
    %dma_start3A_1893 = arith.constant 6 : i32
    %dma_start3A_1894 = tpu.memref_slice %arg7[%dma_start3A_1893] : memref<8x!tpu.dma_semaphore, #tpu.memory_space<semaphore_mem>> -> memref<1x!tpu.dma_semaphore, #tpu.memory_space<semaphore_mem>>
    %dma_start3A_1895 = tpu.memref_squeeze %dma_start3A_1894 : memref<1x!tpu.dma_semaphore, #tpu.memory_space<semaphore_mem>> -> memref<!tpu.dma_semaphore, #tpu.memory_space<semaphore_mem>>
    %dma_start3A_1896 = arith.constant 126 : i32
    %dma_start3A_1897 = arith.constant 0 : i32
    %dma_start3A_1898 = tpu.memref_slice %arg6[%dma_start3A_1896, %dma_start3A_1897] : memref<128x1024xf32, #tpu.memory_space<vmem>> -> memref<1x1024xf32, #tpu.memory_space<vmem>>
    %dma_start3A_1899 = arith.constant 0 : i32
    %dma_start3A_1900 = tpu.memref_slice %arg4[%add3A_1892, %dma_start3A_1899] : memref<16384x1024xf32, #tpu.memory_space<hbm>> -> memref<1x1024xf32, #tpu.memory_space<hbm>>
    tpu.enqueue_dma source(%dma_start3A_1900 : memref<1x1024xf32, #tpu.memory_space<hbm>>) target(%dma_start3A_1898 : memref<1x1024xf32, #tpu.memory_space<vmem>>) target_semaphore(%dma_start3A_1895 : memref<!tpu.dma_semaphore, #tpu.memory_space<semaphore_mem>>)
    %get3A_1901 = arith.constant 127 : index
    %get3A_1902 = memref.load %arg1[%get3A_1901] : memref<128xi32, #tpu.memory_space<smem>>
    %mul3A_1903 = arith.constant 2048 : i32
    %mul3A_1904 = arith.muli %get3A_1902, %mul3A_1903 : i32
    %get3A_1905 = arith.constant 127 : index
    %get3A_1906 = memref.load %arg0[%get3A_1905] : memref<128xi32, #tpu.memory_space<smem>>
    %add3A_1907 = arith.addi %mul3A_1904, %get3A_1906 : i32
    %dma_start3A_1908 = arith.constant 7 : i32
    %dma_start3A_1909 = tpu.memref_slice %arg7[%dma_start3A_1908] : memref<8x!tpu.dma_semaphore, #tpu.memory_space<semaphore_mem>> -> memref<1x!tpu.dma_semaphore, #tpu.memory_space<semaphore_mem>>
    %dma_start3A_1910 = tpu.memref_squeeze %dma_start3A_1909 : memref<1x!tpu.dma_semaphore, #tpu.memory_space<semaphore_mem>> -> memref<!tpu.dma_semaphore, #tpu.memory_space<semaphore_mem>>
    %dma_start3A_1911 = arith.constant 127 : i32
    %dma_start3A_1912 = arith.constant 0 : i32
    %dma_start3A_1913 = tpu.memref_slice %arg6[%dma_start3A_1911, %dma_start3A_1912] : memref<128x1024xf32, #tpu.memory_space<vmem>> -> memref<1x1024xf32, #tpu.memory_space<vmem>>
    %dma_start3A_1914 = arith.constant 0 : i32
    %dma_start3A_1915 = tpu.memref_slice %arg4[%add3A_1907, %dma_start3A_1914] : memref<16384x1024xf32, #tpu.memory_space<hbm>> -> memref<1x1024xf32, #tpu.memory_space<hbm>>
    tpu.enqueue_dma source(%dma_start3A_1915 : memref<1x1024xf32, #tpu.memory_space<hbm>>) target(%dma_start3A_1913 : memref<1x1024xf32, #tpu.memory_space<vmem>>) target_semaphore(%dma_start3A_1910 : memref<!tpu.dma_semaphore, #tpu.memory_space<semaphore_mem>>)
    %broadcast_in_dim3A = arith.constant 0.000000e+00 : f32
    %broadcast_in_dim3A_1916 = vector.broadcast %broadcast_in_dim3A : f32 to vector<128x1xf32>
    %get3A_1917 = arith.constant 0 : index
    %get3A_1918 = arith.constant 0 : index
    %get3A_1919 = vector.load %arg3[%get3A_1917, %get3A_1918] : memref<128x1xi32, #tpu.memory_space<vmem>>, vector<128x1xi32>
    %eq3A = arith.constant 0 : i32
    %eq3A_1920 = vector.broadcast %eq3A : i32 to vector<128x1xi32>
    %eq3A_1921 = arith.cmpi eq, %get3A_1919, %eq3A_1920 : vector<128x1xi32>
    %get3A_1922 = arith.constant 0 : index
    %get3A_1923 = memref.load %arg2[%get3A_1922] : memref<8xf32, #tpu.memory_space<smem>>
    %broadcast_in_dim3A_1924 = vector.broadcast %get3A_1923 : f32 to vector<128x1xf32>
    %select_n3A = arith.select %eq3A_1921, %broadcast_in_dim3A_1924, %broadcast_in_dim3A_1916 : vector<128x1xi1>, vector<128x1xf32>
    %get3A_1925 = arith.constant 0 : index
    %get3A_1926 = arith.constant 0 : index
    %get3A_1927 = vector.load %arg3[%get3A_1925, %get3A_1926] : memref<128x1xi32, #tpu.memory_space<vmem>>, vector<128x1xi32>
    %eq3A_1928 = arith.constant 1 : i32
    %eq3A_1929 = vector.broadcast %eq3A_1928 : i32 to vector<128x1xi32>
    %eq3A_1930 = arith.cmpi eq, %get3A_1927, %eq3A_1929 : vector<128x1xi32>
    %get3A_1931 = arith.constant 1 : index
    %get3A_1932 = memref.load %arg2[%get3A_1931] : memref<8xf32, #tpu.memory_space<smem>>
    %broadcast_in_dim3A_1933 = vector.broadcast %get3A_1932 : f32 to vector<128x1xf32>
    %select_n3A_1934 = arith.select %eq3A_1930, %broadcast_in_dim3A_1933, %select_n3A : vector<128x1xi1>, vector<128x1xf32>
    %get3A_1935 = arith.constant 0 : index
    %get3A_1936 = arith.constant 0 : index
    %get3A_1937 = vector.load %arg3[%get3A_1935, %get3A_1936] : memref<128x1xi32, #tpu.memory_space<vmem>>, vector<128x1xi32>
    %eq3A_1938 = arith.constant 2 : i32
    %eq3A_1939 = vector.broadcast %eq3A_1938 : i32 to vector<128x1xi32>
    %eq3A_1940 = arith.cmpi eq, %get3A_1937, %eq3A_1939 : vector<128x1xi32>
    %get3A_1941 = arith.constant 2 : index
    %get3A_1942 = memref.load %arg2[%get3A_1941] : memref<8xf32, #tpu.memory_space<smem>>
    %broadcast_in_dim3A_1943 = vector.broadcast %get3A_1942 : f32 to vector<128x1xf32>
    %select_n3A_1944 = arith.select %eq3A_1940, %broadcast_in_dim3A_1943, %select_n3A_1934 : vector<128x1xi1>, vector<128x1xf32>
    %get3A_1945 = arith.constant 0 : index
    %get3A_1946 = arith.constant 0 : index
    %get3A_1947 = vector.load %arg3[%get3A_1945, %get3A_1946] : memref<128x1xi32, #tpu.memory_space<vmem>>, vector<128x1xi32>
    %eq3A_1948 = arith.constant 3 : i32
    %eq3A_1949 = vector.broadcast %eq3A_1948 : i32 to vector<128x1xi32>
    %eq3A_1950 = arith.cmpi eq, %get3A_1947, %eq3A_1949 : vector<128x1xi32>
    %get3A_1951 = arith.constant 3 : index
    %get3A_1952 = memref.load %arg2[%get3A_1951] : memref<8xf32, #tpu.memory_space<smem>>
    %broadcast_in_dim3A_1953 = vector.broadcast %get3A_1952 : f32 to vector<128x1xf32>
    %select_n3A_1954 = arith.select %eq3A_1950, %broadcast_in_dim3A_1953, %select_n3A_1944 : vector<128x1xi1>, vector<128x1xf32>
    %get3A_1955 = arith.constant 0 : index
    %get3A_1956 = arith.constant 0 : index
    %get3A_1957 = vector.load %arg3[%get3A_1955, %get3A_1956] : memref<128x1xi32, #tpu.memory_space<vmem>>, vector<128x1xi32>
    %eq3A_1958 = arith.constant 4 : i32
    %eq3A_1959 = vector.broadcast %eq3A_1958 : i32 to vector<128x1xi32>
    %eq3A_1960 = arith.cmpi eq, %get3A_1957, %eq3A_1959 : vector<128x1xi32>
    %get3A_1961 = arith.constant 4 : index
    %get3A_1962 = memref.load %arg2[%get3A_1961] : memref<8xf32, #tpu.memory_space<smem>>
    %broadcast_in_dim3A_1963 = vector.broadcast %get3A_1962 : f32 to vector<128x1xf32>
    %select_n3A_1964 = arith.select %eq3A_1960, %broadcast_in_dim3A_1963, %select_n3A_1954 : vector<128x1xi1>, vector<128x1xf32>
    %get3A_1965 = arith.constant 0 : index
    %get3A_1966 = arith.constant 0 : index
    %get3A_1967 = vector.load %arg3[%get3A_1965, %get3A_1966] : memref<128x1xi32, #tpu.memory_space<vmem>>, vector<128x1xi32>
    %eq3A_1968 = arith.constant 5 : i32
    %eq3A_1969 = vector.broadcast %eq3A_1968 : i32 to vector<128x1xi32>
    %eq3A_1970 = arith.cmpi eq, %get3A_1967, %eq3A_1969 : vector<128x1xi32>
    %get3A_1971 = arith.constant 5 : index
    %get3A_1972 = memref.load %arg2[%get3A_1971] : memref<8xf32, #tpu.memory_space<smem>>
    %broadcast_in_dim3A_1973 = vector.broadcast %get3A_1972 : f32 to vector<128x1xf32>
    %select_n3A_1974 = arith.select %eq3A_1970, %broadcast_in_dim3A_1973, %select_n3A_1964 : vector<128x1xi1>, vector<128x1xf32>
    %get3A_1975 = arith.constant 0 : index
    %get3A_1976 = arith.constant 0 : index
    %get3A_1977 = vector.load %arg3[%get3A_1975, %get3A_1976] : memref<128x1xi32, #tpu.memory_space<vmem>>, vector<128x1xi32>
    %eq3A_1978 = arith.constant 6 : i32
    %eq3A_1979 = vector.broadcast %eq3A_1978 : i32 to vector<128x1xi32>
    %eq3A_1980 = arith.cmpi eq, %get3A_1977, %eq3A_1979 : vector<128x1xi32>
    %get3A_1981 = arith.constant 6 : index
    %get3A_1982 = memref.load %arg2[%get3A_1981] : memref<8xf32, #tpu.memory_space<smem>>
    %broadcast_in_dim3A_1983 = vector.broadcast %get3A_1982 : f32 to vector<128x1xf32>
    %select_n3A_1984 = arith.select %eq3A_1980, %broadcast_in_dim3A_1983, %select_n3A_1974 : vector<128x1xi1>, vector<128x1xf32>
    %get3A_1985 = arith.constant 0 : index
    %get3A_1986 = arith.constant 0 : index
    %get3A_1987 = vector.load %arg3[%get3A_1985, %get3A_1986] : memref<128x1xi32, #tpu.memory_space<vmem>>, vector<128x1xi32>
    %eq3A_1988 = arith.constant 7 : i32
    %eq3A_1989 = vector.broadcast %eq3A_1988 : i32 to vector<128x1xi32>
    %eq3A_1990 = arith.cmpi eq, %get3A_1987, %eq3A_1989 : vector<128x1xi32>
    %get3A_1991 = arith.constant 7 : index
    %get3A_1992 = memref.load %arg2[%get3A_1991] : memref<8xf32, #tpu.memory_space<smem>>
    %broadcast_in_dim3A_1993 = vector.broadcast %get3A_1992 : f32 to vector<128x1xf32>
    %select_n3A_1994 = arith.select %eq3A_1990, %broadcast_in_dim3A_1993, %select_n3A_1984 : vector<128x1xi1>, vector<128x1xf32>
    %dma_wait3A = arith.constant 0 : i32
    %dma_wait3A_1995 = tpu.memref_slice %arg7[%dma_wait3A] : memref<8x!tpu.dma_semaphore, #tpu.memory_space<semaphore_mem>> -> memref<1x!tpu.dma_semaphore, #tpu.memory_space<semaphore_mem>>
    %dma_wait3A_1996 = tpu.memref_squeeze %dma_wait3A_1995 : memref<1x!tpu.dma_semaphore, #tpu.memory_space<semaphore_mem>> -> memref<!tpu.dma_semaphore, #tpu.memory_space<semaphore_mem>>
    %dma_wait3A_1997 = arith.constant 0 : i32
    %dma_wait3A_1998 = arith.constant 0 : i32
    %dma_wait3A_1999 = tpu.memref_slice %arg6[%dma_wait3A_1997, %dma_wait3A_1998] : memref<128x1024xf32, #tpu.memory_space<vmem>> -> memref<1x1024xf32, #tpu.memory_space<vmem>>
    %dma_wait3A_2000 = arith.constant 0 : i32
    %dma_wait3A_2001 = tpu.memref_slice %arg4[%add3A, %dma_wait3A_2000] : memref<16384x1024xf32, #tpu.memory_space<hbm>> -> memref<1x1024xf32, #tpu.memory_space<hbm>>
    tpu.wait_dma2 semaphore(%dma_wait3A_1996 : memref<!tpu.dma_semaphore, #tpu.memory_space<semaphore_mem>>) src(%dma_wait3A_2001 : memref<1x1024xf32, #tpu.memory_space<hbm>>) dst(%dma_wait3A_1999 : memref<1x1024xf32, #tpu.memory_space<vmem>>)
    %dma_wait3A_2002 = arith.constant 1 : i32
    %dma_wait3A_2003 = tpu.memref_slice %arg7[%dma_wait3A_2002] : memref<8x!tpu.dma_semaphore, #tpu.memory_space<semaphore_mem>> -> memref<1x!tpu.dma_semaphore, #tpu.memory_space<semaphore_mem>>
    %dma_wait3A_2004 = tpu.memref_squeeze %dma_wait3A_2003 : memref<1x!tpu.dma_semaphore, #tpu.memory_space<semaphore_mem>> -> memref<!tpu.dma_semaphore, #tpu.memory_space<semaphore_mem>>
    %dma_wait3A_2005 = arith.constant 1 : i32
    %dma_wait3A_2006 = arith.constant 0 : i32
    %dma_wait3A_2007 = tpu.memref_slice %arg6[%dma_wait3A_2005, %dma_wait3A_2006] : memref<128x1024xf32, #tpu.memory_space<vmem>> -> memref<1x1024xf32, #tpu.memory_space<vmem>>
    %dma_wait3A_2008 = arith.constant 0 : i32
    %dma_wait3A_2009 = tpu.memref_slice %arg4[%add3A_17, %dma_wait3A_2008] : memref<16384x1024xf32, #tpu.memory_space<hbm>> -> memref<1x1024xf32, #tpu.memory_space<hbm>>
    tpu.wait_dma2 semaphore(%dma_wait3A_2004 : memref<!tpu.dma_semaphore, #tpu.memory_space<semaphore_mem>>) src(%dma_wait3A_2009 : memref<1x1024xf32, #tpu.memory_space<hbm>>) dst(%dma_wait3A_2007 : memref<1x1024xf32, #tpu.memory_space<vmem>>)
    %dma_wait3A_2010 = arith.constant 2 : i32
    %dma_wait3A_2011 = tpu.memref_slice %arg7[%dma_wait3A_2010] : memref<8x!tpu.dma_semaphore, #tpu.memory_space<semaphore_mem>> -> memref<1x!tpu.dma_semaphore, #tpu.memory_space<semaphore_mem>>
    %dma_wait3A_2012 = tpu.memref_squeeze %dma_wait3A_2011 : memref<1x!tpu.dma_semaphore, #tpu.memory_space<semaphore_mem>> -> memref<!tpu.dma_semaphore, #tpu.memory_space<semaphore_mem>>
    %dma_wait3A_2013 = arith.constant 2 : i32
    %dma_wait3A_2014 = arith.constant 0 : i32
    %dma_wait3A_2015 = tpu.memref_slice %arg6[%dma_wait3A_2013, %dma_wait3A_2014] : memref<128x1024xf32, #tpu.memory_space<vmem>> -> memref<1x1024xf32, #tpu.memory_space<vmem>>
    %dma_wait3A_2016 = arith.constant 0 : i32
    %dma_wait3A_2017 = tpu.memref_slice %arg4[%add3A_32, %dma_wait3A_2016] : memref<16384x1024xf32, #tpu.memory_space<hbm>> -> memref<1x1024xf32, #tpu.memory_space<hbm>>
    tpu.wait_dma2 semaphore(%dma_wait3A_2012 : memref<!tpu.dma_semaphore, #tpu.memory_space<semaphore_mem>>) src(%dma_wait3A_2017 : memref<1x1024xf32, #tpu.memory_space<hbm>>) dst(%dma_wait3A_2015 : memref<1x1024xf32, #tpu.memory_space<vmem>>)
    %dma_wait3A_2018 = arith.constant 3 : i32
    %dma_wait3A_2019 = tpu.memref_slice %arg7[%dma_wait3A_2018] : memref<8x!tpu.dma_semaphore, #tpu.memory_space<semaphore_mem>> -> memref<1x!tpu.dma_semaphore, #tpu.memory_space<semaphore_mem>>
    %dma_wait3A_2020 = tpu.memref_squeeze %dma_wait3A_2019 : memref<1x!tpu.dma_semaphore, #tpu.memory_space<semaphore_mem>> -> memref<!tpu.dma_semaphore, #tpu.memory_space<semaphore_mem>>
    %dma_wait3A_2021 = arith.constant 3 : i32
    %dma_wait3A_2022 = arith.constant 0 : i32
    %dma_wait3A_2023 = tpu.memref_slice %arg6[%dma_wait3A_2021, %dma_wait3A_2022] : memref<128x1024xf32, #tpu.memory_space<vmem>> -> memref<1x1024xf32, #tpu.memory_space<vmem>>
    %dma_wait3A_2024 = arith.constant 0 : i32
    %dma_wait3A_2025 = tpu.memref_slice %arg4[%add3A_47, %dma_wait3A_2024] : memref<16384x1024xf32, #tpu.memory_space<hbm>> -> memref<1x1024xf32, #tpu.memory_space<hbm>>
    tpu.wait_dma2 semaphore(%dma_wait3A_2020 : memref<!tpu.dma_semaphore, #tpu.memory_space<semaphore_mem>>) src(%dma_wait3A_2025 : memref<1x1024xf32, #tpu.memory_space<hbm>>) dst(%dma_wait3A_2023 : memref<1x1024xf32, #tpu.memory_space<vmem>>)
    %dma_wait3A_2026 = arith.constant 4 : i32
    %dma_wait3A_2027 = tpu.memref_slice %arg7[%dma_wait3A_2026] : memref<8x!tpu.dma_semaphore, #tpu.memory_space<semaphore_mem>> -> memref<1x!tpu.dma_semaphore, #tpu.memory_space<semaphore_mem>>
    %dma_wait3A_2028 = tpu.memref_squeeze %dma_wait3A_2027 : memref<1x!tpu.dma_semaphore, #tpu.memory_space<semaphore_mem>> -> memref<!tpu.dma_semaphore, #tpu.memory_space<semaphore_mem>>
    %dma_wait3A_2029 = arith.constant 4 : i32
    %dma_wait3A_2030 = arith.constant 0 : i32
    %dma_wait3A_2031 = tpu.memref_slice %arg6[%dma_wait3A_2029, %dma_wait3A_2030] : memref<128x1024xf32, #tpu.memory_space<vmem>> -> memref<1x1024xf32, #tpu.memory_space<vmem>>
    %dma_wait3A_2032 = arith.constant 0 : i32
    %dma_wait3A_2033 = tpu.memref_slice %arg4[%add3A_62, %dma_wait3A_2032] : memref<16384x1024xf32, #tpu.memory_space<hbm>> -> memref<1x1024xf32, #tpu.memory_space<hbm>>
    tpu.wait_dma2 semaphore(%dma_wait3A_2028 : memref<!tpu.dma_semaphore, #tpu.memory_space<semaphore_mem>>) src(%dma_wait3A_2033 : memref<1x1024xf32, #tpu.memory_space<hbm>>) dst(%dma_wait3A_2031 : memref<1x1024xf32, #tpu.memory_space<vmem>>)
    %dma_wait3A_2034 = arith.constant 5 : i32
    %dma_wait3A_2035 = tpu.memref_slice %arg7[%dma_wait3A_2034] : memref<8x!tpu.dma_semaphore, #tpu.memory_space<semaphore_mem>> -> memref<1x!tpu.dma_semaphore, #tpu.memory_space<semaphore_mem>>
    %dma_wait3A_2036 = tpu.memref_squeeze %dma_wait3A_2035 : memref<1x!tpu.dma_semaphore, #tpu.memory_space<semaphore_mem>> -> memref<!tpu.dma_semaphore, #tpu.memory_space<semaphore_mem>>
    %dma_wait3A_2037 = arith.constant 5 : i32
    %dma_wait3A_2038 = arith.constant 0 : i32
    %dma_wait3A_2039 = tpu.memref_slice %arg6[%dma_wait3A_2037, %dma_wait3A_2038] : memref<128x1024xf32, #tpu.memory_space<vmem>> -> memref<1x1024xf32, #tpu.memory_space<vmem>>
    %dma_wait3A_2040 = arith.constant 0 : i32
    %dma_wait3A_2041 = tpu.memref_slice %arg4[%add3A_77, %dma_wait3A_2040] : memref<16384x1024xf32, #tpu.memory_space<hbm>> -> memref<1x1024xf32, #tpu.memory_space<hbm>>
    tpu.wait_dma2 semaphore(%dma_wait3A_2036 : memref<!tpu.dma_semaphore, #tpu.memory_space<semaphore_mem>>) src(%dma_wait3A_2041 : memref<1x1024xf32, #tpu.memory_space<hbm>>) dst(%dma_wait3A_2039 : memref<1x1024xf32, #tpu.memory_space<vmem>>)
    %dma_wait3A_2042 = arith.constant 6 : i32
    %dma_wait3A_2043 = tpu.memref_slice %arg7[%dma_wait3A_2042] : memref<8x!tpu.dma_semaphore, #tpu.memory_space<semaphore_mem>> -> memref<1x!tpu.dma_semaphore, #tpu.memory_space<semaphore_mem>>
    %dma_wait3A_2044 = tpu.memref_squeeze %dma_wait3A_2043 : memref<1x!tpu.dma_semaphore, #tpu.memory_space<semaphore_mem>> -> memref<!tpu.dma_semaphore, #tpu.memory_space<semaphore_mem>>
    %dma_wait3A_2045 = arith.constant 6 : i32
    %dma_wait3A_2046 = arith.constant 0 : i32
    %dma_wait3A_2047 = tpu.memref_slice %arg6[%dma_wait3A_2045, %dma_wait3A_2046] : memref<128x1024xf32, #tpu.memory_space<vmem>> -> memref<1x1024xf32, #tpu.memory_space<vmem>>
    %dma_wait3A_2048 = arith.constant 0 : i32
    %dma_wait3A_2049 = tpu.memref_slice %arg4[%add3A_92, %dma_wait3A_2048] : memref<16384x1024xf32, #tpu.memory_space<hbm>> -> memref<1x1024xf32, #tpu.memory_space<hbm>>
    tpu.wait_dma2 semaphore(%dma_wait3A_2044 : memref<!tpu.dma_semaphore, #tpu.memory_space<semaphore_mem>>) src(%dma_wait3A_2049 : memref<1x1024xf32, #tpu.memory_space<hbm>>) dst(%dma_wait3A_2047 : memref<1x1024xf32, #tpu.memory_space<vmem>>)
    %dma_wait3A_2050 = arith.constant 7 : i32
    %dma_wait3A_2051 = tpu.memref_slice %arg7[%dma_wait3A_2050] : memref<8x!tpu.dma_semaphore, #tpu.memory_space<semaphore_mem>> -> memref<1x!tpu.dma_semaphore, #tpu.memory_space<semaphore_mem>>
    %dma_wait3A_2052 = tpu.memref_squeeze %dma_wait3A_2051 : memref<1x!tpu.dma_semaphore, #tpu.memory_space<semaphore_mem>> -> memref<!tpu.dma_semaphore, #tpu.memory_space<semaphore_mem>>
    %dma_wait3A_2053 = arith.constant 7 : i32
    %dma_wait3A_2054 = arith.constant 0 : i32
    %dma_wait3A_2055 = tpu.memref_slice %arg6[%dma_wait3A_2053, %dma_wait3A_2054] : memref<128x1024xf32, #tpu.memory_space<vmem>> -> memref<1x1024xf32, #tpu.memory_space<vmem>>
    %dma_wait3A_2056 = arith.constant 0 : i32
    %dma_wait3A_2057 = tpu.memref_slice %arg4[%add3A_107, %dma_wait3A_2056] : memref<16384x1024xf32, #tpu.memory_space<hbm>> -> memref<1x1024xf32, #tpu.memory_space<hbm>>
    tpu.wait_dma2 semaphore(%dma_wait3A_2052 : memref<!tpu.dma_semaphore, #tpu.memory_space<semaphore_mem>>) src(%dma_wait3A_2057 : memref<1x1024xf32, #tpu.memory_space<hbm>>) dst(%dma_wait3A_2055 : memref<1x1024xf32, #tpu.memory_space<vmem>>)
    %dma_wait3A_2058 = arith.constant 0 : i32
    %dma_wait3A_2059 = tpu.memref_slice %arg7[%dma_wait3A_2058] : memref<8x!tpu.dma_semaphore, #tpu.memory_space<semaphore_mem>> -> memref<1x!tpu.dma_semaphore, #tpu.memory_space<semaphore_mem>>
    %dma_wait3A_2060 = tpu.memref_squeeze %dma_wait3A_2059 : memref<1x!tpu.dma_semaphore, #tpu.memory_space<semaphore_mem>> -> memref<!tpu.dma_semaphore, #tpu.memory_space<semaphore_mem>>
    %dma_wait3A_2061 = arith.constant 8 : i32
    %dma_wait3A_2062 = arith.constant 0 : i32
    %dma_wait3A_2063 = tpu.memref_slice %arg6[%dma_wait3A_2061, %dma_wait3A_2062] : memref<128x1024xf32, #tpu.memory_space<vmem>> -> memref<1x1024xf32, #tpu.memory_space<vmem>>
    %dma_wait3A_2064 = arith.constant 0 : i32
    %dma_wait3A_2065 = tpu.memref_slice %arg4[%add3A_122, %dma_wait3A_2064] : memref<16384x1024xf32, #tpu.memory_space<hbm>> -> memref<1x1024xf32, #tpu.memory_space<hbm>>
    tpu.wait_dma2 semaphore(%dma_wait3A_2060 : memref<!tpu.dma_semaphore, #tpu.memory_space<semaphore_mem>>) src(%dma_wait3A_2065 : memref<1x1024xf32, #tpu.memory_space<hbm>>) dst(%dma_wait3A_2063 : memref<1x1024xf32, #tpu.memory_space<vmem>>)
    %dma_wait3A_2066 = arith.constant 1 : i32
    %dma_wait3A_2067 = tpu.memref_slice %arg7[%dma_wait3A_2066] : memref<8x!tpu.dma_semaphore, #tpu.memory_space<semaphore_mem>> -> memref<1x!tpu.dma_semaphore, #tpu.memory_space<semaphore_mem>>
    %dma_wait3A_2068 = tpu.memref_squeeze %dma_wait3A_2067 : memref<1x!tpu.dma_semaphore, #tpu.memory_space<semaphore_mem>> -> memref<!tpu.dma_semaphore, #tpu.memory_space<semaphore_mem>>
    %dma_wait3A_2069 = arith.constant 9 : i32
    %dma_wait3A_2070 = arith.constant 0 : i32
    %dma_wait3A_2071 = tpu.memref_slice %arg6[%dma_wait3A_2069, %dma_wait3A_2070] : memref<128x1024xf32, #tpu.memory_space<vmem>> -> memref<1x1024xf32, #tpu.memory_space<vmem>>
    %dma_wait3A_2072 = arith.constant 0 : i32
    %dma_wait3A_2073 = tpu.memref_slice %arg4[%add3A_137, %dma_wait3A_2072] : memref<16384x1024xf32, #tpu.memory_space<hbm>> -> memref<1x1024xf32, #tpu.memory_space<hbm>>
    tpu.wait_dma2 semaphore(%dma_wait3A_2068 : memref<!tpu.dma_semaphore, #tpu.memory_space<semaphore_mem>>) src(%dma_wait3A_2073 : memref<1x1024xf32, #tpu.memory_space<hbm>>) dst(%dma_wait3A_2071 : memref<1x1024xf32, #tpu.memory_space<vmem>>)
    %dma_wait3A_2074 = arith.constant 2 : i32
    %dma_wait3A_2075 = tpu.memref_slice %arg7[%dma_wait3A_2074] : memref<8x!tpu.dma_semaphore, #tpu.memory_space<semaphore_mem>> -> memref<1x!tpu.dma_semaphore, #tpu.memory_space<semaphore_mem>>
    %dma_wait3A_2076 = tpu.memref_squeeze %dma_wait3A_2075 : memref<1x!tpu.dma_semaphore, #tpu.memory_space<semaphore_mem>> -> memref<!tpu.dma_semaphore, #tpu.memory_space<semaphore_mem>>
    %dma_wait3A_2077 = arith.constant 10 : i32
    %dma_wait3A_2078 = arith.constant 0 : i32
    %dma_wait3A_2079 = tpu.memref_slice %arg6[%dma_wait3A_2077, %dma_wait3A_2078] : memref<128x1024xf32, #tpu.memory_space<vmem>> -> memref<1x1024xf32, #tpu.memory_space<vmem>>
    %dma_wait3A_2080 = arith.constant 0 : i32
    %dma_wait3A_2081 = tpu.memref_slice %arg4[%add3A_152, %dma_wait3A_2080] : memref<16384x1024xf32, #tpu.memory_space<hbm>> -> memref<1x1024xf32, #tpu.memory_space<hbm>>
    tpu.wait_dma2 semaphore(%dma_wait3A_2076 : memref<!tpu.dma_semaphore, #tpu.memory_space<semaphore_mem>>) src(%dma_wait3A_2081 : memref<1x1024xf32, #tpu.memory_space<hbm>>) dst(%dma_wait3A_2079 : memref<1x1024xf32, #tpu.memory_space<vmem>>)
    %dma_wait3A_2082 = arith.constant 3 : i32
    %dma_wait3A_2083 = tpu.memref_slice %arg7[%dma_wait3A_2082] : memref<8x!tpu.dma_semaphore, #tpu.memory_space<semaphore_mem>> -> memref<1x!tpu.dma_semaphore, #tpu.memory_space<semaphore_mem>>
    %dma_wait3A_2084 = tpu.memref_squeeze %dma_wait3A_2083 : memref<1x!tpu.dma_semaphore, #tpu.memory_space<semaphore_mem>> -> memref<!tpu.dma_semaphore, #tpu.memory_space<semaphore_mem>>
    %dma_wait3A_2085 = arith.constant 11 : i32
    %dma_wait3A_2086 = arith.constant 0 : i32
    %dma_wait3A_2087 = tpu.memref_slice %arg6[%dma_wait3A_2085, %dma_wait3A_2086] : memref<128x1024xf32, #tpu.memory_space<vmem>> -> memref<1x1024xf32, #tpu.memory_space<vmem>>
    %dma_wait3A_2088 = arith.constant 0 : i32
    %dma_wait3A_2089 = tpu.memref_slice %arg4[%add3A_167, %dma_wait3A_2088] : memref<16384x1024xf32, #tpu.memory_space<hbm>> -> memref<1x1024xf32, #tpu.memory_space<hbm>>
    tpu.wait_dma2 semaphore(%dma_wait3A_2084 : memref<!tpu.dma_semaphore, #tpu.memory_space<semaphore_mem>>) src(%dma_wait3A_2089 : memref<1x1024xf32, #tpu.memory_space<hbm>>) dst(%dma_wait3A_2087 : memref<1x1024xf32, #tpu.memory_space<vmem>>)
    %dma_wait3A_2090 = arith.constant 4 : i32
    %dma_wait3A_2091 = tpu.memref_slice %arg7[%dma_wait3A_2090] : memref<8x!tpu.dma_semaphore, #tpu.memory_space<semaphore_mem>> -> memref<1x!tpu.dma_semaphore, #tpu.memory_space<semaphore_mem>>
    %dma_wait3A_2092 = tpu.memref_squeeze %dma_wait3A_2091 : memref<1x!tpu.dma_semaphore, #tpu.memory_space<semaphore_mem>> -> memref<!tpu.dma_semaphore, #tpu.memory_space<semaphore_mem>>
    %dma_wait3A_2093 = arith.constant 12 : i32
    %dma_wait3A_2094 = arith.constant 0 : i32
    %dma_wait3A_2095 = tpu.memref_slice %arg6[%dma_wait3A_2093, %dma_wait3A_2094] : memref<128x1024xf32, #tpu.memory_space<vmem>> -> memref<1x1024xf32, #tpu.memory_space<vmem>>
    %dma_wait3A_2096 = arith.constant 0 : i32
    %dma_wait3A_2097 = tpu.memref_slice %arg4[%add3A_182, %dma_wait3A_2096] : memref<16384x1024xf32, #tpu.memory_space<hbm>> -> memref<1x1024xf32, #tpu.memory_space<hbm>>
    tpu.wait_dma2 semaphore(%dma_wait3A_2092 : memref<!tpu.dma_semaphore, #tpu.memory_space<semaphore_mem>>) src(%dma_wait3A_2097 : memref<1x1024xf32, #tpu.memory_space<hbm>>) dst(%dma_wait3A_2095 : memref<1x1024xf32, #tpu.memory_space<vmem>>)
    %dma_wait3A_2098 = arith.constant 5 : i32
    %dma_wait3A_2099 = tpu.memref_slice %arg7[%dma_wait3A_2098] : memref<8x!tpu.dma_semaphore, #tpu.memory_space<semaphore_mem>> -> memref<1x!tpu.dma_semaphore, #tpu.memory_space<semaphore_mem>>
    %dma_wait3A_2100 = tpu.memref_squeeze %dma_wait3A_2099 : memref<1x!tpu.dma_semaphore, #tpu.memory_space<semaphore_mem>> -> memref<!tpu.dma_semaphore, #tpu.memory_space<semaphore_mem>>
    %dma_wait3A_2101 = arith.constant 13 : i32
    %dma_wait3A_2102 = arith.constant 0 : i32
    %dma_wait3A_2103 = tpu.memref_slice %arg6[%dma_wait3A_2101, %dma_wait3A_2102] : memref<128x1024xf32, #tpu.memory_space<vmem>> -> memref<1x1024xf32, #tpu.memory_space<vmem>>
    %dma_wait3A_2104 = arith.constant 0 : i32
    %dma_wait3A_2105 = tpu.memref_slice %arg4[%add3A_197, %dma_wait3A_2104] : memref<16384x1024xf32, #tpu.memory_space<hbm>> -> memref<1x1024xf32, #tpu.memory_space<hbm>>
    tpu.wait_dma2 semaphore(%dma_wait3A_2100 : memref<!tpu.dma_semaphore, #tpu.memory_space<semaphore_mem>>) src(%dma_wait3A_2105 : memref<1x1024xf32, #tpu.memory_space<hbm>>) dst(%dma_wait3A_2103 : memref<1x1024xf32, #tpu.memory_space<vmem>>)
    %dma_wait3A_2106 = arith.constant 6 : i32
    %dma_wait3A_2107 = tpu.memref_slice %arg7[%dma_wait3A_2106] : memref<8x!tpu.dma_semaphore, #tpu.memory_space<semaphore_mem>> -> memref<1x!tpu.dma_semaphore, #tpu.memory_space<semaphore_mem>>
    %dma_wait3A_2108 = tpu.memref_squeeze %dma_wait3A_2107 : memref<1x!tpu.dma_semaphore, #tpu.memory_space<semaphore_mem>> -> memref<!tpu.dma_semaphore, #tpu.memory_space<semaphore_mem>>
    %dma_wait3A_2109 = arith.constant 14 : i32
    %dma_wait3A_2110 = arith.constant 0 : i32
    %dma_wait3A_2111 = tpu.memref_slice %arg6[%dma_wait3A_2109, %dma_wait3A_2110] : memref<128x1024xf32, #tpu.memory_space<vmem>> -> memref<1x1024xf32, #tpu.memory_space<vmem>>
    %dma_wait3A_2112 = arith.constant 0 : i32
    %dma_wait3A_2113 = tpu.memref_slice %arg4[%add3A_212, %dma_wait3A_2112] : memref<16384x1024xf32, #tpu.memory_space<hbm>> -> memref<1x1024xf32, #tpu.memory_space<hbm>>
    tpu.wait_dma2 semaphore(%dma_wait3A_2108 : memref<!tpu.dma_semaphore, #tpu.memory_space<semaphore_mem>>) src(%dma_wait3A_2113 : memref<1x1024xf32, #tpu.memory_space<hbm>>) dst(%dma_wait3A_2111 : memref<1x1024xf32, #tpu.memory_space<vmem>>)
    %dma_wait3A_2114 = arith.constant 7 : i32
    %dma_wait3A_2115 = tpu.memref_slice %arg7[%dma_wait3A_2114] : memref<8x!tpu.dma_semaphore, #tpu.memory_space<semaphore_mem>> -> memref<1x!tpu.dma_semaphore, #tpu.memory_space<semaphore_mem>>
    %dma_wait3A_2116 = tpu.memref_squeeze %dma_wait3A_2115 : memref<1x!tpu.dma_semaphore, #tpu.memory_space<semaphore_mem>> -> memref<!tpu.dma_semaphore, #tpu.memory_space<semaphore_mem>>
    %dma_wait3A_2117 = arith.constant 15 : i32
    %dma_wait3A_2118 = arith.constant 0 : i32
    %dma_wait3A_2119 = tpu.memref_slice %arg6[%dma_wait3A_2117, %dma_wait3A_2118] : memref<128x1024xf32, #tpu.memory_space<vmem>> -> memref<1x1024xf32, #tpu.memory_space<vmem>>
    %dma_wait3A_2120 = arith.constant 0 : i32
    %dma_wait3A_2121 = tpu.memref_slice %arg4[%add3A_227, %dma_wait3A_2120] : memref<16384x1024xf32, #tpu.memory_space<hbm>> -> memref<1x1024xf32, #tpu.memory_space<hbm>>
    tpu.wait_dma2 semaphore(%dma_wait3A_2116 : memref<!tpu.dma_semaphore, #tpu.memory_space<semaphore_mem>>) src(%dma_wait3A_2121 : memref<1x1024xf32, #tpu.memory_space<hbm>>) dst(%dma_wait3A_2119 : memref<1x1024xf32, #tpu.memory_space<vmem>>)
    %dma_wait3A_2122 = arith.constant 0 : i32
    %dma_wait3A_2123 = tpu.memref_slice %arg7[%dma_wait3A_2122] : memref<8x!tpu.dma_semaphore, #tpu.memory_space<semaphore_mem>> -> memref<1x!tpu.dma_semaphore, #tpu.memory_space<semaphore_mem>>
    %dma_wait3A_2124 = tpu.memref_squeeze %dma_wait3A_2123 : memref<1x!tpu.dma_semaphore, #tpu.memory_space<semaphore_mem>> -> memref<!tpu.dma_semaphore, #tpu.memory_space<semaphore_mem>>
    %dma_wait3A_2125 = arith.constant 16 : i32
    %dma_wait3A_2126 = arith.constant 0 : i32
    %dma_wait3A_2127 = tpu.memref_slice %arg6[%dma_wait3A_2125, %dma_wait3A_2126] : memref<128x1024xf32, #tpu.memory_space<vmem>> -> memref<1x1024xf32, #tpu.memory_space<vmem>>
    %dma_wait3A_2128 = arith.constant 0 : i32
    %dma_wait3A_2129 = tpu.memref_slice %arg4[%add3A_242, %dma_wait3A_2128] : memref<16384x1024xf32, #tpu.memory_space<hbm>> -> memref<1x1024xf32, #tpu.memory_space<hbm>>
    tpu.wait_dma2 semaphore(%dma_wait3A_2124 : memref<!tpu.dma_semaphore, #tpu.memory_space<semaphore_mem>>) src(%dma_wait3A_2129 : memref<1x1024xf32, #tpu.memory_space<hbm>>) dst(%dma_wait3A_2127 : memref<1x1024xf32, #tpu.memory_space<vmem>>)
    %dma_wait3A_2130 = arith.constant 1 : i32
    %dma_wait3A_2131 = tpu.memref_slice %arg7[%dma_wait3A_2130] : memref<8x!tpu.dma_semaphore, #tpu.memory_space<semaphore_mem>> -> memref<1x!tpu.dma_semaphore, #tpu.memory_space<semaphore_mem>>
    %dma_wait3A_2132 = tpu.memref_squeeze %dma_wait3A_2131 : memref<1x!tpu.dma_semaphore, #tpu.memory_space<semaphore_mem>> -> memref<!tpu.dma_semaphore, #tpu.memory_space<semaphore_mem>>
    %dma_wait3A_2133 = arith.constant 17 : i32
    %dma_wait3A_2134 = arith.constant 0 : i32
    %dma_wait3A_2135 = tpu.memref_slice %arg6[%dma_wait3A_2133, %dma_wait3A_2134] : memref<128x1024xf32, #tpu.memory_space<vmem>> -> memref<1x1024xf32, #tpu.memory_space<vmem>>
    %dma_wait3A_2136 = arith.constant 0 : i32
    %dma_wait3A_2137 = tpu.memref_slice %arg4[%add3A_257, %dma_wait3A_2136] : memref<16384x1024xf32, #tpu.memory_space<hbm>> -> memref<1x1024xf32, #tpu.memory_space<hbm>>
    tpu.wait_dma2 semaphore(%dma_wait3A_2132 : memref<!tpu.dma_semaphore, #tpu.memory_space<semaphore_mem>>) src(%dma_wait3A_2137 : memref<1x1024xf32, #tpu.memory_space<hbm>>) dst(%dma_wait3A_2135 : memref<1x1024xf32, #tpu.memory_space<vmem>>)
    %dma_wait3A_2138 = arith.constant 2 : i32
    %dma_wait3A_2139 = tpu.memref_slice %arg7[%dma_wait3A_2138] : memref<8x!tpu.dma_semaphore, #tpu.memory_space<semaphore_mem>> -> memref<1x!tpu.dma_semaphore, #tpu.memory_space<semaphore_mem>>
    %dma_wait3A_2140 = tpu.memref_squeeze %dma_wait3A_2139 : memref<1x!tpu.dma_semaphore, #tpu.memory_space<semaphore_mem>> -> memref<!tpu.dma_semaphore, #tpu.memory_space<semaphore_mem>>
    %dma_wait3A_2141 = arith.constant 18 : i32
    %dma_wait3A_2142 = arith.constant 0 : i32
    %dma_wait3A_2143 = tpu.memref_slice %arg6[%dma_wait3A_2141, %dma_wait3A_2142] : memref<128x1024xf32, #tpu.memory_space<vmem>> -> memref<1x1024xf32, #tpu.memory_space<vmem>>
    %dma_wait3A_2144 = arith.constant 0 : i32
    %dma_wait3A_2145 = tpu.memref_slice %arg4[%add3A_272, %dma_wait3A_2144] : memref<16384x1024xf32, #tpu.memory_space<hbm>> -> memref<1x1024xf32, #tpu.memory_space<hbm>>
    tpu.wait_dma2 semaphore(%dma_wait3A_2140 : memref<!tpu.dma_semaphore, #tpu.memory_space<semaphore_mem>>) src(%dma_wait3A_2145 : memref<1x1024xf32, #tpu.memory_space<hbm>>) dst(%dma_wait3A_2143 : memref<1x1024xf32, #tpu.memory_space<vmem>>)
    %dma_wait3A_2146 = arith.constant 3 : i32
    %dma_wait3A_2147 = tpu.memref_slice %arg7[%dma_wait3A_2146] : memref<8x!tpu.dma_semaphore, #tpu.memory_space<semaphore_mem>> -> memref<1x!tpu.dma_semaphore, #tpu.memory_space<semaphore_mem>>
    %dma_wait3A_2148 = tpu.memref_squeeze %dma_wait3A_2147 : memref<1x!tpu.dma_semaphore, #tpu.memory_space<semaphore_mem>> -> memref<!tpu.dma_semaphore, #tpu.memory_space<semaphore_mem>>
    %dma_wait3A_2149 = arith.constant 19 : i32
    %dma_wait3A_2150 = arith.constant 0 : i32
    %dma_wait3A_2151 = tpu.memref_slice %arg6[%dma_wait3A_2149, %dma_wait3A_2150] : memref<128x1024xf32, #tpu.memory_space<vmem>> -> memref<1x1024xf32, #tpu.memory_space<vmem>>
    %dma_wait3A_2152 = arith.constant 0 : i32
    %dma_wait3A_2153 = tpu.memref_slice %arg4[%add3A_287, %dma_wait3A_2152] : memref<16384x1024xf32, #tpu.memory_space<hbm>> -> memref<1x1024xf32, #tpu.memory_space<hbm>>
    tpu.wait_dma2 semaphore(%dma_wait3A_2148 : memref<!tpu.dma_semaphore, #tpu.memory_space<semaphore_mem>>) src(%dma_wait3A_2153 : memref<1x1024xf32, #tpu.memory_space<hbm>>) dst(%dma_wait3A_2151 : memref<1x1024xf32, #tpu.memory_space<vmem>>)
    %dma_wait3A_2154 = arith.constant 4 : i32
    %dma_wait3A_2155 = tpu.memref_slice %arg7[%dma_wait3A_2154] : memref<8x!tpu.dma_semaphore, #tpu.memory_space<semaphore_mem>> -> memref<1x!tpu.dma_semaphore, #tpu.memory_space<semaphore_mem>>
    %dma_wait3A_2156 = tpu.memref_squeeze %dma_wait3A_2155 : memref<1x!tpu.dma_semaphore, #tpu.memory_space<semaphore_mem>> -> memref<!tpu.dma_semaphore, #tpu.memory_space<semaphore_mem>>
    %dma_wait3A_2157 = arith.constant 20 : i32
    %dma_wait3A_2158 = arith.constant 0 : i32
    %dma_wait3A_2159 = tpu.memref_slice %arg6[%dma_wait3A_2157, %dma_wait3A_2158] : memref<128x1024xf32, #tpu.memory_space<vmem>> -> memref<1x1024xf32, #tpu.memory_space<vmem>>
    %dma_wait3A_2160 = arith.constant 0 : i32
    %dma_wait3A_2161 = tpu.memref_slice %arg4[%add3A_302, %dma_wait3A_2160] : memref<16384x1024xf32, #tpu.memory_space<hbm>> -> memref<1x1024xf32, #tpu.memory_space<hbm>>
    tpu.wait_dma2 semaphore(%dma_wait3A_2156 : memref<!tpu.dma_semaphore, #tpu.memory_space<semaphore_mem>>) src(%dma_wait3A_2161 : memref<1x1024xf32, #tpu.memory_space<hbm>>) dst(%dma_wait3A_2159 : memref<1x1024xf32, #tpu.memory_space<vmem>>)
    %dma_wait3A_2162 = arith.constant 5 : i32
    %dma_wait3A_2163 = tpu.memref_slice %arg7[%dma_wait3A_2162] : memref<8x!tpu.dma_semaphore, #tpu.memory_space<semaphore_mem>> -> memref<1x!tpu.dma_semaphore, #tpu.memory_space<semaphore_mem>>
    %dma_wait3A_2164 = tpu.memref_squeeze %dma_wait3A_2163 : memref<1x!tpu.dma_semaphore, #tpu.memory_space<semaphore_mem>> -> memref<!tpu.dma_semaphore, #tpu.memory_space<semaphore_mem>>
    %dma_wait3A_2165 = arith.constant 21 : i32
    %dma_wait3A_2166 = arith.constant 0 : i32
    %dma_wait3A_2167 = tpu.memref_slice %arg6[%dma_wait3A_2165, %dma_wait3A_2166] : memref<128x1024xf32, #tpu.memory_space<vmem>> -> memref<1x1024xf32, #tpu.memory_space<vmem>>
    %dma_wait3A_2168 = arith.constant 0 : i32
    %dma_wait3A_2169 = tpu.memref_slice %arg4[%add3A_317, %dma_wait3A_2168] : memref<16384x1024xf32, #tpu.memory_space<hbm>> -> memref<1x1024xf32, #tpu.memory_space<hbm>>
    tpu.wait_dma2 semaphore(%dma_wait3A_2164 : memref<!tpu.dma_semaphore, #tpu.memory_space<semaphore_mem>>) src(%dma_wait3A_2169 : memref<1x1024xf32, #tpu.memory_space<hbm>>) dst(%dma_wait3A_2167 : memref<1x1024xf32, #tpu.memory_space<vmem>>)
    %dma_wait3A_2170 = arith.constant 6 : i32
    %dma_wait3A_2171 = tpu.memref_slice %arg7[%dma_wait3A_2170] : memref<8x!tpu.dma_semaphore, #tpu.memory_space<semaphore_mem>> -> memref<1x!tpu.dma_semaphore, #tpu.memory_space<semaphore_mem>>
    %dma_wait3A_2172 = tpu.memref_squeeze %dma_wait3A_2171 : memref<1x!tpu.dma_semaphore, #tpu.memory_space<semaphore_mem>> -> memref<!tpu.dma_semaphore, #tpu.memory_space<semaphore_mem>>
    %dma_wait3A_2173 = arith.constant 22 : i32
    %dma_wait3A_2174 = arith.constant 0 : i32
    %dma_wait3A_2175 = tpu.memref_slice %arg6[%dma_wait3A_2173, %dma_wait3A_2174] : memref<128x1024xf32, #tpu.memory_space<vmem>> -> memref<1x1024xf32, #tpu.memory_space<vmem>>
    %dma_wait3A_2176 = arith.constant 0 : i32
    %dma_wait3A_2177 = tpu.memref_slice %arg4[%add3A_332, %dma_wait3A_2176] : memref<16384x1024xf32, #tpu.memory_space<hbm>> -> memref<1x1024xf32, #tpu.memory_space<hbm>>
    tpu.wait_dma2 semaphore(%dma_wait3A_2172 : memref<!tpu.dma_semaphore, #tpu.memory_space<semaphore_mem>>) src(%dma_wait3A_2177 : memref<1x1024xf32, #tpu.memory_space<hbm>>) dst(%dma_wait3A_2175 : memref<1x1024xf32, #tpu.memory_space<vmem>>)
    %dma_wait3A_2178 = arith.constant 7 : i32
    %dma_wait3A_2179 = tpu.memref_slice %arg7[%dma_wait3A_2178] : memref<8x!tpu.dma_semaphore, #tpu.memory_space<semaphore_mem>> -> memref<1x!tpu.dma_semaphore, #tpu.memory_space<semaphore_mem>>
    %dma_wait3A_2180 = tpu.memref_squeeze %dma_wait3A_2179 : memref<1x!tpu.dma_semaphore, #tpu.memory_space<semaphore_mem>> -> memref<!tpu.dma_semaphore, #tpu.memory_space<semaphore_mem>>
    %dma_wait3A_2181 = arith.constant 23 : i32
    %dma_wait3A_2182 = arith.constant 0 : i32
    %dma_wait3A_2183 = tpu.memref_slice %arg6[%dma_wait3A_2181, %dma_wait3A_2182] : memref<128x1024xf32, #tpu.memory_space<vmem>> -> memref<1x1024xf32, #tpu.memory_space<vmem>>
    %dma_wait3A_2184 = arith.constant 0 : i32
    %dma_wait3A_2185 = tpu.memref_slice %arg4[%add3A_347, %dma_wait3A_2184] : memref<16384x1024xf32, #tpu.memory_space<hbm>> -> memref<1x1024xf32, #tpu.memory_space<hbm>>
    tpu.wait_dma2 semaphore(%dma_wait3A_2180 : memref<!tpu.dma_semaphore, #tpu.memory_space<semaphore_mem>>) src(%dma_wait3A_2185 : memref<1x1024xf32, #tpu.memory_space<hbm>>) dst(%dma_wait3A_2183 : memref<1x1024xf32, #tpu.memory_space<vmem>>)
    %dma_wait3A_2186 = arith.constant 0 : i32
    %dma_wait3A_2187 = tpu.memref_slice %arg7[%dma_wait3A_2186] : memref<8x!tpu.dma_semaphore, #tpu.memory_space<semaphore_mem>> -> memref<1x!tpu.dma_semaphore, #tpu.memory_space<semaphore_mem>>
    %dma_wait3A_2188 = tpu.memref_squeeze %dma_wait3A_2187 : memref<1x!tpu.dma_semaphore, #tpu.memory_space<semaphore_mem>> -> memref<!tpu.dma_semaphore, #tpu.memory_space<semaphore_mem>>
    %dma_wait3A_2189 = arith.constant 24 : i32
    %dma_wait3A_2190 = arith.constant 0 : i32
    %dma_wait3A_2191 = tpu.memref_slice %arg6[%dma_wait3A_2189, %dma_wait3A_2190] : memref<128x1024xf32, #tpu.memory_space<vmem>> -> memref<1x1024xf32, #tpu.memory_space<vmem>>
    %dma_wait3A_2192 = arith.constant 0 : i32
    %dma_wait3A_2193 = tpu.memref_slice %arg4[%add3A_362, %dma_wait3A_2192] : memref<16384x1024xf32, #tpu.memory_space<hbm>> -> memref<1x1024xf32, #tpu.memory_space<hbm>>
    tpu.wait_dma2 semaphore(%dma_wait3A_2188 : memref<!tpu.dma_semaphore, #tpu.memory_space<semaphore_mem>>) src(%dma_wait3A_2193 : memref<1x1024xf32, #tpu.memory_space<hbm>>) dst(%dma_wait3A_2191 : memref<1x1024xf32, #tpu.memory_space<vmem>>)
    %dma_wait3A_2194 = arith.constant 1 : i32
    %dma_wait3A_2195 = tpu.memref_slice %arg7[%dma_wait3A_2194] : memref<8x!tpu.dma_semaphore, #tpu.memory_space<semaphore_mem>> -> memref<1x!tpu.dma_semaphore, #tpu.memory_space<semaphore_mem>>
    %dma_wait3A_2196 = tpu.memref_squeeze %dma_wait3A_2195 : memref<1x!tpu.dma_semaphore, #tpu.memory_space<semaphore_mem>> -> memref<!tpu.dma_semaphore, #tpu.memory_space<semaphore_mem>>
    %dma_wait3A_2197 = arith.constant 25 : i32
    %dma_wait3A_2198 = arith.constant 0 : i32
    %dma_wait3A_2199 = tpu.memref_slice %arg6[%dma_wait3A_2197, %dma_wait3A_2198] : memref<128x1024xf32, #tpu.memory_space<vmem>> -> memref<1x1024xf32, #tpu.memory_space<vmem>>
    %dma_wait3A_2200 = arith.constant 0 : i32
    %dma_wait3A_2201 = tpu.memref_slice %arg4[%add3A_377, %dma_wait3A_2200] : memref<16384x1024xf32, #tpu.memory_space<hbm>> -> memref<1x1024xf32, #tpu.memory_space<hbm>>
    tpu.wait_dma2 semaphore(%dma_wait3A_2196 : memref<!tpu.dma_semaphore, #tpu.memory_space<semaphore_mem>>) src(%dma_wait3A_2201 : memref<1x1024xf32, #tpu.memory_space<hbm>>) dst(%dma_wait3A_2199 : memref<1x1024xf32, #tpu.memory_space<vmem>>)
    %dma_wait3A_2202 = arith.constant 2 : i32
    %dma_wait3A_2203 = tpu.memref_slice %arg7[%dma_wait3A_2202] : memref<8x!tpu.dma_semaphore, #tpu.memory_space<semaphore_mem>> -> memref<1x!tpu.dma_semaphore, #tpu.memory_space<semaphore_mem>>
    %dma_wait3A_2204 = tpu.memref_squeeze %dma_wait3A_2203 : memref<1x!tpu.dma_semaphore, #tpu.memory_space<semaphore_mem>> -> memref<!tpu.dma_semaphore, #tpu.memory_space<semaphore_mem>>
    %dma_wait3A_2205 = arith.constant 26 : i32
    %dma_wait3A_2206 = arith.constant 0 : i32
    %dma_wait3A_2207 = tpu.memref_slice %arg6[%dma_wait3A_2205, %dma_wait3A_2206] : memref<128x1024xf32, #tpu.memory_space<vmem>> -> memref<1x1024xf32, #tpu.memory_space<vmem>>
    %dma_wait3A_2208 = arith.constant 0 : i32
    %dma_wait3A_2209 = tpu.memref_slice %arg4[%add3A_392, %dma_wait3A_2208] : memref<16384x1024xf32, #tpu.memory_space<hbm>> -> memref<1x1024xf32, #tpu.memory_space<hbm>>
    tpu.wait_dma2 semaphore(%dma_wait3A_2204 : memref<!tpu.dma_semaphore, #tpu.memory_space<semaphore_mem>>) src(%dma_wait3A_2209 : memref<1x1024xf32, #tpu.memory_space<hbm>>) dst(%dma_wait3A_2207 : memref<1x1024xf32, #tpu.memory_space<vmem>>)
    %dma_wait3A_2210 = arith.constant 3 : i32
    %dma_wait3A_2211 = tpu.memref_slice %arg7[%dma_wait3A_2210] : memref<8x!tpu.dma_semaphore, #tpu.memory_space<semaphore_mem>> -> memref<1x!tpu.dma_semaphore, #tpu.memory_space<semaphore_mem>>
    %dma_wait3A_2212 = tpu.memref_squeeze %dma_wait3A_2211 : memref<1x!tpu.dma_semaphore, #tpu.memory_space<semaphore_mem>> -> memref<!tpu.dma_semaphore, #tpu.memory_space<semaphore_mem>>
    %dma_wait3A_2213 = arith.constant 27 : i32
    %dma_wait3A_2214 = arith.constant 0 : i32
    %dma_wait3A_2215 = tpu.memref_slice %arg6[%dma_wait3A_2213, %dma_wait3A_2214] : memref<128x1024xf32, #tpu.memory_space<vmem>> -> memref<1x1024xf32, #tpu.memory_space<vmem>>
    %dma_wait3A_2216 = arith.constant 0 : i32
    %dma_wait3A_2217 = tpu.memref_slice %arg4[%add3A_407, %dma_wait3A_2216] : memref<16384x1024xf32, #tpu.memory_space<hbm>> -> memref<1x1024xf32, #tpu.memory_space<hbm>>
    tpu.wait_dma2 semaphore(%dma_wait3A_2212 : memref<!tpu.dma_semaphore, #tpu.memory_space<semaphore_mem>>) src(%dma_wait3A_2217 : memref<1x1024xf32, #tpu.memory_space<hbm>>) dst(%dma_wait3A_2215 : memref<1x1024xf32, #tpu.memory_space<vmem>>)
    %dma_wait3A_2218 = arith.constant 4 : i32
    %dma_wait3A_2219 = tpu.memref_slice %arg7[%dma_wait3A_2218] : memref<8x!tpu.dma_semaphore, #tpu.memory_space<semaphore_mem>> -> memref<1x!tpu.dma_semaphore, #tpu.memory_space<semaphore_mem>>
    %dma_wait3A_2220 = tpu.memref_squeeze %dma_wait3A_2219 : memref<1x!tpu.dma_semaphore, #tpu.memory_space<semaphore_mem>> -> memref<!tpu.dma_semaphore, #tpu.memory_space<semaphore_mem>>
    %dma_wait3A_2221 = arith.constant 28 : i32
    %dma_wait3A_2222 = arith.constant 0 : i32
    %dma_wait3A_2223 = tpu.memref_slice %arg6[%dma_wait3A_2221, %dma_wait3A_2222] : memref<128x1024xf32, #tpu.memory_space<vmem>> -> memref<1x1024xf32, #tpu.memory_space<vmem>>
    %dma_wait3A_2224 = arith.constant 0 : i32
    %dma_wait3A_2225 = tpu.memref_slice %arg4[%add3A_422, %dma_wait3A_2224] : memref<16384x1024xf32, #tpu.memory_space<hbm>> -> memref<1x1024xf32, #tpu.memory_space<hbm>>
    tpu.wait_dma2 semaphore(%dma_wait3A_2220 : memref<!tpu.dma_semaphore, #tpu.memory_space<semaphore_mem>>) src(%dma_wait3A_2225 : memref<1x1024xf32, #tpu.memory_space<hbm>>) dst(%dma_wait3A_2223 : memref<1x1024xf32, #tpu.memory_space<vmem>>)
    %dma_wait3A_2226 = arith.constant 5 : i32
    %dma_wait3A_2227 = tpu.memref_slice %arg7[%dma_wait3A_2226] : memref<8x!tpu.dma_semaphore, #tpu.memory_space<semaphore_mem>> -> memref<1x!tpu.dma_semaphore, #tpu.memory_space<semaphore_mem>>
    %dma_wait3A_2228 = tpu.memref_squeeze %dma_wait3A_2227 : memref<1x!tpu.dma_semaphore, #tpu.memory_space<semaphore_mem>> -> memref<!tpu.dma_semaphore, #tpu.memory_space<semaphore_mem>>
    %dma_wait3A_2229 = arith.constant 29 : i32
    %dma_wait3A_2230 = arith.constant 0 : i32
    %dma_wait3A_2231 = tpu.memref_slice %arg6[%dma_wait3A_2229, %dma_wait3A_2230] : memref<128x1024xf32, #tpu.memory_space<vmem>> -> memref<1x1024xf32, #tpu.memory_space<vmem>>
    %dma_wait3A_2232 = arith.constant 0 : i32
    %dma_wait3A_2233 = tpu.memref_slice %arg4[%add3A_437, %dma_wait3A_2232] : memref<16384x1024xf32, #tpu.memory_space<hbm>> -> memref<1x1024xf32, #tpu.memory_space<hbm>>
    tpu.wait_dma2 semaphore(%dma_wait3A_2228 : memref<!tpu.dma_semaphore, #tpu.memory_space<semaphore_mem>>) src(%dma_wait3A_2233 : memref<1x1024xf32, #tpu.memory_space<hbm>>) dst(%dma_wait3A_2231 : memref<1x1024xf32, #tpu.memory_space<vmem>>)
    %dma_wait3A_2234 = arith.constant 6 : i32
    %dma_wait3A_2235 = tpu.memref_slice %arg7[%dma_wait3A_2234] : memref<8x!tpu.dma_semaphore, #tpu.memory_space<semaphore_mem>> -> memref<1x!tpu.dma_semaphore, #tpu.memory_space<semaphore_mem>>
    %dma_wait3A_2236 = tpu.memref_squeeze %dma_wait3A_2235 : memref<1x!tpu.dma_semaphore, #tpu.memory_space<semaphore_mem>> -> memref<!tpu.dma_semaphore, #tpu.memory_space<semaphore_mem>>
    %dma_wait3A_2237 = arith.constant 30 : i32
    %dma_wait3A_2238 = arith.constant 0 : i32
    %dma_wait3A_2239 = tpu.memref_slice %arg6[%dma_wait3A_2237, %dma_wait3A_2238] : memref<128x1024xf32, #tpu.memory_space<vmem>> -> memref<1x1024xf32, #tpu.memory_space<vmem>>
    %dma_wait3A_2240 = arith.constant 0 : i32
    %dma_wait3A_2241 = tpu.memref_slice %arg4[%add3A_452, %dma_wait3A_2240] : memref<16384x1024xf32, #tpu.memory_space<hbm>> -> memref<1x1024xf32, #tpu.memory_space<hbm>>
    tpu.wait_dma2 semaphore(%dma_wait3A_2236 : memref<!tpu.dma_semaphore, #tpu.memory_space<semaphore_mem>>) src(%dma_wait3A_2241 : memref<1x1024xf32, #tpu.memory_space<hbm>>) dst(%dma_wait3A_2239 : memref<1x1024xf32, #tpu.memory_space<vmem>>)
    %dma_wait3A_2242 = arith.constant 7 : i32
    %dma_wait3A_2243 = tpu.memref_slice %arg7[%dma_wait3A_2242] : memref<8x!tpu.dma_semaphore, #tpu.memory_space<semaphore_mem>> -> memref<1x!tpu.dma_semaphore, #tpu.memory_space<semaphore_mem>>
    %dma_wait3A_2244 = tpu.memref_squeeze %dma_wait3A_2243 : memref<1x!tpu.dma_semaphore, #tpu.memory_space<semaphore_mem>> -> memref<!tpu.dma_semaphore, #tpu.memory_space<semaphore_mem>>
    %dma_wait3A_2245 = arith.constant 31 : i32
    %dma_wait3A_2246 = arith.constant 0 : i32
    %dma_wait3A_2247 = tpu.memref_slice %arg6[%dma_wait3A_2245, %dma_wait3A_2246] : memref<128x1024xf32, #tpu.memory_space<vmem>> -> memref<1x1024xf32, #tpu.memory_space<vmem>>
    %dma_wait3A_2248 = arith.constant 0 : i32
    %dma_wait3A_2249 = tpu.memref_slice %arg4[%add3A_467, %dma_wait3A_2248] : memref<16384x1024xf32, #tpu.memory_space<hbm>> -> memref<1x1024xf32, #tpu.memory_space<hbm>>
    tpu.wait_dma2 semaphore(%dma_wait3A_2244 : memref<!tpu.dma_semaphore, #tpu.memory_space<semaphore_mem>>) src(%dma_wait3A_2249 : memref<1x1024xf32, #tpu.memory_space<hbm>>) dst(%dma_wait3A_2247 : memref<1x1024xf32, #tpu.memory_space<vmem>>)
    %dma_wait3A_2250 = arith.constant 0 : i32
    %dma_wait3A_2251 = tpu.memref_slice %arg7[%dma_wait3A_2250] : memref<8x!tpu.dma_semaphore, #tpu.memory_space<semaphore_mem>> -> memref<1x!tpu.dma_semaphore, #tpu.memory_space<semaphore_mem>>
    %dma_wait3A_2252 = tpu.memref_squeeze %dma_wait3A_2251 : memref<1x!tpu.dma_semaphore, #tpu.memory_space<semaphore_mem>> -> memref<!tpu.dma_semaphore, #tpu.memory_space<semaphore_mem>>
    %dma_wait3A_2253 = arith.constant 32 : i32
    %dma_wait3A_2254 = arith.constant 0 : i32
    %dma_wait3A_2255 = tpu.memref_slice %arg6[%dma_wait3A_2253, %dma_wait3A_2254] : memref<128x1024xf32, #tpu.memory_space<vmem>> -> memref<1x1024xf32, #tpu.memory_space<vmem>>
    %dma_wait3A_2256 = arith.constant 0 : i32
    %dma_wait3A_2257 = tpu.memref_slice %arg4[%add3A_482, %dma_wait3A_2256] : memref<16384x1024xf32, #tpu.memory_space<hbm>> -> memref<1x1024xf32, #tpu.memory_space<hbm>>
    tpu.wait_dma2 semaphore(%dma_wait3A_2252 : memref<!tpu.dma_semaphore, #tpu.memory_space<semaphore_mem>>) src(%dma_wait3A_2257 : memref<1x1024xf32, #tpu.memory_space<hbm>>) dst(%dma_wait3A_2255 : memref<1x1024xf32, #tpu.memory_space<vmem>>)
    %dma_wait3A_2258 = arith.constant 1 : i32
    %dma_wait3A_2259 = tpu.memref_slice %arg7[%dma_wait3A_2258] : memref<8x!tpu.dma_semaphore, #tpu.memory_space<semaphore_mem>> -> memref<1x!tpu.dma_semaphore, #tpu.memory_space<semaphore_mem>>
    %dma_wait3A_2260 = tpu.memref_squeeze %dma_wait3A_2259 : memref<1x!tpu.dma_semaphore, #tpu.memory_space<semaphore_mem>> -> memref<!tpu.dma_semaphore, #tpu.memory_space<semaphore_mem>>
    %dma_wait3A_2261 = arith.constant 33 : i32
    %dma_wait3A_2262 = arith.constant 0 : i32
    %dma_wait3A_2263 = tpu.memref_slice %arg6[%dma_wait3A_2261, %dma_wait3A_2262] : memref<128x1024xf32, #tpu.memory_space<vmem>> -> memref<1x1024xf32, #tpu.memory_space<vmem>>
    %dma_wait3A_2264 = arith.constant 0 : i32
    %dma_wait3A_2265 = tpu.memref_slice %arg4[%add3A_497, %dma_wait3A_2264] : memref<16384x1024xf32, #tpu.memory_space<hbm>> -> memref<1x1024xf32, #tpu.memory_space<hbm>>
    tpu.wait_dma2 semaphore(%dma_wait3A_2260 : memref<!tpu.dma_semaphore, #tpu.memory_space<semaphore_mem>>) src(%dma_wait3A_2265 : memref<1x1024xf32, #tpu.memory_space<hbm>>) dst(%dma_wait3A_2263 : memref<1x1024xf32, #tpu.memory_space<vmem>>)
    %dma_wait3A_2266 = arith.constant 2 : i32
    %dma_wait3A_2267 = tpu.memref_slice %arg7[%dma_wait3A_2266] : memref<8x!tpu.dma_semaphore, #tpu.memory_space<semaphore_mem>> -> memref<1x!tpu.dma_semaphore, #tpu.memory_space<semaphore_mem>>
    %dma_wait3A_2268 = tpu.memref_squeeze %dma_wait3A_2267 : memref<1x!tpu.dma_semaphore, #tpu.memory_space<semaphore_mem>> -> memref<!tpu.dma_semaphore, #tpu.memory_space<semaphore_mem>>
    %dma_wait3A_2269 = arith.constant 34 : i32
    %dma_wait3A_2270 = arith.constant 0 : i32
    %dma_wait3A_2271 = tpu.memref_slice %arg6[%dma_wait3A_2269, %dma_wait3A_2270] : memref<128x1024xf32, #tpu.memory_space<vmem>> -> memref<1x1024xf32, #tpu.memory_space<vmem>>
    %dma_wait3A_2272 = arith.constant 0 : i32
    %dma_wait3A_2273 = tpu.memref_slice %arg4[%add3A_512, %dma_wait3A_2272] : memref<16384x1024xf32, #tpu.memory_space<hbm>> -> memref<1x1024xf32, #tpu.memory_space<hbm>>
    tpu.wait_dma2 semaphore(%dma_wait3A_2268 : memref<!tpu.dma_semaphore, #tpu.memory_space<semaphore_mem>>) src(%dma_wait3A_2273 : memref<1x1024xf32, #tpu.memory_space<hbm>>) dst(%dma_wait3A_2271 : memref<1x1024xf32, #tpu.memory_space<vmem>>)
    %dma_wait3A_2274 = arith.constant 3 : i32
    %dma_wait3A_2275 = tpu.memref_slice %arg7[%dma_wait3A_2274] : memref<8x!tpu.dma_semaphore, #tpu.memory_space<semaphore_mem>> -> memref<1x!tpu.dma_semaphore, #tpu.memory_space<semaphore_mem>>
    %dma_wait3A_2276 = tpu.memref_squeeze %dma_wait3A_2275 : memref<1x!tpu.dma_semaphore, #tpu.memory_space<semaphore_mem>> -> memref<!tpu.dma_semaphore, #tpu.memory_space<semaphore_mem>>
    %dma_wait3A_2277 = arith.constant 35 : i32
    %dma_wait3A_2278 = arith.constant 0 : i32
    %dma_wait3A_2279 = tpu.memref_slice %arg6[%dma_wait3A_2277, %dma_wait3A_2278] : memref<128x1024xf32, #tpu.memory_space<vmem>> -> memref<1x1024xf32, #tpu.memory_space<vmem>>
    %dma_wait3A_2280 = arith.constant 0 : i32
    %dma_wait3A_2281 = tpu.memref_slice %arg4[%add3A_527, %dma_wait3A_2280] : memref<16384x1024xf32, #tpu.memory_space<hbm>> -> memref<1x1024xf32, #tpu.memory_space<hbm>>
    tpu.wait_dma2 semaphore(%dma_wait3A_2276 : memref<!tpu.dma_semaphore, #tpu.memory_space<semaphore_mem>>) src(%dma_wait3A_2281 : memref<1x1024xf32, #tpu.memory_space<hbm>>) dst(%dma_wait3A_2279 : memref<1x1024xf32, #tpu.memory_space<vmem>>)
    %dma_wait3A_2282 = arith.constant 4 : i32
    %dma_wait3A_2283 = tpu.memref_slice %arg7[%dma_wait3A_2282] : memref<8x!tpu.dma_semaphore, #tpu.memory_space<semaphore_mem>> -> memref<1x!tpu.dma_semaphore, #tpu.memory_space<semaphore_mem>>
    %dma_wait3A_2284 = tpu.memref_squeeze %dma_wait3A_2283 : memref<1x!tpu.dma_semaphore, #tpu.memory_space<semaphore_mem>> -> memref<!tpu.dma_semaphore, #tpu.memory_space<semaphore_mem>>
    %dma_wait3A_2285 = arith.constant 36 : i32
    %dma_wait3A_2286 = arith.constant 0 : i32
    %dma_wait3A_2287 = tpu.memref_slice %arg6[%dma_wait3A_2285, %dma_wait3A_2286] : memref<128x1024xf32, #tpu.memory_space<vmem>> -> memref<1x1024xf32, #tpu.memory_space<vmem>>
    %dma_wait3A_2288 = arith.constant 0 : i32
    %dma_wait3A_2289 = tpu.memref_slice %arg4[%add3A_542, %dma_wait3A_2288] : memref<16384x1024xf32, #tpu.memory_space<hbm>> -> memref<1x1024xf32, #tpu.memory_space<hbm>>
    tpu.wait_dma2 semaphore(%dma_wait3A_2284 : memref<!tpu.dma_semaphore, #tpu.memory_space<semaphore_mem>>) src(%dma_wait3A_2289 : memref<1x1024xf32, #tpu.memory_space<hbm>>) dst(%dma_wait3A_2287 : memref<1x1024xf32, #tpu.memory_space<vmem>>)
    %dma_wait3A_2290 = arith.constant 5 : i32
    %dma_wait3A_2291 = tpu.memref_slice %arg7[%dma_wait3A_2290] : memref<8x!tpu.dma_semaphore, #tpu.memory_space<semaphore_mem>> -> memref<1x!tpu.dma_semaphore, #tpu.memory_space<semaphore_mem>>
    %dma_wait3A_2292 = tpu.memref_squeeze %dma_wait3A_2291 : memref<1x!tpu.dma_semaphore, #tpu.memory_space<semaphore_mem>> -> memref<!tpu.dma_semaphore, #tpu.memory_space<semaphore_mem>>
    %dma_wait3A_2293 = arith.constant 37 : i32
    %dma_wait3A_2294 = arith.constant 0 : i32
    %dma_wait3A_2295 = tpu.memref_slice %arg6[%dma_wait3A_2293, %dma_wait3A_2294] : memref<128x1024xf32, #tpu.memory_space<vmem>> -> memref<1x1024xf32, #tpu.memory_space<vmem>>
    %dma_wait3A_2296 = arith.constant 0 : i32
    %dma_wait3A_2297 = tpu.memref_slice %arg4[%add3A_557, %dma_wait3A_2296] : memref<16384x1024xf32, #tpu.memory_space<hbm>> -> memref<1x1024xf32, #tpu.memory_space<hbm>>
    tpu.wait_dma2 semaphore(%dma_wait3A_2292 : memref<!tpu.dma_semaphore, #tpu.memory_space<semaphore_mem>>) src(%dma_wait3A_2297 : memref<1x1024xf32, #tpu.memory_space<hbm>>) dst(%dma_wait3A_2295 : memref<1x1024xf32, #tpu.memory_space<vmem>>)
    %dma_wait3A_2298 = arith.constant 6 : i32
    %dma_wait3A_2299 = tpu.memref_slice %arg7[%dma_wait3A_2298] : memref<8x!tpu.dma_semaphore, #tpu.memory_space<semaphore_mem>> -> memref<1x!tpu.dma_semaphore, #tpu.memory_space<semaphore_mem>>
    %dma_wait3A_2300 = tpu.memref_squeeze %dma_wait3A_2299 : memref<1x!tpu.dma_semaphore, #tpu.memory_space<semaphore_mem>> -> memref<!tpu.dma_semaphore, #tpu.memory_space<semaphore_mem>>
    %dma_wait3A_2301 = arith.constant 38 : i32
    %dma_wait3A_2302 = arith.constant 0 : i32
    %dma_wait3A_2303 = tpu.memref_slice %arg6[%dma_wait3A_2301, %dma_wait3A_2302] : memref<128x1024xf32, #tpu.memory_space<vmem>> -> memref<1x1024xf32, #tpu.memory_space<vmem>>
    %dma_wait3A_2304 = arith.constant 0 : i32
    %dma_wait3A_2305 = tpu.memref_slice %arg4[%add3A_572, %dma_wait3A_2304] : memref<16384x1024xf32, #tpu.memory_space<hbm>> -> memref<1x1024xf32, #tpu.memory_space<hbm>>
    tpu.wait_dma2 semaphore(%dma_wait3A_2300 : memref<!tpu.dma_semaphore, #tpu.memory_space<semaphore_mem>>) src(%dma_wait3A_2305 : memref<1x1024xf32, #tpu.memory_space<hbm>>) dst(%dma_wait3A_2303 : memref<1x1024xf32, #tpu.memory_space<vmem>>)
    %dma_wait3A_2306 = arith.constant 7 : i32
    %dma_wait3A_2307 = tpu.memref_slice %arg7[%dma_wait3A_2306] : memref<8x!tpu.dma_semaphore, #tpu.memory_space<semaphore_mem>> -> memref<1x!tpu.dma_semaphore, #tpu.memory_space<semaphore_mem>>
    %dma_wait3A_2308 = tpu.memref_squeeze %dma_wait3A_2307 : memref<1x!tpu.dma_semaphore, #tpu.memory_space<semaphore_mem>> -> memref<!tpu.dma_semaphore, #tpu.memory_space<semaphore_mem>>
    %dma_wait3A_2309 = arith.constant 39 : i32
    %dma_wait3A_2310 = arith.constant 0 : i32
    %dma_wait3A_2311 = tpu.memref_slice %arg6[%dma_wait3A_2309, %dma_wait3A_2310] : memref<128x1024xf32, #tpu.memory_space<vmem>> -> memref<1x1024xf32, #tpu.memory_space<vmem>>
    %dma_wait3A_2312 = arith.constant 0 : i32
    %dma_wait3A_2313 = tpu.memref_slice %arg4[%add3A_587, %dma_wait3A_2312] : memref<16384x1024xf32, #tpu.memory_space<hbm>> -> memref<1x1024xf32, #tpu.memory_space<hbm>>
    tpu.wait_dma2 semaphore(%dma_wait3A_2308 : memref<!tpu.dma_semaphore, #tpu.memory_space<semaphore_mem>>) src(%dma_wait3A_2313 : memref<1x1024xf32, #tpu.memory_space<hbm>>) dst(%dma_wait3A_2311 : memref<1x1024xf32, #tpu.memory_space<vmem>>)
    %dma_wait3A_2314 = arith.constant 0 : i32
    %dma_wait3A_2315 = tpu.memref_slice %arg7[%dma_wait3A_2314] : memref<8x!tpu.dma_semaphore, #tpu.memory_space<semaphore_mem>> -> memref<1x!tpu.dma_semaphore, #tpu.memory_space<semaphore_mem>>
    %dma_wait3A_2316 = tpu.memref_squeeze %dma_wait3A_2315 : memref<1x!tpu.dma_semaphore, #tpu.memory_space<semaphore_mem>> -> memref<!tpu.dma_semaphore, #tpu.memory_space<semaphore_mem>>
    %dma_wait3A_2317 = arith.constant 40 : i32
    %dma_wait3A_2318 = arith.constant 0 : i32
    %dma_wait3A_2319 = tpu.memref_slice %arg6[%dma_wait3A_2317, %dma_wait3A_2318] : memref<128x1024xf32, #tpu.memory_space<vmem>> -> memref<1x1024xf32, #tpu.memory_space<vmem>>
    %dma_wait3A_2320 = arith.constant 0 : i32
    %dma_wait3A_2321 = tpu.memref_slice %arg4[%add3A_602, %dma_wait3A_2320] : memref<16384x1024xf32, #tpu.memory_space<hbm>> -> memref<1x1024xf32, #tpu.memory_space<hbm>>
    tpu.wait_dma2 semaphore(%dma_wait3A_2316 : memref<!tpu.dma_semaphore, #tpu.memory_space<semaphore_mem>>) src(%dma_wait3A_2321 : memref<1x1024xf32, #tpu.memory_space<hbm>>) dst(%dma_wait3A_2319 : memref<1x1024xf32, #tpu.memory_space<vmem>>)
    %dma_wait3A_2322 = arith.constant 1 : i32
    %dma_wait3A_2323 = tpu.memref_slice %arg7[%dma_wait3A_2322] : memref<8x!tpu.dma_semaphore, #tpu.memory_space<semaphore_mem>> -> memref<1x!tpu.dma_semaphore, #tpu.memory_space<semaphore_mem>>
    %dma_wait3A_2324 = tpu.memref_squeeze %dma_wait3A_2323 : memref<1x!tpu.dma_semaphore, #tpu.memory_space<semaphore_mem>> -> memref<!tpu.dma_semaphore, #tpu.memory_space<semaphore_mem>>
    %dma_wait3A_2325 = arith.constant 41 : i32
    %dma_wait3A_2326 = arith.constant 0 : i32
    %dma_wait3A_2327 = tpu.memref_slice %arg6[%dma_wait3A_2325, %dma_wait3A_2326] : memref<128x1024xf32, #tpu.memory_space<vmem>> -> memref<1x1024xf32, #tpu.memory_space<vmem>>
    %dma_wait3A_2328 = arith.constant 0 : i32
    %dma_wait3A_2329 = tpu.memref_slice %arg4[%add3A_617, %dma_wait3A_2328] : memref<16384x1024xf32, #tpu.memory_space<hbm>> -> memref<1x1024xf32, #tpu.memory_space<hbm>>
    tpu.wait_dma2 semaphore(%dma_wait3A_2324 : memref<!tpu.dma_semaphore, #tpu.memory_space<semaphore_mem>>) src(%dma_wait3A_2329 : memref<1x1024xf32, #tpu.memory_space<hbm>>) dst(%dma_wait3A_2327 : memref<1x1024xf32, #tpu.memory_space<vmem>>)
    %dma_wait3A_2330 = arith.constant 2 : i32
    %dma_wait3A_2331 = tpu.memref_slice %arg7[%dma_wait3A_2330] : memref<8x!tpu.dma_semaphore, #tpu.memory_space<semaphore_mem>> -> memref<1x!tpu.dma_semaphore, #tpu.memory_space<semaphore_mem>>
    %dma_wait3A_2332 = tpu.memref_squeeze %dma_wait3A_2331 : memref<1x!tpu.dma_semaphore, #tpu.memory_space<semaphore_mem>> -> memref<!tpu.dma_semaphore, #tpu.memory_space<semaphore_mem>>
    %dma_wait3A_2333 = arith.constant 42 : i32
    %dma_wait3A_2334 = arith.constant 0 : i32
    %dma_wait3A_2335 = tpu.memref_slice %arg6[%dma_wait3A_2333, %dma_wait3A_2334] : memref<128x1024xf32, #tpu.memory_space<vmem>> -> memref<1x1024xf32, #tpu.memory_space<vmem>>
    %dma_wait3A_2336 = arith.constant 0 : i32
    %dma_wait3A_2337 = tpu.memref_slice %arg4[%add3A_632, %dma_wait3A_2336] : memref<16384x1024xf32, #tpu.memory_space<hbm>> -> memref<1x1024xf32, #tpu.memory_space<hbm>>
    tpu.wait_dma2 semaphore(%dma_wait3A_2332 : memref<!tpu.dma_semaphore, #tpu.memory_space<semaphore_mem>>) src(%dma_wait3A_2337 : memref<1x1024xf32, #tpu.memory_space<hbm>>) dst(%dma_wait3A_2335 : memref<1x1024xf32, #tpu.memory_space<vmem>>)
    %dma_wait3A_2338 = arith.constant 3 : i32
    %dma_wait3A_2339 = tpu.memref_slice %arg7[%dma_wait3A_2338] : memref<8x!tpu.dma_semaphore, #tpu.memory_space<semaphore_mem>> -> memref<1x!tpu.dma_semaphore, #tpu.memory_space<semaphore_mem>>
    %dma_wait3A_2340 = tpu.memref_squeeze %dma_wait3A_2339 : memref<1x!tpu.dma_semaphore, #tpu.memory_space<semaphore_mem>> -> memref<!tpu.dma_semaphore, #tpu.memory_space<semaphore_mem>>
    %dma_wait3A_2341 = arith.constant 43 : i32
    %dma_wait3A_2342 = arith.constant 0 : i32
    %dma_wait3A_2343 = tpu.memref_slice %arg6[%dma_wait3A_2341, %dma_wait3A_2342] : memref<128x1024xf32, #tpu.memory_space<vmem>> -> memref<1x1024xf32, #tpu.memory_space<vmem>>
    %dma_wait3A_2344 = arith.constant 0 : i32
    %dma_wait3A_2345 = tpu.memref_slice %arg4[%add3A_647, %dma_wait3A_2344] : memref<16384x1024xf32, #tpu.memory_space<hbm>> -> memref<1x1024xf32, #tpu.memory_space<hbm>>
    tpu.wait_dma2 semaphore(%dma_wait3A_2340 : memref<!tpu.dma_semaphore, #tpu.memory_space<semaphore_mem>>) src(%dma_wait3A_2345 : memref<1x1024xf32, #tpu.memory_space<hbm>>) dst(%dma_wait3A_2343 : memref<1x1024xf32, #tpu.memory_space<vmem>>)
    %dma_wait3A_2346 = arith.constant 4 : i32
    %dma_wait3A_2347 = tpu.memref_slice %arg7[%dma_wait3A_2346] : memref<8x!tpu.dma_semaphore, #tpu.memory_space<semaphore_mem>> -> memref<1x!tpu.dma_semaphore, #tpu.memory_space<semaphore_mem>>
    %dma_wait3A_2348 = tpu.memref_squeeze %dma_wait3A_2347 : memref<1x!tpu.dma_semaphore, #tpu.memory_space<semaphore_mem>> -> memref<!tpu.dma_semaphore, #tpu.memory_space<semaphore_mem>>
    %dma_wait3A_2349 = arith.constant 44 : i32
    %dma_wait3A_2350 = arith.constant 0 : i32
    %dma_wait3A_2351 = tpu.memref_slice %arg6[%dma_wait3A_2349, %dma_wait3A_2350] : memref<128x1024xf32, #tpu.memory_space<vmem>> -> memref<1x1024xf32, #tpu.memory_space<vmem>>
    %dma_wait3A_2352 = arith.constant 0 : i32
    %dma_wait3A_2353 = tpu.memref_slice %arg4[%add3A_662, %dma_wait3A_2352] : memref<16384x1024xf32, #tpu.memory_space<hbm>> -> memref<1x1024xf32, #tpu.memory_space<hbm>>
    tpu.wait_dma2 semaphore(%dma_wait3A_2348 : memref<!tpu.dma_semaphore, #tpu.memory_space<semaphore_mem>>) src(%dma_wait3A_2353 : memref<1x1024xf32, #tpu.memory_space<hbm>>) dst(%dma_wait3A_2351 : memref<1x1024xf32, #tpu.memory_space<vmem>>)
    %dma_wait3A_2354 = arith.constant 5 : i32
    %dma_wait3A_2355 = tpu.memref_slice %arg7[%dma_wait3A_2354] : memref<8x!tpu.dma_semaphore, #tpu.memory_space<semaphore_mem>> -> memref<1x!tpu.dma_semaphore, #tpu.memory_space<semaphore_mem>>
    %dma_wait3A_2356 = tpu.memref_squeeze %dma_wait3A_2355 : memref<1x!tpu.dma_semaphore, #tpu.memory_space<semaphore_mem>> -> memref<!tpu.dma_semaphore, #tpu.memory_space<semaphore_mem>>
    %dma_wait3A_2357 = arith.constant 45 : i32
    %dma_wait3A_2358 = arith.constant 0 : i32
    %dma_wait3A_2359 = tpu.memref_slice %arg6[%dma_wait3A_2357, %dma_wait3A_2358] : memref<128x1024xf32, #tpu.memory_space<vmem>> -> memref<1x1024xf32, #tpu.memory_space<vmem>>
    %dma_wait3A_2360 = arith.constant 0 : i32
    %dma_wait3A_2361 = tpu.memref_slice %arg4[%add3A_677, %dma_wait3A_2360] : memref<16384x1024xf32, #tpu.memory_space<hbm>> -> memref<1x1024xf32, #tpu.memory_space<hbm>>
    tpu.wait_dma2 semaphore(%dma_wait3A_2356 : memref<!tpu.dma_semaphore, #tpu.memory_space<semaphore_mem>>) src(%dma_wait3A_2361 : memref<1x1024xf32, #tpu.memory_space<hbm>>) dst(%dma_wait3A_2359 : memref<1x1024xf32, #tpu.memory_space<vmem>>)
    %dma_wait3A_2362 = arith.constant 6 : i32
    %dma_wait3A_2363 = tpu.memref_slice %arg7[%dma_wait3A_2362] : memref<8x!tpu.dma_semaphore, #tpu.memory_space<semaphore_mem>> -> memref<1x!tpu.dma_semaphore, #tpu.memory_space<semaphore_mem>>
    %dma_wait3A_2364 = tpu.memref_squeeze %dma_wait3A_2363 : memref<1x!tpu.dma_semaphore, #tpu.memory_space<semaphore_mem>> -> memref<!tpu.dma_semaphore, #tpu.memory_space<semaphore_mem>>
    %dma_wait3A_2365 = arith.constant 46 : i32
    %dma_wait3A_2366 = arith.constant 0 : i32
    %dma_wait3A_2367 = tpu.memref_slice %arg6[%dma_wait3A_2365, %dma_wait3A_2366] : memref<128x1024xf32, #tpu.memory_space<vmem>> -> memref<1x1024xf32, #tpu.memory_space<vmem>>
    %dma_wait3A_2368 = arith.constant 0 : i32
    %dma_wait3A_2369 = tpu.memref_slice %arg4[%add3A_692, %dma_wait3A_2368] : memref<16384x1024xf32, #tpu.memory_space<hbm>> -> memref<1x1024xf32, #tpu.memory_space<hbm>>
    tpu.wait_dma2 semaphore(%dma_wait3A_2364 : memref<!tpu.dma_semaphore, #tpu.memory_space<semaphore_mem>>) src(%dma_wait3A_2369 : memref<1x1024xf32, #tpu.memory_space<hbm>>) dst(%dma_wait3A_2367 : memref<1x1024xf32, #tpu.memory_space<vmem>>)
    %dma_wait3A_2370 = arith.constant 7 : i32
    %dma_wait3A_2371 = tpu.memref_slice %arg7[%dma_wait3A_2370] : memref<8x!tpu.dma_semaphore, #tpu.memory_space<semaphore_mem>> -> memref<1x!tpu.dma_semaphore, #tpu.memory_space<semaphore_mem>>
    %dma_wait3A_2372 = tpu.memref_squeeze %dma_wait3A_2371 : memref<1x!tpu.dma_semaphore, #tpu.memory_space<semaphore_mem>> -> memref<!tpu.dma_semaphore, #tpu.memory_space<semaphore_mem>>
    %dma_wait3A_2373 = arith.constant 47 : i32
    %dma_wait3A_2374 = arith.constant 0 : i32
    %dma_wait3A_2375 = tpu.memref_slice %arg6[%dma_wait3A_2373, %dma_wait3A_2374] : memref<128x1024xf32, #tpu.memory_space<vmem>> -> memref<1x1024xf32, #tpu.memory_space<vmem>>
    %dma_wait3A_2376 = arith.constant 0 : i32
    %dma_wait3A_2377 = tpu.memref_slice %arg4[%add3A_707, %dma_wait3A_2376] : memref<16384x1024xf32, #tpu.memory_space<hbm>> -> memref<1x1024xf32, #tpu.memory_space<hbm>>
    tpu.wait_dma2 semaphore(%dma_wait3A_2372 : memref<!tpu.dma_semaphore, #tpu.memory_space<semaphore_mem>>) src(%dma_wait3A_2377 : memref<1x1024xf32, #tpu.memory_space<hbm>>) dst(%dma_wait3A_2375 : memref<1x1024xf32, #tpu.memory_space<vmem>>)
    %dma_wait3A_2378 = arith.constant 0 : i32
    %dma_wait3A_2379 = tpu.memref_slice %arg7[%dma_wait3A_2378] : memref<8x!tpu.dma_semaphore, #tpu.memory_space<semaphore_mem>> -> memref<1x!tpu.dma_semaphore, #tpu.memory_space<semaphore_mem>>
    %dma_wait3A_2380 = tpu.memref_squeeze %dma_wait3A_2379 : memref<1x!tpu.dma_semaphore, #tpu.memory_space<semaphore_mem>> -> memref<!tpu.dma_semaphore, #tpu.memory_space<semaphore_mem>>
    %dma_wait3A_2381 = arith.constant 48 : i32
    %dma_wait3A_2382 = arith.constant 0 : i32
    %dma_wait3A_2383 = tpu.memref_slice %arg6[%dma_wait3A_2381, %dma_wait3A_2382] : memref<128x1024xf32, #tpu.memory_space<vmem>> -> memref<1x1024xf32, #tpu.memory_space<vmem>>
    %dma_wait3A_2384 = arith.constant 0 : i32
    %dma_wait3A_2385 = tpu.memref_slice %arg4[%add3A_722, %dma_wait3A_2384] : memref<16384x1024xf32, #tpu.memory_space<hbm>> -> memref<1x1024xf32, #tpu.memory_space<hbm>>
    tpu.wait_dma2 semaphore(%dma_wait3A_2380 : memref<!tpu.dma_semaphore, #tpu.memory_space<semaphore_mem>>) src(%dma_wait3A_2385 : memref<1x1024xf32, #tpu.memory_space<hbm>>) dst(%dma_wait3A_2383 : memref<1x1024xf32, #tpu.memory_space<vmem>>)
    %dma_wait3A_2386 = arith.constant 1 : i32
    %dma_wait3A_2387 = tpu.memref_slice %arg7[%dma_wait3A_2386] : memref<8x!tpu.dma_semaphore, #tpu.memory_space<semaphore_mem>> -> memref<1x!tpu.dma_semaphore, #tpu.memory_space<semaphore_mem>>
    %dma_wait3A_2388 = tpu.memref_squeeze %dma_wait3A_2387 : memref<1x!tpu.dma_semaphore, #tpu.memory_space<semaphore_mem>> -> memref<!tpu.dma_semaphore, #tpu.memory_space<semaphore_mem>>
    %dma_wait3A_2389 = arith.constant 49 : i32
    %dma_wait3A_2390 = arith.constant 0 : i32
    %dma_wait3A_2391 = tpu.memref_slice %arg6[%dma_wait3A_2389, %dma_wait3A_2390] : memref<128x1024xf32, #tpu.memory_space<vmem>> -> memref<1x1024xf32, #tpu.memory_space<vmem>>
    %dma_wait3A_2392 = arith.constant 0 : i32
    %dma_wait3A_2393 = tpu.memref_slice %arg4[%add3A_737, %dma_wait3A_2392] : memref<16384x1024xf32, #tpu.memory_space<hbm>> -> memref<1x1024xf32, #tpu.memory_space<hbm>>
    tpu.wait_dma2 semaphore(%dma_wait3A_2388 : memref<!tpu.dma_semaphore, #tpu.memory_space<semaphore_mem>>) src(%dma_wait3A_2393 : memref<1x1024xf32, #tpu.memory_space<hbm>>) dst(%dma_wait3A_2391 : memref<1x1024xf32, #tpu.memory_space<vmem>>)
    %dma_wait3A_2394 = arith.constant 2 : i32
    %dma_wait3A_2395 = tpu.memref_slice %arg7[%dma_wait3A_2394] : memref<8x!tpu.dma_semaphore, #tpu.memory_space<semaphore_mem>> -> memref<1x!tpu.dma_semaphore, #tpu.memory_space<semaphore_mem>>
    %dma_wait3A_2396 = tpu.memref_squeeze %dma_wait3A_2395 : memref<1x!tpu.dma_semaphore, #tpu.memory_space<semaphore_mem>> -> memref<!tpu.dma_semaphore, #tpu.memory_space<semaphore_mem>>
    %dma_wait3A_2397 = arith.constant 50 : i32
    %dma_wait3A_2398 = arith.constant 0 : i32
    %dma_wait3A_2399 = tpu.memref_slice %arg6[%dma_wait3A_2397, %dma_wait3A_2398] : memref<128x1024xf32, #tpu.memory_space<vmem>> -> memref<1x1024xf32, #tpu.memory_space<vmem>>
    %dma_wait3A_2400 = arith.constant 0 : i32
    %dma_wait3A_2401 = tpu.memref_slice %arg4[%add3A_752, %dma_wait3A_2400] : memref<16384x1024xf32, #tpu.memory_space<hbm>> -> memref<1x1024xf32, #tpu.memory_space<hbm>>
    tpu.wait_dma2 semaphore(%dma_wait3A_2396 : memref<!tpu.dma_semaphore, #tpu.memory_space<semaphore_mem>>) src(%dma_wait3A_2401 : memref<1x1024xf32, #tpu.memory_space<hbm>>) dst(%dma_wait3A_2399 : memref<1x1024xf32, #tpu.memory_space<vmem>>)
    %dma_wait3A_2402 = arith.constant 3 : i32
    %dma_wait3A_2403 = tpu.memref_slice %arg7[%dma_wait3A_2402] : memref<8x!tpu.dma_semaphore, #tpu.memory_space<semaphore_mem>> -> memref<1x!tpu.dma_semaphore, #tpu.memory_space<semaphore_mem>>
    %dma_wait3A_2404 = tpu.memref_squeeze %dma_wait3A_2403 : memref<1x!tpu.dma_semaphore, #tpu.memory_space<semaphore_mem>> -> memref<!tpu.dma_semaphore, #tpu.memory_space<semaphore_mem>>
    %dma_wait3A_2405 = arith.constant 51 : i32
    %dma_wait3A_2406 = arith.constant 0 : i32
    %dma_wait3A_2407 = tpu.memref_slice %arg6[%dma_wait3A_2405, %dma_wait3A_2406] : memref<128x1024xf32, #tpu.memory_space<vmem>> -> memref<1x1024xf32, #tpu.memory_space<vmem>>
    %dma_wait3A_2408 = arith.constant 0 : i32
    %dma_wait3A_2409 = tpu.memref_slice %arg4[%add3A_767, %dma_wait3A_2408] : memref<16384x1024xf32, #tpu.memory_space<hbm>> -> memref<1x1024xf32, #tpu.memory_space<hbm>>
    tpu.wait_dma2 semaphore(%dma_wait3A_2404 : memref<!tpu.dma_semaphore, #tpu.memory_space<semaphore_mem>>) src(%dma_wait3A_2409 : memref<1x1024xf32, #tpu.memory_space<hbm>>) dst(%dma_wait3A_2407 : memref<1x1024xf32, #tpu.memory_space<vmem>>)
    %dma_wait3A_2410 = arith.constant 4 : i32
    %dma_wait3A_2411 = tpu.memref_slice %arg7[%dma_wait3A_2410] : memref<8x!tpu.dma_semaphore, #tpu.memory_space<semaphore_mem>> -> memref<1x!tpu.dma_semaphore, #tpu.memory_space<semaphore_mem>>
    %dma_wait3A_2412 = tpu.memref_squeeze %dma_wait3A_2411 : memref<1x!tpu.dma_semaphore, #tpu.memory_space<semaphore_mem>> -> memref<!tpu.dma_semaphore, #tpu.memory_space<semaphore_mem>>
    %dma_wait3A_2413 = arith.constant 52 : i32
    %dma_wait3A_2414 = arith.constant 0 : i32
    %dma_wait3A_2415 = tpu.memref_slice %arg6[%dma_wait3A_2413, %dma_wait3A_2414] : memref<128x1024xf32, #tpu.memory_space<vmem>> -> memref<1x1024xf32, #tpu.memory_space<vmem>>
    %dma_wait3A_2416 = arith.constant 0 : i32
    %dma_wait3A_2417 = tpu.memref_slice %arg4[%add3A_782, %dma_wait3A_2416] : memref<16384x1024xf32, #tpu.memory_space<hbm>> -> memref<1x1024xf32, #tpu.memory_space<hbm>>
    tpu.wait_dma2 semaphore(%dma_wait3A_2412 : memref<!tpu.dma_semaphore, #tpu.memory_space<semaphore_mem>>) src(%dma_wait3A_2417 : memref<1x1024xf32, #tpu.memory_space<hbm>>) dst(%dma_wait3A_2415 : memref<1x1024xf32, #tpu.memory_space<vmem>>)
    %dma_wait3A_2418 = arith.constant 5 : i32
    %dma_wait3A_2419 = tpu.memref_slice %arg7[%dma_wait3A_2418] : memref<8x!tpu.dma_semaphore, #tpu.memory_space<semaphore_mem>> -> memref<1x!tpu.dma_semaphore, #tpu.memory_space<semaphore_mem>>
    %dma_wait3A_2420 = tpu.memref_squeeze %dma_wait3A_2419 : memref<1x!tpu.dma_semaphore, #tpu.memory_space<semaphore_mem>> -> memref<!tpu.dma_semaphore, #tpu.memory_space<semaphore_mem>>
    %dma_wait3A_2421 = arith.constant 53 : i32
    %dma_wait3A_2422 = arith.constant 0 : i32
    %dma_wait3A_2423 = tpu.memref_slice %arg6[%dma_wait3A_2421, %dma_wait3A_2422] : memref<128x1024xf32, #tpu.memory_space<vmem>> -> memref<1x1024xf32, #tpu.memory_space<vmem>>
    %dma_wait3A_2424 = arith.constant 0 : i32
    %dma_wait3A_2425 = tpu.memref_slice %arg4[%add3A_797, %dma_wait3A_2424] : memref<16384x1024xf32, #tpu.memory_space<hbm>> -> memref<1x1024xf32, #tpu.memory_space<hbm>>
    tpu.wait_dma2 semaphore(%dma_wait3A_2420 : memref<!tpu.dma_semaphore, #tpu.memory_space<semaphore_mem>>) src(%dma_wait3A_2425 : memref<1x1024xf32, #tpu.memory_space<hbm>>) dst(%dma_wait3A_2423 : memref<1x1024xf32, #tpu.memory_space<vmem>>)
    %dma_wait3A_2426 = arith.constant 6 : i32
    %dma_wait3A_2427 = tpu.memref_slice %arg7[%dma_wait3A_2426] : memref<8x!tpu.dma_semaphore, #tpu.memory_space<semaphore_mem>> -> memref<1x!tpu.dma_semaphore, #tpu.memory_space<semaphore_mem>>
    %dma_wait3A_2428 = tpu.memref_squeeze %dma_wait3A_2427 : memref<1x!tpu.dma_semaphore, #tpu.memory_space<semaphore_mem>> -> memref<!tpu.dma_semaphore, #tpu.memory_space<semaphore_mem>>
    %dma_wait3A_2429 = arith.constant 54 : i32
    %dma_wait3A_2430 = arith.constant 0 : i32
    %dma_wait3A_2431 = tpu.memref_slice %arg6[%dma_wait3A_2429, %dma_wait3A_2430] : memref<128x1024xf32, #tpu.memory_space<vmem>> -> memref<1x1024xf32, #tpu.memory_space<vmem>>
    %dma_wait3A_2432 = arith.constant 0 : i32
    %dma_wait3A_2433 = tpu.memref_slice %arg4[%add3A_812, %dma_wait3A_2432] : memref<16384x1024xf32, #tpu.memory_space<hbm>> -> memref<1x1024xf32, #tpu.memory_space<hbm>>
    tpu.wait_dma2 semaphore(%dma_wait3A_2428 : memref<!tpu.dma_semaphore, #tpu.memory_space<semaphore_mem>>) src(%dma_wait3A_2433 : memref<1x1024xf32, #tpu.memory_space<hbm>>) dst(%dma_wait3A_2431 : memref<1x1024xf32, #tpu.memory_space<vmem>>)
    %dma_wait3A_2434 = arith.constant 7 : i32
    %dma_wait3A_2435 = tpu.memref_slice %arg7[%dma_wait3A_2434] : memref<8x!tpu.dma_semaphore, #tpu.memory_space<semaphore_mem>> -> memref<1x!tpu.dma_semaphore, #tpu.memory_space<semaphore_mem>>
    %dma_wait3A_2436 = tpu.memref_squeeze %dma_wait3A_2435 : memref<1x!tpu.dma_semaphore, #tpu.memory_space<semaphore_mem>> -> memref<!tpu.dma_semaphore, #tpu.memory_space<semaphore_mem>>
    %dma_wait3A_2437 = arith.constant 55 : i32
    %dma_wait3A_2438 = arith.constant 0 : i32
    %dma_wait3A_2439 = tpu.memref_slice %arg6[%dma_wait3A_2437, %dma_wait3A_2438] : memref<128x1024xf32, #tpu.memory_space<vmem>> -> memref<1x1024xf32, #tpu.memory_space<vmem>>
    %dma_wait3A_2440 = arith.constant 0 : i32
    %dma_wait3A_2441 = tpu.memref_slice %arg4[%add3A_827, %dma_wait3A_2440] : memref<16384x1024xf32, #tpu.memory_space<hbm>> -> memref<1x1024xf32, #tpu.memory_space<hbm>>
    tpu.wait_dma2 semaphore(%dma_wait3A_2436 : memref<!tpu.dma_semaphore, #tpu.memory_space<semaphore_mem>>) src(%dma_wait3A_2441 : memref<1x1024xf32, #tpu.memory_space<hbm>>) dst(%dma_wait3A_2439 : memref<1x1024xf32, #tpu.memory_space<vmem>>)
    %dma_wait3A_2442 = arith.constant 0 : i32
    %dma_wait3A_2443 = tpu.memref_slice %arg7[%dma_wait3A_2442] : memref<8x!tpu.dma_semaphore, #tpu.memory_space<semaphore_mem>> -> memref<1x!tpu.dma_semaphore, #tpu.memory_space<semaphore_mem>>
    %dma_wait3A_2444 = tpu.memref_squeeze %dma_wait3A_2443 : memref<1x!tpu.dma_semaphore, #tpu.memory_space<semaphore_mem>> -> memref<!tpu.dma_semaphore, #tpu.memory_space<semaphore_mem>>
    %dma_wait3A_2445 = arith.constant 56 : i32
    %dma_wait3A_2446 = arith.constant 0 : i32
    %dma_wait3A_2447 = tpu.memref_slice %arg6[%dma_wait3A_2445, %dma_wait3A_2446] : memref<128x1024xf32, #tpu.memory_space<vmem>> -> memref<1x1024xf32, #tpu.memory_space<vmem>>
    %dma_wait3A_2448 = arith.constant 0 : i32
    %dma_wait3A_2449 = tpu.memref_slice %arg4[%add3A_842, %dma_wait3A_2448] : memref<16384x1024xf32, #tpu.memory_space<hbm>> -> memref<1x1024xf32, #tpu.memory_space<hbm>>
    tpu.wait_dma2 semaphore(%dma_wait3A_2444 : memref<!tpu.dma_semaphore, #tpu.memory_space<semaphore_mem>>) src(%dma_wait3A_2449 : memref<1x1024xf32, #tpu.memory_space<hbm>>) dst(%dma_wait3A_2447 : memref<1x1024xf32, #tpu.memory_space<vmem>>)
    %dma_wait3A_2450 = arith.constant 1 : i32
    %dma_wait3A_2451 = tpu.memref_slice %arg7[%dma_wait3A_2450] : memref<8x!tpu.dma_semaphore, #tpu.memory_space<semaphore_mem>> -> memref<1x!tpu.dma_semaphore, #tpu.memory_space<semaphore_mem>>
    %dma_wait3A_2452 = tpu.memref_squeeze %dma_wait3A_2451 : memref<1x!tpu.dma_semaphore, #tpu.memory_space<semaphore_mem>> -> memref<!tpu.dma_semaphore, #tpu.memory_space<semaphore_mem>>
    %dma_wait3A_2453 = arith.constant 57 : i32
    %dma_wait3A_2454 = arith.constant 0 : i32
    %dma_wait3A_2455 = tpu.memref_slice %arg6[%dma_wait3A_2453, %dma_wait3A_2454] : memref<128x1024xf32, #tpu.memory_space<vmem>> -> memref<1x1024xf32, #tpu.memory_space<vmem>>
    %dma_wait3A_2456 = arith.constant 0 : i32
    %dma_wait3A_2457 = tpu.memref_slice %arg4[%add3A_857, %dma_wait3A_2456] : memref<16384x1024xf32, #tpu.memory_space<hbm>> -> memref<1x1024xf32, #tpu.memory_space<hbm>>
    tpu.wait_dma2 semaphore(%dma_wait3A_2452 : memref<!tpu.dma_semaphore, #tpu.memory_space<semaphore_mem>>) src(%dma_wait3A_2457 : memref<1x1024xf32, #tpu.memory_space<hbm>>) dst(%dma_wait3A_2455 : memref<1x1024xf32, #tpu.memory_space<vmem>>)
    %dma_wait3A_2458 = arith.constant 2 : i32
    %dma_wait3A_2459 = tpu.memref_slice %arg7[%dma_wait3A_2458] : memref<8x!tpu.dma_semaphore, #tpu.memory_space<semaphore_mem>> -> memref<1x!tpu.dma_semaphore, #tpu.memory_space<semaphore_mem>>
    %dma_wait3A_2460 = tpu.memref_squeeze %dma_wait3A_2459 : memref<1x!tpu.dma_semaphore, #tpu.memory_space<semaphore_mem>> -> memref<!tpu.dma_semaphore, #tpu.memory_space<semaphore_mem>>
    %dma_wait3A_2461 = arith.constant 58 : i32
    %dma_wait3A_2462 = arith.constant 0 : i32
    %dma_wait3A_2463 = tpu.memref_slice %arg6[%dma_wait3A_2461, %dma_wait3A_2462] : memref<128x1024xf32, #tpu.memory_space<vmem>> -> memref<1x1024xf32, #tpu.memory_space<vmem>>
    %dma_wait3A_2464 = arith.constant 0 : i32
    %dma_wait3A_2465 = tpu.memref_slice %arg4[%add3A_872, %dma_wait3A_2464] : memref<16384x1024xf32, #tpu.memory_space<hbm>> -> memref<1x1024xf32, #tpu.memory_space<hbm>>
    tpu.wait_dma2 semaphore(%dma_wait3A_2460 : memref<!tpu.dma_semaphore, #tpu.memory_space<semaphore_mem>>) src(%dma_wait3A_2465 : memref<1x1024xf32, #tpu.memory_space<hbm>>) dst(%dma_wait3A_2463 : memref<1x1024xf32, #tpu.memory_space<vmem>>)
    %dma_wait3A_2466 = arith.constant 3 : i32
    %dma_wait3A_2467 = tpu.memref_slice %arg7[%dma_wait3A_2466] : memref<8x!tpu.dma_semaphore, #tpu.memory_space<semaphore_mem>> -> memref<1x!tpu.dma_semaphore, #tpu.memory_space<semaphore_mem>>
    %dma_wait3A_2468 = tpu.memref_squeeze %dma_wait3A_2467 : memref<1x!tpu.dma_semaphore, #tpu.memory_space<semaphore_mem>> -> memref<!tpu.dma_semaphore, #tpu.memory_space<semaphore_mem>>
    %dma_wait3A_2469 = arith.constant 59 : i32
    %dma_wait3A_2470 = arith.constant 0 : i32
    %dma_wait3A_2471 = tpu.memref_slice %arg6[%dma_wait3A_2469, %dma_wait3A_2470] : memref<128x1024xf32, #tpu.memory_space<vmem>> -> memref<1x1024xf32, #tpu.memory_space<vmem>>
    %dma_wait3A_2472 = arith.constant 0 : i32
    %dma_wait3A_2473 = tpu.memref_slice %arg4[%add3A_887, %dma_wait3A_2472] : memref<16384x1024xf32, #tpu.memory_space<hbm>> -> memref<1x1024xf32, #tpu.memory_space<hbm>>
    tpu.wait_dma2 semaphore(%dma_wait3A_2468 : memref<!tpu.dma_semaphore, #tpu.memory_space<semaphore_mem>>) src(%dma_wait3A_2473 : memref<1x1024xf32, #tpu.memory_space<hbm>>) dst(%dma_wait3A_2471 : memref<1x1024xf32, #tpu.memory_space<vmem>>)
    %dma_wait3A_2474 = arith.constant 4 : i32
    %dma_wait3A_2475 = tpu.memref_slice %arg7[%dma_wait3A_2474] : memref<8x!tpu.dma_semaphore, #tpu.memory_space<semaphore_mem>> -> memref<1x!tpu.dma_semaphore, #tpu.memory_space<semaphore_mem>>
    %dma_wait3A_2476 = tpu.memref_squeeze %dma_wait3A_2475 : memref<1x!tpu.dma_semaphore, #tpu.memory_space<semaphore_mem>> -> memref<!tpu.dma_semaphore, #tpu.memory_space<semaphore_mem>>
    %dma_wait3A_2477 = arith.constant 60 : i32
    %dma_wait3A_2478 = arith.constant 0 : i32
    %dma_wait3A_2479 = tpu.memref_slice %arg6[%dma_wait3A_2477, %dma_wait3A_2478] : memref<128x1024xf32, #tpu.memory_space<vmem>> -> memref<1x1024xf32, #tpu.memory_space<vmem>>
    %dma_wait3A_2480 = arith.constant 0 : i32
    %dma_wait3A_2481 = tpu.memref_slice %arg4[%add3A_902, %dma_wait3A_2480] : memref<16384x1024xf32, #tpu.memory_space<hbm>> -> memref<1x1024xf32, #tpu.memory_space<hbm>>
    tpu.wait_dma2 semaphore(%dma_wait3A_2476 : memref<!tpu.dma_semaphore, #tpu.memory_space<semaphore_mem>>) src(%dma_wait3A_2481 : memref<1x1024xf32, #tpu.memory_space<hbm>>) dst(%dma_wait3A_2479 : memref<1x1024xf32, #tpu.memory_space<vmem>>)
    %dma_wait3A_2482 = arith.constant 5 : i32
    %dma_wait3A_2483 = tpu.memref_slice %arg7[%dma_wait3A_2482] : memref<8x!tpu.dma_semaphore, #tpu.memory_space<semaphore_mem>> -> memref<1x!tpu.dma_semaphore, #tpu.memory_space<semaphore_mem>>
    %dma_wait3A_2484 = tpu.memref_squeeze %dma_wait3A_2483 : memref<1x!tpu.dma_semaphore, #tpu.memory_space<semaphore_mem>> -> memref<!tpu.dma_semaphore, #tpu.memory_space<semaphore_mem>>
    %dma_wait3A_2485 = arith.constant 61 : i32
    %dma_wait3A_2486 = arith.constant 0 : i32
    %dma_wait3A_2487 = tpu.memref_slice %arg6[%dma_wait3A_2485, %dma_wait3A_2486] : memref<128x1024xf32, #tpu.memory_space<vmem>> -> memref<1x1024xf32, #tpu.memory_space<vmem>>
    %dma_wait3A_2488 = arith.constant 0 : i32
    %dma_wait3A_2489 = tpu.memref_slice %arg4[%add3A_917, %dma_wait3A_2488] : memref<16384x1024xf32, #tpu.memory_space<hbm>> -> memref<1x1024xf32, #tpu.memory_space<hbm>>
    tpu.wait_dma2 semaphore(%dma_wait3A_2484 : memref<!tpu.dma_semaphore, #tpu.memory_space<semaphore_mem>>) src(%dma_wait3A_2489 : memref<1x1024xf32, #tpu.memory_space<hbm>>) dst(%dma_wait3A_2487 : memref<1x1024xf32, #tpu.memory_space<vmem>>)
    %dma_wait3A_2490 = arith.constant 6 : i32
    %dma_wait3A_2491 = tpu.memref_slice %arg7[%dma_wait3A_2490] : memref<8x!tpu.dma_semaphore, #tpu.memory_space<semaphore_mem>> -> memref<1x!tpu.dma_semaphore, #tpu.memory_space<semaphore_mem>>
    %dma_wait3A_2492 = tpu.memref_squeeze %dma_wait3A_2491 : memref<1x!tpu.dma_semaphore, #tpu.memory_space<semaphore_mem>> -> memref<!tpu.dma_semaphore, #tpu.memory_space<semaphore_mem>>
    %dma_wait3A_2493 = arith.constant 62 : i32
    %dma_wait3A_2494 = arith.constant 0 : i32
    %dma_wait3A_2495 = tpu.memref_slice %arg6[%dma_wait3A_2493, %dma_wait3A_2494] : memref<128x1024xf32, #tpu.memory_space<vmem>> -> memref<1x1024xf32, #tpu.memory_space<vmem>>
    %dma_wait3A_2496 = arith.constant 0 : i32
    %dma_wait3A_2497 = tpu.memref_slice %arg4[%add3A_932, %dma_wait3A_2496] : memref<16384x1024xf32, #tpu.memory_space<hbm>> -> memref<1x1024xf32, #tpu.memory_space<hbm>>
    tpu.wait_dma2 semaphore(%dma_wait3A_2492 : memref<!tpu.dma_semaphore, #tpu.memory_space<semaphore_mem>>) src(%dma_wait3A_2497 : memref<1x1024xf32, #tpu.memory_space<hbm>>) dst(%dma_wait3A_2495 : memref<1x1024xf32, #tpu.memory_space<vmem>>)
    %dma_wait3A_2498 = arith.constant 7 : i32
    %dma_wait3A_2499 = tpu.memref_slice %arg7[%dma_wait3A_2498] : memref<8x!tpu.dma_semaphore, #tpu.memory_space<semaphore_mem>> -> memref<1x!tpu.dma_semaphore, #tpu.memory_space<semaphore_mem>>
    %dma_wait3A_2500 = tpu.memref_squeeze %dma_wait3A_2499 : memref<1x!tpu.dma_semaphore, #tpu.memory_space<semaphore_mem>> -> memref<!tpu.dma_semaphore, #tpu.memory_space<semaphore_mem>>
    %dma_wait3A_2501 = arith.constant 63 : i32
    %dma_wait3A_2502 = arith.constant 0 : i32
    %dma_wait3A_2503 = tpu.memref_slice %arg6[%dma_wait3A_2501, %dma_wait3A_2502] : memref<128x1024xf32, #tpu.memory_space<vmem>> -> memref<1x1024xf32, #tpu.memory_space<vmem>>
    %dma_wait3A_2504 = arith.constant 0 : i32
    %dma_wait3A_2505 = tpu.memref_slice %arg4[%add3A_947, %dma_wait3A_2504] : memref<16384x1024xf32, #tpu.memory_space<hbm>> -> memref<1x1024xf32, #tpu.memory_space<hbm>>
    tpu.wait_dma2 semaphore(%dma_wait3A_2500 : memref<!tpu.dma_semaphore, #tpu.memory_space<semaphore_mem>>) src(%dma_wait3A_2505 : memref<1x1024xf32, #tpu.memory_space<hbm>>) dst(%dma_wait3A_2503 : memref<1x1024xf32, #tpu.memory_space<vmem>>)
    %dma_wait3A_2506 = arith.constant 0 : i32
    %dma_wait3A_2507 = tpu.memref_slice %arg7[%dma_wait3A_2506] : memref<8x!tpu.dma_semaphore, #tpu.memory_space<semaphore_mem>> -> memref<1x!tpu.dma_semaphore, #tpu.memory_space<semaphore_mem>>
    %dma_wait3A_2508 = tpu.memref_squeeze %dma_wait3A_2507 : memref<1x!tpu.dma_semaphore, #tpu.memory_space<semaphore_mem>> -> memref<!tpu.dma_semaphore, #tpu.memory_space<semaphore_mem>>
    %dma_wait3A_2509 = arith.constant 64 : i32
    %dma_wait3A_2510 = arith.constant 0 : i32
    %dma_wait3A_2511 = tpu.memref_slice %arg6[%dma_wait3A_2509, %dma_wait3A_2510] : memref<128x1024xf32, #tpu.memory_space<vmem>> -> memref<1x1024xf32, #tpu.memory_space<vmem>>
    %dma_wait3A_2512 = arith.constant 0 : i32
    %dma_wait3A_2513 = tpu.memref_slice %arg4[%add3A_962, %dma_wait3A_2512] : memref<16384x1024xf32, #tpu.memory_space<hbm>> -> memref<1x1024xf32, #tpu.memory_space<hbm>>
    tpu.wait_dma2 semaphore(%dma_wait3A_2508 : memref<!tpu.dma_semaphore, #tpu.memory_space<semaphore_mem>>) src(%dma_wait3A_2513 : memref<1x1024xf32, #tpu.memory_space<hbm>>) dst(%dma_wait3A_2511 : memref<1x1024xf32, #tpu.memory_space<vmem>>)
    %dma_wait3A_2514 = arith.constant 1 : i32
    %dma_wait3A_2515 = tpu.memref_slice %arg7[%dma_wait3A_2514] : memref<8x!tpu.dma_semaphore, #tpu.memory_space<semaphore_mem>> -> memref<1x!tpu.dma_semaphore, #tpu.memory_space<semaphore_mem>>
    %dma_wait3A_2516 = tpu.memref_squeeze %dma_wait3A_2515 : memref<1x!tpu.dma_semaphore, #tpu.memory_space<semaphore_mem>> -> memref<!tpu.dma_semaphore, #tpu.memory_space<semaphore_mem>>
    %dma_wait3A_2517 = arith.constant 65 : i32
    %dma_wait3A_2518 = arith.constant 0 : i32
    %dma_wait3A_2519 = tpu.memref_slice %arg6[%dma_wait3A_2517, %dma_wait3A_2518] : memref<128x1024xf32, #tpu.memory_space<vmem>> -> memref<1x1024xf32, #tpu.memory_space<vmem>>
    %dma_wait3A_2520 = arith.constant 0 : i32
    %dma_wait3A_2521 = tpu.memref_slice %arg4[%add3A_977, %dma_wait3A_2520] : memref<16384x1024xf32, #tpu.memory_space<hbm>> -> memref<1x1024xf32, #tpu.memory_space<hbm>>
    tpu.wait_dma2 semaphore(%dma_wait3A_2516 : memref<!tpu.dma_semaphore, #tpu.memory_space<semaphore_mem>>) src(%dma_wait3A_2521 : memref<1x1024xf32, #tpu.memory_space<hbm>>) dst(%dma_wait3A_2519 : memref<1x1024xf32, #tpu.memory_space<vmem>>)
    %dma_wait3A_2522 = arith.constant 2 : i32
    %dma_wait3A_2523 = tpu.memref_slice %arg7[%dma_wait3A_2522] : memref<8x!tpu.dma_semaphore, #tpu.memory_space<semaphore_mem>> -> memref<1x!tpu.dma_semaphore, #tpu.memory_space<semaphore_mem>>
    %dma_wait3A_2524 = tpu.memref_squeeze %dma_wait3A_2523 : memref<1x!tpu.dma_semaphore, #tpu.memory_space<semaphore_mem>> -> memref<!tpu.dma_semaphore, #tpu.memory_space<semaphore_mem>>
    %dma_wait3A_2525 = arith.constant 66 : i32
    %dma_wait3A_2526 = arith.constant 0 : i32
    %dma_wait3A_2527 = tpu.memref_slice %arg6[%dma_wait3A_2525, %dma_wait3A_2526] : memref<128x1024xf32, #tpu.memory_space<vmem>> -> memref<1x1024xf32, #tpu.memory_space<vmem>>
    %dma_wait3A_2528 = arith.constant 0 : i32
    %dma_wait3A_2529 = tpu.memref_slice %arg4[%add3A_992, %dma_wait3A_2528] : memref<16384x1024xf32, #tpu.memory_space<hbm>> -> memref<1x1024xf32, #tpu.memory_space<hbm>>
    tpu.wait_dma2 semaphore(%dma_wait3A_2524 : memref<!tpu.dma_semaphore, #tpu.memory_space<semaphore_mem>>) src(%dma_wait3A_2529 : memref<1x1024xf32, #tpu.memory_space<hbm>>) dst(%dma_wait3A_2527 : memref<1x1024xf32, #tpu.memory_space<vmem>>)
    %dma_wait3A_2530 = arith.constant 3 : i32
    %dma_wait3A_2531 = tpu.memref_slice %arg7[%dma_wait3A_2530] : memref<8x!tpu.dma_semaphore, #tpu.memory_space<semaphore_mem>> -> memref<1x!tpu.dma_semaphore, #tpu.memory_space<semaphore_mem>>
    %dma_wait3A_2532 = tpu.memref_squeeze %dma_wait3A_2531 : memref<1x!tpu.dma_semaphore, #tpu.memory_space<semaphore_mem>> -> memref<!tpu.dma_semaphore, #tpu.memory_space<semaphore_mem>>
    %dma_wait3A_2533 = arith.constant 67 : i32
    %dma_wait3A_2534 = arith.constant 0 : i32
    %dma_wait3A_2535 = tpu.memref_slice %arg6[%dma_wait3A_2533, %dma_wait3A_2534] : memref<128x1024xf32, #tpu.memory_space<vmem>> -> memref<1x1024xf32, #tpu.memory_space<vmem>>
    %dma_wait3A_2536 = arith.constant 0 : i32
    %dma_wait3A_2537 = tpu.memref_slice %arg4[%add3A_1007, %dma_wait3A_2536] : memref<16384x1024xf32, #tpu.memory_space<hbm>> -> memref<1x1024xf32, #tpu.memory_space<hbm>>
    tpu.wait_dma2 semaphore(%dma_wait3A_2532 : memref<!tpu.dma_semaphore, #tpu.memory_space<semaphore_mem>>) src(%dma_wait3A_2537 : memref<1x1024xf32, #tpu.memory_space<hbm>>) dst(%dma_wait3A_2535 : memref<1x1024xf32, #tpu.memory_space<vmem>>)
    %dma_wait3A_2538 = arith.constant 4 : i32
    %dma_wait3A_2539 = tpu.memref_slice %arg7[%dma_wait3A_2538] : memref<8x!tpu.dma_semaphore, #tpu.memory_space<semaphore_mem>> -> memref<1x!tpu.dma_semaphore, #tpu.memory_space<semaphore_mem>>
    %dma_wait3A_2540 = tpu.memref_squeeze %dma_wait3A_2539 : memref<1x!tpu.dma_semaphore, #tpu.memory_space<semaphore_mem>> -> memref<!tpu.dma_semaphore, #tpu.memory_space<semaphore_mem>>
    %dma_wait3A_2541 = arith.constant 68 : i32
    %dma_wait3A_2542 = arith.constant 0 : i32
    %dma_wait3A_2543 = tpu.memref_slice %arg6[%dma_wait3A_2541, %dma_wait3A_2542] : memref<128x1024xf32, #tpu.memory_space<vmem>> -> memref<1x1024xf32, #tpu.memory_space<vmem>>
    %dma_wait3A_2544 = arith.constant 0 : i32
    %dma_wait3A_2545 = tpu.memref_slice %arg4[%add3A_1022, %dma_wait3A_2544] : memref<16384x1024xf32, #tpu.memory_space<hbm>> -> memref<1x1024xf32, #tpu.memory_space<hbm>>
    tpu.wait_dma2 semaphore(%dma_wait3A_2540 : memref<!tpu.dma_semaphore, #tpu.memory_space<semaphore_mem>>) src(%dma_wait3A_2545 : memref<1x1024xf32, #tpu.memory_space<hbm>>) dst(%dma_wait3A_2543 : memref<1x1024xf32, #tpu.memory_space<vmem>>)
    %dma_wait3A_2546 = arith.constant 5 : i32
    %dma_wait3A_2547 = tpu.memref_slice %arg7[%dma_wait3A_2546] : memref<8x!tpu.dma_semaphore, #tpu.memory_space<semaphore_mem>> -> memref<1x!tpu.dma_semaphore, #tpu.memory_space<semaphore_mem>>
    %dma_wait3A_2548 = tpu.memref_squeeze %dma_wait3A_2547 : memref<1x!tpu.dma_semaphore, #tpu.memory_space<semaphore_mem>> -> memref<!tpu.dma_semaphore, #tpu.memory_space<semaphore_mem>>
    %dma_wait3A_2549 = arith.constant 69 : i32
    %dma_wait3A_2550 = arith.constant 0 : i32
    %dma_wait3A_2551 = tpu.memref_slice %arg6[%dma_wait3A_2549, %dma_wait3A_2550] : memref<128x1024xf32, #tpu.memory_space<vmem>> -> memref<1x1024xf32, #tpu.memory_space<vmem>>
    %dma_wait3A_2552 = arith.constant 0 : i32
    %dma_wait3A_2553 = tpu.memref_slice %arg4[%add3A_1037, %dma_wait3A_2552] : memref<16384x1024xf32, #tpu.memory_space<hbm>> -> memref<1x1024xf32, #tpu.memory_space<hbm>>
    tpu.wait_dma2 semaphore(%dma_wait3A_2548 : memref<!tpu.dma_semaphore, #tpu.memory_space<semaphore_mem>>) src(%dma_wait3A_2553 : memref<1x1024xf32, #tpu.memory_space<hbm>>) dst(%dma_wait3A_2551 : memref<1x1024xf32, #tpu.memory_space<vmem>>)
    %dma_wait3A_2554 = arith.constant 6 : i32
    %dma_wait3A_2555 = tpu.memref_slice %arg7[%dma_wait3A_2554] : memref<8x!tpu.dma_semaphore, #tpu.memory_space<semaphore_mem>> -> memref<1x!tpu.dma_semaphore, #tpu.memory_space<semaphore_mem>>
    %dma_wait3A_2556 = tpu.memref_squeeze %dma_wait3A_2555 : memref<1x!tpu.dma_semaphore, #tpu.memory_space<semaphore_mem>> -> memref<!tpu.dma_semaphore, #tpu.memory_space<semaphore_mem>>
    %dma_wait3A_2557 = arith.constant 70 : i32
    %dma_wait3A_2558 = arith.constant 0 : i32
    %dma_wait3A_2559 = tpu.memref_slice %arg6[%dma_wait3A_2557, %dma_wait3A_2558] : memref<128x1024xf32, #tpu.memory_space<vmem>> -> memref<1x1024xf32, #tpu.memory_space<vmem>>
    %dma_wait3A_2560 = arith.constant 0 : i32
    %dma_wait3A_2561 = tpu.memref_slice %arg4[%add3A_1052, %dma_wait3A_2560] : memref<16384x1024xf32, #tpu.memory_space<hbm>> -> memref<1x1024xf32, #tpu.memory_space<hbm>>
    tpu.wait_dma2 semaphore(%dma_wait3A_2556 : memref<!tpu.dma_semaphore, #tpu.memory_space<semaphore_mem>>) src(%dma_wait3A_2561 : memref<1x1024xf32, #tpu.memory_space<hbm>>) dst(%dma_wait3A_2559 : memref<1x1024xf32, #tpu.memory_space<vmem>>)
    %dma_wait3A_2562 = arith.constant 7 : i32
    %dma_wait3A_2563 = tpu.memref_slice %arg7[%dma_wait3A_2562] : memref<8x!tpu.dma_semaphore, #tpu.memory_space<semaphore_mem>> -> memref<1x!tpu.dma_semaphore, #tpu.memory_space<semaphore_mem>>
    %dma_wait3A_2564 = tpu.memref_squeeze %dma_wait3A_2563 : memref<1x!tpu.dma_semaphore, #tpu.memory_space<semaphore_mem>> -> memref<!tpu.dma_semaphore, #tpu.memory_space<semaphore_mem>>
    %dma_wait3A_2565 = arith.constant 71 : i32
    %dma_wait3A_2566 = arith.constant 0 : i32
    %dma_wait3A_2567 = tpu.memref_slice %arg6[%dma_wait3A_2565, %dma_wait3A_2566] : memref<128x1024xf32, #tpu.memory_space<vmem>> -> memref<1x1024xf32, #tpu.memory_space<vmem>>
    %dma_wait3A_2568 = arith.constant 0 : i32
    %dma_wait3A_2569 = tpu.memref_slice %arg4[%add3A_1067, %dma_wait3A_2568] : memref<16384x1024xf32, #tpu.memory_space<hbm>> -> memref<1x1024xf32, #tpu.memory_space<hbm>>
    tpu.wait_dma2 semaphore(%dma_wait3A_2564 : memref<!tpu.dma_semaphore, #tpu.memory_space<semaphore_mem>>) src(%dma_wait3A_2569 : memref<1x1024xf32, #tpu.memory_space<hbm>>) dst(%dma_wait3A_2567 : memref<1x1024xf32, #tpu.memory_space<vmem>>)
    %dma_wait3A_2570 = arith.constant 0 : i32
    %dma_wait3A_2571 = tpu.memref_slice %arg7[%dma_wait3A_2570] : memref<8x!tpu.dma_semaphore, #tpu.memory_space<semaphore_mem>> -> memref<1x!tpu.dma_semaphore, #tpu.memory_space<semaphore_mem>>
    %dma_wait3A_2572 = tpu.memref_squeeze %dma_wait3A_2571 : memref<1x!tpu.dma_semaphore, #tpu.memory_space<semaphore_mem>> -> memref<!tpu.dma_semaphore, #tpu.memory_space<semaphore_mem>>
    %dma_wait3A_2573 = arith.constant 72 : i32
    %dma_wait3A_2574 = arith.constant 0 : i32
    %dma_wait3A_2575 = tpu.memref_slice %arg6[%dma_wait3A_2573, %dma_wait3A_2574] : memref<128x1024xf32, #tpu.memory_space<vmem>> -> memref<1x1024xf32, #tpu.memory_space<vmem>>
    %dma_wait3A_2576 = arith.constant 0 : i32
    %dma_wait3A_2577 = tpu.memref_slice %arg4[%add3A_1082, %dma_wait3A_2576] : memref<16384x1024xf32, #tpu.memory_space<hbm>> -> memref<1x1024xf32, #tpu.memory_space<hbm>>
    tpu.wait_dma2 semaphore(%dma_wait3A_2572 : memref<!tpu.dma_semaphore, #tpu.memory_space<semaphore_mem>>) src(%dma_wait3A_2577 : memref<1x1024xf32, #tpu.memory_space<hbm>>) dst(%dma_wait3A_2575 : memref<1x1024xf32, #tpu.memory_space<vmem>>)
    %dma_wait3A_2578 = arith.constant 1 : i32
    %dma_wait3A_2579 = tpu.memref_slice %arg7[%dma_wait3A_2578] : memref<8x!tpu.dma_semaphore, #tpu.memory_space<semaphore_mem>> -> memref<1x!tpu.dma_semaphore, #tpu.memory_space<semaphore_mem>>
    %dma_wait3A_2580 = tpu.memref_squeeze %dma_wait3A_2579 : memref<1x!tpu.dma_semaphore, #tpu.memory_space<semaphore_mem>> -> memref<!tpu.dma_semaphore, #tpu.memory_space<semaphore_mem>>
    %dma_wait3A_2581 = arith.constant 73 : i32
    %dma_wait3A_2582 = arith.constant 0 : i32
    %dma_wait3A_2583 = tpu.memref_slice %arg6[%dma_wait3A_2581, %dma_wait3A_2582] : memref<128x1024xf32, #tpu.memory_space<vmem>> -> memref<1x1024xf32, #tpu.memory_space<vmem>>
    %dma_wait3A_2584 = arith.constant 0 : i32
    %dma_wait3A_2585 = tpu.memref_slice %arg4[%add3A_1097, %dma_wait3A_2584] : memref<16384x1024xf32, #tpu.memory_space<hbm>> -> memref<1x1024xf32, #tpu.memory_space<hbm>>
    tpu.wait_dma2 semaphore(%dma_wait3A_2580 : memref<!tpu.dma_semaphore, #tpu.memory_space<semaphore_mem>>) src(%dma_wait3A_2585 : memref<1x1024xf32, #tpu.memory_space<hbm>>) dst(%dma_wait3A_2583 : memref<1x1024xf32, #tpu.memory_space<vmem>>)
    %dma_wait3A_2586 = arith.constant 2 : i32
    %dma_wait3A_2587 = tpu.memref_slice %arg7[%dma_wait3A_2586] : memref<8x!tpu.dma_semaphore, #tpu.memory_space<semaphore_mem>> -> memref<1x!tpu.dma_semaphore, #tpu.memory_space<semaphore_mem>>
    %dma_wait3A_2588 = tpu.memref_squeeze %dma_wait3A_2587 : memref<1x!tpu.dma_semaphore, #tpu.memory_space<semaphore_mem>> -> memref<!tpu.dma_semaphore, #tpu.memory_space<semaphore_mem>>
    %dma_wait3A_2589 = arith.constant 74 : i32
    %dma_wait3A_2590 = arith.constant 0 : i32
    %dma_wait3A_2591 = tpu.memref_slice %arg6[%dma_wait3A_2589, %dma_wait3A_2590] : memref<128x1024xf32, #tpu.memory_space<vmem>> -> memref<1x1024xf32, #tpu.memory_space<vmem>>
    %dma_wait3A_2592 = arith.constant 0 : i32
    %dma_wait3A_2593 = tpu.memref_slice %arg4[%add3A_1112, %dma_wait3A_2592] : memref<16384x1024xf32, #tpu.memory_space<hbm>> -> memref<1x1024xf32, #tpu.memory_space<hbm>>
    tpu.wait_dma2 semaphore(%dma_wait3A_2588 : memref<!tpu.dma_semaphore, #tpu.memory_space<semaphore_mem>>) src(%dma_wait3A_2593 : memref<1x1024xf32, #tpu.memory_space<hbm>>) dst(%dma_wait3A_2591 : memref<1x1024xf32, #tpu.memory_space<vmem>>)
    %dma_wait3A_2594 = arith.constant 3 : i32
    %dma_wait3A_2595 = tpu.memref_slice %arg7[%dma_wait3A_2594] : memref<8x!tpu.dma_semaphore, #tpu.memory_space<semaphore_mem>> -> memref<1x!tpu.dma_semaphore, #tpu.memory_space<semaphore_mem>>
    %dma_wait3A_2596 = tpu.memref_squeeze %dma_wait3A_2595 : memref<1x!tpu.dma_semaphore, #tpu.memory_space<semaphore_mem>> -> memref<!tpu.dma_semaphore, #tpu.memory_space<semaphore_mem>>
    %dma_wait3A_2597 = arith.constant 75 : i32
    %dma_wait3A_2598 = arith.constant 0 : i32
    %dma_wait3A_2599 = tpu.memref_slice %arg6[%dma_wait3A_2597, %dma_wait3A_2598] : memref<128x1024xf32, #tpu.memory_space<vmem>> -> memref<1x1024xf32, #tpu.memory_space<vmem>>
    %dma_wait3A_2600 = arith.constant 0 : i32
    %dma_wait3A_2601 = tpu.memref_slice %arg4[%add3A_1127, %dma_wait3A_2600] : memref<16384x1024xf32, #tpu.memory_space<hbm>> -> memref<1x1024xf32, #tpu.memory_space<hbm>>
    tpu.wait_dma2 semaphore(%dma_wait3A_2596 : memref<!tpu.dma_semaphore, #tpu.memory_space<semaphore_mem>>) src(%dma_wait3A_2601 : memref<1x1024xf32, #tpu.memory_space<hbm>>) dst(%dma_wait3A_2599 : memref<1x1024xf32, #tpu.memory_space<vmem>>)
    %dma_wait3A_2602 = arith.constant 4 : i32
    %dma_wait3A_2603 = tpu.memref_slice %arg7[%dma_wait3A_2602] : memref<8x!tpu.dma_semaphore, #tpu.memory_space<semaphore_mem>> -> memref<1x!tpu.dma_semaphore, #tpu.memory_space<semaphore_mem>>
    %dma_wait3A_2604 = tpu.memref_squeeze %dma_wait3A_2603 : memref<1x!tpu.dma_semaphore, #tpu.memory_space<semaphore_mem>> -> memref<!tpu.dma_semaphore, #tpu.memory_space<semaphore_mem>>
    %dma_wait3A_2605 = arith.constant 76 : i32
    %dma_wait3A_2606 = arith.constant 0 : i32
    %dma_wait3A_2607 = tpu.memref_slice %arg6[%dma_wait3A_2605, %dma_wait3A_2606] : memref<128x1024xf32, #tpu.memory_space<vmem>> -> memref<1x1024xf32, #tpu.memory_space<vmem>>
    %dma_wait3A_2608 = arith.constant 0 : i32
    %dma_wait3A_2609 = tpu.memref_slice %arg4[%add3A_1142, %dma_wait3A_2608] : memref<16384x1024xf32, #tpu.memory_space<hbm>> -> memref<1x1024xf32, #tpu.memory_space<hbm>>
    tpu.wait_dma2 semaphore(%dma_wait3A_2604 : memref<!tpu.dma_semaphore, #tpu.memory_space<semaphore_mem>>) src(%dma_wait3A_2609 : memref<1x1024xf32, #tpu.memory_space<hbm>>) dst(%dma_wait3A_2607 : memref<1x1024xf32, #tpu.memory_space<vmem>>)
    %dma_wait3A_2610 = arith.constant 5 : i32
    %dma_wait3A_2611 = tpu.memref_slice %arg7[%dma_wait3A_2610] : memref<8x!tpu.dma_semaphore, #tpu.memory_space<semaphore_mem>> -> memref<1x!tpu.dma_semaphore, #tpu.memory_space<semaphore_mem>>
    %dma_wait3A_2612 = tpu.memref_squeeze %dma_wait3A_2611 : memref<1x!tpu.dma_semaphore, #tpu.memory_space<semaphore_mem>> -> memref<!tpu.dma_semaphore, #tpu.memory_space<semaphore_mem>>
    %dma_wait3A_2613 = arith.constant 77 : i32
    %dma_wait3A_2614 = arith.constant 0 : i32
    %dma_wait3A_2615 = tpu.memref_slice %arg6[%dma_wait3A_2613, %dma_wait3A_2614] : memref<128x1024xf32, #tpu.memory_space<vmem>> -> memref<1x1024xf32, #tpu.memory_space<vmem>>
    %dma_wait3A_2616 = arith.constant 0 : i32
    %dma_wait3A_2617 = tpu.memref_slice %arg4[%add3A_1157, %dma_wait3A_2616] : memref<16384x1024xf32, #tpu.memory_space<hbm>> -> memref<1x1024xf32, #tpu.memory_space<hbm>>
    tpu.wait_dma2 semaphore(%dma_wait3A_2612 : memref<!tpu.dma_semaphore, #tpu.memory_space<semaphore_mem>>) src(%dma_wait3A_2617 : memref<1x1024xf32, #tpu.memory_space<hbm>>) dst(%dma_wait3A_2615 : memref<1x1024xf32, #tpu.memory_space<vmem>>)
    %dma_wait3A_2618 = arith.constant 6 : i32
    %dma_wait3A_2619 = tpu.memref_slice %arg7[%dma_wait3A_2618] : memref<8x!tpu.dma_semaphore, #tpu.memory_space<semaphore_mem>> -> memref<1x!tpu.dma_semaphore, #tpu.memory_space<semaphore_mem>>
    %dma_wait3A_2620 = tpu.memref_squeeze %dma_wait3A_2619 : memref<1x!tpu.dma_semaphore, #tpu.memory_space<semaphore_mem>> -> memref<!tpu.dma_semaphore, #tpu.memory_space<semaphore_mem>>
    %dma_wait3A_2621 = arith.constant 78 : i32
    %dma_wait3A_2622 = arith.constant 0 : i32
    %dma_wait3A_2623 = tpu.memref_slice %arg6[%dma_wait3A_2621, %dma_wait3A_2622] : memref<128x1024xf32, #tpu.memory_space<vmem>> -> memref<1x1024xf32, #tpu.memory_space<vmem>>
    %dma_wait3A_2624 = arith.constant 0 : i32
    %dma_wait3A_2625 = tpu.memref_slice %arg4[%add3A_1172, %dma_wait3A_2624] : memref<16384x1024xf32, #tpu.memory_space<hbm>> -> memref<1x1024xf32, #tpu.memory_space<hbm>>
    tpu.wait_dma2 semaphore(%dma_wait3A_2620 : memref<!tpu.dma_semaphore, #tpu.memory_space<semaphore_mem>>) src(%dma_wait3A_2625 : memref<1x1024xf32, #tpu.memory_space<hbm>>) dst(%dma_wait3A_2623 : memref<1x1024xf32, #tpu.memory_space<vmem>>)
    %dma_wait3A_2626 = arith.constant 7 : i32
    %dma_wait3A_2627 = tpu.memref_slice %arg7[%dma_wait3A_2626] : memref<8x!tpu.dma_semaphore, #tpu.memory_space<semaphore_mem>> -> memref<1x!tpu.dma_semaphore, #tpu.memory_space<semaphore_mem>>
    %dma_wait3A_2628 = tpu.memref_squeeze %dma_wait3A_2627 : memref<1x!tpu.dma_semaphore, #tpu.memory_space<semaphore_mem>> -> memref<!tpu.dma_semaphore, #tpu.memory_space<semaphore_mem>>
    %dma_wait3A_2629 = arith.constant 79 : i32
    %dma_wait3A_2630 = arith.constant 0 : i32
    %dma_wait3A_2631 = tpu.memref_slice %arg6[%dma_wait3A_2629, %dma_wait3A_2630] : memref<128x1024xf32, #tpu.memory_space<vmem>> -> memref<1x1024xf32, #tpu.memory_space<vmem>>
    %dma_wait3A_2632 = arith.constant 0 : i32
    %dma_wait3A_2633 = tpu.memref_slice %arg4[%add3A_1187, %dma_wait3A_2632] : memref<16384x1024xf32, #tpu.memory_space<hbm>> -> memref<1x1024xf32, #tpu.memory_space<hbm>>
    tpu.wait_dma2 semaphore(%dma_wait3A_2628 : memref<!tpu.dma_semaphore, #tpu.memory_space<semaphore_mem>>) src(%dma_wait3A_2633 : memref<1x1024xf32, #tpu.memory_space<hbm>>) dst(%dma_wait3A_2631 : memref<1x1024xf32, #tpu.memory_space<vmem>>)
    %dma_wait3A_2634 = arith.constant 0 : i32
    %dma_wait3A_2635 = tpu.memref_slice %arg7[%dma_wait3A_2634] : memref<8x!tpu.dma_semaphore, #tpu.memory_space<semaphore_mem>> -> memref<1x!tpu.dma_semaphore, #tpu.memory_space<semaphore_mem>>
    %dma_wait3A_2636 = tpu.memref_squeeze %dma_wait3A_2635 : memref<1x!tpu.dma_semaphore, #tpu.memory_space<semaphore_mem>> -> memref<!tpu.dma_semaphore, #tpu.memory_space<semaphore_mem>>
    %dma_wait3A_2637 = arith.constant 80 : i32
    %dma_wait3A_2638 = arith.constant 0 : i32
    %dma_wait3A_2639 = tpu.memref_slice %arg6[%dma_wait3A_2637, %dma_wait3A_2638] : memref<128x1024xf32, #tpu.memory_space<vmem>> -> memref<1x1024xf32, #tpu.memory_space<vmem>>
    %dma_wait3A_2640 = arith.constant 0 : i32
    %dma_wait3A_2641 = tpu.memref_slice %arg4[%add3A_1202, %dma_wait3A_2640] : memref<16384x1024xf32, #tpu.memory_space<hbm>> -> memref<1x1024xf32, #tpu.memory_space<hbm>>
    tpu.wait_dma2 semaphore(%dma_wait3A_2636 : memref<!tpu.dma_semaphore, #tpu.memory_space<semaphore_mem>>) src(%dma_wait3A_2641 : memref<1x1024xf32, #tpu.memory_space<hbm>>) dst(%dma_wait3A_2639 : memref<1x1024xf32, #tpu.memory_space<vmem>>)
    %dma_wait3A_2642 = arith.constant 1 : i32
    %dma_wait3A_2643 = tpu.memref_slice %arg7[%dma_wait3A_2642] : memref<8x!tpu.dma_semaphore, #tpu.memory_space<semaphore_mem>> -> memref<1x!tpu.dma_semaphore, #tpu.memory_space<semaphore_mem>>
    %dma_wait3A_2644 = tpu.memref_squeeze %dma_wait3A_2643 : memref<1x!tpu.dma_semaphore, #tpu.memory_space<semaphore_mem>> -> memref<!tpu.dma_semaphore, #tpu.memory_space<semaphore_mem>>
    %dma_wait3A_2645 = arith.constant 81 : i32
    %dma_wait3A_2646 = arith.constant 0 : i32
    %dma_wait3A_2647 = tpu.memref_slice %arg6[%dma_wait3A_2645, %dma_wait3A_2646] : memref<128x1024xf32, #tpu.memory_space<vmem>> -> memref<1x1024xf32, #tpu.memory_space<vmem>>
    %dma_wait3A_2648 = arith.constant 0 : i32
    %dma_wait3A_2649 = tpu.memref_slice %arg4[%add3A_1217, %dma_wait3A_2648] : memref<16384x1024xf32, #tpu.memory_space<hbm>> -> memref<1x1024xf32, #tpu.memory_space<hbm>>
    tpu.wait_dma2 semaphore(%dma_wait3A_2644 : memref<!tpu.dma_semaphore, #tpu.memory_space<semaphore_mem>>) src(%dma_wait3A_2649 : memref<1x1024xf32, #tpu.memory_space<hbm>>) dst(%dma_wait3A_2647 : memref<1x1024xf32, #tpu.memory_space<vmem>>)
    %dma_wait3A_2650 = arith.constant 2 : i32
    %dma_wait3A_2651 = tpu.memref_slice %arg7[%dma_wait3A_2650] : memref<8x!tpu.dma_semaphore, #tpu.memory_space<semaphore_mem>> -> memref<1x!tpu.dma_semaphore, #tpu.memory_space<semaphore_mem>>
    %dma_wait3A_2652 = tpu.memref_squeeze %dma_wait3A_2651 : memref<1x!tpu.dma_semaphore, #tpu.memory_space<semaphore_mem>> -> memref<!tpu.dma_semaphore, #tpu.memory_space<semaphore_mem>>
    %dma_wait3A_2653 = arith.constant 82 : i32
    %dma_wait3A_2654 = arith.constant 0 : i32
    %dma_wait3A_2655 = tpu.memref_slice %arg6[%dma_wait3A_2653, %dma_wait3A_2654] : memref<128x1024xf32, #tpu.memory_space<vmem>> -> memref<1x1024xf32, #tpu.memory_space<vmem>>
    %dma_wait3A_2656 = arith.constant 0 : i32
    %dma_wait3A_2657 = tpu.memref_slice %arg4[%add3A_1232, %dma_wait3A_2656] : memref<16384x1024xf32, #tpu.memory_space<hbm>> -> memref<1x1024xf32, #tpu.memory_space<hbm>>
    tpu.wait_dma2 semaphore(%dma_wait3A_2652 : memref<!tpu.dma_semaphore, #tpu.memory_space<semaphore_mem>>) src(%dma_wait3A_2657 : memref<1x1024xf32, #tpu.memory_space<hbm>>) dst(%dma_wait3A_2655 : memref<1x1024xf32, #tpu.memory_space<vmem>>)
    %dma_wait3A_2658 = arith.constant 3 : i32
    %dma_wait3A_2659 = tpu.memref_slice %arg7[%dma_wait3A_2658] : memref<8x!tpu.dma_semaphore, #tpu.memory_space<semaphore_mem>> -> memref<1x!tpu.dma_semaphore, #tpu.memory_space<semaphore_mem>>
    %dma_wait3A_2660 = tpu.memref_squeeze %dma_wait3A_2659 : memref<1x!tpu.dma_semaphore, #tpu.memory_space<semaphore_mem>> -> memref<!tpu.dma_semaphore, #tpu.memory_space<semaphore_mem>>
    %dma_wait3A_2661 = arith.constant 83 : i32
    %dma_wait3A_2662 = arith.constant 0 : i32
    %dma_wait3A_2663 = tpu.memref_slice %arg6[%dma_wait3A_2661, %dma_wait3A_2662] : memref<128x1024xf32, #tpu.memory_space<vmem>> -> memref<1x1024xf32, #tpu.memory_space<vmem>>
    %dma_wait3A_2664 = arith.constant 0 : i32
    %dma_wait3A_2665 = tpu.memref_slice %arg4[%add3A_1247, %dma_wait3A_2664] : memref<16384x1024xf32, #tpu.memory_space<hbm>> -> memref<1x1024xf32, #tpu.memory_space<hbm>>
    tpu.wait_dma2 semaphore(%dma_wait3A_2660 : memref<!tpu.dma_semaphore, #tpu.memory_space<semaphore_mem>>) src(%dma_wait3A_2665 : memref<1x1024xf32, #tpu.memory_space<hbm>>) dst(%dma_wait3A_2663 : memref<1x1024xf32, #tpu.memory_space<vmem>>)
    %dma_wait3A_2666 = arith.constant 4 : i32
    %dma_wait3A_2667 = tpu.memref_slice %arg7[%dma_wait3A_2666] : memref<8x!tpu.dma_semaphore, #tpu.memory_space<semaphore_mem>> -> memref<1x!tpu.dma_semaphore, #tpu.memory_space<semaphore_mem>>
    %dma_wait3A_2668 = tpu.memref_squeeze %dma_wait3A_2667 : memref<1x!tpu.dma_semaphore, #tpu.memory_space<semaphore_mem>> -> memref<!tpu.dma_semaphore, #tpu.memory_space<semaphore_mem>>
    %dma_wait3A_2669 = arith.constant 84 : i32
    %dma_wait3A_2670 = arith.constant 0 : i32
    %dma_wait3A_2671 = tpu.memref_slice %arg6[%dma_wait3A_2669, %dma_wait3A_2670] : memref<128x1024xf32, #tpu.memory_space<vmem>> -> memref<1x1024xf32, #tpu.memory_space<vmem>>
    %dma_wait3A_2672 = arith.constant 0 : i32
    %dma_wait3A_2673 = tpu.memref_slice %arg4[%add3A_1262, %dma_wait3A_2672] : memref<16384x1024xf32, #tpu.memory_space<hbm>> -> memref<1x1024xf32, #tpu.memory_space<hbm>>
    tpu.wait_dma2 semaphore(%dma_wait3A_2668 : memref<!tpu.dma_semaphore, #tpu.memory_space<semaphore_mem>>) src(%dma_wait3A_2673 : memref<1x1024xf32, #tpu.memory_space<hbm>>) dst(%dma_wait3A_2671 : memref<1x1024xf32, #tpu.memory_space<vmem>>)
    %dma_wait3A_2674 = arith.constant 5 : i32
    %dma_wait3A_2675 = tpu.memref_slice %arg7[%dma_wait3A_2674] : memref<8x!tpu.dma_semaphore, #tpu.memory_space<semaphore_mem>> -> memref<1x!tpu.dma_semaphore, #tpu.memory_space<semaphore_mem>>
    %dma_wait3A_2676 = tpu.memref_squeeze %dma_wait3A_2675 : memref<1x!tpu.dma_semaphore, #tpu.memory_space<semaphore_mem>> -> memref<!tpu.dma_semaphore, #tpu.memory_space<semaphore_mem>>
    %dma_wait3A_2677 = arith.constant 85 : i32
    %dma_wait3A_2678 = arith.constant 0 : i32
    %dma_wait3A_2679 = tpu.memref_slice %arg6[%dma_wait3A_2677, %dma_wait3A_2678] : memref<128x1024xf32, #tpu.memory_space<vmem>> -> memref<1x1024xf32, #tpu.memory_space<vmem>>
    %dma_wait3A_2680 = arith.constant 0 : i32
    %dma_wait3A_2681 = tpu.memref_slice %arg4[%add3A_1277, %dma_wait3A_2680] : memref<16384x1024xf32, #tpu.memory_space<hbm>> -> memref<1x1024xf32, #tpu.memory_space<hbm>>
    tpu.wait_dma2 semaphore(%dma_wait3A_2676 : memref<!tpu.dma_semaphore, #tpu.memory_space<semaphore_mem>>) src(%dma_wait3A_2681 : memref<1x1024xf32, #tpu.memory_space<hbm>>) dst(%dma_wait3A_2679 : memref<1x1024xf32, #tpu.memory_space<vmem>>)
    %dma_wait3A_2682 = arith.constant 6 : i32
    %dma_wait3A_2683 = tpu.memref_slice %arg7[%dma_wait3A_2682] : memref<8x!tpu.dma_semaphore, #tpu.memory_space<semaphore_mem>> -> memref<1x!tpu.dma_semaphore, #tpu.memory_space<semaphore_mem>>
    %dma_wait3A_2684 = tpu.memref_squeeze %dma_wait3A_2683 : memref<1x!tpu.dma_semaphore, #tpu.memory_space<semaphore_mem>> -> memref<!tpu.dma_semaphore, #tpu.memory_space<semaphore_mem>>
    %dma_wait3A_2685 = arith.constant 86 : i32
    %dma_wait3A_2686 = arith.constant 0 : i32
    %dma_wait3A_2687 = tpu.memref_slice %arg6[%dma_wait3A_2685, %dma_wait3A_2686] : memref<128x1024xf32, #tpu.memory_space<vmem>> -> memref<1x1024xf32, #tpu.memory_space<vmem>>
    %dma_wait3A_2688 = arith.constant 0 : i32
    %dma_wait3A_2689 = tpu.memref_slice %arg4[%add3A_1292, %dma_wait3A_2688] : memref<16384x1024xf32, #tpu.memory_space<hbm>> -> memref<1x1024xf32, #tpu.memory_space<hbm>>
    tpu.wait_dma2 semaphore(%dma_wait3A_2684 : memref<!tpu.dma_semaphore, #tpu.memory_space<semaphore_mem>>) src(%dma_wait3A_2689 : memref<1x1024xf32, #tpu.memory_space<hbm>>) dst(%dma_wait3A_2687 : memref<1x1024xf32, #tpu.memory_space<vmem>>)
    %dma_wait3A_2690 = arith.constant 7 : i32
    %dma_wait3A_2691 = tpu.memref_slice %arg7[%dma_wait3A_2690] : memref<8x!tpu.dma_semaphore, #tpu.memory_space<semaphore_mem>> -> memref<1x!tpu.dma_semaphore, #tpu.memory_space<semaphore_mem>>
    %dma_wait3A_2692 = tpu.memref_squeeze %dma_wait3A_2691 : memref<1x!tpu.dma_semaphore, #tpu.memory_space<semaphore_mem>> -> memref<!tpu.dma_semaphore, #tpu.memory_space<semaphore_mem>>
    %dma_wait3A_2693 = arith.constant 87 : i32
    %dma_wait3A_2694 = arith.constant 0 : i32
    %dma_wait3A_2695 = tpu.memref_slice %arg6[%dma_wait3A_2693, %dma_wait3A_2694] : memref<128x1024xf32, #tpu.memory_space<vmem>> -> memref<1x1024xf32, #tpu.memory_space<vmem>>
    %dma_wait3A_2696 = arith.constant 0 : i32
    %dma_wait3A_2697 = tpu.memref_slice %arg4[%add3A_1307, %dma_wait3A_2696] : memref<16384x1024xf32, #tpu.memory_space<hbm>> -> memref<1x1024xf32, #tpu.memory_space<hbm>>
    tpu.wait_dma2 semaphore(%dma_wait3A_2692 : memref<!tpu.dma_semaphore, #tpu.memory_space<semaphore_mem>>) src(%dma_wait3A_2697 : memref<1x1024xf32, #tpu.memory_space<hbm>>) dst(%dma_wait3A_2695 : memref<1x1024xf32, #tpu.memory_space<vmem>>)
    %dma_wait3A_2698 = arith.constant 0 : i32
    %dma_wait3A_2699 = tpu.memref_slice %arg7[%dma_wait3A_2698] : memref<8x!tpu.dma_semaphore, #tpu.memory_space<semaphore_mem>> -> memref<1x!tpu.dma_semaphore, #tpu.memory_space<semaphore_mem>>
    %dma_wait3A_2700 = tpu.memref_squeeze %dma_wait3A_2699 : memref<1x!tpu.dma_semaphore, #tpu.memory_space<semaphore_mem>> -> memref<!tpu.dma_semaphore, #tpu.memory_space<semaphore_mem>>
    %dma_wait3A_2701 = arith.constant 88 : i32
    %dma_wait3A_2702 = arith.constant 0 : i32
    %dma_wait3A_2703 = tpu.memref_slice %arg6[%dma_wait3A_2701, %dma_wait3A_2702] : memref<128x1024xf32, #tpu.memory_space<vmem>> -> memref<1x1024xf32, #tpu.memory_space<vmem>>
    %dma_wait3A_2704 = arith.constant 0 : i32
    %dma_wait3A_2705 = tpu.memref_slice %arg4[%add3A_1322, %dma_wait3A_2704] : memref<16384x1024xf32, #tpu.memory_space<hbm>> -> memref<1x1024xf32, #tpu.memory_space<hbm>>
    tpu.wait_dma2 semaphore(%dma_wait3A_2700 : memref<!tpu.dma_semaphore, #tpu.memory_space<semaphore_mem>>) src(%dma_wait3A_2705 : memref<1x1024xf32, #tpu.memory_space<hbm>>) dst(%dma_wait3A_2703 : memref<1x1024xf32, #tpu.memory_space<vmem>>)
    %dma_wait3A_2706 = arith.constant 1 : i32
    %dma_wait3A_2707 = tpu.memref_slice %arg7[%dma_wait3A_2706] : memref<8x!tpu.dma_semaphore, #tpu.memory_space<semaphore_mem>> -> memref<1x!tpu.dma_semaphore, #tpu.memory_space<semaphore_mem>>
    %dma_wait3A_2708 = tpu.memref_squeeze %dma_wait3A_2707 : memref<1x!tpu.dma_semaphore, #tpu.memory_space<semaphore_mem>> -> memref<!tpu.dma_semaphore, #tpu.memory_space<semaphore_mem>>
    %dma_wait3A_2709 = arith.constant 89 : i32
    %dma_wait3A_2710 = arith.constant 0 : i32
    %dma_wait3A_2711 = tpu.memref_slice %arg6[%dma_wait3A_2709, %dma_wait3A_2710] : memref<128x1024xf32, #tpu.memory_space<vmem>> -> memref<1x1024xf32, #tpu.memory_space<vmem>>
    %dma_wait3A_2712 = arith.constant 0 : i32
    %dma_wait3A_2713 = tpu.memref_slice %arg4[%add3A_1337, %dma_wait3A_2712] : memref<16384x1024xf32, #tpu.memory_space<hbm>> -> memref<1x1024xf32, #tpu.memory_space<hbm>>
    tpu.wait_dma2 semaphore(%dma_wait3A_2708 : memref<!tpu.dma_semaphore, #tpu.memory_space<semaphore_mem>>) src(%dma_wait3A_2713 : memref<1x1024xf32, #tpu.memory_space<hbm>>) dst(%dma_wait3A_2711 : memref<1x1024xf32, #tpu.memory_space<vmem>>)
    %dma_wait3A_2714 = arith.constant 2 : i32
    %dma_wait3A_2715 = tpu.memref_slice %arg7[%dma_wait3A_2714] : memref<8x!tpu.dma_semaphore, #tpu.memory_space<semaphore_mem>> -> memref<1x!tpu.dma_semaphore, #tpu.memory_space<semaphore_mem>>
    %dma_wait3A_2716 = tpu.memref_squeeze %dma_wait3A_2715 : memref<1x!tpu.dma_semaphore, #tpu.memory_space<semaphore_mem>> -> memref<!tpu.dma_semaphore, #tpu.memory_space<semaphore_mem>>
    %dma_wait3A_2717 = arith.constant 90 : i32
    %dma_wait3A_2718 = arith.constant 0 : i32
    %dma_wait3A_2719 = tpu.memref_slice %arg6[%dma_wait3A_2717, %dma_wait3A_2718] : memref<128x1024xf32, #tpu.memory_space<vmem>> -> memref<1x1024xf32, #tpu.memory_space<vmem>>
    %dma_wait3A_2720 = arith.constant 0 : i32
    %dma_wait3A_2721 = tpu.memref_slice %arg4[%add3A_1352, %dma_wait3A_2720] : memref<16384x1024xf32, #tpu.memory_space<hbm>> -> memref<1x1024xf32, #tpu.memory_space<hbm>>
    tpu.wait_dma2 semaphore(%dma_wait3A_2716 : memref<!tpu.dma_semaphore, #tpu.memory_space<semaphore_mem>>) src(%dma_wait3A_2721 : memref<1x1024xf32, #tpu.memory_space<hbm>>) dst(%dma_wait3A_2719 : memref<1x1024xf32, #tpu.memory_space<vmem>>)
    %dma_wait3A_2722 = arith.constant 3 : i32
    %dma_wait3A_2723 = tpu.memref_slice %arg7[%dma_wait3A_2722] : memref<8x!tpu.dma_semaphore, #tpu.memory_space<semaphore_mem>> -> memref<1x!tpu.dma_semaphore, #tpu.memory_space<semaphore_mem>>
    %dma_wait3A_2724 = tpu.memref_squeeze %dma_wait3A_2723 : memref<1x!tpu.dma_semaphore, #tpu.memory_space<semaphore_mem>> -> memref<!tpu.dma_semaphore, #tpu.memory_space<semaphore_mem>>
    %dma_wait3A_2725 = arith.constant 91 : i32
    %dma_wait3A_2726 = arith.constant 0 : i32
    %dma_wait3A_2727 = tpu.memref_slice %arg6[%dma_wait3A_2725, %dma_wait3A_2726] : memref<128x1024xf32, #tpu.memory_space<vmem>> -> memref<1x1024xf32, #tpu.memory_space<vmem>>
    %dma_wait3A_2728 = arith.constant 0 : i32
    %dma_wait3A_2729 = tpu.memref_slice %arg4[%add3A_1367, %dma_wait3A_2728] : memref<16384x1024xf32, #tpu.memory_space<hbm>> -> memref<1x1024xf32, #tpu.memory_space<hbm>>
    tpu.wait_dma2 semaphore(%dma_wait3A_2724 : memref<!tpu.dma_semaphore, #tpu.memory_space<semaphore_mem>>) src(%dma_wait3A_2729 : memref<1x1024xf32, #tpu.memory_space<hbm>>) dst(%dma_wait3A_2727 : memref<1x1024xf32, #tpu.memory_space<vmem>>)
    %dma_wait3A_2730 = arith.constant 4 : i32
    %dma_wait3A_2731 = tpu.memref_slice %arg7[%dma_wait3A_2730] : memref<8x!tpu.dma_semaphore, #tpu.memory_space<semaphore_mem>> -> memref<1x!tpu.dma_semaphore, #tpu.memory_space<semaphore_mem>>
    %dma_wait3A_2732 = tpu.memref_squeeze %dma_wait3A_2731 : memref<1x!tpu.dma_semaphore, #tpu.memory_space<semaphore_mem>> -> memref<!tpu.dma_semaphore, #tpu.memory_space<semaphore_mem>>
    %dma_wait3A_2733 = arith.constant 92 : i32
    %dma_wait3A_2734 = arith.constant 0 : i32
    %dma_wait3A_2735 = tpu.memref_slice %arg6[%dma_wait3A_2733, %dma_wait3A_2734] : memref<128x1024xf32, #tpu.memory_space<vmem>> -> memref<1x1024xf32, #tpu.memory_space<vmem>>
    %dma_wait3A_2736 = arith.constant 0 : i32
    %dma_wait3A_2737 = tpu.memref_slice %arg4[%add3A_1382, %dma_wait3A_2736] : memref<16384x1024xf32, #tpu.memory_space<hbm>> -> memref<1x1024xf32, #tpu.memory_space<hbm>>
    tpu.wait_dma2 semaphore(%dma_wait3A_2732 : memref<!tpu.dma_semaphore, #tpu.memory_space<semaphore_mem>>) src(%dma_wait3A_2737 : memref<1x1024xf32, #tpu.memory_space<hbm>>) dst(%dma_wait3A_2735 : memref<1x1024xf32, #tpu.memory_space<vmem>>)
    %dma_wait3A_2738 = arith.constant 5 : i32
    %dma_wait3A_2739 = tpu.memref_slice %arg7[%dma_wait3A_2738] : memref<8x!tpu.dma_semaphore, #tpu.memory_space<semaphore_mem>> -> memref<1x!tpu.dma_semaphore, #tpu.memory_space<semaphore_mem>>
    %dma_wait3A_2740 = tpu.memref_squeeze %dma_wait3A_2739 : memref<1x!tpu.dma_semaphore, #tpu.memory_space<semaphore_mem>> -> memref<!tpu.dma_semaphore, #tpu.memory_space<semaphore_mem>>
    %dma_wait3A_2741 = arith.constant 93 : i32
    %dma_wait3A_2742 = arith.constant 0 : i32
    %dma_wait3A_2743 = tpu.memref_slice %arg6[%dma_wait3A_2741, %dma_wait3A_2742] : memref<128x1024xf32, #tpu.memory_space<vmem>> -> memref<1x1024xf32, #tpu.memory_space<vmem>>
    %dma_wait3A_2744 = arith.constant 0 : i32
    %dma_wait3A_2745 = tpu.memref_slice %arg4[%add3A_1397, %dma_wait3A_2744] : memref<16384x1024xf32, #tpu.memory_space<hbm>> -> memref<1x1024xf32, #tpu.memory_space<hbm>>
    tpu.wait_dma2 semaphore(%dma_wait3A_2740 : memref<!tpu.dma_semaphore, #tpu.memory_space<semaphore_mem>>) src(%dma_wait3A_2745 : memref<1x1024xf32, #tpu.memory_space<hbm>>) dst(%dma_wait3A_2743 : memref<1x1024xf32, #tpu.memory_space<vmem>>)
    %dma_wait3A_2746 = arith.constant 6 : i32
    %dma_wait3A_2747 = tpu.memref_slice %arg7[%dma_wait3A_2746] : memref<8x!tpu.dma_semaphore, #tpu.memory_space<semaphore_mem>> -> memref<1x!tpu.dma_semaphore, #tpu.memory_space<semaphore_mem>>
    %dma_wait3A_2748 = tpu.memref_squeeze %dma_wait3A_2747 : memref<1x!tpu.dma_semaphore, #tpu.memory_space<semaphore_mem>> -> memref<!tpu.dma_semaphore, #tpu.memory_space<semaphore_mem>>
    %dma_wait3A_2749 = arith.constant 94 : i32
    %dma_wait3A_2750 = arith.constant 0 : i32
    %dma_wait3A_2751 = tpu.memref_slice %arg6[%dma_wait3A_2749, %dma_wait3A_2750] : memref<128x1024xf32, #tpu.memory_space<vmem>> -> memref<1x1024xf32, #tpu.memory_space<vmem>>
    %dma_wait3A_2752 = arith.constant 0 : i32
    %dma_wait3A_2753 = tpu.memref_slice %arg4[%add3A_1412, %dma_wait3A_2752] : memref<16384x1024xf32, #tpu.memory_space<hbm>> -> memref<1x1024xf32, #tpu.memory_space<hbm>>
    tpu.wait_dma2 semaphore(%dma_wait3A_2748 : memref<!tpu.dma_semaphore, #tpu.memory_space<semaphore_mem>>) src(%dma_wait3A_2753 : memref<1x1024xf32, #tpu.memory_space<hbm>>) dst(%dma_wait3A_2751 : memref<1x1024xf32, #tpu.memory_space<vmem>>)
    %dma_wait3A_2754 = arith.constant 7 : i32
    %dma_wait3A_2755 = tpu.memref_slice %arg7[%dma_wait3A_2754] : memref<8x!tpu.dma_semaphore, #tpu.memory_space<semaphore_mem>> -> memref<1x!tpu.dma_semaphore, #tpu.memory_space<semaphore_mem>>
    %dma_wait3A_2756 = tpu.memref_squeeze %dma_wait3A_2755 : memref<1x!tpu.dma_semaphore, #tpu.memory_space<semaphore_mem>> -> memref<!tpu.dma_semaphore, #tpu.memory_space<semaphore_mem>>
    %dma_wait3A_2757 = arith.constant 95 : i32
    %dma_wait3A_2758 = arith.constant 0 : i32
    %dma_wait3A_2759 = tpu.memref_slice %arg6[%dma_wait3A_2757, %dma_wait3A_2758] : memref<128x1024xf32, #tpu.memory_space<vmem>> -> memref<1x1024xf32, #tpu.memory_space<vmem>>
    %dma_wait3A_2760 = arith.constant 0 : i32
    %dma_wait3A_2761 = tpu.memref_slice %arg4[%add3A_1427, %dma_wait3A_2760] : memref<16384x1024xf32, #tpu.memory_space<hbm>> -> memref<1x1024xf32, #tpu.memory_space<hbm>>
    tpu.wait_dma2 semaphore(%dma_wait3A_2756 : memref<!tpu.dma_semaphore, #tpu.memory_space<semaphore_mem>>) src(%dma_wait3A_2761 : memref<1x1024xf32, #tpu.memory_space<hbm>>) dst(%dma_wait3A_2759 : memref<1x1024xf32, #tpu.memory_space<vmem>>)
    %dma_wait3A_2762 = arith.constant 0 : i32
    %dma_wait3A_2763 = tpu.memref_slice %arg7[%dma_wait3A_2762] : memref<8x!tpu.dma_semaphore, #tpu.memory_space<semaphore_mem>> -> memref<1x!tpu.dma_semaphore, #tpu.memory_space<semaphore_mem>>
    %dma_wait3A_2764 = tpu.memref_squeeze %dma_wait3A_2763 : memref<1x!tpu.dma_semaphore, #tpu.memory_space<semaphore_mem>> -> memref<!tpu.dma_semaphore, #tpu.memory_space<semaphore_mem>>
    %dma_wait3A_2765 = arith.constant 96 : i32
    %dma_wait3A_2766 = arith.constant 0 : i32
    %dma_wait3A_2767 = tpu.memref_slice %arg6[%dma_wait3A_2765, %dma_wait3A_2766] : memref<128x1024xf32, #tpu.memory_space<vmem>> -> memref<1x1024xf32, #tpu.memory_space<vmem>>
    %dma_wait3A_2768 = arith.constant 0 : i32
    %dma_wait3A_2769 = tpu.memref_slice %arg4[%add3A_1442, %dma_wait3A_2768] : memref<16384x1024xf32, #tpu.memory_space<hbm>> -> memref<1x1024xf32, #tpu.memory_space<hbm>>
    tpu.wait_dma2 semaphore(%dma_wait3A_2764 : memref<!tpu.dma_semaphore, #tpu.memory_space<semaphore_mem>>) src(%dma_wait3A_2769 : memref<1x1024xf32, #tpu.memory_space<hbm>>) dst(%dma_wait3A_2767 : memref<1x1024xf32, #tpu.memory_space<vmem>>)
    %dma_wait3A_2770 = arith.constant 1 : i32
    %dma_wait3A_2771 = tpu.memref_slice %arg7[%dma_wait3A_2770] : memref<8x!tpu.dma_semaphore, #tpu.memory_space<semaphore_mem>> -> memref<1x!tpu.dma_semaphore, #tpu.memory_space<semaphore_mem>>
    %dma_wait3A_2772 = tpu.memref_squeeze %dma_wait3A_2771 : memref<1x!tpu.dma_semaphore, #tpu.memory_space<semaphore_mem>> -> memref<!tpu.dma_semaphore, #tpu.memory_space<semaphore_mem>>
    %dma_wait3A_2773 = arith.constant 97 : i32
    %dma_wait3A_2774 = arith.constant 0 : i32
    %dma_wait3A_2775 = tpu.memref_slice %arg6[%dma_wait3A_2773, %dma_wait3A_2774] : memref<128x1024xf32, #tpu.memory_space<vmem>> -> memref<1x1024xf32, #tpu.memory_space<vmem>>
    %dma_wait3A_2776 = arith.constant 0 : i32
    %dma_wait3A_2777 = tpu.memref_slice %arg4[%add3A_1457, %dma_wait3A_2776] : memref<16384x1024xf32, #tpu.memory_space<hbm>> -> memref<1x1024xf32, #tpu.memory_space<hbm>>
    tpu.wait_dma2 semaphore(%dma_wait3A_2772 : memref<!tpu.dma_semaphore, #tpu.memory_space<semaphore_mem>>) src(%dma_wait3A_2777 : memref<1x1024xf32, #tpu.memory_space<hbm>>) dst(%dma_wait3A_2775 : memref<1x1024xf32, #tpu.memory_space<vmem>>)
    %dma_wait3A_2778 = arith.constant 2 : i32
    %dma_wait3A_2779 = tpu.memref_slice %arg7[%dma_wait3A_2778] : memref<8x!tpu.dma_semaphore, #tpu.memory_space<semaphore_mem>> -> memref<1x!tpu.dma_semaphore, #tpu.memory_space<semaphore_mem>>
    %dma_wait3A_2780 = tpu.memref_squeeze %dma_wait3A_2779 : memref<1x!tpu.dma_semaphore, #tpu.memory_space<semaphore_mem>> -> memref<!tpu.dma_semaphore, #tpu.memory_space<semaphore_mem>>
    %dma_wait3A_2781 = arith.constant 98 : i32
    %dma_wait3A_2782 = arith.constant 0 : i32
    %dma_wait3A_2783 = tpu.memref_slice %arg6[%dma_wait3A_2781, %dma_wait3A_2782] : memref<128x1024xf32, #tpu.memory_space<vmem>> -> memref<1x1024xf32, #tpu.memory_space<vmem>>
    %dma_wait3A_2784 = arith.constant 0 : i32
    %dma_wait3A_2785 = tpu.memref_slice %arg4[%add3A_1472, %dma_wait3A_2784] : memref<16384x1024xf32, #tpu.memory_space<hbm>> -> memref<1x1024xf32, #tpu.memory_space<hbm>>
    tpu.wait_dma2 semaphore(%dma_wait3A_2780 : memref<!tpu.dma_semaphore, #tpu.memory_space<semaphore_mem>>) src(%dma_wait3A_2785 : memref<1x1024xf32, #tpu.memory_space<hbm>>) dst(%dma_wait3A_2783 : memref<1x1024xf32, #tpu.memory_space<vmem>>)
    %dma_wait3A_2786 = arith.constant 3 : i32
    %dma_wait3A_2787 = tpu.memref_slice %arg7[%dma_wait3A_2786] : memref<8x!tpu.dma_semaphore, #tpu.memory_space<semaphore_mem>> -> memref<1x!tpu.dma_semaphore, #tpu.memory_space<semaphore_mem>>
    %dma_wait3A_2788 = tpu.memref_squeeze %dma_wait3A_2787 : memref<1x!tpu.dma_semaphore, #tpu.memory_space<semaphore_mem>> -> memref<!tpu.dma_semaphore, #tpu.memory_space<semaphore_mem>>
    %dma_wait3A_2789 = arith.constant 99 : i32
    %dma_wait3A_2790 = arith.constant 0 : i32
    %dma_wait3A_2791 = tpu.memref_slice %arg6[%dma_wait3A_2789, %dma_wait3A_2790] : memref<128x1024xf32, #tpu.memory_space<vmem>> -> memref<1x1024xf32, #tpu.memory_space<vmem>>
    %dma_wait3A_2792 = arith.constant 0 : i32
    %dma_wait3A_2793 = tpu.memref_slice %arg4[%add3A_1487, %dma_wait3A_2792] : memref<16384x1024xf32, #tpu.memory_space<hbm>> -> memref<1x1024xf32, #tpu.memory_space<hbm>>
    tpu.wait_dma2 semaphore(%dma_wait3A_2788 : memref<!tpu.dma_semaphore, #tpu.memory_space<semaphore_mem>>) src(%dma_wait3A_2793 : memref<1x1024xf32, #tpu.memory_space<hbm>>) dst(%dma_wait3A_2791 : memref<1x1024xf32, #tpu.memory_space<vmem>>)
    %dma_wait3A_2794 = arith.constant 4 : i32
    %dma_wait3A_2795 = tpu.memref_slice %arg7[%dma_wait3A_2794] : memref<8x!tpu.dma_semaphore, #tpu.memory_space<semaphore_mem>> -> memref<1x!tpu.dma_semaphore, #tpu.memory_space<semaphore_mem>>
    %dma_wait3A_2796 = tpu.memref_squeeze %dma_wait3A_2795 : memref<1x!tpu.dma_semaphore, #tpu.memory_space<semaphore_mem>> -> memref<!tpu.dma_semaphore, #tpu.memory_space<semaphore_mem>>
    %dma_wait3A_2797 = arith.constant 100 : i32
    %dma_wait3A_2798 = arith.constant 0 : i32
    %dma_wait3A_2799 = tpu.memref_slice %arg6[%dma_wait3A_2797, %dma_wait3A_2798] : memref<128x1024xf32, #tpu.memory_space<vmem>> -> memref<1x1024xf32, #tpu.memory_space<vmem>>
    %dma_wait3A_2800 = arith.constant 0 : i32
    %dma_wait3A_2801 = tpu.memref_slice %arg4[%add3A_1502, %dma_wait3A_2800] : memref<16384x1024xf32, #tpu.memory_space<hbm>> -> memref<1x1024xf32, #tpu.memory_space<hbm>>
    tpu.wait_dma2 semaphore(%dma_wait3A_2796 : memref<!tpu.dma_semaphore, #tpu.memory_space<semaphore_mem>>) src(%dma_wait3A_2801 : memref<1x1024xf32, #tpu.memory_space<hbm>>) dst(%dma_wait3A_2799 : memref<1x1024xf32, #tpu.memory_space<vmem>>)
    %dma_wait3A_2802 = arith.constant 5 : i32
    %dma_wait3A_2803 = tpu.memref_slice %arg7[%dma_wait3A_2802] : memref<8x!tpu.dma_semaphore, #tpu.memory_space<semaphore_mem>> -> memref<1x!tpu.dma_semaphore, #tpu.memory_space<semaphore_mem>>
    %dma_wait3A_2804 = tpu.memref_squeeze %dma_wait3A_2803 : memref<1x!tpu.dma_semaphore, #tpu.memory_space<semaphore_mem>> -> memref<!tpu.dma_semaphore, #tpu.memory_space<semaphore_mem>>
    %dma_wait3A_2805 = arith.constant 101 : i32
    %dma_wait3A_2806 = arith.constant 0 : i32
    %dma_wait3A_2807 = tpu.memref_slice %arg6[%dma_wait3A_2805, %dma_wait3A_2806] : memref<128x1024xf32, #tpu.memory_space<vmem>> -> memref<1x1024xf32, #tpu.memory_space<vmem>>
    %dma_wait3A_2808 = arith.constant 0 : i32
    %dma_wait3A_2809 = tpu.memref_slice %arg4[%add3A_1517, %dma_wait3A_2808] : memref<16384x1024xf32, #tpu.memory_space<hbm>> -> memref<1x1024xf32, #tpu.memory_space<hbm>>
    tpu.wait_dma2 semaphore(%dma_wait3A_2804 : memref<!tpu.dma_semaphore, #tpu.memory_space<semaphore_mem>>) src(%dma_wait3A_2809 : memref<1x1024xf32, #tpu.memory_space<hbm>>) dst(%dma_wait3A_2807 : memref<1x1024xf32, #tpu.memory_space<vmem>>)
    %dma_wait3A_2810 = arith.constant 6 : i32
    %dma_wait3A_2811 = tpu.memref_slice %arg7[%dma_wait3A_2810] : memref<8x!tpu.dma_semaphore, #tpu.memory_space<semaphore_mem>> -> memref<1x!tpu.dma_semaphore, #tpu.memory_space<semaphore_mem>>
    %dma_wait3A_2812 = tpu.memref_squeeze %dma_wait3A_2811 : memref<1x!tpu.dma_semaphore, #tpu.memory_space<semaphore_mem>> -> memref<!tpu.dma_semaphore, #tpu.memory_space<semaphore_mem>>
    %dma_wait3A_2813 = arith.constant 102 : i32
    %dma_wait3A_2814 = arith.constant 0 : i32
    %dma_wait3A_2815 = tpu.memref_slice %arg6[%dma_wait3A_2813, %dma_wait3A_2814] : memref<128x1024xf32, #tpu.memory_space<vmem>> -> memref<1x1024xf32, #tpu.memory_space<vmem>>
    %dma_wait3A_2816 = arith.constant 0 : i32
    %dma_wait3A_2817 = tpu.memref_slice %arg4[%add3A_1532, %dma_wait3A_2816] : memref<16384x1024xf32, #tpu.memory_space<hbm>> -> memref<1x1024xf32, #tpu.memory_space<hbm>>
    tpu.wait_dma2 semaphore(%dma_wait3A_2812 : memref<!tpu.dma_semaphore, #tpu.memory_space<semaphore_mem>>) src(%dma_wait3A_2817 : memref<1x1024xf32, #tpu.memory_space<hbm>>) dst(%dma_wait3A_2815 : memref<1x1024xf32, #tpu.memory_space<vmem>>)
    %dma_wait3A_2818 = arith.constant 7 : i32
    %dma_wait3A_2819 = tpu.memref_slice %arg7[%dma_wait3A_2818] : memref<8x!tpu.dma_semaphore, #tpu.memory_space<semaphore_mem>> -> memref<1x!tpu.dma_semaphore, #tpu.memory_space<semaphore_mem>>
    %dma_wait3A_2820 = tpu.memref_squeeze %dma_wait3A_2819 : memref<1x!tpu.dma_semaphore, #tpu.memory_space<semaphore_mem>> -> memref<!tpu.dma_semaphore, #tpu.memory_space<semaphore_mem>>
    %dma_wait3A_2821 = arith.constant 103 : i32
    %dma_wait3A_2822 = arith.constant 0 : i32
    %dma_wait3A_2823 = tpu.memref_slice %arg6[%dma_wait3A_2821, %dma_wait3A_2822] : memref<128x1024xf32, #tpu.memory_space<vmem>> -> memref<1x1024xf32, #tpu.memory_space<vmem>>
    %dma_wait3A_2824 = arith.constant 0 : i32
    %dma_wait3A_2825 = tpu.memref_slice %arg4[%add3A_1547, %dma_wait3A_2824] : memref<16384x1024xf32, #tpu.memory_space<hbm>> -> memref<1x1024xf32, #tpu.memory_space<hbm>>
    tpu.wait_dma2 semaphore(%dma_wait3A_2820 : memref<!tpu.dma_semaphore, #tpu.memory_space<semaphore_mem>>) src(%dma_wait3A_2825 : memref<1x1024xf32, #tpu.memory_space<hbm>>) dst(%dma_wait3A_2823 : memref<1x1024xf32, #tpu.memory_space<vmem>>)
    %dma_wait3A_2826 = arith.constant 0 : i32
    %dma_wait3A_2827 = tpu.memref_slice %arg7[%dma_wait3A_2826] : memref<8x!tpu.dma_semaphore, #tpu.memory_space<semaphore_mem>> -> memref<1x!tpu.dma_semaphore, #tpu.memory_space<semaphore_mem>>
    %dma_wait3A_2828 = tpu.memref_squeeze %dma_wait3A_2827 : memref<1x!tpu.dma_semaphore, #tpu.memory_space<semaphore_mem>> -> memref<!tpu.dma_semaphore, #tpu.memory_space<semaphore_mem>>
    %dma_wait3A_2829 = arith.constant 104 : i32
    %dma_wait3A_2830 = arith.constant 0 : i32
    %dma_wait3A_2831 = tpu.memref_slice %arg6[%dma_wait3A_2829, %dma_wait3A_2830] : memref<128x1024xf32, #tpu.memory_space<vmem>> -> memref<1x1024xf32, #tpu.memory_space<vmem>>
    %dma_wait3A_2832 = arith.constant 0 : i32
    %dma_wait3A_2833 = tpu.memref_slice %arg4[%add3A_1562, %dma_wait3A_2832] : memref<16384x1024xf32, #tpu.memory_space<hbm>> -> memref<1x1024xf32, #tpu.memory_space<hbm>>
    tpu.wait_dma2 semaphore(%dma_wait3A_2828 : memref<!tpu.dma_semaphore, #tpu.memory_space<semaphore_mem>>) src(%dma_wait3A_2833 : memref<1x1024xf32, #tpu.memory_space<hbm>>) dst(%dma_wait3A_2831 : memref<1x1024xf32, #tpu.memory_space<vmem>>)
    %dma_wait3A_2834 = arith.constant 1 : i32
    %dma_wait3A_2835 = tpu.memref_slice %arg7[%dma_wait3A_2834] : memref<8x!tpu.dma_semaphore, #tpu.memory_space<semaphore_mem>> -> memref<1x!tpu.dma_semaphore, #tpu.memory_space<semaphore_mem>>
    %dma_wait3A_2836 = tpu.memref_squeeze %dma_wait3A_2835 : memref<1x!tpu.dma_semaphore, #tpu.memory_space<semaphore_mem>> -> memref<!tpu.dma_semaphore, #tpu.memory_space<semaphore_mem>>
    %dma_wait3A_2837 = arith.constant 105 : i32
    %dma_wait3A_2838 = arith.constant 0 : i32
    %dma_wait3A_2839 = tpu.memref_slice %arg6[%dma_wait3A_2837, %dma_wait3A_2838] : memref<128x1024xf32, #tpu.memory_space<vmem>> -> memref<1x1024xf32, #tpu.memory_space<vmem>>
    %dma_wait3A_2840 = arith.constant 0 : i32
    %dma_wait3A_2841 = tpu.memref_slice %arg4[%add3A_1577, %dma_wait3A_2840] : memref<16384x1024xf32, #tpu.memory_space<hbm>> -> memref<1x1024xf32, #tpu.memory_space<hbm>>
    tpu.wait_dma2 semaphore(%dma_wait3A_2836 : memref<!tpu.dma_semaphore, #tpu.memory_space<semaphore_mem>>) src(%dma_wait3A_2841 : memref<1x1024xf32, #tpu.memory_space<hbm>>) dst(%dma_wait3A_2839 : memref<1x1024xf32, #tpu.memory_space<vmem>>)
    %dma_wait3A_2842 = arith.constant 2 : i32
    %dma_wait3A_2843 = tpu.memref_slice %arg7[%dma_wait3A_2842] : memref<8x!tpu.dma_semaphore, #tpu.memory_space<semaphore_mem>> -> memref<1x!tpu.dma_semaphore, #tpu.memory_space<semaphore_mem>>
    %dma_wait3A_2844 = tpu.memref_squeeze %dma_wait3A_2843 : memref<1x!tpu.dma_semaphore, #tpu.memory_space<semaphore_mem>> -> memref<!tpu.dma_semaphore, #tpu.memory_space<semaphore_mem>>
    %dma_wait3A_2845 = arith.constant 106 : i32
    %dma_wait3A_2846 = arith.constant 0 : i32
    %dma_wait3A_2847 = tpu.memref_slice %arg6[%dma_wait3A_2845, %dma_wait3A_2846] : memref<128x1024xf32, #tpu.memory_space<vmem>> -> memref<1x1024xf32, #tpu.memory_space<vmem>>
    %dma_wait3A_2848 = arith.constant 0 : i32
    %dma_wait3A_2849 = tpu.memref_slice %arg4[%add3A_1592, %dma_wait3A_2848] : memref<16384x1024xf32, #tpu.memory_space<hbm>> -> memref<1x1024xf32, #tpu.memory_space<hbm>>
    tpu.wait_dma2 semaphore(%dma_wait3A_2844 : memref<!tpu.dma_semaphore, #tpu.memory_space<semaphore_mem>>) src(%dma_wait3A_2849 : memref<1x1024xf32, #tpu.memory_space<hbm>>) dst(%dma_wait3A_2847 : memref<1x1024xf32, #tpu.memory_space<vmem>>)
    %dma_wait3A_2850 = arith.constant 3 : i32
    %dma_wait3A_2851 = tpu.memref_slice %arg7[%dma_wait3A_2850] : memref<8x!tpu.dma_semaphore, #tpu.memory_space<semaphore_mem>> -> memref<1x!tpu.dma_semaphore, #tpu.memory_space<semaphore_mem>>
    %dma_wait3A_2852 = tpu.memref_squeeze %dma_wait3A_2851 : memref<1x!tpu.dma_semaphore, #tpu.memory_space<semaphore_mem>> -> memref<!tpu.dma_semaphore, #tpu.memory_space<semaphore_mem>>
    %dma_wait3A_2853 = arith.constant 107 : i32
    %dma_wait3A_2854 = arith.constant 0 : i32
    %dma_wait3A_2855 = tpu.memref_slice %arg6[%dma_wait3A_2853, %dma_wait3A_2854] : memref<128x1024xf32, #tpu.memory_space<vmem>> -> memref<1x1024xf32, #tpu.memory_space<vmem>>
    %dma_wait3A_2856 = arith.constant 0 : i32
    %dma_wait3A_2857 = tpu.memref_slice %arg4[%add3A_1607, %dma_wait3A_2856] : memref<16384x1024xf32, #tpu.memory_space<hbm>> -> memref<1x1024xf32, #tpu.memory_space<hbm>>
    tpu.wait_dma2 semaphore(%dma_wait3A_2852 : memref<!tpu.dma_semaphore, #tpu.memory_space<semaphore_mem>>) src(%dma_wait3A_2857 : memref<1x1024xf32, #tpu.memory_space<hbm>>) dst(%dma_wait3A_2855 : memref<1x1024xf32, #tpu.memory_space<vmem>>)
    %dma_wait3A_2858 = arith.constant 4 : i32
    %dma_wait3A_2859 = tpu.memref_slice %arg7[%dma_wait3A_2858] : memref<8x!tpu.dma_semaphore, #tpu.memory_space<semaphore_mem>> -> memref<1x!tpu.dma_semaphore, #tpu.memory_space<semaphore_mem>>
    %dma_wait3A_2860 = tpu.memref_squeeze %dma_wait3A_2859 : memref<1x!tpu.dma_semaphore, #tpu.memory_space<semaphore_mem>> -> memref<!tpu.dma_semaphore, #tpu.memory_space<semaphore_mem>>
    %dma_wait3A_2861 = arith.constant 108 : i32
    %dma_wait3A_2862 = arith.constant 0 : i32
    %dma_wait3A_2863 = tpu.memref_slice %arg6[%dma_wait3A_2861, %dma_wait3A_2862] : memref<128x1024xf32, #tpu.memory_space<vmem>> -> memref<1x1024xf32, #tpu.memory_space<vmem>>
    %dma_wait3A_2864 = arith.constant 0 : i32
    %dma_wait3A_2865 = tpu.memref_slice %arg4[%add3A_1622, %dma_wait3A_2864] : memref<16384x1024xf32, #tpu.memory_space<hbm>> -> memref<1x1024xf32, #tpu.memory_space<hbm>>
    tpu.wait_dma2 semaphore(%dma_wait3A_2860 : memref<!tpu.dma_semaphore, #tpu.memory_space<semaphore_mem>>) src(%dma_wait3A_2865 : memref<1x1024xf32, #tpu.memory_space<hbm>>) dst(%dma_wait3A_2863 : memref<1x1024xf32, #tpu.memory_space<vmem>>)
    %dma_wait3A_2866 = arith.constant 5 : i32
    %dma_wait3A_2867 = tpu.memref_slice %arg7[%dma_wait3A_2866] : memref<8x!tpu.dma_semaphore, #tpu.memory_space<semaphore_mem>> -> memref<1x!tpu.dma_semaphore, #tpu.memory_space<semaphore_mem>>
    %dma_wait3A_2868 = tpu.memref_squeeze %dma_wait3A_2867 : memref<1x!tpu.dma_semaphore, #tpu.memory_space<semaphore_mem>> -> memref<!tpu.dma_semaphore, #tpu.memory_space<semaphore_mem>>
    %dma_wait3A_2869 = arith.constant 109 : i32
    %dma_wait3A_2870 = arith.constant 0 : i32
    %dma_wait3A_2871 = tpu.memref_slice %arg6[%dma_wait3A_2869, %dma_wait3A_2870] : memref<128x1024xf32, #tpu.memory_space<vmem>> -> memref<1x1024xf32, #tpu.memory_space<vmem>>
    %dma_wait3A_2872 = arith.constant 0 : i32
    %dma_wait3A_2873 = tpu.memref_slice %arg4[%add3A_1637, %dma_wait3A_2872] : memref<16384x1024xf32, #tpu.memory_space<hbm>> -> memref<1x1024xf32, #tpu.memory_space<hbm>>
    tpu.wait_dma2 semaphore(%dma_wait3A_2868 : memref<!tpu.dma_semaphore, #tpu.memory_space<semaphore_mem>>) src(%dma_wait3A_2873 : memref<1x1024xf32, #tpu.memory_space<hbm>>) dst(%dma_wait3A_2871 : memref<1x1024xf32, #tpu.memory_space<vmem>>)
    %dma_wait3A_2874 = arith.constant 6 : i32
    %dma_wait3A_2875 = tpu.memref_slice %arg7[%dma_wait3A_2874] : memref<8x!tpu.dma_semaphore, #tpu.memory_space<semaphore_mem>> -> memref<1x!tpu.dma_semaphore, #tpu.memory_space<semaphore_mem>>
    %dma_wait3A_2876 = tpu.memref_squeeze %dma_wait3A_2875 : memref<1x!tpu.dma_semaphore, #tpu.memory_space<semaphore_mem>> -> memref<!tpu.dma_semaphore, #tpu.memory_space<semaphore_mem>>
    %dma_wait3A_2877 = arith.constant 110 : i32
    %dma_wait3A_2878 = arith.constant 0 : i32
    %dma_wait3A_2879 = tpu.memref_slice %arg6[%dma_wait3A_2877, %dma_wait3A_2878] : memref<128x1024xf32, #tpu.memory_space<vmem>> -> memref<1x1024xf32, #tpu.memory_space<vmem>>
    %dma_wait3A_2880 = arith.constant 0 : i32
    %dma_wait3A_2881 = tpu.memref_slice %arg4[%add3A_1652, %dma_wait3A_2880] : memref<16384x1024xf32, #tpu.memory_space<hbm>> -> memref<1x1024xf32, #tpu.memory_space<hbm>>
    tpu.wait_dma2 semaphore(%dma_wait3A_2876 : memref<!tpu.dma_semaphore, #tpu.memory_space<semaphore_mem>>) src(%dma_wait3A_2881 : memref<1x1024xf32, #tpu.memory_space<hbm>>) dst(%dma_wait3A_2879 : memref<1x1024xf32, #tpu.memory_space<vmem>>)
    %dma_wait3A_2882 = arith.constant 7 : i32
    %dma_wait3A_2883 = tpu.memref_slice %arg7[%dma_wait3A_2882] : memref<8x!tpu.dma_semaphore, #tpu.memory_space<semaphore_mem>> -> memref<1x!tpu.dma_semaphore, #tpu.memory_space<semaphore_mem>>
    %dma_wait3A_2884 = tpu.memref_squeeze %dma_wait3A_2883 : memref<1x!tpu.dma_semaphore, #tpu.memory_space<semaphore_mem>> -> memref<!tpu.dma_semaphore, #tpu.memory_space<semaphore_mem>>
    %dma_wait3A_2885 = arith.constant 111 : i32
    %dma_wait3A_2886 = arith.constant 0 : i32
    %dma_wait3A_2887 = tpu.memref_slice %arg6[%dma_wait3A_2885, %dma_wait3A_2886] : memref<128x1024xf32, #tpu.memory_space<vmem>> -> memref<1x1024xf32, #tpu.memory_space<vmem>>
    %dma_wait3A_2888 = arith.constant 0 : i32
    %dma_wait3A_2889 = tpu.memref_slice %arg4[%add3A_1667, %dma_wait3A_2888] : memref<16384x1024xf32, #tpu.memory_space<hbm>> -> memref<1x1024xf32, #tpu.memory_space<hbm>>
    tpu.wait_dma2 semaphore(%dma_wait3A_2884 : memref<!tpu.dma_semaphore, #tpu.memory_space<semaphore_mem>>) src(%dma_wait3A_2889 : memref<1x1024xf32, #tpu.memory_space<hbm>>) dst(%dma_wait3A_2887 : memref<1x1024xf32, #tpu.memory_space<vmem>>)
    %dma_wait3A_2890 = arith.constant 0 : i32
    %dma_wait3A_2891 = tpu.memref_slice %arg7[%dma_wait3A_2890] : memref<8x!tpu.dma_semaphore, #tpu.memory_space<semaphore_mem>> -> memref<1x!tpu.dma_semaphore, #tpu.memory_space<semaphore_mem>>
    %dma_wait3A_2892 = tpu.memref_squeeze %dma_wait3A_2891 : memref<1x!tpu.dma_semaphore, #tpu.memory_space<semaphore_mem>> -> memref<!tpu.dma_semaphore, #tpu.memory_space<semaphore_mem>>
    %dma_wait3A_2893 = arith.constant 112 : i32
    %dma_wait3A_2894 = arith.constant 0 : i32
    %dma_wait3A_2895 = tpu.memref_slice %arg6[%dma_wait3A_2893, %dma_wait3A_2894] : memref<128x1024xf32, #tpu.memory_space<vmem>> -> memref<1x1024xf32, #tpu.memory_space<vmem>>
    %dma_wait3A_2896 = arith.constant 0 : i32
    %dma_wait3A_2897 = tpu.memref_slice %arg4[%add3A_1682, %dma_wait3A_2896] : memref<16384x1024xf32, #tpu.memory_space<hbm>> -> memref<1x1024xf32, #tpu.memory_space<hbm>>
    tpu.wait_dma2 semaphore(%dma_wait3A_2892 : memref<!tpu.dma_semaphore, #tpu.memory_space<semaphore_mem>>) src(%dma_wait3A_2897 : memref<1x1024xf32, #tpu.memory_space<hbm>>) dst(%dma_wait3A_2895 : memref<1x1024xf32, #tpu.memory_space<vmem>>)
    %dma_wait3A_2898 = arith.constant 1 : i32
    %dma_wait3A_2899 = tpu.memref_slice %arg7[%dma_wait3A_2898] : memref<8x!tpu.dma_semaphore, #tpu.memory_space<semaphore_mem>> -> memref<1x!tpu.dma_semaphore, #tpu.memory_space<semaphore_mem>>
    %dma_wait3A_2900 = tpu.memref_squeeze %dma_wait3A_2899 : memref<1x!tpu.dma_semaphore, #tpu.memory_space<semaphore_mem>> -> memref<!tpu.dma_semaphore, #tpu.memory_space<semaphore_mem>>
    %dma_wait3A_2901 = arith.constant 113 : i32
    %dma_wait3A_2902 = arith.constant 0 : i32
    %dma_wait3A_2903 = tpu.memref_slice %arg6[%dma_wait3A_2901, %dma_wait3A_2902] : memref<128x1024xf32, #tpu.memory_space<vmem>> -> memref<1x1024xf32, #tpu.memory_space<vmem>>
    %dma_wait3A_2904 = arith.constant 0 : i32
    %dma_wait3A_2905 = tpu.memref_slice %arg4[%add3A_1697, %dma_wait3A_2904] : memref<16384x1024xf32, #tpu.memory_space<hbm>> -> memref<1x1024xf32, #tpu.memory_space<hbm>>
    tpu.wait_dma2 semaphore(%dma_wait3A_2900 : memref<!tpu.dma_semaphore, #tpu.memory_space<semaphore_mem>>) src(%dma_wait3A_2905 : memref<1x1024xf32, #tpu.memory_space<hbm>>) dst(%dma_wait3A_2903 : memref<1x1024xf32, #tpu.memory_space<vmem>>)
    %dma_wait3A_2906 = arith.constant 2 : i32
    %dma_wait3A_2907 = tpu.memref_slice %arg7[%dma_wait3A_2906] : memref<8x!tpu.dma_semaphore, #tpu.memory_space<semaphore_mem>> -> memref<1x!tpu.dma_semaphore, #tpu.memory_space<semaphore_mem>>
    %dma_wait3A_2908 = tpu.memref_squeeze %dma_wait3A_2907 : memref<1x!tpu.dma_semaphore, #tpu.memory_space<semaphore_mem>> -> memref<!tpu.dma_semaphore, #tpu.memory_space<semaphore_mem>>
    %dma_wait3A_2909 = arith.constant 114 : i32
    %dma_wait3A_2910 = arith.constant 0 : i32
    %dma_wait3A_2911 = tpu.memref_slice %arg6[%dma_wait3A_2909, %dma_wait3A_2910] : memref<128x1024xf32, #tpu.memory_space<vmem>> -> memref<1x1024xf32, #tpu.memory_space<vmem>>
    %dma_wait3A_2912 = arith.constant 0 : i32
    %dma_wait3A_2913 = tpu.memref_slice %arg4[%add3A_1712, %dma_wait3A_2912] : memref<16384x1024xf32, #tpu.memory_space<hbm>> -> memref<1x1024xf32, #tpu.memory_space<hbm>>
    tpu.wait_dma2 semaphore(%dma_wait3A_2908 : memref<!tpu.dma_semaphore, #tpu.memory_space<semaphore_mem>>) src(%dma_wait3A_2913 : memref<1x1024xf32, #tpu.memory_space<hbm>>) dst(%dma_wait3A_2911 : memref<1x1024xf32, #tpu.memory_space<vmem>>)
    %dma_wait3A_2914 = arith.constant 3 : i32
    %dma_wait3A_2915 = tpu.memref_slice %arg7[%dma_wait3A_2914] : memref<8x!tpu.dma_semaphore, #tpu.memory_space<semaphore_mem>> -> memref<1x!tpu.dma_semaphore, #tpu.memory_space<semaphore_mem>>
    %dma_wait3A_2916 = tpu.memref_squeeze %dma_wait3A_2915 : memref<1x!tpu.dma_semaphore, #tpu.memory_space<semaphore_mem>> -> memref<!tpu.dma_semaphore, #tpu.memory_space<semaphore_mem>>
    %dma_wait3A_2917 = arith.constant 115 : i32
    %dma_wait3A_2918 = arith.constant 0 : i32
    %dma_wait3A_2919 = tpu.memref_slice %arg6[%dma_wait3A_2917, %dma_wait3A_2918] : memref<128x1024xf32, #tpu.memory_space<vmem>> -> memref<1x1024xf32, #tpu.memory_space<vmem>>
    %dma_wait3A_2920 = arith.constant 0 : i32
    %dma_wait3A_2921 = tpu.memref_slice %arg4[%add3A_1727, %dma_wait3A_2920] : memref<16384x1024xf32, #tpu.memory_space<hbm>> -> memref<1x1024xf32, #tpu.memory_space<hbm>>
    tpu.wait_dma2 semaphore(%dma_wait3A_2916 : memref<!tpu.dma_semaphore, #tpu.memory_space<semaphore_mem>>) src(%dma_wait3A_2921 : memref<1x1024xf32, #tpu.memory_space<hbm>>) dst(%dma_wait3A_2919 : memref<1x1024xf32, #tpu.memory_space<vmem>>)
    %dma_wait3A_2922 = arith.constant 4 : i32
    %dma_wait3A_2923 = tpu.memref_slice %arg7[%dma_wait3A_2922] : memref<8x!tpu.dma_semaphore, #tpu.memory_space<semaphore_mem>> -> memref<1x!tpu.dma_semaphore, #tpu.memory_space<semaphore_mem>>
    %dma_wait3A_2924 = tpu.memref_squeeze %dma_wait3A_2923 : memref<1x!tpu.dma_semaphore, #tpu.memory_space<semaphore_mem>> -> memref<!tpu.dma_semaphore, #tpu.memory_space<semaphore_mem>>
    %dma_wait3A_2925 = arith.constant 116 : i32
    %dma_wait3A_2926 = arith.constant 0 : i32
    %dma_wait3A_2927 = tpu.memref_slice %arg6[%dma_wait3A_2925, %dma_wait3A_2926] : memref<128x1024xf32, #tpu.memory_space<vmem>> -> memref<1x1024xf32, #tpu.memory_space<vmem>>
    %dma_wait3A_2928 = arith.constant 0 : i32
    %dma_wait3A_2929 = tpu.memref_slice %arg4[%add3A_1742, %dma_wait3A_2928] : memref<16384x1024xf32, #tpu.memory_space<hbm>> -> memref<1x1024xf32, #tpu.memory_space<hbm>>
    tpu.wait_dma2 semaphore(%dma_wait3A_2924 : memref<!tpu.dma_semaphore, #tpu.memory_space<semaphore_mem>>) src(%dma_wait3A_2929 : memref<1x1024xf32, #tpu.memory_space<hbm>>) dst(%dma_wait3A_2927 : memref<1x1024xf32, #tpu.memory_space<vmem>>)
    %dma_wait3A_2930 = arith.constant 5 : i32
    %dma_wait3A_2931 = tpu.memref_slice %arg7[%dma_wait3A_2930] : memref<8x!tpu.dma_semaphore, #tpu.memory_space<semaphore_mem>> -> memref<1x!tpu.dma_semaphore, #tpu.memory_space<semaphore_mem>>
    %dma_wait3A_2932 = tpu.memref_squeeze %dma_wait3A_2931 : memref<1x!tpu.dma_semaphore, #tpu.memory_space<semaphore_mem>> -> memref<!tpu.dma_semaphore, #tpu.memory_space<semaphore_mem>>
    %dma_wait3A_2933 = arith.constant 117 : i32
    %dma_wait3A_2934 = arith.constant 0 : i32
    %dma_wait3A_2935 = tpu.memref_slice %arg6[%dma_wait3A_2933, %dma_wait3A_2934] : memref<128x1024xf32, #tpu.memory_space<vmem>> -> memref<1x1024xf32, #tpu.memory_space<vmem>>
    %dma_wait3A_2936 = arith.constant 0 : i32
    %dma_wait3A_2937 = tpu.memref_slice %arg4[%add3A_1757, %dma_wait3A_2936] : memref<16384x1024xf32, #tpu.memory_space<hbm>> -> memref<1x1024xf32, #tpu.memory_space<hbm>>
    tpu.wait_dma2 semaphore(%dma_wait3A_2932 : memref<!tpu.dma_semaphore, #tpu.memory_space<semaphore_mem>>) src(%dma_wait3A_2937 : memref<1x1024xf32, #tpu.memory_space<hbm>>) dst(%dma_wait3A_2935 : memref<1x1024xf32, #tpu.memory_space<vmem>>)
    %dma_wait3A_2938 = arith.constant 6 : i32
    %dma_wait3A_2939 = tpu.memref_slice %arg7[%dma_wait3A_2938] : memref<8x!tpu.dma_semaphore, #tpu.memory_space<semaphore_mem>> -> memref<1x!tpu.dma_semaphore, #tpu.memory_space<semaphore_mem>>
    %dma_wait3A_2940 = tpu.memref_squeeze %dma_wait3A_2939 : memref<1x!tpu.dma_semaphore, #tpu.memory_space<semaphore_mem>> -> memref<!tpu.dma_semaphore, #tpu.memory_space<semaphore_mem>>
    %dma_wait3A_2941 = arith.constant 118 : i32
    %dma_wait3A_2942 = arith.constant 0 : i32
    %dma_wait3A_2943 = tpu.memref_slice %arg6[%dma_wait3A_2941, %dma_wait3A_2942] : memref<128x1024xf32, #tpu.memory_space<vmem>> -> memref<1x1024xf32, #tpu.memory_space<vmem>>
    %dma_wait3A_2944 = arith.constant 0 : i32
    %dma_wait3A_2945 = tpu.memref_slice %arg4[%add3A_1772, %dma_wait3A_2944] : memref<16384x1024xf32, #tpu.memory_space<hbm>> -> memref<1x1024xf32, #tpu.memory_space<hbm>>
    tpu.wait_dma2 semaphore(%dma_wait3A_2940 : memref<!tpu.dma_semaphore, #tpu.memory_space<semaphore_mem>>) src(%dma_wait3A_2945 : memref<1x1024xf32, #tpu.memory_space<hbm>>) dst(%dma_wait3A_2943 : memref<1x1024xf32, #tpu.memory_space<vmem>>)
    %dma_wait3A_2946 = arith.constant 7 : i32
    %dma_wait3A_2947 = tpu.memref_slice %arg7[%dma_wait3A_2946] : memref<8x!tpu.dma_semaphore, #tpu.memory_space<semaphore_mem>> -> memref<1x!tpu.dma_semaphore, #tpu.memory_space<semaphore_mem>>
    %dma_wait3A_2948 = tpu.memref_squeeze %dma_wait3A_2947 : memref<1x!tpu.dma_semaphore, #tpu.memory_space<semaphore_mem>> -> memref<!tpu.dma_semaphore, #tpu.memory_space<semaphore_mem>>
    %dma_wait3A_2949 = arith.constant 119 : i32
    %dma_wait3A_2950 = arith.constant 0 : i32
    %dma_wait3A_2951 = tpu.memref_slice %arg6[%dma_wait3A_2949, %dma_wait3A_2950] : memref<128x1024xf32, #tpu.memory_space<vmem>> -> memref<1x1024xf32, #tpu.memory_space<vmem>>
    %dma_wait3A_2952 = arith.constant 0 : i32
    %dma_wait3A_2953 = tpu.memref_slice %arg4[%add3A_1787, %dma_wait3A_2952] : memref<16384x1024xf32, #tpu.memory_space<hbm>> -> memref<1x1024xf32, #tpu.memory_space<hbm>>
    tpu.wait_dma2 semaphore(%dma_wait3A_2948 : memref<!tpu.dma_semaphore, #tpu.memory_space<semaphore_mem>>) src(%dma_wait3A_2953 : memref<1x1024xf32, #tpu.memory_space<hbm>>) dst(%dma_wait3A_2951 : memref<1x1024xf32, #tpu.memory_space<vmem>>)
    %dma_wait3A_2954 = arith.constant 0 : i32
    %dma_wait3A_2955 = tpu.memref_slice %arg7[%dma_wait3A_2954] : memref<8x!tpu.dma_semaphore, #tpu.memory_space<semaphore_mem>> -> memref<1x!tpu.dma_semaphore, #tpu.memory_space<semaphore_mem>>
    %dma_wait3A_2956 = tpu.memref_squeeze %dma_wait3A_2955 : memref<1x!tpu.dma_semaphore, #tpu.memory_space<semaphore_mem>> -> memref<!tpu.dma_semaphore, #tpu.memory_space<semaphore_mem>>
    %dma_wait3A_2957 = arith.constant 120 : i32
    %dma_wait3A_2958 = arith.constant 0 : i32
    %dma_wait3A_2959 = tpu.memref_slice %arg6[%dma_wait3A_2957, %dma_wait3A_2958] : memref<128x1024xf32, #tpu.memory_space<vmem>> -> memref<1x1024xf32, #tpu.memory_space<vmem>>
    %dma_wait3A_2960 = arith.constant 0 : i32
    %dma_wait3A_2961 = tpu.memref_slice %arg4[%add3A_1802, %dma_wait3A_2960] : memref<16384x1024xf32, #tpu.memory_space<hbm>> -> memref<1x1024xf32, #tpu.memory_space<hbm>>
    tpu.wait_dma2 semaphore(%dma_wait3A_2956 : memref<!tpu.dma_semaphore, #tpu.memory_space<semaphore_mem>>) src(%dma_wait3A_2961 : memref<1x1024xf32, #tpu.memory_space<hbm>>) dst(%dma_wait3A_2959 : memref<1x1024xf32, #tpu.memory_space<vmem>>)
    %dma_wait3A_2962 = arith.constant 1 : i32
    %dma_wait3A_2963 = tpu.memref_slice %arg7[%dma_wait3A_2962] : memref<8x!tpu.dma_semaphore, #tpu.memory_space<semaphore_mem>> -> memref<1x!tpu.dma_semaphore, #tpu.memory_space<semaphore_mem>>
    %dma_wait3A_2964 = tpu.memref_squeeze %dma_wait3A_2963 : memref<1x!tpu.dma_semaphore, #tpu.memory_space<semaphore_mem>> -> memref<!tpu.dma_semaphore, #tpu.memory_space<semaphore_mem>>
    %dma_wait3A_2965 = arith.constant 121 : i32
    %dma_wait3A_2966 = arith.constant 0 : i32
    %dma_wait3A_2967 = tpu.memref_slice %arg6[%dma_wait3A_2965, %dma_wait3A_2966] : memref<128x1024xf32, #tpu.memory_space<vmem>> -> memref<1x1024xf32, #tpu.memory_space<vmem>>
    %dma_wait3A_2968 = arith.constant 0 : i32
    %dma_wait3A_2969 = tpu.memref_slice %arg4[%add3A_1817, %dma_wait3A_2968] : memref<16384x1024xf32, #tpu.memory_space<hbm>> -> memref<1x1024xf32, #tpu.memory_space<hbm>>
    tpu.wait_dma2 semaphore(%dma_wait3A_2964 : memref<!tpu.dma_semaphore, #tpu.memory_space<semaphore_mem>>) src(%dma_wait3A_2969 : memref<1x1024xf32, #tpu.memory_space<hbm>>) dst(%dma_wait3A_2967 : memref<1x1024xf32, #tpu.memory_space<vmem>>)
    %dma_wait3A_2970 = arith.constant 2 : i32
    %dma_wait3A_2971 = tpu.memref_slice %arg7[%dma_wait3A_2970] : memref<8x!tpu.dma_semaphore, #tpu.memory_space<semaphore_mem>> -> memref<1x!tpu.dma_semaphore, #tpu.memory_space<semaphore_mem>>
    %dma_wait3A_2972 = tpu.memref_squeeze %dma_wait3A_2971 : memref<1x!tpu.dma_semaphore, #tpu.memory_space<semaphore_mem>> -> memref<!tpu.dma_semaphore, #tpu.memory_space<semaphore_mem>>
    %dma_wait3A_2973 = arith.constant 122 : i32
    %dma_wait3A_2974 = arith.constant 0 : i32
    %dma_wait3A_2975 = tpu.memref_slice %arg6[%dma_wait3A_2973, %dma_wait3A_2974] : memref<128x1024xf32, #tpu.memory_space<vmem>> -> memref<1x1024xf32, #tpu.memory_space<vmem>>
    %dma_wait3A_2976 = arith.constant 0 : i32
    %dma_wait3A_2977 = tpu.memref_slice %arg4[%add3A_1832, %dma_wait3A_2976] : memref<16384x1024xf32, #tpu.memory_space<hbm>> -> memref<1x1024xf32, #tpu.memory_space<hbm>>
    tpu.wait_dma2 semaphore(%dma_wait3A_2972 : memref<!tpu.dma_semaphore, #tpu.memory_space<semaphore_mem>>) src(%dma_wait3A_2977 : memref<1x1024xf32, #tpu.memory_space<hbm>>) dst(%dma_wait3A_2975 : memref<1x1024xf32, #tpu.memory_space<vmem>>)
    %dma_wait3A_2978 = arith.constant 3 : i32
    %dma_wait3A_2979 = tpu.memref_slice %arg7[%dma_wait3A_2978] : memref<8x!tpu.dma_semaphore, #tpu.memory_space<semaphore_mem>> -> memref<1x!tpu.dma_semaphore, #tpu.memory_space<semaphore_mem>>
    %dma_wait3A_2980 = tpu.memref_squeeze %dma_wait3A_2979 : memref<1x!tpu.dma_semaphore, #tpu.memory_space<semaphore_mem>> -> memref<!tpu.dma_semaphore, #tpu.memory_space<semaphore_mem>>
    %dma_wait3A_2981 = arith.constant 123 : i32
    %dma_wait3A_2982 = arith.constant 0 : i32
    %dma_wait3A_2983 = tpu.memref_slice %arg6[%dma_wait3A_2981, %dma_wait3A_2982] : memref<128x1024xf32, #tpu.memory_space<vmem>> -> memref<1x1024xf32, #tpu.memory_space<vmem>>
    %dma_wait3A_2984 = arith.constant 0 : i32
    %dma_wait3A_2985 = tpu.memref_slice %arg4[%add3A_1847, %dma_wait3A_2984] : memref<16384x1024xf32, #tpu.memory_space<hbm>> -> memref<1x1024xf32, #tpu.memory_space<hbm>>
    tpu.wait_dma2 semaphore(%dma_wait3A_2980 : memref<!tpu.dma_semaphore, #tpu.memory_space<semaphore_mem>>) src(%dma_wait3A_2985 : memref<1x1024xf32, #tpu.memory_space<hbm>>) dst(%dma_wait3A_2983 : memref<1x1024xf32, #tpu.memory_space<vmem>>)
    %dma_wait3A_2986 = arith.constant 4 : i32
    %dma_wait3A_2987 = tpu.memref_slice %arg7[%dma_wait3A_2986] : memref<8x!tpu.dma_semaphore, #tpu.memory_space<semaphore_mem>> -> memref<1x!tpu.dma_semaphore, #tpu.memory_space<semaphore_mem>>
    %dma_wait3A_2988 = tpu.memref_squeeze %dma_wait3A_2987 : memref<1x!tpu.dma_semaphore, #tpu.memory_space<semaphore_mem>> -> memref<!tpu.dma_semaphore, #tpu.memory_space<semaphore_mem>>
    %dma_wait3A_2989 = arith.constant 124 : i32
    %dma_wait3A_2990 = arith.constant 0 : i32
    %dma_wait3A_2991 = tpu.memref_slice %arg6[%dma_wait3A_2989, %dma_wait3A_2990] : memref<128x1024xf32, #tpu.memory_space<vmem>> -> memref<1x1024xf32, #tpu.memory_space<vmem>>
    %dma_wait3A_2992 = arith.constant 0 : i32
    %dma_wait3A_2993 = tpu.memref_slice %arg4[%add3A_1862, %dma_wait3A_2992] : memref<16384x1024xf32, #tpu.memory_space<hbm>> -> memref<1x1024xf32, #tpu.memory_space<hbm>>
    tpu.wait_dma2 semaphore(%dma_wait3A_2988 : memref<!tpu.dma_semaphore, #tpu.memory_space<semaphore_mem>>) src(%dma_wait3A_2993 : memref<1x1024xf32, #tpu.memory_space<hbm>>) dst(%dma_wait3A_2991 : memref<1x1024xf32, #tpu.memory_space<vmem>>)
    %dma_wait3A_2994 = arith.constant 5 : i32
    %dma_wait3A_2995 = tpu.memref_slice %arg7[%dma_wait3A_2994] : memref<8x!tpu.dma_semaphore, #tpu.memory_space<semaphore_mem>> -> memref<1x!tpu.dma_semaphore, #tpu.memory_space<semaphore_mem>>
    %dma_wait3A_2996 = tpu.memref_squeeze %dma_wait3A_2995 : memref<1x!tpu.dma_semaphore, #tpu.memory_space<semaphore_mem>> -> memref<!tpu.dma_semaphore, #tpu.memory_space<semaphore_mem>>
    %dma_wait3A_2997 = arith.constant 125 : i32
    %dma_wait3A_2998 = arith.constant 0 : i32
    %dma_wait3A_2999 = tpu.memref_slice %arg6[%dma_wait3A_2997, %dma_wait3A_2998] : memref<128x1024xf32, #tpu.memory_space<vmem>> -> memref<1x1024xf32, #tpu.memory_space<vmem>>
    %dma_wait3A_3000 = arith.constant 0 : i32
    %dma_wait3A_3001 = tpu.memref_slice %arg4[%add3A_1877, %dma_wait3A_3000] : memref<16384x1024xf32, #tpu.memory_space<hbm>> -> memref<1x1024xf32, #tpu.memory_space<hbm>>
    tpu.wait_dma2 semaphore(%dma_wait3A_2996 : memref<!tpu.dma_semaphore, #tpu.memory_space<semaphore_mem>>) src(%dma_wait3A_3001 : memref<1x1024xf32, #tpu.memory_space<hbm>>) dst(%dma_wait3A_2999 : memref<1x1024xf32, #tpu.memory_space<vmem>>)
    %dma_wait3A_3002 = arith.constant 6 : i32
    %dma_wait3A_3003 = tpu.memref_slice %arg7[%dma_wait3A_3002] : memref<8x!tpu.dma_semaphore, #tpu.memory_space<semaphore_mem>> -> memref<1x!tpu.dma_semaphore, #tpu.memory_space<semaphore_mem>>
    %dma_wait3A_3004 = tpu.memref_squeeze %dma_wait3A_3003 : memref<1x!tpu.dma_semaphore, #tpu.memory_space<semaphore_mem>> -> memref<!tpu.dma_semaphore, #tpu.memory_space<semaphore_mem>>
    %dma_wait3A_3005 = arith.constant 126 : i32
    %dma_wait3A_3006 = arith.constant 0 : i32
    %dma_wait3A_3007 = tpu.memref_slice %arg6[%dma_wait3A_3005, %dma_wait3A_3006] : memref<128x1024xf32, #tpu.memory_space<vmem>> -> memref<1x1024xf32, #tpu.memory_space<vmem>>
    %dma_wait3A_3008 = arith.constant 0 : i32
    %dma_wait3A_3009 = tpu.memref_slice %arg4[%add3A_1892, %dma_wait3A_3008] : memref<16384x1024xf32, #tpu.memory_space<hbm>> -> memref<1x1024xf32, #tpu.memory_space<hbm>>
    tpu.wait_dma2 semaphore(%dma_wait3A_3004 : memref<!tpu.dma_semaphore, #tpu.memory_space<semaphore_mem>>) src(%dma_wait3A_3009 : memref<1x1024xf32, #tpu.memory_space<hbm>>) dst(%dma_wait3A_3007 : memref<1x1024xf32, #tpu.memory_space<vmem>>)
    %dma_wait3A_3010 = arith.constant 7 : i32
    %dma_wait3A_3011 = tpu.memref_slice %arg7[%dma_wait3A_3010] : memref<8x!tpu.dma_semaphore, #tpu.memory_space<semaphore_mem>> -> memref<1x!tpu.dma_semaphore, #tpu.memory_space<semaphore_mem>>
    %dma_wait3A_3012 = tpu.memref_squeeze %dma_wait3A_3011 : memref<1x!tpu.dma_semaphore, #tpu.memory_space<semaphore_mem>> -> memref<!tpu.dma_semaphore, #tpu.memory_space<semaphore_mem>>
    %dma_wait3A_3013 = arith.constant 127 : i32
    %dma_wait3A_3014 = arith.constant 0 : i32
    %dma_wait3A_3015 = tpu.memref_slice %arg6[%dma_wait3A_3013, %dma_wait3A_3014] : memref<128x1024xf32, #tpu.memory_space<vmem>> -> memref<1x1024xf32, #tpu.memory_space<vmem>>
    %dma_wait3A_3016 = arith.constant 0 : i32
    %dma_wait3A_3017 = tpu.memref_slice %arg4[%add3A_1907, %dma_wait3A_3016] : memref<16384x1024xf32, #tpu.memory_space<hbm>> -> memref<1x1024xf32, #tpu.memory_space<hbm>>
    tpu.wait_dma2 semaphore(%dma_wait3A_3012 : memref<!tpu.dma_semaphore, #tpu.memory_space<semaphore_mem>>) src(%dma_wait3A_3017 : memref<1x1024xf32, #tpu.memory_space<hbm>>) dst(%dma_wait3A_3015 : memref<1x1024xf32, #tpu.memory_space<vmem>>)
    %get3A_3018 = arith.constant 0 : index
    %get3A_3019 = arith.constant 0 : index
    %get3A_3020 = vector.load %arg6[%get3A_3018, %get3A_3019] : memref<128x1024xf32, #tpu.memory_space<vmem>>, vector<128x1024xf32>
    %mul3A_3021 = vector.broadcast %select_n3A_1994 : vector<128x1xf32> to vector<128x1024xf32>
    %mul3A_3022 = arith.mulf %get3A_3020, %mul3A_3021 : vector<128x1024xf32>
    %swap3A = arith.constant 0 : index
    %swap3A_3023 = arith.constant 0 : index
    %swap3A_3024 = vector.load %arg5[%swap3A, %swap3A_3023] : memref<128x1024xf32, #tpu.memory_space<vmem>>, vector<128x1024xf32>
    tpu.vector_store %arg5[%swap3A, %swap3A_3023], %mul3A_3022 {strides = array<i32>} : memref<128x1024xf32, #tpu.memory_space<vmem>>, vector<128x1024xf32>,
    return
  }
}

</mosaic_0001>

<sc_bundles>
// kernel: _run.4.cloned.1.call-start
scs
__scs_entry_jumppad:
0x0: {  	(pc) =	sbr.rel $0x88, $3  }
0x1: {  	(tag) =	ssettag $0x0;
	lr =	simm.s32 $0x1  }
0x2: {  	[smem:$0x3F9C] =	sst lr;
	_ =	strace $0xD0000000  }
0x3: {  	_ = 	snop  }
0x4: {  	_ = 	snop  }
0x5: {  	_ = 	snop  }
0x6: {  	_ = 	snop  }
0x7: {  	_ = 	snop  }
__scs_overlays_trampoline_lowered:
0x8: {  	[smem:$0x3FAB] =	sst s0  }
0x9: {  	[smem:$0x3FAC] =	sst s1  }
0xa: {  	[smem:$0x3FAD] =	sst s2  }
0xb: {  	[smem:$0x3FAE] =	sst s3  }
0xc: {  	[smem:$0x3FAF] =	sst s4  }
0xd: {  	[smem:$0x3FB0] =	sst s5  }
0xe: {  	[smem:$0x3FB1] =	sst s6  }
0xf: {  	[smem:$0x3FB2] =	sst s7  }
0x10: {  	[smem:$0x3FB3] =	sst s8  }
0x11: {  	[smem:$0x3FB4] =	sst s9;
	s0 =	simm.s32 @!p0 $0x0  }
0x12: {  	s1 =	sld [smem:$0x3F9A];
	s0 =	simm.s32 @p0 $0x1  }
0x13: {  	[smem:$0x3FB5] =	sst s0;
	s0 =	simm.s32 @!p1 $0x0  }
0x14: {  	s2 =	sld [smem:$0x3F99];
	s0 =	simm.s32 @p1 $0x1  }
0x15: {  	[smem:$0x3FB6] =	sst s0;
	s0 =	simm.s32 @!p2 $0x0  }
0x16: {  	s3 =	sld [smem:$0x3FDB];
	s0 =	simm.s32 @p2 $0x1  }
0x17: {  	s4 =	simm.s32 $0x1BF5;
	[smem:$0x3FB8] =	sst s0  }
0x18: {  	s0 =	sld [smem:$0x3F9B];
	_ =	swait.ge [sflag:s4], $0x0  }
0x19: {  	s7 =	sld [smem:$0x3F9C]  }
0x1a: {  	s8 =	sadd.s32 $0xFFFFE003, lr  }
0x1b: {  	s9 =	sadd.s32 $0xFFFFFEF7, lr;
	s5 =	simm.s32 $0xFFFFFFFF;
	p2 =	slt.u32 s8, $0xFFFFF086  }
0x1c: {  	p1 =	slt.u32 s9, $0xF7A;
	s5 =	simm.s32 @!p2 $0x0  }
0x1d: {  	s5 =	simm.s32 @p1 $0x1;
	p0 =	seq.s32 s7, s2  }
0x1e: {  	s7 =	smul.u32 @!p0 $0xF7A, s2;
	p2 =	seq.s32 @!p0 s5, $0x0  }
0x1f: {  	s9 =	smul.u32 $0xF7A, s1;
	s8 =	simm.s32 @!p0 $0x1BF5;
	p2 =	por !p2, p0  }
0x20: {  	[sflag:s8] =	ssyncset.s32 @!p0 $0xFFFFF086;
	s6 =	sadd.s32 @!p0 s3, s7;
	s7 =	simm.s32 @!p0 $0x108  }
0x21: {  	s3 =	sadd.s32 s3, s9;
	s6 =	sadd.s32 @!p0 $0x88, s6;
	s7 =	simm.s32 @p2 $0x1082  }
0x22: {  	[simem:s7], [sflag:s8] =	dma.local @!p0 [hbm:s6], $0xF7A  }
0x23: {  	s9 =	sor.u32 $0xD0000000, s2;
	s6 =	simm.s32 $0x108;
	_ =	swait.ge @!p0 [sflag:s8], $0x0  }
0x24: {  	s3 =	sadd.s32 $0x88, s3;
	s6 =	simm.s32 @!p1 $0x1082;
	[sflag:s4] =	ssyncset.s32 $0xFFFFF086  }
0x25: {  	[simem:s6], [sflag:s4] =	dma.local [hbm:s3], $0xF7A  }
0x26: {  	[smem:$0x3F9C] =	sst s1;
	(tag) =	ssettag s2;
	_ =	strace s9  }
0x27: {  	s1 =	sld [smem:$0x3FAC]  }
0x28: {  	s2 =	sld [smem:$0x3FAD]  }
0x29: {  	s4 =	sld [smem:$0x3FAF]  }
0x2a: {  	p0 =	seq.s32 s5, $0x0;
	s5 =	sld [smem:$0x3FB0]  }
0x2b: {  	s6 =	sld [smem:$0x3FB1]  }
0x2c: {  	s7 =	sld [smem:$0x3FB2]  }
0x2d: {  	s3 =	simm.s32 $0x108;
	s8 =	sld [smem:$0x3FB3]  }
0x2e: {  	s3 =	simm.s32 @!p0 $0x1082;
	s9 =	sld [smem:$0x3FB4]  }
0x2f: {  	lr =	sadd.s32 s0, s3;
	s0 =	sld [smem:$0x3FAB]  }
0x30: {  	s3 =	sld [smem:$0x3FAE]  }
0x31: {  	[smem:$0x3FB7] =	sst s10  }
0x32: {  	s10 =	sld [smem:$0x3FB5];
	_ =	sdelay $0x3  }
0x33: {  	p0 =	seq.s32 s10, $0x1;
	s10 =	sld [smem:$0x3FB7];
	_ =	sdelay $0x3  }
0x34: {  	[smem:$0x3FB7] =	sst s10  }
0x35: {  	s10 =	sld [smem:$0x3FB6];
	_ =	sdelay $0x3  }
0x36: {  	p1 =	seq.s32 s10, $0x1;
	s10 =	sld [smem:$0x3FB7];
	_ =	sdelay $0x3  }
0x37: {  	[smem:$0x3FB7] =	sst s10  }
0x38: {  	s10 =	sld [smem:$0x3FB8]  }
0x39: {  	_ = 	snop;
	(pc) =	sbr.ind lr, $3  }
0x3a: {  	_ = 	snop  }
0x3b: {  	_ = 	snop  }
0x3c: {  	p2 =	seq.s32 s10, $0x1;
	s10 =	sld [smem:$0x3FB7]  }
0x3d: {  	_ =	shalt  }
0x3e: {  	_ =	shalt  }
0x3f: {  	_ =	shalt  }
0x40: {  	_ =	shalt  }
0x41: {  	_ =	shalt  }
0x42: {  	_ =	shalt  }
0x43: {  	_ =	shalt  }
0x44: {  	_ =	shalt  }
0x45: {  	_ =	shalt  }
0x46: {  	_ =	shalt  }
0x47: {  	_ =	shalt  }
0x48: {  	_ =	shalt  }
0x49: {  	_ =	shalt  }
0x4a: {  	_ =	shalt  }
0x4b: {  	_ =	shalt  }
0x4c: {  	_ =	shalt  }
0x4d: {  	_ =	shalt  }
0x4e: {  	_ =	shalt  }
0x4f: {  	_ =	shalt  }
0x50: {  	_ =	shalt  }
0x51: {  	_ =	shalt  }
0x52: {  	_ =	shalt  }
0x53: {  	_ =	shalt  }
0x54: {  	_ =	shalt  }
0x55: {  	_ =	shalt  }
0x56: {  	_ =	shalt  }
0x57: {  	_ =	shalt  }
0x58: {  	_ =	shalt  }
0x59: {  	_ =	shalt  }
0x5a: {  	_ =	shalt  }
0x5b: {  	_ =	shalt  }
0x5c: {  	_ =	shalt  }
0x5d: {  	_ =	shalt  }
0x5e: {  	_ =	shalt  }
0x5f: {  	_ =	shalt  }
0x60: {  	_ =	shalt  }
0x61: {  	_ =	shalt  }
0x62: {  	_ =	shalt  }
0x63: {  	_ =	shalt  }
0x64: {  	_ =	shalt  }
0x65: {  	_ =	shalt  }
0x66: {  	_ =	shalt  }
0x67: {  	_ =	shalt  }
0x68: {  	_ =	shalt  }
0x69: {  	_ =	shalt  }
0x6a: {  	_ =	shalt  }
0x6b: {  	_ =	shalt  }
0x6c: {  	_ =	shalt  }
0x6d: {  	_ =	shalt  }
0x6e: {  	_ =	shalt  }
0x6f: {  	_ =	shalt  }
0x70: {  	_ =	shalt  }
0x71: {  	_ =	shalt  }
0x72: {  	_ =	shalt  }
0x73: {  	_ =	shalt  }
0x74: {  	_ =	shalt  }
0x75: {  	_ =	shalt  }
0x76: {  	_ =	shalt  }
0x77: {  	_ =	shalt  }
0x78: {  	_ =	shalt  }
0x79: {  	_ =	shalt  }
0x7a: {  	_ =	shalt  }
0x7b: {  	_ =	shalt  }
0x7c: {  	_ =	shalt  }
0x7d: {  	_ =	shalt  }
0x7e: {  	_ =	shalt  }
0x7f: {  	_ =	shalt  }
0x80: {  	_ =	shalt  }
0x81: {  	_ =	shalt  }
0x82: {  	_ =	shalt  }
0x83: {  	_ =	shalt  }
0x84: {  	_ =	shalt  }
0x85: {  	_ =	shalt  }
0x86: {  	_ =	shalt  }
0x87: {  	_ =	shalt  }
.Lfunc_end0:
.L_simem_size_0:
called_computation_lowered:
.L_overlay_start_0:
0x88: {  	s0 =	sld [smem:$0x3FD9]  }
0x89: {  	s1 =	sld [smem:$0x3FFE];
	_ =	sdelay $0x3  }
0x8a: {  	s0 =	sadd.s32 s1, s0  }
0x8b: {  	[smem:$0x3FC3] =	sst s0  }
0x8c: {  	_ = 	snop  }
0x8d: {  	s0 =	sld [smem:$0x3FD0]  }
0x8e: {  	s14 =	sld [smem:$0x3FC9]  }
0x8f: {  	s2 =	sld [smem:$0x3FC8]  }
0x90: {  	s4 =	simm.s32 $0xA;
	s5 =	simm.s32 $0x10;
	s3 =	sld [smem:$0x3FC6]  }
0x91: {  	[smem:s5], [sflag:s4] =	dma.local [hbm:s0], $0x1  }
0x92: {  	_ =	swait.eq [sflag:s4], $0x1  }
0x93: {  	[sflag:s4] =	ssyncset.done $0x0  }
0x94: {  	[sflag:s4] =	ssyncadd.s32 $0xFFFFFFFF  }
0x95: {  	s15 =	sld [smem:$0x11];
	(tm) =	ssettm $0x1  }
0x96: {  	s16 =	sld [smem:$0x3FFB];
	_ =	sdelay $0x3  }
0x97: {  	_ =	strace s16  }
0x98: {  	s4 =	sld [smem:$0x3FFC];
	_ =	sdelay $0x3  }
0x99: {  	_ =	strace s4  }
0x9a: {  	s4 =	sld [smem:$0x3FFD];
	_ =	sdelay $0x3  }
0x9b: {  	_ =	strace s4  }
0x9c: {  	_ =	strace $0x8FFFFFFF  }
0x9d: {  	s17 =	sld [smem:$0x3FDB];
	_ =	sdelay $0x1  }
0x9e: {  	s18 =	simm.s32 $_scs_section_size  }
0x9f: {  	s6 =	simm.s32 $_size__tile_overlayer_lowered;
	s7 =	simm.s32 $_tile_overlayer_lowered  }
0xa0: {  	s21 =	simm.s32 $0x1BFF;
	s20 =	sshll.u32 s7, $0x1;
	s4 =	sadd.s32 s18, s17  }
0xa1: {  	s8 =	simm.s32 $0x0;
	s19 =	sshll.u32 s6, $0x1;
	s6 =	sadd.s32 s20, s4  }
0xa2: {  	[timem:s8], [sflag:s21] =	dma.local [hbm:s6], s19  }
0xa3: {  	_ =	swait.ge [sflag:s21], s19  }
0xa4: {  	s5 =	ssub.s32 $0x0, s19;
	[sflag:s21] =	ssyncset.done $0x0  }
0xa5: {  	[sflag:s21] =	ssyncadd.s32 s5;
	_ =	sdelay $0x1  }
0xa6: {  	s22 =	simm.s32 $0x1B8B  }
0xa7: {  	_ =	swait.ge [sflag:s22], $0x1  }
0xa8: {  	[sflag:s22] =	ssyncset.done $0x0  }
0xa9: {  	s23 =	simm.s32 $0x1B8E;
	[sflag:s22] =	ssyncadd.s32 $0xFFFFFFFF  }
0xaa: {  	s24 =	simm.s32 $execute0_lowered;
	[smem:$0x3FD2] =	sst s23  }
0xab: {  	s5 =	sshll.u32 s24, $0x1;
	_ =	strace $0x80000046;
	[dreg:$0x1] =	wrdreg $0xFFFFFFFF  }
0xac: {  	s25 =	simm.s32 $_size_execute0_lowered;
	s4 =	sadd.s32 s4, s5;
	[dreg:$0x0] =	wrdreg $0x0  }
0xad: {  	s5 =	sshll.u32 s25, $0x1;
	[dreg:$0x2] =	wrdreg s4  }
0xae: {  	[dreg:$0x3] =	wrdreg s5  }
0xaf: {  	[dreg:$0x4] =	wrdreg $0xC0  }
0xb0: {  	_ =	task [dreg:s8], $0x5FFFF  }
0xb1: {  	[dreg:$0x1] =	wrdreg $0xFFFFFFFF  }
0xb2: {  	[dreg:$0x0] =	wrdreg $0x60  }
0xb3: {  	[dreg:$0x2] =	wrdreg s14  }
0xb4: {  	[dreg:$0x3] =	wrdreg s2  }
0xb5: {  	[dreg:$0x4] =	wrdreg s3  }
0xb6: {  	[dreg:$0x5] =	wrdreg s15  }
0xb7: {  	[dreg:$0x6] =	wrdreg $0x9  }
0xb8: {  	_ =	task.clear_ibuf [dreg:s8], $0x7FFFF;
	_ =	strace $0x90000046  }
0xb9: {  	s26 =	simm.s32 $0x9;
	_ =	strace $0x80000048  }
0xba: {  	_ =	swait.ge [sflag:s26], $0x1  }
0xbb: {  	[sflag:s26] =	ssyncadd.s32 $0xFFFFFFFF  }
0xbc: {  	_ =	strace $0x90000048  }
0xbd: {  	_ =	sfence  }
0xbe: {  	s28 =	sld [smem:$0x0];
	_ =	sdelay $0x1  }
0xbf: {  	s29 =	srdreg.scid  }
0xc0: {  	s30 =	sshll.u32 s29, $0xD;
	s31 =	sshrl.u32 s29, $0x2  }
0xc1: {  	s1 =	sand.u32 $0x1, s29;
	s2 =	sand.u32 $0x4000, s30;
	s0 =	sadd.s32 s31, s28  }
0xc2: {  	s1 =	sor.u32 s2, s1;
	s0 =	sshll.u32 s0, $0x11  }
0xc3: {  	s0 =	sor.u32 s0, s1  }
0xc4: {  	s0 =	sadd.s32 $0x8F2B, s0  }
0xc5: {  	[sflag:s0] =	ssyncadd.remote.s32 $0x1  }
0xc6: {  	_ =	sfence.sel $0xFFFF  }
0xc7: {  	[dreg:$0x0] =	wrdreg $0xFFFFFFFF;
	(pc) =	sbr.abs _section_cstart, $3  }
0xc8: {  	[dreg:$0x1] =	wrdreg $0xFFFFFFFF  }
0xc9: {  	_ =	task.clear_ibuf [dreg:s8], $0x2FFFF;
	_ =	strace $0x9FFFFFFF  }
0xca: {  	(tm) =	ssettm $0x7FFFFFFF  }
0xcb: {  	_ =	shalt  }
tec
execute0_lowered:
.L_overlay_start_1:
0x0: {  	(tag) =	ssettag $0x1  }
0x1: {  	s2 =	rddreg [dreg:$0x0]  }
0x2: {  	s6 =	rddreg [dreg:$0x1]  }
0x3: {  	s4 =	rddreg [dreg:$0x2]  }
0x4: {  	s3 =	rddreg [dreg:$0x3];
	s5 =	simm.s32 $0x0;
	s1 =	stileid.u32  }
0x5: {  	[smem:$0x7FF] =	sst s5;
	s7 =	sand.u32 $0xE, s1  }
0x6: {  	s0 =	rddreg [dreg:$0x4];
	_ =	strace $0x80000047;
	s2 =	sadd.s32 s2, s7  }
0x7: {  	[tilespmem:s5], [sflag:$0x1] =	stream.linear.gather [hbm4b:s2+s5], $0x10, $0x38;
	[tilespmem:$0x2200] =	vst v63  }
0x8: {  	s21 =	simm.s32 $0x80;
	s22 =	simm.s32 $0x1;
	s20 =	sadd.s32 s6, s7  }
0x9: {  	[tilespmem:s21], [sflag:$0x2] =	stream.linear.gather [hbm4b:s20+s5], $0x10, $0x38;
	[tilespmem:$0x2200] =	vst v63  }
0xa: {  	_ =	swait.ge [sflag:s22], $0x10  }
0xb: {  	[sflag:s22] =	ssyncset.done $0x0  }
0xc: {  	s23 =	simm.s32 $0x2;
	[sflag:s22] =	ssyncadd.s32 $0xFFFFFFF0  }
0xd: {  	_ =	swait.ge [sflag:s23], $0x10  }
0xe: {  	[sflag:s23] =	ssyncset.done $0x0  }
0xf: {  	[sflag:s23] =	ssyncadd.s32 $0xFFFFFFF0  }
0x10: {  	v1 =	vimm.s32 $0x3210FEDC;
	v2 =	vimm.s32 $0xBA987654;
	v0 =	vld [tilespmem:$0x80]  }
0x11: {  	v1 =	vunpack.c.l.s4.s8 v1;
	v2 =	vunpack.c.l.s4.s8 v2;
	v3 =	vld [tilespmem:$0x0];
	_ =	sdelay $0x1  }
0x12: {  	v1 =	vunpack.c.0.s8.s32 v1;
	v2 =	vunpack.c.0.s8.s32 v2;
	_ =	sdelay $0x1  }
0x13: {  	v1 =	vcombine.low v2, v1;
	v0 =	vshll.u32 v0, $0xB  }
0x14: {  	v0 =	vadd.s32 v3, v0  }
0x15: {  	s24 =	sshll.u32 s1, $0x3;
	v1 =	vperm.xlane v0, v1  }
0x16: {  	s7 =	sand.u32 $0x8, s24;
	[tilespmem:$0x100] =	vst v0  }
0x17: {  	s8 =	sor.u32 $0x100, s7;
	[tilespmem:$0x180] =	vst v1  }
0x18: {  	v0 =	vld.msk [tilespmem:s8+$0x0], $0xf;
	_ =	sdelay $0x4  }
0x19: {  	v60 =	vshll.u32 v0, $0x3  }
0x1a: {  	v61 =	vlaneseq.u32;
	v0 =	vand.u32 $0x7, v0;
	v1 =	vand.u32 $0xFFFFFFC0, v60  }
0x1b: {  	v62 =	vand.u32 $0x3, v61;
	v2 =	vshrl.u32 v61, $0x2;
	v0 =	vor.u32 v0, v1  }
0x1c: {  	v2 =	vmul.u32 $0x8, v2;
	v0 =	vperm.xlane v0, v62;
	_ =	sdelay $0x1  }
0x1d: {  	v0 =	vadd.s32 v2, v0;
	_ =	sdelay $0x3  }
0x1e: {  	vm0 =	vmmov $0xffff;
	s25 =	simm.s32 $0x200  }
0x1f: {  	[tilespmem:s25], [sflag:$0x1] =	stream.indirect_vreg.gather [hbm4b:s4+s5], $0x80, v0, vm0, $0xb8;
	[tilespmem:$0x2200] =	vst v63  }
0x20: {  	s10 =	simm.s32 $0xA00;
	s9 =	sadd.s32 $0x200, s4;
	s7 =	sor.u32 $0x180, s7  }
0x21: {  	[tilespmem:s10], [sflag:$0x1] =	stream.indirect_vreg.gather [hbm4b:s9+s5], $0x80, v0, vm0, $0xb8;
	[tilespmem:$0x2200] =	vst v63  }
0x22: {  	v0 =	vld.msk [tilespmem:s7+$0x0], $0xf;
	_ =	sdelay $0x4  }
0x23: {  	v63 =	vshll.u32 v0, $0x3  }
0x24: {  	v0 =	vand.u32 $0x7, v0;
	v3 =	vand.u32 $0xFFFFFFC0, v63  }
0x25: {  	v0 =	vor.u32 v0, v3  }
0x26: {  	v0 =	vperm.xlane v0, v62;
	_ =	sdelay $0x1  }
0x27: {  	v0 =	vadd.s32 v2, v0;
	_ =	sdelay $0x3  }
0x28: {  	s26 =	simm.s32 $0x1200  }
0x29: {  	[tilespmem:s26], [sflag:$0x2] =	stream.indirect_vreg.gather [hbm4b:s4+s5], $0x80, v0, vm0, $0xb8;
	[tilespmem:$0x2200] =	vst v63  }
0x2a: {  	s28 =	simm.s32 $0x1A00  }
0x2b: {  	[tilespmem:s28], [sflag:$0x2] =	stream.indirect_vreg.gather [hbm4b:s9+s5], $0x80, v0, vm0, $0xb8;
	[tilespmem:$0x2200] =	vst v63  }
0x2c: {  	_ =	swait.ge [sflag:s22], $0x1000  }
0x2d: {  	s29 =	sshll.u32 s1, $0xA;
	[sflag:s22] =	ssyncset.done $0x0  }
0x2e: {  	s30 =	simm.s32 $0x400;
	s3 =	sadd.s32 s3, s29;
	[sflag:s22] =	ssyncadd.s32 $0xFFFFF000  }
0x2f: {  	[hbm4b:s3+s25] =	stream.strided.scatter [tilespmem:s25], [sflag:$0x3], $0x1000, s30, s25, $0x38;
	[tilespmem:$0x2200] =	vst v63  }
0x30: {  	_ =	swait.ge [sflag:s23], $0x1000  }
0x31: {  	[sflag:s23] =	ssyncset.done $0x0  }
0x32: {  	s31 =	simm.s32 $0x3;
	s3 =	sadd.s32 $0x40, s3;
	[sflag:s23] =	ssyncadd.s32 $0xFFFFF000  }
0x33: {  	[hbm4b:s3+s25] =	stream.strided.scatter [tilespmem:s26], [sflag:$0x1], $0x1000, s30, s25, $0x38;
	[tilespmem:$0x2200] =	vst v63  }
0x34: {  	_ =	swait.ge [sflag:s31], $0x1000  }
0x35: {  	[sflag:s31] =	ssyncset.done $0x0  }
0x36: {  	[sflag:s31] =	ssyncadd.s32 $0xFFFFF000  }
0x37: {  	_ =	swait.ge [sflag:s22], $0x1000  }
0x38: {  	[sflag:s22] =	ssyncset.done $0x0  }
0x39: {  	[sflag:s22] =	ssyncadd.s32 $0xFFFFF000  }
0x3a: {  	_ =	sfence.sel $0x180000  }
0x3b: {  	[bflag:$0x0] =	sbarrier.arrive $0xFFFF  }
0x3c: {  	p0 =	sne.s32 s1, $0x0;
	_ =	strace $0x90000047  }
0x3d: {  	s0 =	sadd.s32 @!p0 $0x100000, s0;
	[bflag:$0x2] =	sbarrier.arrive $0xFFFF  }
0x3e: {  	[sflag:s0] =	ssyncadd.tile.s32 @!p0 $0x1;
	_ =	shalt  }
.Lfunc_end2:
_tile_overlayer_lowered:
.L_overlay_start_2:
0x3f: {  	(tag) =	ssettag $0x2  }
0x40: {  	s0 =	rddreg [dreg:$0x0];
	s2 =	stileid.u32  }
0x41: {  	s1 =	rddreg [dreg:$0x1];
	p0 =	sne.s32 s2, $0x0  }
0x42: {  	s3 =	rddreg [dreg:$0x2];
	[bflag:$0x3] =	sbarrier.arrive $0xFFFF;
	s2 =	simm.s32 @!p0 $0x1C04  }
0x43: {  	[timem:s3], [sflag:s2] =	dma.local @!p0 [hbm:s0], s1  }
0x44: {  	s0 =	simm.s32 @!p0 $0x4  }
0x45: {  	_ =	swait.ge @!p0 [sflag:s0], s1  }
0x46: {  	s1 =	ssub.s32 @!p0 $0x0, s1;
	[sflag:s0] =	ssyncset.done @!p0 $0x0  }
0x47: {  	[sflag:s0] =	ssyncadd.s32 @!p0 s1  }
0x48: {  	[bflag:$0x3] =	sbarrier.arrive $0xFFFF  }
0x49: {  	_ =	shalt  }

</sc_bundles>
